<compile_context>
chip_gen: v7x
topology: tpu7x:2x2x1
jax: 0.10.2.dev20260603
libtpu: 0.0.44.dev20260713+nightly
codegen_flags: <defaults>
</compile_context>

<pallas_src>
import functools

import jax
import jax.numpy as jnp
import numpy as np
from jax import lax
from jax.experimental import pallas as pl
from jax.experimental.pallas import tpu as pltpu
from jax.experimental.pallas import tpu_sc as plsc

K = 8
EPS = float(np.finfo(np.float32).tiny)
L = 16
N = 4096
NG = N // L
U = 8
R = 512
NC = 2
NS = 16
NW = NC * NS
RPW = R // NW


def _make_sc_slices():
    mesh = plsc.VectorSubcoreMesh(core_axis_name="c", subcore_axis_name="s")

    @functools.partial(
        pl.kernel,
        mesh=mesh,
        compiler_params=pltpu.CompilerParams(needs_layout_passes=False),
        out_type=jax.ShapeDtypeStruct((16, 8, 4, K, N), jnp.float32),
        scratch_types=[
            pltpu.VMEM((N,), jnp.float32),
            pltpu.VMEM((N,), jnp.float32),
            pltpu.VMEM((N,), jnp.float32),
            pltpu.VMEM((K, N), jnp.float32),
            pltpu.SemaphoreType.DMA,
            pltpu.SemaphoreType.DMA,
        ],
    )
    def sc_slices(x_hbm, km_hbm, xva, xvb, tv, bv, sem_in, sem_out):
        c = lax.axis_index("c")
        s = lax.axis_index("s")
        wid = s * NC + c

        zeros = jnp.zeros((L,), jnp.float32)
        ones = jnp.ones((L,), jnp.float32)

        def rbhs(row):
            return row >> 5, (row >> 2) & 7, row & 3

        def fetch(r, xv):
            rb, rh, rs = rbhs(wid * RPW + jnp.minimum(r, RPW - 1))
            pltpu.async_copy(x_hbm.at[rb, rh, rs], xv, sem_in)

        def wait_fetch(xv):
            pltpu.make_async_copy(x_hbm.at[0, 0, 0], xv, sem_in).wait()

        def drain_prev_row():
            for _ in range(K // 4):
                pltpu.make_async_copy(bv.at[pl.ds(0, 4)],
                                      km_hbm.at[0, 0, 0, pl.ds(0, 4)],
                                      sem_out).wait()

        def row_body(r, xv, xv_next):
            row = wid * RPW + r
            rb, rh, rs = rbhs(row)
            wait_fetch(xv)
            fetch(r + 1, xv_next)

            @plsc.parallel_loop(0, NG, step=U, carry=(zeros,) * U)
            def max_body(j, accs):
                return tuple(
                    jnp.maximum(accs[k], xv[pl.ds((j + k) * L, L)])
                    for k in range(U)
                )

            mm = max_body
            while len(mm) > 1:
                mm = tuple(jnp.maximum(mm[2 * a], mm[2 * a + 1])
                           for a in range(len(mm) // 2))
            m = jnp.max(mm[0])

            @plsc.parallel_loop(0, NG, step=U, carry=(zeros,) * U)
            def exp_body(j, accs):
                out = []
                for k in range(U):
                    sl = pl.ds((j + k) * L, L)
                    v = jnp.exp(xv[sl] - m)
                    tv[sl] = v
                    out.append(accs[k] + v)
                return tuple(out)

            q = jnp.sum(sum(exp_body[1:], exp_body[0]))

            @pl.when(r != 0)
            def _():
                drain_prev_row()

            r = q
            for i in range(K):
                last = i == K - 1
                beta = ones / r

                @plsc.parallel_loop(0, NG, step=U, carry=(zeros,) * U)
                def iter_body(j, accs, i=i, beta=beta, last=last):
                    out = []
                    for k in range(U):
                        sl = pl.ds((j + k) * L, L)
                        if i == 0:
                            pn = tv[sl] * beta
                        else:
                            p = bv[i - 1, sl]
                            pn = (p - p * p) * beta
                        bv[i, sl] = pn
                        if last:
                            out.append(accs[k])
                        else:
                            out.append(accs[k] + pn * pn)
                    return tuple(out)

                if i % 4 == 3:
                    pltpu.async_copy(bv.at[pl.ds(i - 3, 4)],
                                     km_hbm.at[rb, rh, rs, pl.ds(i - 3, 4)],
                                     sem_out)
                r = 1.0 - jnp.sum(sum(iter_body[1:], iter_body[0]))

        fetch(0, xva)

        def pair_body(rr, carry):
            row_body(2 * rr, xva, xvb)
            row_body(2 * rr + 1, xvb, xva)
            return carry

        lax.fori_loop(0, RPW // 2, pair_body, 0)
        drain_prev_row()
        wait_fetch(xva)

    return sc_slices


_SC_SLICES = _make_sc_slices()


def _tc_khot_body(x_ref, kh_ref):
    x = x_ref[...]
    m = jnp.max(x, axis=-1, keepdims=True)
    t = jnp.exp(x - m)
    kh = jnp.zeros_like(t)
    for i in range(K):
        s = jnp.sum(t, axis=-1, keepdims=True)
        p = t * (1.0 / s)
        kh = kh + p
        if i < K - 1:
            t = t * jnp.maximum(1.0 - p, EPS)
    kh_ref[...] = kh


def _tc_khot(scores):
    return pl.pallas_call(
        _tc_khot_body,
        grid=(16,),
        in_specs=[pl.BlockSpec((1, 8, 4, N), lambda i: (i, 0, 0, 0))],
        out_specs=pl.BlockSpec((1, 8, 4, N), lambda i: (i, 0, 0, 0)),
        out_shape=jax.ShapeDtypeStruct((16, 8, 4, N), jnp.float32),
    )(scores)


def kernel(scores):
    khot = _tc_khot(scores)
    km = _SC_SLICES(scores)
    return khot, km

# --- scband reference (transcript-rebuilt; emitter-appended) ---
"""Pipeline reference for scband-top-k-53300544143947 (READ-ONLY COPY).

The authoritative reference and input builder live on the scoring server;
editing this copy changes nothing except your own understanding.
"""

import jax, jax.numpy as jnp
import numpy as np

K = 8
TAU = 1.0  # undefined global `tau` in the original torch code; assumed 1.0
EPS = float(np.finfo(np.float32).tiny)


def setup_inputs(seed: int = 0) -> dict:
    key = jax.random.key(seed)
    scores = jax.random.normal(key, (16, 8, 4, 4096), dtype=jnp.float32)
    return {"scores": scores}


def reference(scores):
    # Faithful translation of Top_k.forward with hard=False (default)
    khot = jnp.zeros_like(scores)
    onehot_approx = jnp.zeros_like(scores)
    khot_M_slices = []
    for i in range(K):
        khot_mask = jnp.maximum(1.0 - onehot_approx, EPS)
        scores = scores + jnp.log(khot_mask)
        onehot_approx = jax.nn.softmax(scores / TAU, axis=-1)
        khot = khot + onehot_approx
        khot_M_slices.append(onehot_approx)
    # khot_M has shape [B, H, S, K, N], matching zeros_like(scores).unsqueeze(-2).repeat([1,1,1,K,1])
    khot_M = jnp.stack(khot_M_slices, axis=-2)
    return (khot, khot_M)

if __name__ == "__main__":
    import jax
    _d = setup_inputs()
    print(jax.jit(kernel)(*tuple(_d.values())))

</pallas_src>

<mosaic_0001>
#map = affine_map<(d0, d1) -> (0, 0, 0, 0)>
#map1 = affine_map<(d0, d1) -> (0, 0, 0, 0, 0)>
module attributes {stable_mosaic.version = 14 : i64} {
  func.func @sc_slices(%arg0: i32, %arg1: i32, %arg2: memref<16x8x4x4096xf32, #tpu.memory_space<hbm>>, %arg3: memref<16x8x4x8x4096xf32, #tpu.memory_space<hbm>>, %arg4: memref<4096xf32, #tpu.memory_space<vmem>>, %arg5: memref<4096xf32, #tpu.memory_space<vmem>>, %arg6: memref<4096xf32, #tpu.memory_space<vmem>>, %arg7: memref<8x4096xf32, #tpu.memory_space<vmem>>, %arg8: memref<!tpu.dma_semaphore, #tpu.memory_space<semaphore_mem>>, %arg9: memref<!tpu.dma_semaphore, #tpu.memory_space<semaphore_mem>>) attributes {dimension_semantics = [#tpu.dimension_semantics<core_parallel>, #tpu.dimension_semantics<subcore_parallel>], iteration_bounds = array<i64: 2, 16>, scalar_prefetch = 0 : i64, scratch_operands = 6 : i64, tpu.core_type = #tpu.core_type<sc_vector_subcore>, window_params = [{transform_indices = #map}, {transform_indices = #map1}]} {
    %mul3A = arith.constant 2 : i32
    %mul3A_0 = arith.muli %arg1, %mul3A : i32
    %add3A = arith.addi %mul3A_0, %arg0 : i32
    %broadcast_in_dim3A = arith.constant 0.000000e+00 : f32
    %broadcast_in_dim3A_1 = vector.broadcast %broadcast_in_dim3A : f32 to vector<16xf32>
    %broadcast_in_dim3A_2 = arith.constant 1.000000e+00 : f32
    %broadcast_in_dim3A_3 = vector.broadcast %broadcast_in_dim3A_2 : f32 to vector<16xf32>
    %mul3A_4 = arith.constant 16 : i32
    %mul3A_5 = arith.muli %add3A, %mul3A_4 : i32
    %min3A = arith.constant 0 : i32
    %min3A_6 = arith.constant 15 : i32
    %min3A_7 = arith.minsi %min3A, %min3A_6 : i32
    %add3A_8 = arith.addi %mul3A_5, %min3A_7 : i32
    %shift_right_arithmetic3A = arith.constant 5 : i32
    %shift_right_arithmetic3A_9 = arith.shrsi %add3A_8, %shift_right_arithmetic3A : i32
    %shift_right_arithmetic3A_10 = arith.constant 2 : i32
    %shift_right_arithmetic3A_11 = arith.shrsi %add3A_8, %shift_right_arithmetic3A_10 : i32
    %and3A = arith.constant 7 : i32
    %and3A_12 = arith.andi %shift_right_arithmetic3A_11, %and3A : i32
    %and3A_13 = arith.constant 3 : i32
    %and3A_14 = arith.andi %add3A_8, %and3A_13 : i32
    %dma_start3A = arith.constant 0 : i32
    %dma_start3A_15 = tpu.memref_slice %arg2[%shift_right_arithmetic3A_9, %and3A_12, %and3A_14, %dma_start3A] : memref<16x8x4x4096xf32, #tpu.memory_space<hbm>> -> memref<1x1x1x4096xf32, #tpu.memory_space<hbm>>
    %dma_start3A_16 = tpu.memref_squeeze %dma_start3A_15 : memref<1x1x1x4096xf32, #tpu.memory_space<hbm>> -> memref<4096xf32, #tpu.memory_space<hbm>>
    %dma_start3A_17 = arith.constant 0 : i32
    %dma_start3A_18 = tpu.memref_slice %arg2[%shift_right_arithmetic3A_9, %and3A_12, %and3A_14, %dma_start3A_17] : memref<16x8x4x4096xf32, #tpu.memory_space<hbm>> -> memref<1x1x1x4096xf32, #tpu.memory_space<hbm>>
    %dma_start3A_19 = tpu.memref_squeeze %dma_start3A_18 : memref<1x1x1x4096xf32, #tpu.memory_space<hbm>> -> memref<4096xf32, #tpu.memory_space<hbm>>
    tpu.enqueue_dma source(%dma_start3A_19 : memref<4096xf32, #tpu.memory_space<hbm>>) target(%arg4 : memref<4096xf32, #tpu.memory_space<vmem>>) target_semaphore(%arg8 : memref<!tpu.dma_semaphore, #tpu.memory_space<semaphore_mem>>)
    %scan3A = arith.constant 0 : i32
    %scan3A_20 = arith.constant 0 : i32
    %scan3A_21 = arith.constant 8 : i32
    %scan3A_22 = arith.addi %scan3A_20, %scan3A_21 : i32
    %scan3A_23 = arith.constant 1 : i32
    scf.for %scan3A_67 = %scan3A_20 to %scan3A_22 step %scan3A_23  : i32 {
      %mul3A_68 = arith.constant 2 : i32
      %mul3A_69 = arith.muli %mul3A_68, %scan3A_67 : i32
      %mul3A_70 = arith.constant 16 : i32
      %mul3A_71 = arith.muli %add3A, %mul3A_70 : i32
      %add3A_72 = arith.addi %mul3A_71, %mul3A_69 : i32
      %shift_right_arithmetic3A_73 = arith.constant 5 : i32
      %shift_right_arithmetic3A_74 = arith.shrsi %add3A_72, %shift_right_arithmetic3A_73 : i32
      %shift_right_arithmetic3A_75 = arith.constant 2 : i32
      %shift_right_arithmetic3A_76 = arith.shrsi %add3A_72, %shift_right_arithmetic3A_75 : i32
      %and3A_77 = arith.constant 7 : i32
      %and3A_78 = arith.andi %shift_right_arithmetic3A_76, %and3A_77 : i32
      %and3A_79 = arith.constant 3 : i32
      %and3A_80 = arith.andi %add3A_72, %and3A_79 : i32
      %dma_wait3A_81 = arith.constant 0 : i32
      %dma_wait3A_82 = arith.constant 0 : i32
      %dma_wait3A_83 = arith.constant 0 : i32
      %dma_wait3A_84 = arith.constant 0 : i32
      %dma_wait3A_85 = tpu.memref_slice %arg2[%dma_wait3A_81, %dma_wait3A_82, %dma_wait3A_83, %dma_wait3A_84] : memref<16x8x4x4096xf32, #tpu.memory_space<hbm>> -> memref<1x1x1x4096xf32, #tpu.memory_space<hbm>>
      %dma_wait3A_86 = tpu.memref_squeeze %dma_wait3A_85 : memref<1x1x1x4096xf32, #tpu.memory_space<hbm>> -> memref<4096xf32, #tpu.memory_space<hbm>>
      %dma_wait3A_87 = arith.constant 0 : i32
      %dma_wait3A_88 = tpu.memref_slice %arg2[%dma_wait3A_81, %dma_wait3A_82, %dma_wait3A_83, %dma_wait3A_87] : memref<16x8x4x4096xf32, #tpu.memory_space<hbm>> -> memref<1x1x1x4096xf32, #tpu.memory_space<hbm>>
      %dma_wait3A_89 = tpu.memref_squeeze %dma_wait3A_88 : memref<1x1x1x4096xf32, #tpu.memory_space<hbm>> -> memref<4096xf32, #tpu.memory_space<hbm>>
      tpu.wait_dma2 semaphore(%arg8 : memref<!tpu.dma_semaphore, #tpu.memory_space<semaphore_mem>>) src(%dma_wait3A_89 : memref<4096xf32, #tpu.memory_space<hbm>>) dst(%arg4 : memref<4096xf32, #tpu.memory_space<vmem>>)
      %add3A_90 = arith.constant 1 : i32
      %add3A_91 = arith.addi %mul3A_69, %add3A_90 : i32
      %mul3A_92 = arith.constant 16 : i32
      %mul3A_93 = arith.muli %add3A, %mul3A_92 : i32
      %min3A_94 = arith.constant 15 : i32
      %min3A_95 = arith.minsi %add3A_91, %min3A_94 : i32
      %add3A_96 = arith.addi %mul3A_93, %min3A_95 : i32
      %shift_right_arithmetic3A_97 = arith.constant 5 : i32
      %shift_right_arithmetic3A_98 = arith.shrsi %add3A_96, %shift_right_arithmetic3A_97 : i32
      %shift_right_arithmetic3A_99 = arith.constant 2 : i32
      %shift_right_arithmetic3A_100 = arith.shrsi %add3A_96, %shift_right_arithmetic3A_99 : i32
      %and3A_101 = arith.constant 7 : i32
      %and3A_102 = arith.andi %shift_right_arithmetic3A_100, %and3A_101 : i32
      %and3A_103 = arith.constant 3 : i32
      %and3A_104 = arith.andi %add3A_96, %and3A_103 : i32
      %dma_start3A_105 = arith.constant 0 : i32
      %dma_start3A_106 = tpu.memref_slice %arg2[%shift_right_arithmetic3A_98, %and3A_102, %and3A_104, %dma_start3A_105] : memref<16x8x4x4096xf32, #tpu.memory_space<hbm>> -> memref<1x1x1x4096xf32, #tpu.memory_space<hbm>>
      %dma_start3A_107 = tpu.memref_squeeze %dma_start3A_106 : memref<1x1x1x4096xf32, #tpu.memory_space<hbm>> -> memref<4096xf32, #tpu.memory_space<hbm>>
      %dma_start3A_108 = arith.constant 0 : i32
      %dma_start3A_109 = tpu.memref_slice %arg2[%shift_right_arithmetic3A_98, %and3A_102, %and3A_104, %dma_start3A_108] : memref<16x8x4x4096xf32, #tpu.memory_space<hbm>> -> memref<1x1x1x4096xf32, #tpu.memory_space<hbm>>
      %dma_start3A_110 = tpu.memref_squeeze %dma_start3A_109 : memref<1x1x1x4096xf32, #tpu.memory_space<hbm>> -> memref<4096xf32, #tpu.memory_space<hbm>>
      tpu.enqueue_dma source(%dma_start3A_110 : memref<4096xf32, #tpu.memory_space<hbm>>) target(%arg5 : memref<4096xf32, #tpu.memory_space<vmem>>) target_semaphore(%arg8 : memref<!tpu.dma_semaphore, #tpu.memory_space<semaphore_mem>>)
      %parallel_loop3A = arith.constant 0 : i32
      %parallel_loop3A_111 = arith.constant 256 : i32
      %parallel_loop3A_112 = arith.constant 8 : i32
      %parallel_loop3A_113:8 = scf.for %parallel_loop3A_577 = %parallel_loop3A to %parallel_loop3A_111 step %parallel_loop3A_112 iter_args(%parallel_loop3A_578 = %broadcast_in_dim3A_1, %parallel_loop3A_579 = %broadcast_in_dim3A_1, %parallel_loop3A_580 = %broadcast_in_dim3A_1, %parallel_loop3A_581 = %broadcast_in_dim3A_1, %parallel_loop3A_582 = %broadcast_in_dim3A_1, %parallel_loop3A_583 = %broadcast_in_dim3A_1, %parallel_loop3A_584 = %broadcast_in_dim3A_1, %parallel_loop3A_585 = %broadcast_in_dim3A_1) -> (vector<16xf32>, vector<16xf32>, vector<16xf32>, vector<16xf32>, vector<16xf32>, vector<16xf32>, vector<16xf32>, vector<16xf32>)  : i32 {
        %parallel_loop3A_586 = arith.constant 0 : i32
        %parallel_loop3A_587 = arith.addi %parallel_loop3A_577, %parallel_loop3A_586 : i32
        %parallel_loop3A_588 = arith.constant 16 : i32
        %parallel_loop3A_589 = arith.muli %parallel_loop3A_587, %parallel_loop3A_588 : i32
        %parallel_loop3A_590 = arith.index_cast %parallel_loop3A_589 : i32 to index
        %parallel_loop3A_591 = tpu.vector_load %arg4[%parallel_loop3A_590] {strides = array<i32>} : memref<4096xf32, #tpu.memory_space<vmem>>, vector<16xf32>,
        %parallel_loop3A_592 = arith.maximumf %parallel_loop3A_578, %parallel_loop3A_591 : vector<16xf32>
        %parallel_loop3A_593 = arith.constant 1 : i32
        %parallel_loop3A_594 = arith.addi %parallel_loop3A_577, %parallel_loop3A_593 : i32
        %parallel_loop3A_595 = arith.constant 16 : i32
        %parallel_loop3A_596 = arith.muli %parallel_loop3A_594, %parallel_loop3A_595 : i32
        %parallel_loop3A_597 = arith.index_cast %parallel_loop3A_596 : i32 to index
        %parallel_loop3A_598 = tpu.vector_load %arg4[%parallel_loop3A_597] {strides = array<i32>} : memref<4096xf32, #tpu.memory_space<vmem>>, vector<16xf32>,
        %parallel_loop3A_599 = arith.maximumf %parallel_loop3A_579, %parallel_loop3A_598 : vector<16xf32>
        %parallel_loop3A_600 = arith.constant 2 : i32
        %parallel_loop3A_601 = arith.addi %parallel_loop3A_577, %parallel_loop3A_600 : i32
        %parallel_loop3A_602 = arith.constant 16 : i32
        %parallel_loop3A_603 = arith.muli %parallel_loop3A_601, %parallel_loop3A_602 : i32
        %parallel_loop3A_604 = arith.index_cast %parallel_loop3A_603 : i32 to index
        %parallel_loop3A_605 = tpu.vector_load %arg4[%parallel_loop3A_604] {strides = array<i32>} : memref<4096xf32, #tpu.memory_space<vmem>>, vector<16xf32>,
        %parallel_loop3A_606 = arith.maximumf %parallel_loop3A_580, %parallel_loop3A_605 : vector<16xf32>
        %parallel_loop3A_607 = arith.constant 3 : i32
        %parallel_loop3A_608 = arith.addi %parallel_loop3A_577, %parallel_loop3A_607 : i32
        %parallel_loop3A_609 = arith.constant 16 : i32
        %parallel_loop3A_610 = arith.muli %parallel_loop3A_608, %parallel_loop3A_609 : i32
        %parallel_loop3A_611 = arith.index_cast %parallel_loop3A_610 : i32 to index
        %parallel_loop3A_612 = tpu.vector_load %arg4[%parallel_loop3A_611] {strides = array<i32>} : memref<4096xf32, #tpu.memory_space<vmem>>, vector<16xf32>,
        %parallel_loop3A_613 = arith.maximumf %parallel_loop3A_581, %parallel_loop3A_612 : vector<16xf32>
        %parallel_loop3A_614 = arith.constant 4 : i32
        %parallel_loop3A_615 = arith.addi %parallel_loop3A_577, %parallel_loop3A_614 : i32
        %parallel_loop3A_616 = arith.constant 16 : i32
        %parallel_loop3A_617 = arith.muli %parallel_loop3A_615, %parallel_loop3A_616 : i32
        %parallel_loop3A_618 = arith.index_cast %parallel_loop3A_617 : i32 to index
        %parallel_loop3A_619 = tpu.vector_load %arg4[%parallel_loop3A_618] {strides = array<i32>} : memref<4096xf32, #tpu.memory_space<vmem>>, vector<16xf32>,
        %parallel_loop3A_620 = arith.maximumf %parallel_loop3A_582, %parallel_loop3A_619 : vector<16xf32>
        %parallel_loop3A_621 = arith.constant 5 : i32
        %parallel_loop3A_622 = arith.addi %parallel_loop3A_577, %parallel_loop3A_621 : i32
        %parallel_loop3A_623 = arith.constant 16 : i32
        %parallel_loop3A_624 = arith.muli %parallel_loop3A_622, %parallel_loop3A_623 : i32
        %parallel_loop3A_625 = arith.index_cast %parallel_loop3A_624 : i32 to index
        %parallel_loop3A_626 = tpu.vector_load %arg4[%parallel_loop3A_625] {strides = array<i32>} : memref<4096xf32, #tpu.memory_space<vmem>>, vector<16xf32>,
        %parallel_loop3A_627 = arith.maximumf %parallel_loop3A_583, %parallel_loop3A_626 : vector<16xf32>
        %parallel_loop3A_628 = arith.constant 6 : i32
        %parallel_loop3A_629 = arith.addi %parallel_loop3A_577, %parallel_loop3A_628 : i32
        %parallel_loop3A_630 = arith.constant 16 : i32
        %parallel_loop3A_631 = arith.muli %parallel_loop3A_629, %parallel_loop3A_630 : i32
        %parallel_loop3A_632 = arith.index_cast %parallel_loop3A_631 : i32 to index
        %parallel_loop3A_633 = tpu.vector_load %arg4[%parallel_loop3A_632] {strides = array<i32>} : memref<4096xf32, #tpu.memory_space<vmem>>, vector<16xf32>,
        %parallel_loop3A_634 = arith.maximumf %parallel_loop3A_584, %parallel_loop3A_633 : vector<16xf32>
        %parallel_loop3A_635 = arith.constant 7 : i32
        %parallel_loop3A_636 = arith.addi %parallel_loop3A_577, %parallel_loop3A_635 : i32
        %parallel_loop3A_637 = arith.constant 16 : i32
        %parallel_loop3A_638 = arith.muli %parallel_loop3A_636, %parallel_loop3A_637 : i32
        %parallel_loop3A_639 = arith.index_cast %parallel_loop3A_638 : i32 to index
        %parallel_loop3A_640 = tpu.vector_load %arg4[%parallel_loop3A_639] {strides = array<i32>} : memref<4096xf32, #tpu.memory_space<vmem>>, vector<16xf32>,
        %parallel_loop3A_641 = arith.maximumf %parallel_loop3A_585, %parallel_loop3A_640 : vector<16xf32>
        scf.yield %parallel_loop3A_592, %parallel_loop3A_599, %parallel_loop3A_606, %parallel_loop3A_613, %parallel_loop3A_620, %parallel_loop3A_627, %parallel_loop3A_634, %parallel_loop3A_641 : vector<16xf32>, vector<16xf32>, vector<16xf32>, vector<16xf32>, vector<16xf32>, vector<16xf32>, vector<16xf32>, vector<16xf32>
      } {sc.loop_unroll_factor = 1 : i64, sc.parallel_access}
      %max3A = arith.maximumf %parallel_loop3A_113#0, %parallel_loop3A_113#1 : vector<16xf32>
      %max3A_114 = arith.maximumf %parallel_loop3A_113#2, %parallel_loop3A_113#3 : vector<16xf32>
      %max3A_115 = arith.maximumf %parallel_loop3A_113#4, %parallel_loop3A_113#5 : vector<16xf32>
      %max3A_116 = arith.maximumf %parallel_loop3A_113#6, %parallel_loop3A_113#7 : vector<16xf32>
      %max3A_117 = arith.maximumf %max3A, %max3A_114 : vector<16xf32>
      %max3A_118 = arith.maximumf %max3A_115, %max3A_116 : vector<16xf32>
      %max3A_119 = arith.maximumf %max3A_117, %max3A_118 : vector<16xf32>
      %reduce_max3A = arith.constant true
      %reduce_max3A_120 = vector.broadcast %reduce_max3A : i1 to vector<16xi1>
      %reduce_max3A_121 = tpu.scan <max>, %max3A_119 masked %reduce_max3A_120 : vector<16xf32>, vector<16xi1> -> vector<16xf32>
      %reduce_max3A_122 = vector.extract %reduce_max3A_121[15] : f32 from vector<16xf32>
      %parallel_loop3A_123 = arith.constant 0 : i32
      %parallel_loop3A_124 = arith.constant 256 : i32
      %parallel_loop3A_125 = arith.constant 8 : i32
      %parallel_loop3A_126:8 = scf.for %parallel_loop3A_577 = %parallel_loop3A_123 to %parallel_loop3A_124 step %parallel_loop3A_125 iter_args(%parallel_loop3A_578 = %broadcast_in_dim3A_1, %parallel_loop3A_579 = %broadcast_in_dim3A_1, %parallel_loop3A_580 = %broadcast_in_dim3A_1, %parallel_loop3A_581 = %broadcast_in_dim3A_1, %parallel_loop3A_582 = %broadcast_in_dim3A_1, %parallel_loop3A_583 = %broadcast_in_dim3A_1, %parallel_loop3A_584 = %broadcast_in_dim3A_1, %parallel_loop3A_585 = %broadcast_in_dim3A_1) -> (vector<16xf32>, vector<16xf32>, vector<16xf32>, vector<16xf32>, vector<16xf32>, vector<16xf32>, vector<16xf32>, vector<16xf32>)  : i32 {
        %parallel_loop3A_586 = arith.constant 0 : i32
        %parallel_loop3A_587 = arith.addi %parallel_loop3A_577, %parallel_loop3A_586 : i32
        %parallel_loop3A_588 = arith.constant 16 : i32
        %parallel_loop3A_589 = arith.muli %parallel_loop3A_587, %parallel_loop3A_588 : i32
        %parallel_loop3A_590 = arith.index_cast %parallel_loop3A_589 : i32 to index
        %parallel_loop3A_591 = tpu.vector_load %arg4[%parallel_loop3A_590] {strides = array<i32>} : memref<4096xf32, #tpu.memory_space<vmem>>, vector<16xf32>,
        %parallel_loop3A_592 = vector.broadcast %reduce_max3A_122 : f32 to vector<16xf32>
        %parallel_loop3A_593 = arith.subf %parallel_loop3A_591, %parallel_loop3A_592 : vector<16xf32>
        %parallel_loop3A_594 = math.exp %parallel_loop3A_593 : vector<16xf32>
        %parallel_loop3A_595 = arith.index_cast %parallel_loop3A_589 : i32 to index
        %parallel_loop3A_596 = tpu.vector_load %arg6[%parallel_loop3A_595] {strides = array<i32>} : memref<4096xf32, #tpu.memory_space<vmem>>, vector<16xf32>,
        tpu.vector_store %arg6[%parallel_loop3A_595], %parallel_loop3A_594 {strides = array<i32>} : memref<4096xf32, #tpu.memory_space<vmem>>, vector<16xf32>,
        %parallel_loop3A_597 = arith.addf %parallel_loop3A_578, %parallel_loop3A_594 : vector<16xf32>
        %parallel_loop3A_598 = arith.constant 1 : i32
        %parallel_loop3A_599 = arith.addi %parallel_loop3A_577, %parallel_loop3A_598 : i32
        %parallel_loop3A_600 = arith.constant 16 : i32
        %parallel_loop3A_601 = arith.muli %parallel_loop3A_599, %parallel_loop3A_600 : i32
        %parallel_loop3A_602 = arith.index_cast %parallel_loop3A_601 : i32 to index
        %parallel_loop3A_603 = tpu.vector_load %arg4[%parallel_loop3A_602] {strides = array<i32>} : memref<4096xf32, #tpu.memory_space<vmem>>, vector<16xf32>,
        %parallel_loop3A_604 = vector.broadcast %reduce_max3A_122 : f32 to vector<16xf32>
        %parallel_loop3A_605 = arith.subf %parallel_loop3A_603, %parallel_loop3A_604 : vector<16xf32>
        %parallel_loop3A_606 = math.exp %parallel_loop3A_605 : vector<16xf32>
        %parallel_loop3A_607 = arith.index_cast %parallel_loop3A_601 : i32 to index
        %parallel_loop3A_608 = tpu.vector_load %arg6[%parallel_loop3A_607] {strides = array<i32>} : memref<4096xf32, #tpu.memory_space<vmem>>, vector<16xf32>,
        tpu.vector_store %arg6[%parallel_loop3A_607], %parallel_loop3A_606 {strides = array<i32>} : memref<4096xf32, #tpu.memory_space<vmem>>, vector<16xf32>,
        %parallel_loop3A_609 = arith.addf %parallel_loop3A_579, %parallel_loop3A_606 : vector<16xf32>
        %parallel_loop3A_610 = arith.constant 2 : i32
        %parallel_loop3A_611 = arith.addi %parallel_loop3A_577, %parallel_loop3A_610 : i32
        %parallel_loop3A_612 = arith.constant 16 : i32
        %parallel_loop3A_613 = arith.muli %parallel_loop3A_611, %parallel_loop3A_612 : i32
        %parallel_loop3A_614 = arith.index_cast %parallel_loop3A_613 : i32 to index
        %parallel_loop3A_615 = tpu.vector_load %arg4[%parallel_loop3A_614] {strides = array<i32>} : memref<4096xf32, #tpu.memory_space<vmem>>, vector<16xf32>,
        %parallel_loop3A_616 = vector.broadcast %reduce_max3A_122 : f32 to vector<16xf32>
        %parallel_loop3A_617 = arith.subf %parallel_loop3A_615, %parallel_loop3A_616 : vector<16xf32>
        %parallel_loop3A_618 = math.exp %parallel_loop3A_617 : vector<16xf32>
        %parallel_loop3A_619 = arith.index_cast %parallel_loop3A_613 : i32 to index
        %parallel_loop3A_620 = tpu.vector_load %arg6[%parallel_loop3A_619] {strides = array<i32>} : memref<4096xf32, #tpu.memory_space<vmem>>, vector<16xf32>,
        tpu.vector_store %arg6[%parallel_loop3A_619], %parallel_loop3A_618 {strides = array<i32>} : memref<4096xf32, #tpu.memory_space<vmem>>, vector<16xf32>,
        %parallel_loop3A_621 = arith.addf %parallel_loop3A_580, %parallel_loop3A_618 : vector<16xf32>
        %parallel_loop3A_622 = arith.constant 3 : i32
        %parallel_loop3A_623 = arith.addi %parallel_loop3A_577, %parallel_loop3A_622 : i32
        %parallel_loop3A_624 = arith.constant 16 : i32
        %parallel_loop3A_625 = arith.muli %parallel_loop3A_623, %parallel_loop3A_624 : i32
        %parallel_loop3A_626 = arith.index_cast %parallel_loop3A_625 : i32 to index
        %parallel_loop3A_627 = tpu.vector_load %arg4[%parallel_loop3A_626] {strides = array<i32>} : memref<4096xf32, #tpu.memory_space<vmem>>, vector<16xf32>,
        %parallel_loop3A_628 = vector.broadcast %reduce_max3A_122 : f32 to vector<16xf32>
        %parallel_loop3A_629 = arith.subf %parallel_loop3A_627, %parallel_loop3A_628 : vector<16xf32>
        %parallel_loop3A_630 = math.exp %parallel_loop3A_629 : vector<16xf32>
        %parallel_loop3A_631 = arith.index_cast %parallel_loop3A_625 : i32 to index
        %parallel_loop3A_632 = tpu.vector_load %arg6[%parallel_loop3A_631] {strides = array<i32>} : memref<4096xf32, #tpu.memory_space<vmem>>, vector<16xf32>,
        tpu.vector_store %arg6[%parallel_loop3A_631], %parallel_loop3A_630 {strides = array<i32>} : memref<4096xf32, #tpu.memory_space<vmem>>, vector<16xf32>,
        %parallel_loop3A_633 = arith.addf %parallel_loop3A_581, %parallel_loop3A_630 : vector<16xf32>
        %parallel_loop3A_634 = arith.constant 4 : i32
        %parallel_loop3A_635 = arith.addi %parallel_loop3A_577, %parallel_loop3A_634 : i32
        %parallel_loop3A_636 = arith.constant 16 : i32
        %parallel_loop3A_637 = arith.muli %parallel_loop3A_635, %parallel_loop3A_636 : i32
        %parallel_loop3A_638 = arith.index_cast %parallel_loop3A_637 : i32 to index
        %parallel_loop3A_639 = tpu.vector_load %arg4[%parallel_loop3A_638] {strides = array<i32>} : memref<4096xf32, #tpu.memory_space<vmem>>, vector<16xf32>,
        %parallel_loop3A_640 = vector.broadcast %reduce_max3A_122 : f32 to vector<16xf32>
        %parallel_loop3A_641 = arith.subf %parallel_loop3A_639, %parallel_loop3A_640 : vector<16xf32>
        %parallel_loop3A_642 = math.exp %parallel_loop3A_641 : vector<16xf32>
        %parallel_loop3A_643 = arith.index_cast %parallel_loop3A_637 : i32 to index
        %parallel_loop3A_644 = tpu.vector_load %arg6[%parallel_loop3A_643] {strides = array<i32>} : memref<4096xf32, #tpu.memory_space<vmem>>, vector<16xf32>,
        tpu.vector_store %arg6[%parallel_loop3A_643], %parallel_loop3A_642 {strides = array<i32>} : memref<4096xf32, #tpu.memory_space<vmem>>, vector<16xf32>,
        %parallel_loop3A_645 = arith.addf %parallel_loop3A_582, %parallel_loop3A_642 : vector<16xf32>
        %parallel_loop3A_646 = arith.constant 5 : i32
        %parallel_loop3A_647 = arith.addi %parallel_loop3A_577, %parallel_loop3A_646 : i32
        %parallel_loop3A_648 = arith.constant 16 : i32
        %parallel_loop3A_649 = arith.muli %parallel_loop3A_647, %parallel_loop3A_648 : i32
        %parallel_loop3A_650 = arith.index_cast %parallel_loop3A_649 : i32 to index
        %parallel_loop3A_651 = tpu.vector_load %arg4[%parallel_loop3A_650] {strides = array<i32>} : memref<4096xf32, #tpu.memory_space<vmem>>, vector<16xf32>,
        %parallel_loop3A_652 = vector.broadcast %reduce_max3A_122 : f32 to vector<16xf32>
        %parallel_loop3A_653 = arith.subf %parallel_loop3A_651, %parallel_loop3A_652 : vector<16xf32>
        %parallel_loop3A_654 = math.exp %parallel_loop3A_653 : vector<16xf32>
        %parallel_loop3A_655 = arith.index_cast %parallel_loop3A_649 : i32 to index
        %parallel_loop3A_656 = tpu.vector_load %arg6[%parallel_loop3A_655] {strides = array<i32>} : memref<4096xf32, #tpu.memory_space<vmem>>, vector<16xf32>,
        tpu.vector_store %arg6[%parallel_loop3A_655], %parallel_loop3A_654 {strides = array<i32>} : memref<4096xf32, #tpu.memory_space<vmem>>, vector<16xf32>,
        %parallel_loop3A_657 = arith.addf %parallel_loop3A_583, %parallel_loop3A_654 : vector<16xf32>
        %parallel_loop3A_658 = arith.constant 6 : i32
        %parallel_loop3A_659 = arith.addi %parallel_loop3A_577, %parallel_loop3A_658 : i32
        %parallel_loop3A_660 = arith.constant 16 : i32
        %parallel_loop3A_661 = arith.muli %parallel_loop3A_659, %parallel_loop3A_660 : i32
        %parallel_loop3A_662 = arith.index_cast %parallel_loop3A_661 : i32 to index
        %parallel_loop3A_663 = tpu.vector_load %arg4[%parallel_loop3A_662] {strides = array<i32>} : memref<4096xf32, #tpu.memory_space<vmem>>, vector<16xf32>,
        %parallel_loop3A_664 = vector.broadcast %reduce_max3A_122 : f32 to vector<16xf32>
        %parallel_loop3A_665 = arith.subf %parallel_loop3A_663, %parallel_loop3A_664 : vector<16xf32>
        %parallel_loop3A_666 = math.exp %parallel_loop3A_665 : vector<16xf32>
        %parallel_loop3A_667 = arith.index_cast %parallel_loop3A_661 : i32 to index
        %parallel_loop3A_668 = tpu.vector_load %arg6[%parallel_loop3A_667] {strides = array<i32>} : memref<4096xf32, #tpu.memory_space<vmem>>, vector<16xf32>,
        tpu.vector_store %arg6[%parallel_loop3A_667], %parallel_loop3A_666 {strides = array<i32>} : memref<4096xf32, #tpu.memory_space<vmem>>, vector<16xf32>,
        %parallel_loop3A_669 = arith.addf %parallel_loop3A_584, %parallel_loop3A_666 : vector<16xf32>
        %parallel_loop3A_670 = arith.constant 7 : i32
        %parallel_loop3A_671 = arith.addi %parallel_loop3A_577, %parallel_loop3A_670 : i32
        %parallel_loop3A_672 = arith.constant 16 : i32
        %parallel_loop3A_673 = arith.muli %parallel_loop3A_671, %parallel_loop3A_672 : i32
        %parallel_loop3A_674 = arith.index_cast %parallel_loop3A_673 : i32 to index
        %parallel_loop3A_675 = tpu.vector_load %arg4[%parallel_loop3A_674] {strides = array<i32>} : memref<4096xf32, #tpu.memory_space<vmem>>, vector<16xf32>,
        %parallel_loop3A_676 = vector.broadcast %reduce_max3A_122 : f32 to vector<16xf32>
        %parallel_loop3A_677 = arith.subf %parallel_loop3A_675, %parallel_loop3A_676 : vector<16xf32>
        %parallel_loop3A_678 = math.exp %parallel_loop3A_677 : vector<16xf32>
        %parallel_loop3A_679 = arith.index_cast %parallel_loop3A_673 : i32 to index
        %parallel_loop3A_680 = tpu.vector_load %arg6[%parallel_loop3A_679] {strides = array<i32>} : memref<4096xf32, #tpu.memory_space<vmem>>, vector<16xf32>,
        tpu.vector_store %arg6[%parallel_loop3A_679], %parallel_loop3A_678 {strides = array<i32>} : memref<4096xf32, #tpu.memory_space<vmem>>, vector<16xf32>,
        %parallel_loop3A_681 = arith.addf %parallel_loop3A_585, %parallel_loop3A_678 : vector<16xf32>
        scf.yield %parallel_loop3A_597, %parallel_loop3A_609, %parallel_loop3A_621, %parallel_loop3A_633, %parallel_loop3A_645, %parallel_loop3A_657, %parallel_loop3A_669, %parallel_loop3A_681 : vector<16xf32>, vector<16xf32>, vector<16xf32>, vector<16xf32>, vector<16xf32>, vector<16xf32>, vector<16xf32>, vector<16xf32>
      } {sc.loop_unroll_factor = 1 : i64, sc.parallel_access}
      %add3A_127 = arith.addf %parallel_loop3A_126#0, %parallel_loop3A_126#1 : vector<16xf32>
      %add3A_128 = arith.addf %add3A_127, %parallel_loop3A_126#2 : vector<16xf32>
      %add3A_129 = arith.addf %add3A_128, %parallel_loop3A_126#3 : vector<16xf32>
      %add3A_130 = arith.addf %add3A_129, %parallel_loop3A_126#4 : vector<16xf32>
      %add3A_131 = arith.addf %add3A_130, %parallel_loop3A_126#5 : vector<16xf32>
      %add3A_132 = arith.addf %add3A_131, %parallel_loop3A_126#6 : vector<16xf32>
      %add3A_133 = arith.addf %add3A_132, %parallel_loop3A_126#7 : vector<16xf32>
      %reduce_sum3A = arith.constant true
      %reduce_sum3A_134 = vector.broadcast %reduce_sum3A : i1 to vector<16xi1>
      %reduce_sum3A_135 = tpu.scan <sum>, %add3A_133 masked %reduce_sum3A_134 : vector<16xf32>, vector<16xi1> -> vector<16xf32>
      %reduce_sum3A_136 = vector.extract %reduce_sum3A_135[15] : f32 from vector<16xf32>
      %ne3A = arith.constant 0 : i32
      %ne3A_137 = arith.cmpi ne, %mul3A_69, %ne3A : i32
      %convert_element_type3A = arith.extui %ne3A_137 : i1 to i32
      %cond3A = arith.constant 0 : i32
      %cond3A_138 = arith.cmpi ne, %convert_element_type3A, %cond3A : i32
      scf.if %cond3A_138 {
        %dma_wait3A_577 = arith.constant 0 : i32
        %dma_wait3A_578 = arith.constant 0 : i32
        %dma_wait3A_579 = arith.constant 0 : i32
        %dma_wait3A_580 = arith.constant 0 : i32
        %dma_wait3A_581 = arith.constant 0 : i32
        %dma_wait3A_582 = tpu.memref_slice %arg7[%dma_wait3A_580, %dma_wait3A_581] : memref<8x4096xf32, #tpu.memory_space<vmem>> -> memref<4x4096xf32, #tpu.memory_space<vmem>>
        %dma_wait3A_583 = arith.constant 0 : i32
        %dma_wait3A_584 = arith.constant 0 : i32
        %dma_wait3A_585 = tpu.memref_slice %arg3[%dma_wait3A_577, %dma_wait3A_578, %dma_wait3A_579, %dma_wait3A_583, %dma_wait3A_584] : memref<16x8x4x8x4096xf32, #tpu.memory_space<hbm>> -> memref<1x1x1x4x4096xf32, #tpu.memory_space<hbm>>
        %dma_wait3A_586 = tpu.memref_squeeze %dma_wait3A_585 : memref<1x1x1x4x4096xf32, #tpu.memory_space<hbm>> -> memref<4x4096xf32, #tpu.memory_space<hbm>>
        %dma_wait3A_587 = arith.constant 0 : i32
        %dma_wait3A_588 = arith.constant 0 : i32
        %dma_wait3A_589 = tpu.memref_slice %arg3[%dma_wait3A_577, %dma_wait3A_578, %dma_wait3A_579, %dma_wait3A_587, %dma_wait3A_588] : memref<16x8x4x8x4096xf32, #tpu.memory_space<hbm>> -> memref<1x1x1x4x4096xf32, #tpu.memory_space<hbm>>
        %dma_wait3A_590 = tpu.memref_squeeze %dma_wait3A_589 : memref<1x1x1x4x4096xf32, #tpu.memory_space<hbm>> -> memref<4x4096xf32, #tpu.memory_space<hbm>>
        %dma_wait3A_591 = arith.constant 0 : i32
        %dma_wait3A_592 = arith.constant 0 : i32
        %dma_wait3A_593 = tpu.memref_slice %arg7[%dma_wait3A_591, %dma_wait3A_592] : memref<8x4096xf32, #tpu.memory_space<vmem>> -> memref<4x4096xf32, #tpu.memory_space<vmem>>
        tpu.wait_dma2 semaphore(%arg9 : memref<!tpu.dma_semaphore, #tpu.memory_space<semaphore_mem>>) src(%dma_wait3A_593 : memref<4x4096xf32, #tpu.memory_space<vmem>>) dst(%dma_wait3A_590 : memref<4x4096xf32, #tpu.memory_space<hbm>>)
        %dma_wait3A_594 = arith.constant 0 : i32
        %dma_wait3A_595 = arith.constant 0 : i32
        %dma_wait3A_596 = arith.constant 0 : i32
        %dma_wait3A_597 = arith.constant 0 : i32
        %dma_wait3A_598 = arith.constant 0 : i32
        %dma_wait3A_599 = tpu.memref_slice %arg7[%dma_wait3A_597, %dma_wait3A_598] : memref<8x4096xf32, #tpu.memory_space<vmem>> -> memref<4x4096xf32, #tpu.memory_space<vmem>>
        %dma_wait3A_600 = arith.constant 0 : i32
        %dma_wait3A_601 = arith.constant 0 : i32
        %dma_wait3A_602 = tpu.memref_slice %arg3[%dma_wait3A_594, %dma_wait3A_595, %dma_wait3A_596, %dma_wait3A_600, %dma_wait3A_601] : memref<16x8x4x8x4096xf32, #tpu.memory_space<hbm>> -> memref<1x1x1x4x4096xf32, #tpu.memory_space<hbm>>
        %dma_wait3A_603 = tpu.memref_squeeze %dma_wait3A_602 : memref<1x1x1x4x4096xf32, #tpu.memory_space<hbm>> -> memref<4x4096xf32, #tpu.memory_space<hbm>>
        %dma_wait3A_604 = arith.constant 0 : i32
        %dma_wait3A_605 = arith.constant 0 : i32
        %dma_wait3A_606 = tpu.memref_slice %arg3[%dma_wait3A_594, %dma_wait3A_595, %dma_wait3A_596, %dma_wait3A_604, %dma_wait3A_605] : memref<16x8x4x8x4096xf32, #tpu.memory_space<hbm>> -> memref<1x1x1x4x4096xf32, #tpu.memory_space<hbm>>
        %dma_wait3A_607 = tpu.memref_squeeze %dma_wait3A_606 : memref<1x1x1x4x4096xf32, #tpu.memory_space<hbm>> -> memref<4x4096xf32, #tpu.memory_space<hbm>>
        %dma_wait3A_608 = arith.constant 0 : i32
        %dma_wait3A_609 = arith.constant 0 : i32
        %dma_wait3A_610 = tpu.memref_slice %arg7[%dma_wait3A_608, %dma_wait3A_609] : memref<8x4096xf32, #tpu.memory_space<vmem>> -> memref<4x4096xf32, #tpu.memory_space<vmem>>
        tpu.wait_dma2 semaphore(%arg9 : memref<!tpu.dma_semaphore, #tpu.memory_space<semaphore_mem>>) src(%dma_wait3A_610 : memref<4x4096xf32, #tpu.memory_space<vmem>>) dst(%dma_wait3A_607 : memref<4x4096xf32, #tpu.memory_space<hbm>>)
      } else {
      }
      %div3A = vector.broadcast %reduce_sum3A_136 : f32 to vector<16xf32>
      %div3A_139 = arith.divf %broadcast_in_dim3A_3, %div3A : vector<16xf32>
      %parallel_loop3A_140 = arith.constant 0 : i32
      %parallel_loop3A_141 = arith.constant 256 : i32
      %parallel_loop3A_142 = arith.constant 8 : i32
      %parallel_loop3A_143:8 = scf.for %parallel_loop3A_577 = %parallel_loop3A_140 to %parallel_loop3A_141 step %parallel_loop3A_142 iter_args(%parallel_loop3A_578 = %broadcast_in_dim3A_1, %parallel_loop3A_579 = %broadcast_in_dim3A_1, %parallel_loop3A_580 = %broadcast_in_dim3A_1, %parallel_loop3A_581 = %broadcast_in_dim3A_1, %parallel_loop3A_582 = %broadcast_in_dim3A_1, %parallel_loop3A_583 = %broadcast_in_dim3A_1, %parallel_loop3A_584 = %broadcast_in_dim3A_1, %parallel_loop3A_585 = %broadcast_in_dim3A_1) -> (vector<16xf32>, vector<16xf32>, vector<16xf32>, vector<16xf32>, vector<16xf32>, vector<16xf32>, vector<16xf32>, vector<16xf32>)  : i32 {
        %parallel_loop3A_586 = arith.constant 0 : i32
        %parallel_loop3A_587 = arith.addi %parallel_loop3A_577, %parallel_loop3A_586 : i32
        %parallel_loop3A_588 = arith.constant 16 : i32
        %parallel_loop3A_589 = arith.muli %parallel_loop3A_587, %parallel_loop3A_588 : i32
        %parallel_loop3A_590 = arith.index_cast %parallel_loop3A_589 : i32 to index
        %parallel_loop3A_591 = tpu.vector_load %arg6[%parallel_loop3A_590] {strides = array<i32>} : memref<4096xf32, #tpu.memory_space<vmem>>, vector<16xf32>,
        %parallel_loop3A_592 = arith.mulf %parallel_loop3A_591, %div3A_139 : vector<16xf32>
        %parallel_loop3A_593 = arith.constant 0 : i32
        %parallel_loop3A_594 = arith.index_cast %parallel_loop3A_593 : i32 to index
        %parallel_loop3A_595 = arith.index_cast %parallel_loop3A_589 : i32 to index
        %parallel_loop3A_596 = tpu.vector_load %arg7[%parallel_loop3A_594, %parallel_loop3A_595] {strides = array<i32>} : memref<8x4096xf32, #tpu.memory_space<vmem>>, vector<16xf32>,
        tpu.vector_store %arg7[%parallel_loop3A_594, %parallel_loop3A_595], %parallel_loop3A_592 {strides = array<i32>} : memref<8x4096xf32, #tpu.memory_space<vmem>>, vector<16xf32>,
        %parallel_loop3A_597 = arith.mulf %parallel_loop3A_592, %parallel_loop3A_592 : vector<16xf32>
        %parallel_loop3A_598 = arith.addf %parallel_loop3A_578, %parallel_loop3A_597 : vector<16xf32>
        %parallel_loop3A_599 = arith.constant 1 : i32
        %parallel_loop3A_600 = arith.addi %parallel_loop3A_577, %parallel_loop3A_599 : i32
        %parallel_loop3A_601 = arith.constant 16 : i32
        %parallel_loop3A_602 = arith.muli %parallel_loop3A_600, %parallel_loop3A_601 : i32
        %parallel_loop3A_603 = arith.index_cast %parallel_loop3A_602 : i32 to index
        %parallel_loop3A_604 = tpu.vector_load %arg6[%parallel_loop3A_603] {strides = array<i32>} : memref<4096xf32, #tpu.memory_space<vmem>>, vector<16xf32>,
        %parallel_loop3A_605 = arith.mulf %parallel_loop3A_604, %div3A_139 : vector<16xf32>
        %parallel_loop3A_606 = arith.constant 0 : i32
        %parallel_loop3A_607 = arith.index_cast %parallel_loop3A_606 : i32 to index
        %parallel_loop3A_608 = arith.index_cast %parallel_loop3A_602 : i32 to index
        %parallel_loop3A_609 = tpu.vector_load %arg7[%parallel_loop3A_607, %parallel_loop3A_608] {strides = array<i32>} : memref<8x4096xf32, #tpu.memory_space<vmem>>, vector<16xf32>,
        tpu.vector_store %arg7[%parallel_loop3A_607, %parallel_loop3A_608], %parallel_loop3A_605 {strides = array<i32>} : memref<8x4096xf32, #tpu.memory_space<vmem>>, vector<16xf32>,
        %parallel_loop3A_610 = arith.mulf %parallel_loop3A_605, %parallel_loop3A_605 : vector<16xf32>
        %parallel_loop3A_611 = arith.addf %parallel_loop3A_579, %parallel_loop3A_610 : vector<16xf32>
        %parallel_loop3A_612 = arith.constant 2 : i32
        %parallel_loop3A_613 = arith.addi %parallel_loop3A_577, %parallel_loop3A_612 : i32
        %parallel_loop3A_614 = arith.constant 16 : i32
        %parallel_loop3A_615 = arith.muli %parallel_loop3A_613, %parallel_loop3A_614 : i32
        %parallel_loop3A_616 = arith.index_cast %parallel_loop3A_615 : i32 to index
        %parallel_loop3A_617 = tpu.vector_load %arg6[%parallel_loop3A_616] {strides = array<i32>} : memref<4096xf32, #tpu.memory_space<vmem>>, vector<16xf32>,
        %parallel_loop3A_618 = arith.mulf %parallel_loop3A_617, %div3A_139 : vector<16xf32>
        %parallel_loop3A_619 = arith.constant 0 : i32
        %parallel_loop3A_620 = arith.index_cast %parallel_loop3A_619 : i32 to index
        %parallel_loop3A_621 = arith.index_cast %parallel_loop3A_615 : i32 to index
        %parallel_loop3A_622 = tpu.vector_load %arg7[%parallel_loop3A_620, %parallel_loop3A_621] {strides = array<i32>} : memref<8x4096xf32, #tpu.memory_space<vmem>>, vector<16xf32>,
        tpu.vector_store %arg7[%parallel_loop3A_620, %parallel_loop3A_621], %parallel_loop3A_618 {strides = array<i32>} : memref<8x4096xf32, #tpu.memory_space<vmem>>, vector<16xf32>,
        %parallel_loop3A_623 = arith.mulf %parallel_loop3A_618, %parallel_loop3A_618 : vector<16xf32>
        %parallel_loop3A_624 = arith.addf %parallel_loop3A_580, %parallel_loop3A_623 : vector<16xf32>
        %parallel_loop3A_625 = arith.constant 3 : i32
        %parallel_loop3A_626 = arith.addi %parallel_loop3A_577, %parallel_loop3A_625 : i32
        %parallel_loop3A_627 = arith.constant 16 : i32
        %parallel_loop3A_628 = arith.muli %parallel_loop3A_626, %parallel_loop3A_627 : i32
        %parallel_loop3A_629 = arith.index_cast %parallel_loop3A_628 : i32 to index
        %parallel_loop3A_630 = tpu.vector_load %arg6[%parallel_loop3A_629] {strides = array<i32>} : memref<4096xf32, #tpu.memory_space<vmem>>, vector<16xf32>,
        %parallel_loop3A_631 = arith.mulf %parallel_loop3A_630, %div3A_139 : vector<16xf32>
        %parallel_loop3A_632 = arith.constant 0 : i32
        %parallel_loop3A_633 = arith.index_cast %parallel_loop3A_632 : i32 to index
        %parallel_loop3A_634 = arith.index_cast %parallel_loop3A_628 : i32 to index
        %parallel_loop3A_635 = tpu.vector_load %arg7[%parallel_loop3A_633, %parallel_loop3A_634] {strides = array<i32>} : memref<8x4096xf32, #tpu.memory_space<vmem>>, vector<16xf32>,
        tpu.vector_store %arg7[%parallel_loop3A_633, %parallel_loop3A_634], %parallel_loop3A_631 {strides = array<i32>} : memref<8x4096xf32, #tpu.memory_space<vmem>>, vector<16xf32>,
        %parallel_loop3A_636 = arith.mulf %parallel_loop3A_631, %parallel_loop3A_631 : vector<16xf32>
        %parallel_loop3A_637 = arith.addf %parallel_loop3A_581, %parallel_loop3A_636 : vector<16xf32>
        %parallel_loop3A_638 = arith.constant 4 : i32
        %parallel_loop3A_639 = arith.addi %parallel_loop3A_577, %parallel_loop3A_638 : i32
        %parallel_loop3A_640 = arith.constant 16 : i32
        %parallel_loop3A_641 = arith.muli %parallel_loop3A_639, %parallel_loop3A_640 : i32
        %parallel_loop3A_642 = arith.index_cast %parallel_loop3A_641 : i32 to index
        %parallel_loop3A_643 = tpu.vector_load %arg6[%parallel_loop3A_642] {strides = array<i32>} : memref<4096xf32, #tpu.memory_space<vmem>>, vector<16xf32>,
        %parallel_loop3A_644 = arith.mulf %parallel_loop3A_643, %div3A_139 : vector<16xf32>
        %parallel_loop3A_645 = arith.constant 0 : i32
        %parallel_loop3A_646 = arith.index_cast %parallel_loop3A_645 : i32 to index
        %parallel_loop3A_647 = arith.index_cast %parallel_loop3A_641 : i32 to index
        %parallel_loop3A_648 = tpu.vector_load %arg7[%parallel_loop3A_646, %parallel_loop3A_647] {strides = array<i32>} : memref<8x4096xf32, #tpu.memory_space<vmem>>, vector<16xf32>,
        tpu.vector_store %arg7[%parallel_loop3A_646, %parallel_loop3A_647], %parallel_loop3A_644 {strides = array<i32>} : memref<8x4096xf32, #tpu.memory_space<vmem>>, vector<16xf32>,
        %parallel_loop3A_649 = arith.mulf %parallel_loop3A_644, %parallel_loop3A_644 : vector<16xf32>
        %parallel_loop3A_650 = arith.addf %parallel_loop3A_582, %parallel_loop3A_649 : vector<16xf32>
        %parallel_loop3A_651 = arith.constant 5 : i32
        %parallel_loop3A_652 = arith.addi %parallel_loop3A_577, %parallel_loop3A_651 : i32
        %parallel_loop3A_653 = arith.constant 16 : i32
        %parallel_loop3A_654 = arith.muli %parallel_loop3A_652, %parallel_loop3A_653 : i32
        %parallel_loop3A_655 = arith.index_cast %parallel_loop3A_654 : i32 to index
        %parallel_loop3A_656 = tpu.vector_load %arg6[%parallel_loop3A_655] {strides = array<i32>} : memref<4096xf32, #tpu.memory_space<vmem>>, vector<16xf32>,
        %parallel_loop3A_657 = arith.mulf %parallel_loop3A_656, %div3A_139 : vector<16xf32>
        %parallel_loop3A_658 = arith.constant 0 : i32
        %parallel_loop3A_659 = arith.index_cast %parallel_loop3A_658 : i32 to index
        %parallel_loop3A_660 = arith.index_cast %parallel_loop3A_654 : i32 to index
        %parallel_loop3A_661 = tpu.vector_load %arg7[%parallel_loop3A_659, %parallel_loop3A_660] {strides = array<i32>} : memref<8x4096xf32, #tpu.memory_space<vmem>>, vector<16xf32>,
        tpu.vector_store %arg7[%parallel_loop3A_659, %parallel_loop3A_660], %parallel_loop3A_657 {strides = array<i32>} : memref<8x4096xf32, #tpu.memory_space<vmem>>, vector<16xf32>,
        %parallel_loop3A_662 = arith.mulf %parallel_loop3A_657, %parallel_loop3A_657 : vector<16xf32>
        %parallel_loop3A_663 = arith.addf %parallel_loop3A_583, %parallel_loop3A_662 : vector<16xf32>
        %parallel_loop3A_664 = arith.constant 6 : i32
        %parallel_loop3A_665 = arith.addi %parallel_loop3A_577, %parallel_loop3A_664 : i32
        %parallel_loop3A_666 = arith.constant 16 : i32
        %parallel_loop3A_667 = arith.muli %parallel_loop3A_665, %parallel_loop3A_666 : i32
        %parallel_loop3A_668 = arith.index_cast %parallel_loop3A_667 : i32 to index
        %parallel_loop3A_669 = tpu.vector_load %arg6[%parallel_loop3A_668] {strides = array<i32>} : memref<4096xf32, #tpu.memory_space<vmem>>, vector<16xf32>,
        %parallel_loop3A_670 = arith.mulf %parallel_loop3A_669, %div3A_139 : vector<16xf32>
        %parallel_loop3A_671 = arith.constant 0 : i32
        %parallel_loop3A_672 = arith.index_cast %parallel_loop3A_671 : i32 to index
        %parallel_loop3A_673 = arith.index_cast %parallel_loop3A_667 : i32 to index
        %parallel_loop3A_674 = tpu.vector_load %arg7[%parallel_loop3A_672, %parallel_loop3A_673] {strides = array<i32>} : memref<8x4096xf32, #tpu.memory_space<vmem>>, vector<16xf32>,
        tpu.vector_store %arg7[%parallel_loop3A_672, %parallel_loop3A_673], %parallel_loop3A_670 {strides = array<i32>} : memref<8x4096xf32, #tpu.memory_space<vmem>>, vector<16xf32>,
        %parallel_loop3A_675 = arith.mulf %parallel_loop3A_670, %parallel_loop3A_670 : vector<16xf32>
        %parallel_loop3A_676 = arith.addf %parallel_loop3A_584, %parallel_loop3A_675 : vector<16xf32>
        %parallel_loop3A_677 = arith.constant 7 : i32
        %parallel_loop3A_678 = arith.addi %parallel_loop3A_577, %parallel_loop3A_677 : i32
        %parallel_loop3A_679 = arith.constant 16 : i32
        %parallel_loop3A_680 = arith.muli %parallel_loop3A_678, %parallel_loop3A_679 : i32
        %parallel_loop3A_681 = arith.index_cast %parallel_loop3A_680 : i32 to index
        %parallel_loop3A_682 = tpu.vector_load %arg6[%parallel_loop3A_681] {strides = array<i32>} : memref<4096xf32, #tpu.memory_space<vmem>>, vector<16xf32>,
        %parallel_loop3A_683 = arith.mulf %parallel_loop3A_682, %div3A_139 : vector<16xf32>
        %parallel_loop3A_684 = arith.constant 0 : i32
        %parallel_loop3A_685 = arith.index_cast %parallel_loop3A_684 : i32 to index
        %parallel_loop3A_686 = arith.index_cast %parallel_loop3A_680 : i32 to index
        %parallel_loop3A_687 = tpu.vector_load %arg7[%parallel_loop3A_685, %parallel_loop3A_686] {strides = array<i32>} : memref<8x4096xf32, #tpu.memory_space<vmem>>, vector<16xf32>,
        tpu.vector_store %arg7[%parallel_loop3A_685, %parallel_loop3A_686], %parallel_loop3A_683 {strides = array<i32>} : memref<8x4096xf32, #tpu.memory_space<vmem>>, vector<16xf32>,
        %parallel_loop3A_688 = arith.mulf %parallel_loop3A_683, %parallel_loop3A_683 : vector<16xf32>
        %parallel_loop3A_689 = arith.addf %parallel_loop3A_585, %parallel_loop3A_688 : vector<16xf32>
        scf.yield %parallel_loop3A_598, %parallel_loop3A_611, %parallel_loop3A_624, %parallel_loop3A_637, %parallel_loop3A_650, %parallel_loop3A_663, %parallel_loop3A_676, %parallel_loop3A_689 : vector<16xf32>, vector<16xf32>, vector<16xf32>, vector<16xf32>, vector<16xf32>, vector<16xf32>, vector<16xf32>, vector<16xf32>
      } {sc.loop_unroll_factor = 1 : i64, sc.parallel_access}
      %add3A_144 = arith.addf %parallel_loop3A_143#0, %parallel_loop3A_143#1 : vector<16xf32>
      %add3A_145 = arith.addf %add3A_144, %parallel_loop3A_143#2 : vector<16xf32>
      %add3A_146 = arith.addf %add3A_145, %parallel_loop3A_143#3 : vector<16xf32>
      %add3A_147 = arith.addf %add3A_146, %parallel_loop3A_143#4 : vector<16xf32>
      %add3A_148 = arith.addf %add3A_147, %parallel_loop3A_143#5 : vector<16xf32>
      %add3A_149 = arith.addf %add3A_148, %parallel_loop3A_143#6 : vector<16xf32>
      %add3A_150 = arith.addf %add3A_149, %parallel_loop3A_143#7 : vector<16xf32>
      %reduce_sum3A_151 = arith.constant true
      %reduce_sum3A_152 = vector.broadcast %reduce_sum3A_151 : i1 to vector<16xi1>
      %reduce_sum3A_153 = tpu.scan <sum>, %add3A_150 masked %reduce_sum3A_152 : vector<16xf32>, vector<16xi1> -> vector<16xf32>
      %reduce_sum3A_154 = vector.extract %reduce_sum3A_153[15] : f32 from vector<16xf32>
      %sub3A = arith.constant 1.000000e+00 : f32
      %sub3A_155 = arith.subf %sub3A, %reduce_sum3A_154 : f32
      %div3A_156 = vector.broadcast %sub3A_155 : f32 to vector<16xf32>
      %div3A_157 = arith.divf %broadcast_in_dim3A_3, %div3A_156 : vector<16xf32>
      %parallel_loop3A_158 = arith.constant 0 : i32
      %parallel_loop3A_159 = arith.constant 256 : i32
      %parallel_loop3A_160 = arith.constant 8 : i32
      %parallel_loop3A_161:8 = scf.for %parallel_loop3A_577 = %parallel_loop3A_158 to %parallel_loop3A_159 step %parallel_loop3A_160 iter_args(%parallel_loop3A_578 = %broadcast_in_dim3A_1, %parallel_loop3A_579 = %broadcast_in_dim3A_1, %parallel_loop3A_580 = %broadcast_in_dim3A_1, %parallel_loop3A_581 = %broadcast_in_dim3A_1, %parallel_loop3A_582 = %broadcast_in_dim3A_1, %parallel_loop3A_583 = %broadcast_in_dim3A_1, %parallel_loop3A_584 = %broadcast_in_dim3A_1, %parallel_loop3A_585 = %broadcast_in_dim3A_1) -> (vector<16xf32>, vector<16xf32>, vector<16xf32>, vector<16xf32>, vector<16xf32>, vector<16xf32>, vector<16xf32>, vector<16xf32>)  : i32 {
        %parallel_loop3A_586 = arith.constant 0 : i32
        %parallel_loop3A_587 = arith.addi %parallel_loop3A_577, %parallel_loop3A_586 : i32
        %parallel_loop3A_588 = arith.constant 16 : i32
        %parallel_loop3A_589 = arith.muli %parallel_loop3A_587, %parallel_loop3A_588 : i32
        %parallel_loop3A_590 = arith.constant 0 : i32
        %parallel_loop3A_591 = arith.index_cast %parallel_loop3A_590 : i32 to index
        %parallel_loop3A_592 = arith.index_cast %parallel_loop3A_589 : i32 to index
        %parallel_loop3A_593 = tpu.vector_load %arg7[%parallel_loop3A_591, %parallel_loop3A_592] {strides = array<i32>} : memref<8x4096xf32, #tpu.memory_space<vmem>>, vector<16xf32>,
        %parallel_loop3A_594 = arith.mulf %parallel_loop3A_593, %parallel_loop3A_593 : vector<16xf32>
        %parallel_loop3A_595 = arith.subf %parallel_loop3A_593, %parallel_loop3A_594 : vector<16xf32>
        %parallel_loop3A_596 = arith.mulf %parallel_loop3A_595, %div3A_157 : vector<16xf32>
        %parallel_loop3A_597 = arith.constant 1 : i32
        %parallel_loop3A_598 = arith.index_cast %parallel_loop3A_597 : i32 to index
        %parallel_loop3A_599 = arith.index_cast %parallel_loop3A_589 : i32 to index
        %parallel_loop3A_600 = tpu.vector_load %arg7[%parallel_loop3A_598, %parallel_loop3A_599] {strides = array<i32>} : memref<8x4096xf32, #tpu.memory_space<vmem>>, vector<16xf32>,
        tpu.vector_store %arg7[%parallel_loop3A_598, %parallel_loop3A_599], %parallel_loop3A_596 {strides = array<i32>} : memref<8x4096xf32, #tpu.memory_space<vmem>>, vector<16xf32>,
        %parallel_loop3A_601 = arith.mulf %parallel_loop3A_596, %parallel_loop3A_596 : vector<16xf32>
        %parallel_loop3A_602 = arith.addf %parallel_loop3A_578, %parallel_loop3A_601 : vector<16xf32>
        %parallel_loop3A_603 = arith.constant 1 : i32
        %parallel_loop3A_604 = arith.addi %parallel_loop3A_577, %parallel_loop3A_603 : i32
        %parallel_loop3A_605 = arith.constant 16 : i32
        %parallel_loop3A_606 = arith.muli %parallel_loop3A_604, %parallel_loop3A_605 : i32
        %parallel_loop3A_607 = arith.constant 0 : i32
        %parallel_loop3A_608 = arith.index_cast %parallel_loop3A_607 : i32 to index
        %parallel_loop3A_609 = arith.index_cast %parallel_loop3A_606 : i32 to index
        %parallel_loop3A_610 = tpu.vector_load %arg7[%parallel_loop3A_608, %parallel_loop3A_609] {strides = array<i32>} : memref<8x4096xf32, #tpu.memory_space<vmem>>, vector<16xf32>,
        %parallel_loop3A_611 = arith.mulf %parallel_loop3A_610, %parallel_loop3A_610 : vector<16xf32>
        %parallel_loop3A_612 = arith.subf %parallel_loop3A_610, %parallel_loop3A_611 : vector<16xf32>
        %parallel_loop3A_613 = arith.mulf %parallel_loop3A_612, %div3A_157 : vector<16xf32>
        %parallel_loop3A_614 = arith.constant 1 : i32
        %parallel_loop3A_615 = arith.index_cast %parallel_loop3A_614 : i32 to index
        %parallel_loop3A_616 = arith.index_cast %parallel_loop3A_606 : i32 to index
        %parallel_loop3A_617 = tpu.vector_load %arg7[%parallel_loop3A_615, %parallel_loop3A_616] {strides = array<i32>} : memref<8x4096xf32, #tpu.memory_space<vmem>>, vector<16xf32>,
        tpu.vector_store %arg7[%parallel_loop3A_615, %parallel_loop3A_616], %parallel_loop3A_613 {strides = array<i32>} : memref<8x4096xf32, #tpu.memory_space<vmem>>, vector<16xf32>,
        %parallel_loop3A_618 = arith.mulf %parallel_loop3A_613, %parallel_loop3A_613 : vector<16xf32>
        %parallel_loop3A_619 = arith.addf %parallel_loop3A_579, %parallel_loop3A_618 : vector<16xf32>
        %parallel_loop3A_620 = arith.constant 2 : i32
        %parallel_loop3A_621 = arith.addi %parallel_loop3A_577, %parallel_loop3A_620 : i32
        %parallel_loop3A_622 = arith.constant 16 : i32
        %parallel_loop3A_623 = arith.muli %parallel_loop3A_621, %parallel_loop3A_622 : i32
        %parallel_loop3A_624 = arith.constant 0 : i32
        %parallel_loop3A_625 = arith.index_cast %parallel_loop3A_624 : i32 to index
        %parallel_loop3A_626 = arith.index_cast %parallel_loop3A_623 : i32 to index
        %parallel_loop3A_627 = tpu.vector_load %arg7[%parallel_loop3A_625, %parallel_loop3A_626] {strides = array<i32>} : memref<8x4096xf32, #tpu.memory_space<vmem>>, vector<16xf32>,
        %parallel_loop3A_628 = arith.mulf %parallel_loop3A_627, %parallel_loop3A_627 : vector<16xf32>
        %parallel_loop3A_629 = arith.subf %parallel_loop3A_627, %parallel_loop3A_628 : vector<16xf32>
        %parallel_loop3A_630 = arith.mulf %parallel_loop3A_629, %div3A_157 : vector<16xf32>
        %parallel_loop3A_631 = arith.constant 1 : i32
        %parallel_loop3A_632 = arith.index_cast %parallel_loop3A_631 : i32 to index
        %parallel_loop3A_633 = arith.index_cast %parallel_loop3A_623 : i32 to index
        %parallel_loop3A_634 = tpu.vector_load %arg7[%parallel_loop3A_632, %parallel_loop3A_633] {strides = array<i32>} : memref<8x4096xf32, #tpu.memory_space<vmem>>, vector<16xf32>,
        tpu.vector_store %arg7[%parallel_loop3A_632, %parallel_loop3A_633], %parallel_loop3A_630 {strides = array<i32>} : memref<8x4096xf32, #tpu.memory_space<vmem>>, vector<16xf32>,
        %parallel_loop3A_635 = arith.mulf %parallel_loop3A_630, %parallel_loop3A_630 : vector<16xf32>
        %parallel_loop3A_636 = arith.addf %parallel_loop3A_580, %parallel_loop3A_635 : vector<16xf32>
        %parallel_loop3A_637 = arith.constant 3 : i32
        %parallel_loop3A_638 = arith.addi %parallel_loop3A_577, %parallel_loop3A_637 : i32
        %parallel_loop3A_639 = arith.constant 16 : i32
        %parallel_loop3A_640 = arith.muli %parallel_loop3A_638, %parallel_loop3A_639 : i32
        %parallel_loop3A_641 = arith.constant 0 : i32
        %parallel_loop3A_642 = arith.index_cast %parallel_loop3A_641 : i32 to index
        %parallel_loop3A_643 = arith.index_cast %parallel_loop3A_640 : i32 to index
        %parallel_loop3A_644 = tpu.vector_load %arg7[%parallel_loop3A_642, %parallel_loop3A_643] {strides = array<i32>} : memref<8x4096xf32, #tpu.memory_space<vmem>>, vector<16xf32>,
        %parallel_loop3A_645 = arith.mulf %parallel_loop3A_644, %parallel_loop3A_644 : vector<16xf32>
        %parallel_loop3A_646 = arith.subf %parallel_loop3A_644, %parallel_loop3A_645 : vector<16xf32>
        %parallel_loop3A_647 = arith.mulf %parallel_loop3A_646, %div3A_157 : vector<16xf32>
        %parallel_loop3A_648 = arith.constant 1 : i32
        %parallel_loop3A_649 = arith.index_cast %parallel_loop3A_648 : i32 to index
        %parallel_loop3A_650 = arith.index_cast %parallel_loop3A_640 : i32 to index
        %parallel_loop3A_651 = tpu.vector_load %arg7[%parallel_loop3A_649, %parallel_loop3A_650] {strides = array<i32>} : memref<8x4096xf32, #tpu.memory_space<vmem>>, vector<16xf32>,
        tpu.vector_store %arg7[%parallel_loop3A_649, %parallel_loop3A_650], %parallel_loop3A_647 {strides = array<i32>} : memref<8x4096xf32, #tpu.memory_space<vmem>>, vector<16xf32>,
        %parallel_loop3A_652 = arith.mulf %parallel_loop3A_647, %parallel_loop3A_647 : vector<16xf32>
        %parallel_loop3A_653 = arith.addf %parallel_loop3A_581, %parallel_loop3A_652 : vector<16xf32>
        %parallel_loop3A_654 = arith.constant 4 : i32
        %parallel_loop3A_655 = arith.addi %parallel_loop3A_577, %parallel_loop3A_654 : i32
        %parallel_loop3A_656 = arith.constant 16 : i32
        %parallel_loop3A_657 = arith.muli %parallel_loop3A_655, %parallel_loop3A_656 : i32
        %parallel_loop3A_658 = arith.constant 0 : i32
        %parallel_loop3A_659 = arith.index_cast %parallel_loop3A_658 : i32 to index
        %parallel_loop3A_660 = arith.index_cast %parallel_loop3A_657 : i32 to index
        %parallel_loop3A_661 = tpu.vector_load %arg7[%parallel_loop3A_659, %parallel_loop3A_660] {strides = array<i32>} : memref<8x4096xf32, #tpu.memory_space<vmem>>, vector<16xf32>,
        %parallel_loop3A_662 = arith.mulf %parallel_loop3A_661, %parallel_loop3A_661 : vector<16xf32>
        %parallel_loop3A_663 = arith.subf %parallel_loop3A_661, %parallel_loop3A_662 : vector<16xf32>
        %parallel_loop3A_664 = arith.mulf %parallel_loop3A_663, %div3A_157 : vector<16xf32>
        %parallel_loop3A_665 = arith.constant 1 : i32
        %parallel_loop3A_666 = arith.index_cast %parallel_loop3A_665 : i32 to index
        %parallel_loop3A_667 = arith.index_cast %parallel_loop3A_657 : i32 to index
        %parallel_loop3A_668 = tpu.vector_load %arg7[%parallel_loop3A_666, %parallel_loop3A_667] {strides = array<i32>} : memref<8x4096xf32, #tpu.memory_space<vmem>>, vector<16xf32>,
        tpu.vector_store %arg7[%parallel_loop3A_666, %parallel_loop3A_667], %parallel_loop3A_664 {strides = array<i32>} : memref<8x4096xf32, #tpu.memory_space<vmem>>, vector<16xf32>,
        %parallel_loop3A_669 = arith.mulf %parallel_loop3A_664, %parallel_loop3A_664 : vector<16xf32>
        %parallel_loop3A_670 = arith.addf %parallel_loop3A_582, %parallel_loop3A_669 : vector<16xf32>
        %parallel_loop3A_671 = arith.constant 5 : i32
        %parallel_loop3A_672 = arith.addi %parallel_loop3A_577, %parallel_loop3A_671 : i32
        %parallel_loop3A_673 = arith.constant 16 : i32
        %parallel_loop3A_674 = arith.muli %parallel_loop3A_672, %parallel_loop3A_673 : i32
        %parallel_loop3A_675 = arith.constant 0 : i32
        %parallel_loop3A_676 = arith.index_cast %parallel_loop3A_675 : i32 to index
        %parallel_loop3A_677 = arith.index_cast %parallel_loop3A_674 : i32 to index
        %parallel_loop3A_678 = tpu.vector_load %arg7[%parallel_loop3A_676, %parallel_loop3A_677] {strides = array<i32>} : memref<8x4096xf32, #tpu.memory_space<vmem>>, vector<16xf32>,
        %parallel_loop3A_679 = arith.mulf %parallel_loop3A_678, %parallel_loop3A_678 : vector<16xf32>
        %parallel_loop3A_680 = arith.subf %parallel_loop3A_678, %parallel_loop3A_679 : vector<16xf32>
        %parallel_loop3A_681 = arith.mulf %parallel_loop3A_680, %div3A_157 : vector<16xf32>
        %parallel_loop3A_682 = arith.constant 1 : i32
        %parallel_loop3A_683 = arith.index_cast %parallel_loop3A_682 : i32 to index
        %parallel_loop3A_684 = arith.index_cast %parallel_loop3A_674 : i32 to index
        %parallel_loop3A_685 = tpu.vector_load %arg7[%parallel_loop3A_683, %parallel_loop3A_684] {strides = array<i32>} : memref<8x4096xf32, #tpu.memory_space<vmem>>, vector<16xf32>,
        tpu.vector_store %arg7[%parallel_loop3A_683, %parallel_loop3A_684], %parallel_loop3A_681 {strides = array<i32>} : memref<8x4096xf32, #tpu.memory_space<vmem>>, vector<16xf32>,
        %parallel_loop3A_686 = arith.mulf %parallel_loop3A_681, %parallel_loop3A_681 : vector<16xf32>
        %parallel_loop3A_687 = arith.addf %parallel_loop3A_583, %parallel_loop3A_686 : vector<16xf32>
        %parallel_loop3A_688 = arith.constant 6 : i32
        %parallel_loop3A_689 = arith.addi %parallel_loop3A_577, %parallel_loop3A_688 : i32
        %parallel_loop3A_690 = arith.constant 16 : i32
        %parallel_loop3A_691 = arith.muli %parallel_loop3A_689, %parallel_loop3A_690 : i32
        %parallel_loop3A_692 = arith.constant 0 : i32
        %parallel_loop3A_693 = arith.index_cast %parallel_loop3A_692 : i32 to index
        %parallel_loop3A_694 = arith.index_cast %parallel_loop3A_691 : i32 to index
        %parallel_loop3A_695 = tpu.vector_load %arg7[%parallel_loop3A_693, %parallel_loop3A_694] {strides = array<i32>} : memref<8x4096xf32, #tpu.memory_space<vmem>>, vector<16xf32>,
        %parallel_loop3A_696 = arith.mulf %parallel_loop3A_695, %parallel_loop3A_695 : vector<16xf32>
        %parallel_loop3A_697 = arith.subf %parallel_loop3A_695, %parallel_loop3A_696 : vector<16xf32>
        %parallel_loop3A_698 = arith.mulf %parallel_loop3A_697, %div3A_157 : vector<16xf32>
        %parallel_loop3A_699 = arith.constant 1 : i32
        %parallel_loop3A_700 = arith.index_cast %parallel_loop3A_699 : i32 to index
        %parallel_loop3A_701 = arith.index_cast %parallel_loop3A_691 : i32 to index
        %parallel_loop3A_702 = tpu.vector_load %arg7[%parallel_loop3A_700, %parallel_loop3A_701] {strides = array<i32>} : memref<8x4096xf32, #tpu.memory_space<vmem>>, vector<16xf32>,
        tpu.vector_store %arg7[%parallel_loop3A_700, %parallel_loop3A_701], %parallel_loop3A_698 {strides = array<i32>} : memref<8x4096xf32, #tpu.memory_space<vmem>>, vector<16xf32>,
        %parallel_loop3A_703 = arith.mulf %parallel_loop3A_698, %parallel_loop3A_698 : vector<16xf32>
        %parallel_loop3A_704 = arith.addf %parallel_loop3A_584, %parallel_loop3A_703 : vector<16xf32>
        %parallel_loop3A_705 = arith.constant 7 : i32
        %parallel_loop3A_706 = arith.addi %parallel_loop3A_577, %parallel_loop3A_705 : i32
        %parallel_loop3A_707 = arith.constant 16 : i32
        %parallel_loop3A_708 = arith.muli %parallel_loop3A_706, %parallel_loop3A_707 : i32
        %parallel_loop3A_709 = arith.constant 0 : i32
        %parallel_loop3A_710 = arith.index_cast %parallel_loop3A_709 : i32 to index
        %parallel_loop3A_711 = arith.index_cast %parallel_loop3A_708 : i32 to index
        %parallel_loop3A_712 = tpu.vector_load %arg7[%parallel_loop3A_710, %parallel_loop3A_711] {strides = array<i32>} : memref<8x4096xf32, #tpu.memory_space<vmem>>, vector<16xf32>,
        %parallel_loop3A_713 = arith.mulf %parallel_loop3A_712, %parallel_loop3A_712 : vector<16xf32>
        %parallel_loop3A_714 = arith.subf %parallel_loop3A_712, %parallel_loop3A_713 : vector<16xf32>
        %parallel_loop3A_715 = arith.mulf %parallel_loop3A_714, %div3A_157 : vector<16xf32>
        %parallel_loop3A_716 = arith.constant 1 : i32
        %parallel_loop3A_717 = arith.index_cast %parallel_loop3A_716 : i32 to index
        %parallel_loop3A_718 = arith.index_cast %parallel_loop3A_708 : i32 to index
        %parallel_loop3A_719 = tpu.vector_load %arg7[%parallel_loop3A_717, %parallel_loop3A_718] {strides = array<i32>} : memref<8x4096xf32, #tpu.memory_space<vmem>>, vector<16xf32>,
        tpu.vector_store %arg7[%parallel_loop3A_717, %parallel_loop3A_718], %parallel_loop3A_715 {strides = array<i32>} : memref<8x4096xf32, #tpu.memory_space<vmem>>, vector<16xf32>,
        %parallel_loop3A_720 = arith.mulf %parallel_loop3A_715, %parallel_loop3A_715 : vector<16xf32>
        %parallel_loop3A_721 = arith.addf %parallel_loop3A_585, %parallel_loop3A_720 : vector<16xf32>
        scf.yield %parallel_loop3A_602, %parallel_loop3A_619, %parallel_loop3A_636, %parallel_loop3A_653, %parallel_loop3A_670, %parallel_loop3A_687, %parallel_loop3A_704, %parallel_loop3A_721 : vector<16xf32>, vector<16xf32>, vector<16xf32>, vector<16xf32>, vector<16xf32>, vector<16xf32>, vector<16xf32>, vector<16xf32>
      } {sc.loop_unroll_factor = 1 : i64, sc.parallel_access}
      %add3A_162 = arith.addf %parallel_loop3A_161#0, %parallel_loop3A_161#1 : vector<16xf32>
      %add3A_163 = arith.addf %add3A_162, %parallel_loop3A_161#2 : vector<16xf32>
      %add3A_164 = arith.addf %add3A_163, %parallel_loop3A_161#3 : vector<16xf32>
      %add3A_165 = arith.addf %add3A_164, %parallel_loop3A_161#4 : vector<16xf32>
      %add3A_166 = arith.addf %add3A_165, %parallel_loop3A_161#5 : vector<16xf32>
      %add3A_167 = arith.addf %add3A_166, %parallel_loop3A_161#6 : vector<16xf32>
      %add3A_168 = arith.addf %add3A_167, %parallel_loop3A_161#7 : vector<16xf32>
      %reduce_sum3A_169 = arith.constant true
      %reduce_sum3A_170 = vector.broadcast %reduce_sum3A_169 : i1 to vector<16xi1>
      %reduce_sum3A_171 = tpu.scan <sum>, %add3A_168 masked %reduce_sum3A_170 : vector<16xf32>, vector<16xi1> -> vector<16xf32>
      %reduce_sum3A_172 = vector.extract %reduce_sum3A_171[15] : f32 from vector<16xf32>
      %sub3A_173 = arith.constant 1.000000e+00 : f32
      %sub3A_174 = arith.subf %sub3A_173, %reduce_sum3A_172 : f32
      %div3A_175 = vector.broadcast %sub3A_174 : f32 to vector<16xf32>
      %div3A_176 = arith.divf %broadcast_in_dim3A_3, %div3A_175 : vector<16xf32>
      %parallel_loop3A_177 = arith.constant 0 : i32
      %parallel_loop3A_178 = arith.constant 256 : i32
      %parallel_loop3A_179 = arith.constant 8 : i32
      %parallel_loop3A_180:8 = scf.for %parallel_loop3A_577 = %parallel_loop3A_177 to %parallel_loop3A_178 step %parallel_loop3A_179 iter_args(%parallel_loop3A_578 = %broadcast_in_dim3A_1, %parallel_loop3A_579 = %broadcast_in_dim3A_1, %parallel_loop3A_580 = %broadcast_in_dim3A_1, %parallel_loop3A_581 = %broadcast_in_dim3A_1, %parallel_loop3A_582 = %broadcast_in_dim3A_1, %parallel_loop3A_583 = %broadcast_in_dim3A_1, %parallel_loop3A_584 = %broadcast_in_dim3A_1, %parallel_loop3A_585 = %broadcast_in_dim3A_1) -> (vector<16xf32>, vector<16xf32>, vector<16xf32>, vector<16xf32>, vector<16xf32>, vector<16xf32>, vector<16xf32>, vector<16xf32>)  : i32 {
        %parallel_loop3A_586 = arith.constant 0 : i32
        %parallel_loop3A_587 = arith.addi %parallel_loop3A_577, %parallel_loop3A_586 : i32
        %parallel_loop3A_588 = arith.constant 16 : i32
        %parallel_loop3A_589 = arith.muli %parallel_loop3A_587, %parallel_loop3A_588 : i32
        %parallel_loop3A_590 = arith.constant 1 : i32
        %parallel_loop3A_591 = arith.index_cast %parallel_loop3A_590 : i32 to index
        %parallel_loop3A_592 = arith.index_cast %parallel_loop3A_589 : i32 to index
        %parallel_loop3A_593 = tpu.vector_load %arg7[%parallel_loop3A_591, %parallel_loop3A_592] {strides = array<i32>} : memref<8x4096xf32, #tpu.memory_space<vmem>>, vector<16xf32>,
        %parallel_loop3A_594 = arith.mulf %parallel_loop3A_593, %parallel_loop3A_593 : vector<16xf32>
        %parallel_loop3A_595 = arith.subf %parallel_loop3A_593, %parallel_loop3A_594 : vector<16xf32>
        %parallel_loop3A_596 = arith.mulf %parallel_loop3A_595, %div3A_176 : vector<16xf32>
        %parallel_loop3A_597 = arith.constant 2 : i32
        %parallel_loop3A_598 = arith.index_cast %parallel_loop3A_597 : i32 to index
        %parallel_loop3A_599 = arith.index_cast %parallel_loop3A_589 : i32 to index
        %parallel_loop3A_600 = tpu.vector_load %arg7[%parallel_loop3A_598, %parallel_loop3A_599] {strides = array<i32>} : memref<8x4096xf32, #tpu.memory_space<vmem>>, vector<16xf32>,
        tpu.vector_store %arg7[%parallel_loop3A_598, %parallel_loop3A_599], %parallel_loop3A_596 {strides = array<i32>} : memref<8x4096xf32, #tpu.memory_space<vmem>>, vector<16xf32>,
        %parallel_loop3A_601 = arith.mulf %parallel_loop3A_596, %parallel_loop3A_596 : vector<16xf32>
        %parallel_loop3A_602 = arith.addf %parallel_loop3A_578, %parallel_loop3A_601 : vector<16xf32>
        %parallel_loop3A_603 = arith.constant 1 : i32
        %parallel_loop3A_604 = arith.addi %parallel_loop3A_577, %parallel_loop3A_603 : i32
        %parallel_loop3A_605 = arith.constant 16 : i32
        %parallel_loop3A_606 = arith.muli %parallel_loop3A_604, %parallel_loop3A_605 : i32
        %parallel_loop3A_607 = arith.constant 1 : i32
        %parallel_loop3A_608 = arith.index_cast %parallel_loop3A_607 : i32 to index
        %parallel_loop3A_609 = arith.index_cast %parallel_loop3A_606 : i32 to index
        %parallel_loop3A_610 = tpu.vector_load %arg7[%parallel_loop3A_608, %parallel_loop3A_609] {strides = array<i32>} : memref<8x4096xf32, #tpu.memory_space<vmem>>, vector<16xf32>,
        %parallel_loop3A_611 = arith.mulf %parallel_loop3A_610, %parallel_loop3A_610 : vector<16xf32>
        %parallel_loop3A_612 = arith.subf %parallel_loop3A_610, %parallel_loop3A_611 : vector<16xf32>
        %parallel_loop3A_613 = arith.mulf %parallel_loop3A_612, %div3A_176 : vector<16xf32>
        %parallel_loop3A_614 = arith.constant 2 : i32
        %parallel_loop3A_615 = arith.index_cast %parallel_loop3A_614 : i32 to index
        %parallel_loop3A_616 = arith.index_cast %parallel_loop3A_606 : i32 to index
        %parallel_loop3A_617 = tpu.vector_load %arg7[%parallel_loop3A_615, %parallel_loop3A_616] {strides = array<i32>} : memref<8x4096xf32, #tpu.memory_space<vmem>>, vector<16xf32>,
        tpu.vector_store %arg7[%parallel_loop3A_615, %parallel_loop3A_616], %parallel_loop3A_613 {strides = array<i32>} : memref<8x4096xf32, #tpu.memory_space<vmem>>, vector<16xf32>,
        %parallel_loop3A_618 = arith.mulf %parallel_loop3A_613, %parallel_loop3A_613 : vector<16xf32>
        %parallel_loop3A_619 = arith.addf %parallel_loop3A_579, %parallel_loop3A_618 : vector<16xf32>
        %parallel_loop3A_620 = arith.constant 2 : i32
        %parallel_loop3A_621 = arith.addi %parallel_loop3A_577, %parallel_loop3A_620 : i32
        %parallel_loop3A_622 = arith.constant 16 : i32
        %parallel_loop3A_623 = arith.muli %parallel_loop3A_621, %parallel_loop3A_622 : i32
        %parallel_loop3A_624 = arith.constant 1 : i32
        %parallel_loop3A_625 = arith.index_cast %parallel_loop3A_624 : i32 to index
        %parallel_loop3A_626 = arith.index_cast %parallel_loop3A_623 : i32 to index
        %parallel_loop3A_627 = tpu.vector_load %arg7[%parallel_loop3A_625, %parallel_loop3A_626] {strides = array<i32>} : memref<8x4096xf32, #tpu.memory_space<vmem>>, vector<16xf32>,
        %parallel_loop3A_628 = arith.mulf %parallel_loop3A_627, %parallel_loop3A_627 : vector<16xf32>
        %parallel_loop3A_629 = arith.subf %parallel_loop3A_627, %parallel_loop3A_628 : vector<16xf32>
        %parallel_loop3A_630 = arith.mulf %parallel_loop3A_629, %div3A_176 : vector<16xf32>
        %parallel_loop3A_631 = arith.constant 2 : i32
        %parallel_loop3A_632 = arith.index_cast %parallel_loop3A_631 : i32 to index
        %parallel_loop3A_633 = arith.index_cast %parallel_loop3A_623 : i32 to index
        %parallel_loop3A_634 = tpu.vector_load %arg7[%parallel_loop3A_632, %parallel_loop3A_633] {strides = array<i32>} : memref<8x4096xf32, #tpu.memory_space<vmem>>, vector<16xf32>,
        tpu.vector_store %arg7[%parallel_loop3A_632, %parallel_loop3A_633], %parallel_loop3A_630 {strides = array<i32>} : memref<8x4096xf32, #tpu.memory_space<vmem>>, vector<16xf32>,
        %parallel_loop3A_635 = arith.mulf %parallel_loop3A_630, %parallel_loop3A_630 : vector<16xf32>
        %parallel_loop3A_636 = arith.addf %parallel_loop3A_580, %parallel_loop3A_635 : vector<16xf32>
        %parallel_loop3A_637 = arith.constant 3 : i32
        %parallel_loop3A_638 = arith.addi %parallel_loop3A_577, %parallel_loop3A_637 : i32
        %parallel_loop3A_639 = arith.constant 16 : i32
        %parallel_loop3A_640 = arith.muli %parallel_loop3A_638, %parallel_loop3A_639 : i32
        %parallel_loop3A_641 = arith.constant 1 : i32
        %parallel_loop3A_642 = arith.index_cast %parallel_loop3A_641 : i32 to index
        %parallel_loop3A_643 = arith.index_cast %parallel_loop3A_640 : i32 to index
        %parallel_loop3A_644 = tpu.vector_load %arg7[%parallel_loop3A_642, %parallel_loop3A_643] {strides = array<i32>} : memref<8x4096xf32, #tpu.memory_space<vmem>>, vector<16xf32>,
        %parallel_loop3A_645 = arith.mulf %parallel_loop3A_644, %parallel_loop3A_644 : vector<16xf32>
        %parallel_loop3A_646 = arith.subf %parallel_loop3A_644, %parallel_loop3A_645 : vector<16xf32>
        %parallel_loop3A_647 = arith.mulf %parallel_loop3A_646, %div3A_176 : vector<16xf32>
        %parallel_loop3A_648 = arith.constant 2 : i32
        %parallel_loop3A_649 = arith.index_cast %parallel_loop3A_648 : i32 to index
        %parallel_loop3A_650 = arith.index_cast %parallel_loop3A_640 : i32 to index
        %parallel_loop3A_651 = tpu.vector_load %arg7[%parallel_loop3A_649, %parallel_loop3A_650] {strides = array<i32>} : memref<8x4096xf32, #tpu.memory_space<vmem>>, vector<16xf32>,
        tpu.vector_store %arg7[%parallel_loop3A_649, %parallel_loop3A_650], %parallel_loop3A_647 {strides = array<i32>} : memref<8x4096xf32, #tpu.memory_space<vmem>>, vector<16xf32>,
        %parallel_loop3A_652 = arith.mulf %parallel_loop3A_647, %parallel_loop3A_647 : vector<16xf32>
        %parallel_loop3A_653 = arith.addf %parallel_loop3A_581, %parallel_loop3A_652 : vector<16xf32>
        %parallel_loop3A_654 = arith.constant 4 : i32
        %parallel_loop3A_655 = arith.addi %parallel_loop3A_577, %parallel_loop3A_654 : i32
        %parallel_loop3A_656 = arith.constant 16 : i32
        %parallel_loop3A_657 = arith.muli %parallel_loop3A_655, %parallel_loop3A_656 : i32
        %parallel_loop3A_658 = arith.constant 1 : i32
        %parallel_loop3A_659 = arith.index_cast %parallel_loop3A_658 : i32 to index
        %parallel_loop3A_660 = arith.index_cast %parallel_loop3A_657 : i32 to index
        %parallel_loop3A_661 = tpu.vector_load %arg7[%parallel_loop3A_659, %parallel_loop3A_660] {strides = array<i32>} : memref<8x4096xf32, #tpu.memory_space<vmem>>, vector<16xf32>,
        %parallel_loop3A_662 = arith.mulf %parallel_loop3A_661, %parallel_loop3A_661 : vector<16xf32>
        %parallel_loop3A_663 = arith.subf %parallel_loop3A_661, %parallel_loop3A_662 : vector<16xf32>
        %parallel_loop3A_664 = arith.mulf %parallel_loop3A_663, %div3A_176 : vector<16xf32>
        %parallel_loop3A_665 = arith.constant 2 : i32
        %parallel_loop3A_666 = arith.index_cast %parallel_loop3A_665 : i32 to index
        %parallel_loop3A_667 = arith.index_cast %parallel_loop3A_657 : i32 to index
        %parallel_loop3A_668 = tpu.vector_load %arg7[%parallel_loop3A_666, %parallel_loop3A_667] {strides = array<i32>} : memref<8x4096xf32, #tpu.memory_space<vmem>>, vector<16xf32>,
        tpu.vector_store %arg7[%parallel_loop3A_666, %parallel_loop3A_667], %parallel_loop3A_664 {strides = array<i32>} : memref<8x4096xf32, #tpu.memory_space<vmem>>, vector<16xf32>,
        %parallel_loop3A_669 = arith.mulf %parallel_loop3A_664, %parallel_loop3A_664 : vector<16xf32>
        %parallel_loop3A_670 = arith.addf %parallel_loop3A_582, %parallel_loop3A_669 : vector<16xf32>
        %parallel_loop3A_671 = arith.constant 5 : i32
        %parallel_loop3A_672 = arith.addi %parallel_loop3A_577, %parallel_loop3A_671 : i32
        %parallel_loop3A_673 = arith.constant 16 : i32
        %parallel_loop3A_674 = arith.muli %parallel_loop3A_672, %parallel_loop3A_673 : i32
        %parallel_loop3A_675 = arith.constant 1 : i32
        %parallel_loop3A_676 = arith.index_cast %parallel_loop3A_675 : i32 to index
        %parallel_loop3A_677 = arith.index_cast %parallel_loop3A_674 : i32 to index
        %parallel_loop3A_678 = tpu.vector_load %arg7[%parallel_loop3A_676, %parallel_loop3A_677] {strides = array<i32>} : memref<8x4096xf32, #tpu.memory_space<vmem>>, vector<16xf32>,
        %parallel_loop3A_679 = arith.mulf %parallel_loop3A_678, %parallel_loop3A_678 : vector<16xf32>
        %parallel_loop3A_680 = arith.subf %parallel_loop3A_678, %parallel_loop3A_679 : vector<16xf32>
        %parallel_loop3A_681 = arith.mulf %parallel_loop3A_680, %div3A_176 : vector<16xf32>
        %parallel_loop3A_682 = arith.constant 2 : i32
        %parallel_loop3A_683 = arith.index_cast %parallel_loop3A_682 : i32 to index
        %parallel_loop3A_684 = arith.index_cast %parallel_loop3A_674 : i32 to index
        %parallel_loop3A_685 = tpu.vector_load %arg7[%parallel_loop3A_683, %parallel_loop3A_684] {strides = array<i32>} : memref<8x4096xf32, #tpu.memory_space<vmem>>, vector<16xf32>,
        tpu.vector_store %arg7[%parallel_loop3A_683, %parallel_loop3A_684], %parallel_loop3A_681 {strides = array<i32>} : memref<8x4096xf32, #tpu.memory_space<vmem>>, vector<16xf32>,
        %parallel_loop3A_686 = arith.mulf %parallel_loop3A_681, %parallel_loop3A_681 : vector<16xf32>
        %parallel_loop3A_687 = arith.addf %parallel_loop3A_583, %parallel_loop3A_686 : vector<16xf32>
        %parallel_loop3A_688 = arith.constant 6 : i32
        %parallel_loop3A_689 = arith.addi %parallel_loop3A_577, %parallel_loop3A_688 : i32
        %parallel_loop3A_690 = arith.constant 16 : i32
        %parallel_loop3A_691 = arith.muli %parallel_loop3A_689, %parallel_loop3A_690 : i32
        %parallel_loop3A_692 = arith.constant 1 : i32
        %parallel_loop3A_693 = arith.index_cast %parallel_loop3A_692 : i32 to index
        %parallel_loop3A_694 = arith.index_cast %parallel_loop3A_691 : i32 to index
        %parallel_loop3A_695 = tpu.vector_load %arg7[%parallel_loop3A_693, %parallel_loop3A_694] {strides = array<i32>} : memref<8x4096xf32, #tpu.memory_space<vmem>>, vector<16xf32>,
        %parallel_loop3A_696 = arith.mulf %parallel_loop3A_695, %parallel_loop3A_695 : vector<16xf32>
        %parallel_loop3A_697 = arith.subf %parallel_loop3A_695, %parallel_loop3A_696 : vector<16xf32>
        %parallel_loop3A_698 = arith.mulf %parallel_loop3A_697, %div3A_176 : vector<16xf32>
        %parallel_loop3A_699 = arith.constant 2 : i32
        %parallel_loop3A_700 = arith.index_cast %parallel_loop3A_699 : i32 to index
        %parallel_loop3A_701 = arith.index_cast %parallel_loop3A_691 : i32 to index
        %parallel_loop3A_702 = tpu.vector_load %arg7[%parallel_loop3A_700, %parallel_loop3A_701] {strides = array<i32>} : memref<8x4096xf32, #tpu.memory_space<vmem>>, vector<16xf32>,
        tpu.vector_store %arg7[%parallel_loop3A_700, %parallel_loop3A_701], %parallel_loop3A_698 {strides = array<i32>} : memref<8x4096xf32, #tpu.memory_space<vmem>>, vector<16xf32>,
        %parallel_loop3A_703 = arith.mulf %parallel_loop3A_698, %parallel_loop3A_698 : vector<16xf32>
        %parallel_loop3A_704 = arith.addf %parallel_loop3A_584, %parallel_loop3A_703 : vector<16xf32>
        %parallel_loop3A_705 = arith.constant 7 : i32
        %parallel_loop3A_706 = arith.addi %parallel_loop3A_577, %parallel_loop3A_705 : i32
        %parallel_loop3A_707 = arith.constant 16 : i32
        %parallel_loop3A_708 = arith.muli %parallel_loop3A_706, %parallel_loop3A_707 : i32
        %parallel_loop3A_709 = arith.constant 1 : i32
        %parallel_loop3A_710 = arith.index_cast %parallel_loop3A_709 : i32 to index
        %parallel_loop3A_711 = arith.index_cast %parallel_loop3A_708 : i32 to index
        %parallel_loop3A_712 = tpu.vector_load %arg7[%parallel_loop3A_710, %parallel_loop3A_711] {strides = array<i32>} : memref<8x4096xf32, #tpu.memory_space<vmem>>, vector<16xf32>,
        %parallel_loop3A_713 = arith.mulf %parallel_loop3A_712, %parallel_loop3A_712 : vector<16xf32>
        %parallel_loop3A_714 = arith.subf %parallel_loop3A_712, %parallel_loop3A_713 : vector<16xf32>
        %parallel_loop3A_715 = arith.mulf %parallel_loop3A_714, %div3A_176 : vector<16xf32>
        %parallel_loop3A_716 = arith.constant 2 : i32
        %parallel_loop3A_717 = arith.index_cast %parallel_loop3A_716 : i32 to index
        %parallel_loop3A_718 = arith.index_cast %parallel_loop3A_708 : i32 to index
        %parallel_loop3A_719 = tpu.vector_load %arg7[%parallel_loop3A_717, %parallel_loop3A_718] {strides = array<i32>} : memref<8x4096xf32, #tpu.memory_space<vmem>>, vector<16xf32>,
        tpu.vector_store %arg7[%parallel_loop3A_717, %parallel_loop3A_718], %parallel_loop3A_715 {strides = array<i32>} : memref<8x4096xf32, #tpu.memory_space<vmem>>, vector<16xf32>,
        %parallel_loop3A_720 = arith.mulf %parallel_loop3A_715, %parallel_loop3A_715 : vector<16xf32>
        %parallel_loop3A_721 = arith.addf %parallel_loop3A_585, %parallel_loop3A_720 : vector<16xf32>
        scf.yield %parallel_loop3A_602, %parallel_loop3A_619, %parallel_loop3A_636, %parallel_loop3A_653, %parallel_loop3A_670, %parallel_loop3A_687, %parallel_loop3A_704, %parallel_loop3A_721 : vector<16xf32>, vector<16xf32>, vector<16xf32>, vector<16xf32>, vector<16xf32>, vector<16xf32>, vector<16xf32>, vector<16xf32>
      } {sc.loop_unroll_factor = 1 : i64, sc.parallel_access}
      %add3A_181 = arith.addf %parallel_loop3A_180#0, %parallel_loop3A_180#1 : vector<16xf32>
      %add3A_182 = arith.addf %add3A_181, %parallel_loop3A_180#2 : vector<16xf32>
      %add3A_183 = arith.addf %add3A_182, %parallel_loop3A_180#3 : vector<16xf32>
      %add3A_184 = arith.addf %add3A_183, %parallel_loop3A_180#4 : vector<16xf32>
      %add3A_185 = arith.addf %add3A_184, %parallel_loop3A_180#5 : vector<16xf32>
      %add3A_186 = arith.addf %add3A_185, %parallel_loop3A_180#6 : vector<16xf32>
      %add3A_187 = arith.addf %add3A_186, %parallel_loop3A_180#7 : vector<16xf32>
      %reduce_sum3A_188 = arith.constant true
      %reduce_sum3A_189 = vector.broadcast %reduce_sum3A_188 : i1 to vector<16xi1>
      %reduce_sum3A_190 = tpu.scan <sum>, %add3A_187 masked %reduce_sum3A_189 : vector<16xf32>, vector<16xi1> -> vector<16xf32>
      %reduce_sum3A_191 = vector.extract %reduce_sum3A_190[15] : f32 from vector<16xf32>
      %sub3A_192 = arith.constant 1.000000e+00 : f32
      %sub3A_193 = arith.subf %sub3A_192, %reduce_sum3A_191 : f32
      %div3A_194 = vector.broadcast %sub3A_193 : f32 to vector<16xf32>
      %div3A_195 = arith.divf %broadcast_in_dim3A_3, %div3A_194 : vector<16xf32>
      %parallel_loop3A_196 = arith.constant 0 : i32
      %parallel_loop3A_197 = arith.constant 256 : i32
      %parallel_loop3A_198 = arith.constant 8 : i32
      %parallel_loop3A_199:8 = scf.for %parallel_loop3A_577 = %parallel_loop3A_196 to %parallel_loop3A_197 step %parallel_loop3A_198 iter_args(%parallel_loop3A_578 = %broadcast_in_dim3A_1, %parallel_loop3A_579 = %broadcast_in_dim3A_1, %parallel_loop3A_580 = %broadcast_in_dim3A_1, %parallel_loop3A_581 = %broadcast_in_dim3A_1, %parallel_loop3A_582 = %broadcast_in_dim3A_1, %parallel_loop3A_583 = %broadcast_in_dim3A_1, %parallel_loop3A_584 = %broadcast_in_dim3A_1, %parallel_loop3A_585 = %broadcast_in_dim3A_1) -> (vector<16xf32>, vector<16xf32>, vector<16xf32>, vector<16xf32>, vector<16xf32>, vector<16xf32>, vector<16xf32>, vector<16xf32>)  : i32 {
        %parallel_loop3A_586 = arith.constant 0 : i32
        %parallel_loop3A_587 = arith.addi %parallel_loop3A_577, %parallel_loop3A_586 : i32
        %parallel_loop3A_588 = arith.constant 16 : i32
        %parallel_loop3A_589 = arith.muli %parallel_loop3A_587, %parallel_loop3A_588 : i32
        %parallel_loop3A_590 = arith.constant 2 : i32
        %parallel_loop3A_591 = arith.index_cast %parallel_loop3A_590 : i32 to index
        %parallel_loop3A_592 = arith.index_cast %parallel_loop3A_589 : i32 to index
        %parallel_loop3A_593 = tpu.vector_load %arg7[%parallel_loop3A_591, %parallel_loop3A_592] {strides = array<i32>} : memref<8x4096xf32, #tpu.memory_space<vmem>>, vector<16xf32>,
        %parallel_loop3A_594 = arith.mulf %parallel_loop3A_593, %parallel_loop3A_593 : vector<16xf32>
        %parallel_loop3A_595 = arith.subf %parallel_loop3A_593, %parallel_loop3A_594 : vector<16xf32>
        %parallel_loop3A_596 = arith.mulf %parallel_loop3A_595, %div3A_195 : vector<16xf32>
        %parallel_loop3A_597 = arith.constant 3 : i32
        %parallel_loop3A_598 = arith.index_cast %parallel_loop3A_597 : i32 to index
        %parallel_loop3A_599 = arith.index_cast %parallel_loop3A_589 : i32 to index
        %parallel_loop3A_600 = tpu.vector_load %arg7[%parallel_loop3A_598, %parallel_loop3A_599] {strides = array<i32>} : memref<8x4096xf32, #tpu.memory_space<vmem>>, vector<16xf32>,
        tpu.vector_store %arg7[%parallel_loop3A_598, %parallel_loop3A_599], %parallel_loop3A_596 {strides = array<i32>} : memref<8x4096xf32, #tpu.memory_space<vmem>>, vector<16xf32>,
        %parallel_loop3A_601 = arith.mulf %parallel_loop3A_596, %parallel_loop3A_596 : vector<16xf32>
        %parallel_loop3A_602 = arith.addf %parallel_loop3A_578, %parallel_loop3A_601 : vector<16xf32>
        %parallel_loop3A_603 = arith.constant 1 : i32
        %parallel_loop3A_604 = arith.addi %parallel_loop3A_577, %parallel_loop3A_603 : i32
        %parallel_loop3A_605 = arith.constant 16 : i32
        %parallel_loop3A_606 = arith.muli %parallel_loop3A_604, %parallel_loop3A_605 : i32
        %parallel_loop3A_607 = arith.constant 2 : i32
        %parallel_loop3A_608 = arith.index_cast %parallel_loop3A_607 : i32 to index
        %parallel_loop3A_609 = arith.index_cast %parallel_loop3A_606 : i32 to index
        %parallel_loop3A_610 = tpu.vector_load %arg7[%parallel_loop3A_608, %parallel_loop3A_609] {strides = array<i32>} : memref<8x4096xf32, #tpu.memory_space<vmem>>, vector<16xf32>,
        %parallel_loop3A_611 = arith.mulf %parallel_loop3A_610, %parallel_loop3A_610 : vector<16xf32>
        %parallel_loop3A_612 = arith.subf %parallel_loop3A_610, %parallel_loop3A_611 : vector<16xf32>
        %parallel_loop3A_613 = arith.mulf %parallel_loop3A_612, %div3A_195 : vector<16xf32>
        %parallel_loop3A_614 = arith.constant 3 : i32
        %parallel_loop3A_615 = arith.index_cast %parallel_loop3A_614 : i32 to index
        %parallel_loop3A_616 = arith.index_cast %parallel_loop3A_606 : i32 to index
        %parallel_loop3A_617 = tpu.vector_load %arg7[%parallel_loop3A_615, %parallel_loop3A_616] {strides = array<i32>} : memref<8x4096xf32, #tpu.memory_space<vmem>>, vector<16xf32>,
        tpu.vector_store %arg7[%parallel_loop3A_615, %parallel_loop3A_616], %parallel_loop3A_613 {strides = array<i32>} : memref<8x4096xf32, #tpu.memory_space<vmem>>, vector<16xf32>,
        %parallel_loop3A_618 = arith.mulf %parallel_loop3A_613, %parallel_loop3A_613 : vector<16xf32>
        %parallel_loop3A_619 = arith.addf %parallel_loop3A_579, %parallel_loop3A_618 : vector<16xf32>
        %parallel_loop3A_620 = arith.constant 2 : i32
        %parallel_loop3A_621 = arith.addi %parallel_loop3A_577, %parallel_loop3A_620 : i32
        %parallel_loop3A_622 = arith.constant 16 : i32
        %parallel_loop3A_623 = arith.muli %parallel_loop3A_621, %parallel_loop3A_622 : i32
        %parallel_loop3A_624 = arith.constant 2 : i32
        %parallel_loop3A_625 = arith.index_cast %parallel_loop3A_624 : i32 to index
        %parallel_loop3A_626 = arith.index_cast %parallel_loop3A_623 : i32 to index
        %parallel_loop3A_627 = tpu.vector_load %arg7[%parallel_loop3A_625, %parallel_loop3A_626] {strides = array<i32>} : memref<8x4096xf32, #tpu.memory_space<vmem>>, vector<16xf32>,
        %parallel_loop3A_628 = arith.mulf %parallel_loop3A_627, %parallel_loop3A_627 : vector<16xf32>
        %parallel_loop3A_629 = arith.subf %parallel_loop3A_627, %parallel_loop3A_628 : vector<16xf32>
        %parallel_loop3A_630 = arith.mulf %parallel_loop3A_629, %div3A_195 : vector<16xf32>
        %parallel_loop3A_631 = arith.constant 3 : i32
        %parallel_loop3A_632 = arith.index_cast %parallel_loop3A_631 : i32 to index
        %parallel_loop3A_633 = arith.index_cast %parallel_loop3A_623 : i32 to index
        %parallel_loop3A_634 = tpu.vector_load %arg7[%parallel_loop3A_632, %parallel_loop3A_633] {strides = array<i32>} : memref<8x4096xf32, #tpu.memory_space<vmem>>, vector<16xf32>,
        tpu.vector_store %arg7[%parallel_loop3A_632, %parallel_loop3A_633], %parallel_loop3A_630 {strides = array<i32>} : memref<8x4096xf32, #tpu.memory_space<vmem>>, vector<16xf32>,
        %parallel_loop3A_635 = arith.mulf %parallel_loop3A_630, %parallel_loop3A_630 : vector<16xf32>
        %parallel_loop3A_636 = arith.addf %parallel_loop3A_580, %parallel_loop3A_635 : vector<16xf32>
        %parallel_loop3A_637 = arith.constant 3 : i32
        %parallel_loop3A_638 = arith.addi %parallel_loop3A_577, %parallel_loop3A_637 : i32
        %parallel_loop3A_639 = arith.constant 16 : i32
        %parallel_loop3A_640 = arith.muli %parallel_loop3A_638, %parallel_loop3A_639 : i32
        %parallel_loop3A_641 = arith.constant 2 : i32
        %parallel_loop3A_642 = arith.index_cast %parallel_loop3A_641 : i32 to index
        %parallel_loop3A_643 = arith.index_cast %parallel_loop3A_640 : i32 to index
        %parallel_loop3A_644 = tpu.vector_load %arg7[%parallel_loop3A_642, %parallel_loop3A_643] {strides = array<i32>} : memref<8x4096xf32, #tpu.memory_space<vmem>>, vector<16xf32>,
        %parallel_loop3A_645 = arith.mulf %parallel_loop3A_644, %parallel_loop3A_644 : vector<16xf32>
        %parallel_loop3A_646 = arith.subf %parallel_loop3A_644, %parallel_loop3A_645 : vector<16xf32>
        %parallel_loop3A_647 = arith.mulf %parallel_loop3A_646, %div3A_195 : vector<16xf32>
        %parallel_loop3A_648 = arith.constant 3 : i32
        %parallel_loop3A_649 = arith.index_cast %parallel_loop3A_648 : i32 to index
        %parallel_loop3A_650 = arith.index_cast %parallel_loop3A_640 : i32 to index
        %parallel_loop3A_651 = tpu.vector_load %arg7[%parallel_loop3A_649, %parallel_loop3A_650] {strides = array<i32>} : memref<8x4096xf32, #tpu.memory_space<vmem>>, vector<16xf32>,
        tpu.vector_store %arg7[%parallel_loop3A_649, %parallel_loop3A_650], %parallel_loop3A_647 {strides = array<i32>} : memref<8x4096xf32, #tpu.memory_space<vmem>>, vector<16xf32>,
        %parallel_loop3A_652 = arith.mulf %parallel_loop3A_647, %parallel_loop3A_647 : vector<16xf32>
        %parallel_loop3A_653 = arith.addf %parallel_loop3A_581, %parallel_loop3A_652 : vector<16xf32>
        %parallel_loop3A_654 = arith.constant 4 : i32
        %parallel_loop3A_655 = arith.addi %parallel_loop3A_577, %parallel_loop3A_654 : i32
        %parallel_loop3A_656 = arith.constant 16 : i32
        %parallel_loop3A_657 = arith.muli %parallel_loop3A_655, %parallel_loop3A_656 : i32
        %parallel_loop3A_658 = arith.constant 2 : i32
        %parallel_loop3A_659 = arith.index_cast %parallel_loop3A_658 : i32 to index
        %parallel_loop3A_660 = arith.index_cast %parallel_loop3A_657 : i32 to index
        %parallel_loop3A_661 = tpu.vector_load %arg7[%parallel_loop3A_659, %parallel_loop3A_660] {strides = array<i32>} : memref<8x4096xf32, #tpu.memory_space<vmem>>, vector<16xf32>,
        %parallel_loop3A_662 = arith.mulf %parallel_loop3A_661, %parallel_loop3A_661 : vector<16xf32>
        %parallel_loop3A_663 = arith.subf %parallel_loop3A_661, %parallel_loop3A_662 : vector<16xf32>
        %parallel_loop3A_664 = arith.mulf %parallel_loop3A_663, %div3A_195 : vector<16xf32>
        %parallel_loop3A_665 = arith.constant 3 : i32
        %parallel_loop3A_666 = arith.index_cast %parallel_loop3A_665 : i32 to index
        %parallel_loop3A_667 = arith.index_cast %parallel_loop3A_657 : i32 to index
        %parallel_loop3A_668 = tpu.vector_load %arg7[%parallel_loop3A_666, %parallel_loop3A_667] {strides = array<i32>} : memref<8x4096xf32, #tpu.memory_space<vmem>>, vector<16xf32>,
        tpu.vector_store %arg7[%parallel_loop3A_666, %parallel_loop3A_667], %parallel_loop3A_664 {strides = array<i32>} : memref<8x4096xf32, #tpu.memory_space<vmem>>, vector<16xf32>,
        %parallel_loop3A_669 = arith.mulf %parallel_loop3A_664, %parallel_loop3A_664 : vector<16xf32>
        %parallel_loop3A_670 = arith.addf %parallel_loop3A_582, %parallel_loop3A_669 : vector<16xf32>
        %parallel_loop3A_671 = arith.constant 5 : i32
        %parallel_loop3A_672 = arith.addi %parallel_loop3A_577, %parallel_loop3A_671 : i32
        %parallel_loop3A_673 = arith.constant 16 : i32
        %parallel_loop3A_674 = arith.muli %parallel_loop3A_672, %parallel_loop3A_673 : i32
        %parallel_loop3A_675 = arith.constant 2 : i32
        %parallel_loop3A_676 = arith.index_cast %parallel_loop3A_675 : i32 to index
        %parallel_loop3A_677 = arith.index_cast %parallel_loop3A_674 : i32 to index
        %parallel_loop3A_678 = tpu.vector_load %arg7[%parallel_loop3A_676, %parallel_loop3A_677] {strides = array<i32>} : memref<8x4096xf32, #tpu.memory_space<vmem>>, vector<16xf32>,
        %parallel_loop3A_679 = arith.mulf %parallel_loop3A_678, %parallel_loop3A_678 : vector<16xf32>
        %parallel_loop3A_680 = arith.subf %parallel_loop3A_678, %parallel_loop3A_679 : vector<16xf32>
        %parallel_loop3A_681 = arith.mulf %parallel_loop3A_680, %div3A_195 : vector<16xf32>
        %parallel_loop3A_682 = arith.constant 3 : i32
        %parallel_loop3A_683 = arith.index_cast %parallel_loop3A_682 : i32 to index
        %parallel_loop3A_684 = arith.index_cast %parallel_loop3A_674 : i32 to index
        %parallel_loop3A_685 = tpu.vector_load %arg7[%parallel_loop3A_683, %parallel_loop3A_684] {strides = array<i32>} : memref<8x4096xf32, #tpu.memory_space<vmem>>, vector<16xf32>,
        tpu.vector_store %arg7[%parallel_loop3A_683, %parallel_loop3A_684], %parallel_loop3A_681 {strides = array<i32>} : memref<8x4096xf32, #tpu.memory_space<vmem>>, vector<16xf32>,
        %parallel_loop3A_686 = arith.mulf %parallel_loop3A_681, %parallel_loop3A_681 : vector<16xf32>
        %parallel_loop3A_687 = arith.addf %parallel_loop3A_583, %parallel_loop3A_686 : vector<16xf32>
        %parallel_loop3A_688 = arith.constant 6 : i32
        %parallel_loop3A_689 = arith.addi %parallel_loop3A_577, %parallel_loop3A_688 : i32
        %parallel_loop3A_690 = arith.constant 16 : i32
        %parallel_loop3A_691 = arith.muli %parallel_loop3A_689, %parallel_loop3A_690 : i32
        %parallel_loop3A_692 = arith.constant 2 : i32
        %parallel_loop3A_693 = arith.index_cast %parallel_loop3A_692 : i32 to index
        %parallel_loop3A_694 = arith.index_cast %parallel_loop3A_691 : i32 to index
        %parallel_loop3A_695 = tpu.vector_load %arg7[%parallel_loop3A_693, %parallel_loop3A_694] {strides = array<i32>} : memref<8x4096xf32, #tpu.memory_space<vmem>>, vector<16xf32>,
        %parallel_loop3A_696 = arith.mulf %parallel_loop3A_695, %parallel_loop3A_695 : vector<16xf32>
        %parallel_loop3A_697 = arith.subf %parallel_loop3A_695, %parallel_loop3A_696 : vector<16xf32>
        %parallel_loop3A_698 = arith.mulf %parallel_loop3A_697, %div3A_195 : vector<16xf32>
        %parallel_loop3A_699 = arith.constant 3 : i32
        %parallel_loop3A_700 = arith.index_cast %parallel_loop3A_699 : i32 to index
        %parallel_loop3A_701 = arith.index_cast %parallel_loop3A_691 : i32 to index
        %parallel_loop3A_702 = tpu.vector_load %arg7[%parallel_loop3A_700, %parallel_loop3A_701] {strides = array<i32>} : memref<8x4096xf32, #tpu.memory_space<vmem>>, vector<16xf32>,
        tpu.vector_store %arg7[%parallel_loop3A_700, %parallel_loop3A_701], %parallel_loop3A_698 {strides = array<i32>} : memref<8x4096xf32, #tpu.memory_space<vmem>>, vector<16xf32>,
        %parallel_loop3A_703 = arith.mulf %parallel_loop3A_698, %parallel_loop3A_698 : vector<16xf32>
        %parallel_loop3A_704 = arith.addf %parallel_loop3A_584, %parallel_loop3A_703 : vector<16xf32>
        %parallel_loop3A_705 = arith.constant 7 : i32
        %parallel_loop3A_706 = arith.addi %parallel_loop3A_577, %parallel_loop3A_705 : i32
        %parallel_loop3A_707 = arith.constant 16 : i32
        %parallel_loop3A_708 = arith.muli %parallel_loop3A_706, %parallel_loop3A_707 : i32
        %parallel_loop3A_709 = arith.constant 2 : i32
        %parallel_loop3A_710 = arith.index_cast %parallel_loop3A_709 : i32 to index
        %parallel_loop3A_711 = arith.index_cast %parallel_loop3A_708 : i32 to index
        %parallel_loop3A_712 = tpu.vector_load %arg7[%parallel_loop3A_710, %parallel_loop3A_711] {strides = array<i32>} : memref<8x4096xf32, #tpu.memory_space<vmem>>, vector<16xf32>,
        %parallel_loop3A_713 = arith.mulf %parallel_loop3A_712, %parallel_loop3A_712 : vector<16xf32>
        %parallel_loop3A_714 = arith.subf %parallel_loop3A_712, %parallel_loop3A_713 : vector<16xf32>
        %parallel_loop3A_715 = arith.mulf %parallel_loop3A_714, %div3A_195 : vector<16xf32>
        %parallel_loop3A_716 = arith.constant 3 : i32
        %parallel_loop3A_717 = arith.index_cast %parallel_loop3A_716 : i32 to index
        %parallel_loop3A_718 = arith.index_cast %parallel_loop3A_708 : i32 to index
        %parallel_loop3A_719 = tpu.vector_load %arg7[%parallel_loop3A_717, %parallel_loop3A_718] {strides = array<i32>} : memref<8x4096xf32, #tpu.memory_space<vmem>>, vector<16xf32>,
        tpu.vector_store %arg7[%parallel_loop3A_717, %parallel_loop3A_718], %parallel_loop3A_715 {strides = array<i32>} : memref<8x4096xf32, #tpu.memory_space<vmem>>, vector<16xf32>,
        %parallel_loop3A_720 = arith.mulf %parallel_loop3A_715, %parallel_loop3A_715 : vector<16xf32>
        %parallel_loop3A_721 = arith.addf %parallel_loop3A_585, %parallel_loop3A_720 : vector<16xf32>
        scf.yield %parallel_loop3A_602, %parallel_loop3A_619, %parallel_loop3A_636, %parallel_loop3A_653, %parallel_loop3A_670, %parallel_loop3A_687, %parallel_loop3A_704, %parallel_loop3A_721 : vector<16xf32>, vector<16xf32>, vector<16xf32>, vector<16xf32>, vector<16xf32>, vector<16xf32>, vector<16xf32>, vector<16xf32>
      } {sc.loop_unroll_factor = 1 : i64, sc.parallel_access}
      %dma_start3A_200 = arith.constant 0 : i32
      %dma_start3A_201 = arith.constant 0 : i32
      %dma_start3A_202 = tpu.memref_slice %arg7[%dma_start3A_200, %dma_start3A_201] : memref<8x4096xf32, #tpu.memory_space<vmem>> -> memref<4x4096xf32, #tpu.memory_space<vmem>>
      %dma_start3A_203 = arith.constant 0 : i32
      %dma_start3A_204 = arith.constant 0 : i32
      %dma_start3A_205 = tpu.memref_slice %arg3[%shift_right_arithmetic3A_74, %and3A_78, %and3A_80, %dma_start3A_203, %dma_start3A_204] : memref<16x8x4x8x4096xf32, #tpu.memory_space<hbm>> -> memref<1x1x1x4x4096xf32, #tpu.memory_space<hbm>>
      %dma_start3A_206 = tpu.memref_squeeze %dma_start3A_205 : memref<1x1x1x4x4096xf32, #tpu.memory_space<hbm>> -> memref<4x4096xf32, #tpu.memory_space<hbm>>
      %dma_start3A_207 = arith.constant 0 : i32
      %dma_start3A_208 = arith.constant 0 : i32
      %dma_start3A_209 = tpu.memref_slice %arg3[%shift_right_arithmetic3A_74, %and3A_78, %and3A_80, %dma_start3A_207, %dma_start3A_208] : memref<16x8x4x8x4096xf32, #tpu.memory_space<hbm>> -> memref<1x1x1x4x4096xf32, #tpu.memory_space<hbm>>
      %dma_start3A_210 = tpu.memref_squeeze %dma_start3A_209 : memref<1x1x1x4x4096xf32, #tpu.memory_space<hbm>> -> memref<4x4096xf32, #tpu.memory_space<hbm>>
      %dma_start3A_211 = arith.constant 0 : i32
      %dma_start3A_212 = arith.constant 0 : i32
      %dma_start3A_213 = tpu.memref_slice %arg7[%dma_start3A_211, %dma_start3A_212] : memref<8x4096xf32, #tpu.memory_space<vmem>> -> memref<4x4096xf32, #tpu.memory_space<vmem>>
      tpu.enqueue_dma source(%dma_start3A_213 : memref<4x4096xf32, #tpu.memory_space<vmem>>) target(%dma_start3A_210 : memref<4x4096xf32, #tpu.memory_space<hbm>>) target_semaphore(%arg9 : memref<!tpu.dma_semaphore, #tpu.memory_space<semaphore_mem>>)
      %add3A_214 = arith.addf %parallel_loop3A_199#0, %parallel_loop3A_199#1 : vector<16xf32>
      %add3A_215 = arith.addf %add3A_214, %parallel_loop3A_199#2 : vector<16xf32>
      %add3A_216 = arith.addf %add3A_215, %parallel_loop3A_199#3 : vector<16xf32>
      %add3A_217 = arith.addf %add3A_216, %parallel_loop3A_199#4 : vector<16xf32>
      %add3A_218 = arith.addf %add3A_217, %parallel_loop3A_199#5 : vector<16xf32>
      %add3A_219 = arith.addf %add3A_218, %parallel_loop3A_199#6 : vector<16xf32>
      %add3A_220 = arith.addf %add3A_219, %parallel_loop3A_199#7 : vector<16xf32>
      %reduce_sum3A_221 = arith.constant true
      %reduce_sum3A_222 = vector.broadcast %reduce_sum3A_221 : i1 to vector<16xi1>
      %reduce_sum3A_223 = tpu.scan <sum>, %add3A_220 masked %reduce_sum3A_222 : vector<16xf32>, vector<16xi1> -> vector<16xf32>
      %reduce_sum3A_224 = vector.extract %reduce_sum3A_223[15] : f32 from vector<16xf32>
      %sub3A_225 = arith.constant 1.000000e+00 : f32
      %sub3A_226 = arith.subf %sub3A_225, %reduce_sum3A_224 : f32
      %div3A_227 = vector.broadcast %sub3A_226 : f32 to vector<16xf32>
      %div3A_228 = arith.divf %broadcast_in_dim3A_3, %div3A_227 : vector<16xf32>
      %parallel_loop3A_229 = arith.constant 0 : i32
      %parallel_loop3A_230 = arith.constant 256 : i32
      %parallel_loop3A_231 = arith.constant 8 : i32
      %parallel_loop3A_232:8 = scf.for %parallel_loop3A_577 = %parallel_loop3A_229 to %parallel_loop3A_230 step %parallel_loop3A_231 iter_args(%parallel_loop3A_578 = %broadcast_in_dim3A_1, %parallel_loop3A_579 = %broadcast_in_dim3A_1, %parallel_loop3A_580 = %broadcast_in_dim3A_1, %parallel_loop3A_581 = %broadcast_in_dim3A_1, %parallel_loop3A_582 = %broadcast_in_dim3A_1, %parallel_loop3A_583 = %broadcast_in_dim3A_1, %parallel_loop3A_584 = %broadcast_in_dim3A_1, %parallel_loop3A_585 = %broadcast_in_dim3A_1) -> (vector<16xf32>, vector<16xf32>, vector<16xf32>, vector<16xf32>, vector<16xf32>, vector<16xf32>, vector<16xf32>, vector<16xf32>)  : i32 {
        %parallel_loop3A_586 = arith.constant 0 : i32
        %parallel_loop3A_587 = arith.addi %parallel_loop3A_577, %parallel_loop3A_586 : i32
        %parallel_loop3A_588 = arith.constant 16 : i32
        %parallel_loop3A_589 = arith.muli %parallel_loop3A_587, %parallel_loop3A_588 : i32
        %parallel_loop3A_590 = arith.constant 3 : i32
        %parallel_loop3A_591 = arith.index_cast %parallel_loop3A_590 : i32 to index
        %parallel_loop3A_592 = arith.index_cast %parallel_loop3A_589 : i32 to index
        %parallel_loop3A_593 = tpu.vector_load %arg7[%parallel_loop3A_591, %parallel_loop3A_592] {strides = array<i32>} : memref<8x4096xf32, #tpu.memory_space<vmem>>, vector<16xf32>,
        %parallel_loop3A_594 = arith.mulf %parallel_loop3A_593, %parallel_loop3A_593 : vector<16xf32>
        %parallel_loop3A_595 = arith.subf %parallel_loop3A_593, %parallel_loop3A_594 : vector<16xf32>
        %parallel_loop3A_596 = arith.mulf %parallel_loop3A_595, %div3A_228 : vector<16xf32>
        %parallel_loop3A_597 = arith.constant 4 : i32
        %parallel_loop3A_598 = arith.index_cast %parallel_loop3A_597 : i32 to index
        %parallel_loop3A_599 = arith.index_cast %parallel_loop3A_589 : i32 to index
        %parallel_loop3A_600 = tpu.vector_load %arg7[%parallel_loop3A_598, %parallel_loop3A_599] {strides = array<i32>} : memref<8x4096xf32, #tpu.memory_space<vmem>>, vector<16xf32>,
        tpu.vector_store %arg7[%parallel_loop3A_598, %parallel_loop3A_599], %parallel_loop3A_596 {strides = array<i32>} : memref<8x4096xf32, #tpu.memory_space<vmem>>, vector<16xf32>,
        %parallel_loop3A_601 = arith.mulf %parallel_loop3A_596, %parallel_loop3A_596 : vector<16xf32>
        %parallel_loop3A_602 = arith.addf %parallel_loop3A_578, %parallel_loop3A_601 : vector<16xf32>
        %parallel_loop3A_603 = arith.constant 1 : i32
        %parallel_loop3A_604 = arith.addi %parallel_loop3A_577, %parallel_loop3A_603 : i32
        %parallel_loop3A_605 = arith.constant 16 : i32
        %parallel_loop3A_606 = arith.muli %parallel_loop3A_604, %parallel_loop3A_605 : i32
        %parallel_loop3A_607 = arith.constant 3 : i32
        %parallel_loop3A_608 = arith.index_cast %parallel_loop3A_607 : i32 to index
        %parallel_loop3A_609 = arith.index_cast %parallel_loop3A_606 : i32 to index
        %parallel_loop3A_610 = tpu.vector_load %arg7[%parallel_loop3A_608, %parallel_loop3A_609] {strides = array<i32>} : memref<8x4096xf32, #tpu.memory_space<vmem>>, vector<16xf32>,
        %parallel_loop3A_611 = arith.mulf %parallel_loop3A_610, %parallel_loop3A_610 : vector<16xf32>
        %parallel_loop3A_612 = arith.subf %parallel_loop3A_610, %parallel_loop3A_611 : vector<16xf32>
        %parallel_loop3A_613 = arith.mulf %parallel_loop3A_612, %div3A_228 : vector<16xf32>
        %parallel_loop3A_614 = arith.constant 4 : i32
        %parallel_loop3A_615 = arith.index_cast %parallel_loop3A_614 : i32 to index
        %parallel_loop3A_616 = arith.index_cast %parallel_loop3A_606 : i32 to index
        %parallel_loop3A_617 = tpu.vector_load %arg7[%parallel_loop3A_615, %parallel_loop3A_616] {strides = array<i32>} : memref<8x4096xf32, #tpu.memory_space<vmem>>, vector<16xf32>,
        tpu.vector_store %arg7[%parallel_loop3A_615, %parallel_loop3A_616], %parallel_loop3A_613 {strides = array<i32>} : memref<8x4096xf32, #tpu.memory_space<vmem>>, vector<16xf32>,
        %parallel_loop3A_618 = arith.mulf %parallel_loop3A_613, %parallel_loop3A_613 : vector<16xf32>
        %parallel_loop3A_619 = arith.addf %parallel_loop3A_579, %parallel_loop3A_618 : vector<16xf32>
        %parallel_loop3A_620 = arith.constant 2 : i32
        %parallel_loop3A_621 = arith.addi %parallel_loop3A_577, %parallel_loop3A_620 : i32
        %parallel_loop3A_622 = arith.constant 16 : i32
        %parallel_loop3A_623 = arith.muli %parallel_loop3A_621, %parallel_loop3A_622 : i32
        %parallel_loop3A_624 = arith.constant 3 : i32
        %parallel_loop3A_625 = arith.index_cast %parallel_loop3A_624 : i32 to index
        %parallel_loop3A_626 = arith.index_cast %parallel_loop3A_623 : i32 to index
        %parallel_loop3A_627 = tpu.vector_load %arg7[%parallel_loop3A_625, %parallel_loop3A_626] {strides = array<i32>} : memref<8x4096xf32, #tpu.memory_space<vmem>>, vector<16xf32>,
        %parallel_loop3A_628 = arith.mulf %parallel_loop3A_627, %parallel_loop3A_627 : vector<16xf32>
        %parallel_loop3A_629 = arith.subf %parallel_loop3A_627, %parallel_loop3A_628 : vector<16xf32>
        %parallel_loop3A_630 = arith.mulf %parallel_loop3A_629, %div3A_228 : vector<16xf32>
        %parallel_loop3A_631 = arith.constant 4 : i32
        %parallel_loop3A_632 = arith.index_cast %parallel_loop3A_631 : i32 to index
        %parallel_loop3A_633 = arith.index_cast %parallel_loop3A_623 : i32 to index
        %parallel_loop3A_634 = tpu.vector_load %arg7[%parallel_loop3A_632, %parallel_loop3A_633] {strides = array<i32>} : memref<8x4096xf32, #tpu.memory_space<vmem>>, vector<16xf32>,
        tpu.vector_store %arg7[%parallel_loop3A_632, %parallel_loop3A_633], %parallel_loop3A_630 {strides = array<i32>} : memref<8x4096xf32, #tpu.memory_space<vmem>>, vector<16xf32>,
        %parallel_loop3A_635 = arith.mulf %parallel_loop3A_630, %parallel_loop3A_630 : vector<16xf32>
        %parallel_loop3A_636 = arith.addf %parallel_loop3A_580, %parallel_loop3A_635 : vector<16xf32>
        %parallel_loop3A_637 = arith.constant 3 : i32
        %parallel_loop3A_638 = arith.addi %parallel_loop3A_577, %parallel_loop3A_637 : i32
        %parallel_loop3A_639 = arith.constant 16 : i32
        %parallel_loop3A_640 = arith.muli %parallel_loop3A_638, %parallel_loop3A_639 : i32
        %parallel_loop3A_641 = arith.constant 3 : i32
        %parallel_loop3A_642 = arith.index_cast %parallel_loop3A_641 : i32 to index
        %parallel_loop3A_643 = arith.index_cast %parallel_loop3A_640 : i32 to index
        %parallel_loop3A_644 = tpu.vector_load %arg7[%parallel_loop3A_642, %parallel_loop3A_643] {strides = array<i32>} : memref<8x4096xf32, #tpu.memory_space<vmem>>, vector<16xf32>,
        %parallel_loop3A_645 = arith.mulf %parallel_loop3A_644, %parallel_loop3A_644 : vector<16xf32>
        %parallel_loop3A_646 = arith.subf %parallel_loop3A_644, %parallel_loop3A_645 : vector<16xf32>
        %parallel_loop3A_647 = arith.mulf %parallel_loop3A_646, %div3A_228 : vector<16xf32>
        %parallel_loop3A_648 = arith.constant 4 : i32
        %parallel_loop3A_649 = arith.index_cast %parallel_loop3A_648 : i32 to index
        %parallel_loop3A_650 = arith.index_cast %parallel_loop3A_640 : i32 to index
        %parallel_loop3A_651 = tpu.vector_load %arg7[%parallel_loop3A_649, %parallel_loop3A_650] {strides = array<i32>} : memref<8x4096xf32, #tpu.memory_space<vmem>>, vector<16xf32>,
        tpu.vector_store %arg7[%parallel_loop3A_649, %parallel_loop3A_650], %parallel_loop3A_647 {strides = array<i32>} : memref<8x4096xf32, #tpu.memory_space<vmem>>, vector<16xf32>,
        %parallel_loop3A_652 = arith.mulf %parallel_loop3A_647, %parallel_loop3A_647 : vector<16xf32>
        %parallel_loop3A_653 = arith.addf %parallel_loop3A_581, %parallel_loop3A_652 : vector<16xf32>
        %parallel_loop3A_654 = arith.constant 4 : i32
        %parallel_loop3A_655 = arith.addi %parallel_loop3A_577, %parallel_loop3A_654 : i32
        %parallel_loop3A_656 = arith.constant 16 : i32
        %parallel_loop3A_657 = arith.muli %parallel_loop3A_655, %parallel_loop3A_656 : i32
        %parallel_loop3A_658 = arith.constant 3 : i32
        %parallel_loop3A_659 = arith.index_cast %parallel_loop3A_658 : i32 to index
        %parallel_loop3A_660 = arith.index_cast %parallel_loop3A_657 : i32 to index
        %parallel_loop3A_661 = tpu.vector_load %arg7[%parallel_loop3A_659, %parallel_loop3A_660] {strides = array<i32>} : memref<8x4096xf32, #tpu.memory_space<vmem>>, vector<16xf32>,
        %parallel_loop3A_662 = arith.mulf %parallel_loop3A_661, %parallel_loop3A_661 : vector<16xf32>
        %parallel_loop3A_663 = arith.subf %parallel_loop3A_661, %parallel_loop3A_662 : vector<16xf32>
        %parallel_loop3A_664 = arith.mulf %parallel_loop3A_663, %div3A_228 : vector<16xf32>
        %parallel_loop3A_665 = arith.constant 4 : i32
        %parallel_loop3A_666 = arith.index_cast %parallel_loop3A_665 : i32 to index
        %parallel_loop3A_667 = arith.index_cast %parallel_loop3A_657 : i32 to index
        %parallel_loop3A_668 = tpu.vector_load %arg7[%parallel_loop3A_666, %parallel_loop3A_667] {strides = array<i32>} : memref<8x4096xf32, #tpu.memory_space<vmem>>, vector<16xf32>,
        tpu.vector_store %arg7[%parallel_loop3A_666, %parallel_loop3A_667], %parallel_loop3A_664 {strides = array<i32>} : memref<8x4096xf32, #tpu.memory_space<vmem>>, vector<16xf32>,
        %parallel_loop3A_669 = arith.mulf %parallel_loop3A_664, %parallel_loop3A_664 : vector<16xf32>
        %parallel_loop3A_670 = arith.addf %parallel_loop3A_582, %parallel_loop3A_669 : vector<16xf32>
        %parallel_loop3A_671 = arith.constant 5 : i32
        %parallel_loop3A_672 = arith.addi %parallel_loop3A_577, %parallel_loop3A_671 : i32
        %parallel_loop3A_673 = arith.constant 16 : i32
        %parallel_loop3A_674 = arith.muli %parallel_loop3A_672, %parallel_loop3A_673 : i32
        %parallel_loop3A_675 = arith.constant 3 : i32
        %parallel_loop3A_676 = arith.index_cast %parallel_loop3A_675 : i32 to index
        %parallel_loop3A_677 = arith.index_cast %parallel_loop3A_674 : i32 to index
        %parallel_loop3A_678 = tpu.vector_load %arg7[%parallel_loop3A_676, %parallel_loop3A_677] {strides = array<i32>} : memref<8x4096xf32, #tpu.memory_space<vmem>>, vector<16xf32>,
        %parallel_loop3A_679 = arith.mulf %parallel_loop3A_678, %parallel_loop3A_678 : vector<16xf32>
        %parallel_loop3A_680 = arith.subf %parallel_loop3A_678, %parallel_loop3A_679 : vector<16xf32>
        %parallel_loop3A_681 = arith.mulf %parallel_loop3A_680, %div3A_228 : vector<16xf32>
        %parallel_loop3A_682 = arith.constant 4 : i32
        %parallel_loop3A_683 = arith.index_cast %parallel_loop3A_682 : i32 to index
        %parallel_loop3A_684 = arith.index_cast %parallel_loop3A_674 : i32 to index
        %parallel_loop3A_685 = tpu.vector_load %arg7[%parallel_loop3A_683, %parallel_loop3A_684] {strides = array<i32>} : memref<8x4096xf32, #tpu.memory_space<vmem>>, vector<16xf32>,
        tpu.vector_store %arg7[%parallel_loop3A_683, %parallel_loop3A_684], %parallel_loop3A_681 {strides = array<i32>} : memref<8x4096xf32, #tpu.memory_space<vmem>>, vector<16xf32>,
        %parallel_loop3A_686 = arith.mulf %parallel_loop3A_681, %parallel_loop3A_681 : vector<16xf32>
        %parallel_loop3A_687 = arith.addf %parallel_loop3A_583, %parallel_loop3A_686 : vector<16xf32>
        %parallel_loop3A_688 = arith.constant 6 : i32
        %parallel_loop3A_689 = arith.addi %parallel_loop3A_577, %parallel_loop3A_688 : i32
        %parallel_loop3A_690 = arith.constant 16 : i32
        %parallel_loop3A_691 = arith.muli %parallel_loop3A_689, %parallel_loop3A_690 : i32
        %parallel_loop3A_692 = arith.constant 3 : i32
        %parallel_loop3A_693 = arith.index_cast %parallel_loop3A_692 : i32 to index
        %parallel_loop3A_694 = arith.index_cast %parallel_loop3A_691 : i32 to index
        %parallel_loop3A_695 = tpu.vector_load %arg7[%parallel_loop3A_693, %parallel_loop3A_694] {strides = array<i32>} : memref<8x4096xf32, #tpu.memory_space<vmem>>, vector<16xf32>,
        %parallel_loop3A_696 = arith.mulf %parallel_loop3A_695, %parallel_loop3A_695 : vector<16xf32>
        %parallel_loop3A_697 = arith.subf %parallel_loop3A_695, %parallel_loop3A_696 : vector<16xf32>
        %parallel_loop3A_698 = arith.mulf %parallel_loop3A_697, %div3A_228 : vector<16xf32>
        %parallel_loop3A_699 = arith.constant 4 : i32
        %parallel_loop3A_700 = arith.index_cast %parallel_loop3A_699 : i32 to index
        %parallel_loop3A_701 = arith.index_cast %parallel_loop3A_691 : i32 to index
        %parallel_loop3A_702 = tpu.vector_load %arg7[%parallel_loop3A_700, %parallel_loop3A_701] {strides = array<i32>} : memref<8x4096xf32, #tpu.memory_space<vmem>>, vector<16xf32>,
        tpu.vector_store %arg7[%parallel_loop3A_700, %parallel_loop3A_701], %parallel_loop3A_698 {strides = array<i32>} : memref<8x4096xf32, #tpu.memory_space<vmem>>, vector<16xf32>,
        %parallel_loop3A_703 = arith.mulf %parallel_loop3A_698, %parallel_loop3A_698 : vector<16xf32>
        %parallel_loop3A_704 = arith.addf %parallel_loop3A_584, %parallel_loop3A_703 : vector<16xf32>
        %parallel_loop3A_705 = arith.constant 7 : i32
        %parallel_loop3A_706 = arith.addi %parallel_loop3A_577, %parallel_loop3A_705 : i32
        %parallel_loop3A_707 = arith.constant 16 : i32
        %parallel_loop3A_708 = arith.muli %parallel_loop3A_706, %parallel_loop3A_707 : i32
        %parallel_loop3A_709 = arith.constant 3 : i32
        %parallel_loop3A_710 = arith.index_cast %parallel_loop3A_709 : i32 to index
        %parallel_loop3A_711 = arith.index_cast %parallel_loop3A_708 : i32 to index
        %parallel_loop3A_712 = tpu.vector_load %arg7[%parallel_loop3A_710, %parallel_loop3A_711] {strides = array<i32>} : memref<8x4096xf32, #tpu.memory_space<vmem>>, vector<16xf32>,
        %parallel_loop3A_713 = arith.mulf %parallel_loop3A_712, %parallel_loop3A_712 : vector<16xf32>
        %parallel_loop3A_714 = arith.subf %parallel_loop3A_712, %parallel_loop3A_713 : vector<16xf32>
        %parallel_loop3A_715 = arith.mulf %parallel_loop3A_714, %div3A_228 : vector<16xf32>
        %parallel_loop3A_716 = arith.constant 4 : i32
        %parallel_loop3A_717 = arith.index_cast %parallel_loop3A_716 : i32 to index
        %parallel_loop3A_718 = arith.index_cast %parallel_loop3A_708 : i32 to index
        %parallel_loop3A_719 = tpu.vector_load %arg7[%parallel_loop3A_717, %parallel_loop3A_718] {strides = array<i32>} : memref<8x4096xf32, #tpu.memory_space<vmem>>, vector<16xf32>,
        tpu.vector_store %arg7[%parallel_loop3A_717, %parallel_loop3A_718], %parallel_loop3A_715 {strides = array<i32>} : memref<8x4096xf32, #tpu.memory_space<vmem>>, vector<16xf32>,
        %parallel_loop3A_720 = arith.mulf %parallel_loop3A_715, %parallel_loop3A_715 : vector<16xf32>
        %parallel_loop3A_721 = arith.addf %parallel_loop3A_585, %parallel_loop3A_720 : vector<16xf32>
        scf.yield %parallel_loop3A_602, %parallel_loop3A_619, %parallel_loop3A_636, %parallel_loop3A_653, %parallel_loop3A_670, %parallel_loop3A_687, %parallel_loop3A_704, %parallel_loop3A_721 : vector<16xf32>, vector<16xf32>, vector<16xf32>, vector<16xf32>, vector<16xf32>, vector<16xf32>, vector<16xf32>, vector<16xf32>
      } {sc.loop_unroll_factor = 1 : i64, sc.parallel_access}
      %add3A_233 = arith.addf %parallel_loop3A_232#0, %parallel_loop3A_232#1 : vector<16xf32>
      %add3A_234 = arith.addf %add3A_233, %parallel_loop3A_232#2 : vector<16xf32>
      %add3A_235 = arith.addf %add3A_234, %parallel_loop3A_232#3 : vector<16xf32>
      %add3A_236 = arith.addf %add3A_235, %parallel_loop3A_232#4 : vector<16xf32>
      %add3A_237 = arith.addf %add3A_236, %parallel_loop3A_232#5 : vector<16xf32>
      %add3A_238 = arith.addf %add3A_237, %parallel_loop3A_232#6 : vector<16xf32>
      %add3A_239 = arith.addf %add3A_238, %parallel_loop3A_232#7 : vector<16xf32>
      %reduce_sum3A_240 = arith.constant true
      %reduce_sum3A_241 = vector.broadcast %reduce_sum3A_240 : i1 to vector<16xi1>
      %reduce_sum3A_242 = tpu.scan <sum>, %add3A_239 masked %reduce_sum3A_241 : vector<16xf32>, vector<16xi1> -> vector<16xf32>
      %reduce_sum3A_243 = vector.extract %reduce_sum3A_242[15] : f32 from vector<16xf32>
      %sub3A_244 = arith.constant 1.000000e+00 : f32
      %sub3A_245 = arith.subf %sub3A_244, %reduce_sum3A_243 : f32
      %div3A_246 = vector.broadcast %sub3A_245 : f32 to vector<16xf32>
      %div3A_247 = arith.divf %broadcast_in_dim3A_3, %div3A_246 : vector<16xf32>
      %parallel_loop3A_248 = arith.constant 0 : i32
      %parallel_loop3A_249 = arith.constant 256 : i32
      %parallel_loop3A_250 = arith.constant 8 : i32
      %parallel_loop3A_251:8 = scf.for %parallel_loop3A_577 = %parallel_loop3A_248 to %parallel_loop3A_249 step %parallel_loop3A_250 iter_args(%parallel_loop3A_578 = %broadcast_in_dim3A_1, %parallel_loop3A_579 = %broadcast_in_dim3A_1, %parallel_loop3A_580 = %broadcast_in_dim3A_1, %parallel_loop3A_581 = %broadcast_in_dim3A_1, %parallel_loop3A_582 = %broadcast_in_dim3A_1, %parallel_loop3A_583 = %broadcast_in_dim3A_1, %parallel_loop3A_584 = %broadcast_in_dim3A_1, %parallel_loop3A_585 = %broadcast_in_dim3A_1) -> (vector<16xf32>, vector<16xf32>, vector<16xf32>, vector<16xf32>, vector<16xf32>, vector<16xf32>, vector<16xf32>, vector<16xf32>)  : i32 {
        %parallel_loop3A_586 = arith.constant 0 : i32
        %parallel_loop3A_587 = arith.addi %parallel_loop3A_577, %parallel_loop3A_586 : i32
        %parallel_loop3A_588 = arith.constant 16 : i32
        %parallel_loop3A_589 = arith.muli %parallel_loop3A_587, %parallel_loop3A_588 : i32
        %parallel_loop3A_590 = arith.constant 4 : i32
        %parallel_loop3A_591 = arith.index_cast %parallel_loop3A_590 : i32 to index
        %parallel_loop3A_592 = arith.index_cast %parallel_loop3A_589 : i32 to index
        %parallel_loop3A_593 = tpu.vector_load %arg7[%parallel_loop3A_591, %parallel_loop3A_592] {strides = array<i32>} : memref<8x4096xf32, #tpu.memory_space<vmem>>, vector<16xf32>,
        %parallel_loop3A_594 = arith.mulf %parallel_loop3A_593, %parallel_loop3A_593 : vector<16xf32>
        %parallel_loop3A_595 = arith.subf %parallel_loop3A_593, %parallel_loop3A_594 : vector<16xf32>
        %parallel_loop3A_596 = arith.mulf %parallel_loop3A_595, %div3A_247 : vector<16xf32>
        %parallel_loop3A_597 = arith.constant 5 : i32
        %parallel_loop3A_598 = arith.index_cast %parallel_loop3A_597 : i32 to index
        %parallel_loop3A_599 = arith.index_cast %parallel_loop3A_589 : i32 to index
        %parallel_loop3A_600 = tpu.vector_load %arg7[%parallel_loop3A_598, %parallel_loop3A_599] {strides = array<i32>} : memref<8x4096xf32, #tpu.memory_space<vmem>>, vector<16xf32>,
        tpu.vector_store %arg7[%parallel_loop3A_598, %parallel_loop3A_599], %parallel_loop3A_596 {strides = array<i32>} : memref<8x4096xf32, #tpu.memory_space<vmem>>, vector<16xf32>,
        %parallel_loop3A_601 = arith.mulf %parallel_loop3A_596, %parallel_loop3A_596 : vector<16xf32>
        %parallel_loop3A_602 = arith.addf %parallel_loop3A_578, %parallel_loop3A_601 : vector<16xf32>
        %parallel_loop3A_603 = arith.constant 1 : i32
        %parallel_loop3A_604 = arith.addi %parallel_loop3A_577, %parallel_loop3A_603 : i32
        %parallel_loop3A_605 = arith.constant 16 : i32
        %parallel_loop3A_606 = arith.muli %parallel_loop3A_604, %parallel_loop3A_605 : i32
        %parallel_loop3A_607 = arith.constant 4 : i32
        %parallel_loop3A_608 = arith.index_cast %parallel_loop3A_607 : i32 to index
        %parallel_loop3A_609 = arith.index_cast %parallel_loop3A_606 : i32 to index
        %parallel_loop3A_610 = tpu.vector_load %arg7[%parallel_loop3A_608, %parallel_loop3A_609] {strides = array<i32>} : memref<8x4096xf32, #tpu.memory_space<vmem>>, vector<16xf32>,
        %parallel_loop3A_611 = arith.mulf %parallel_loop3A_610, %parallel_loop3A_610 : vector<16xf32>
        %parallel_loop3A_612 = arith.subf %parallel_loop3A_610, %parallel_loop3A_611 : vector<16xf32>
        %parallel_loop3A_613 = arith.mulf %parallel_loop3A_612, %div3A_247 : vector<16xf32>
        %parallel_loop3A_614 = arith.constant 5 : i32
        %parallel_loop3A_615 = arith.index_cast %parallel_loop3A_614 : i32 to index
        %parallel_loop3A_616 = arith.index_cast %parallel_loop3A_606 : i32 to index
        %parallel_loop3A_617 = tpu.vector_load %arg7[%parallel_loop3A_615, %parallel_loop3A_616] {strides = array<i32>} : memref<8x4096xf32, #tpu.memory_space<vmem>>, vector<16xf32>,
        tpu.vector_store %arg7[%parallel_loop3A_615, %parallel_loop3A_616], %parallel_loop3A_613 {strides = array<i32>} : memref<8x4096xf32, #tpu.memory_space<vmem>>, vector<16xf32>,
        %parallel_loop3A_618 = arith.mulf %parallel_loop3A_613, %parallel_loop3A_613 : vector<16xf32>
        %parallel_loop3A_619 = arith.addf %parallel_loop3A_579, %parallel_loop3A_618 : vector<16xf32>
        %parallel_loop3A_620 = arith.constant 2 : i32
        %parallel_loop3A_621 = arith.addi %parallel_loop3A_577, %parallel_loop3A_620 : i32
        %parallel_loop3A_622 = arith.constant 16 : i32
        %parallel_loop3A_623 = arith.muli %parallel_loop3A_621, %parallel_loop3A_622 : i32
        %parallel_loop3A_624 = arith.constant 4 : i32
        %parallel_loop3A_625 = arith.index_cast %parallel_loop3A_624 : i32 to index
        %parallel_loop3A_626 = arith.index_cast %parallel_loop3A_623 : i32 to index
        %parallel_loop3A_627 = tpu.vector_load %arg7[%parallel_loop3A_625, %parallel_loop3A_626] {strides = array<i32>} : memref<8x4096xf32, #tpu.memory_space<vmem>>, vector<16xf32>,
        %parallel_loop3A_628 = arith.mulf %parallel_loop3A_627, %parallel_loop3A_627 : vector<16xf32>
        %parallel_loop3A_629 = arith.subf %parallel_loop3A_627, %parallel_loop3A_628 : vector<16xf32>
        %parallel_loop3A_630 = arith.mulf %parallel_loop3A_629, %div3A_247 : vector<16xf32>
        %parallel_loop3A_631 = arith.constant 5 : i32
        %parallel_loop3A_632 = arith.index_cast %parallel_loop3A_631 : i32 to index
        %parallel_loop3A_633 = arith.index_cast %parallel_loop3A_623 : i32 to index
        %parallel_loop3A_634 = tpu.vector_load %arg7[%parallel_loop3A_632, %parallel_loop3A_633] {strides = array<i32>} : memref<8x4096xf32, #tpu.memory_space<vmem>>, vector<16xf32>,
        tpu.vector_store %arg7[%parallel_loop3A_632, %parallel_loop3A_633], %parallel_loop3A_630 {strides = array<i32>} : memref<8x4096xf32, #tpu.memory_space<vmem>>, vector<16xf32>,
        %parallel_loop3A_635 = arith.mulf %parallel_loop3A_630, %parallel_loop3A_630 : vector<16xf32>
        %parallel_loop3A_636 = arith.addf %parallel_loop3A_580, %parallel_loop3A_635 : vector<16xf32>
        %parallel_loop3A_637 = arith.constant 3 : i32
        %parallel_loop3A_638 = arith.addi %parallel_loop3A_577, %parallel_loop3A_637 : i32
        %parallel_loop3A_639 = arith.constant 16 : i32
        %parallel_loop3A_640 = arith.muli %parallel_loop3A_638, %parallel_loop3A_639 : i32
        %parallel_loop3A_641 = arith.constant 4 : i32
        %parallel_loop3A_642 = arith.index_cast %parallel_loop3A_641 : i32 to index
        %parallel_loop3A_643 = arith.index_cast %parallel_loop3A_640 : i32 to index
        %parallel_loop3A_644 = tpu.vector_load %arg7[%parallel_loop3A_642, %parallel_loop3A_643] {strides = array<i32>} : memref<8x4096xf32, #tpu.memory_space<vmem>>, vector<16xf32>,
        %parallel_loop3A_645 = arith.mulf %parallel_loop3A_644, %parallel_loop3A_644 : vector<16xf32>
        %parallel_loop3A_646 = arith.subf %parallel_loop3A_644, %parallel_loop3A_645 : vector<16xf32>
        %parallel_loop3A_647 = arith.mulf %parallel_loop3A_646, %div3A_247 : vector<16xf32>
        %parallel_loop3A_648 = arith.constant 5 : i32
        %parallel_loop3A_649 = arith.index_cast %parallel_loop3A_648 : i32 to index
        %parallel_loop3A_650 = arith.index_cast %parallel_loop3A_640 : i32 to index
        %parallel_loop3A_651 = tpu.vector_load %arg7[%parallel_loop3A_649, %parallel_loop3A_650] {strides = array<i32>} : memref<8x4096xf32, #tpu.memory_space<vmem>>, vector<16xf32>,
        tpu.vector_store %arg7[%parallel_loop3A_649, %parallel_loop3A_650], %parallel_loop3A_647 {strides = array<i32>} : memref<8x4096xf32, #tpu.memory_space<vmem>>, vector<16xf32>,
        %parallel_loop3A_652 = arith.mulf %parallel_loop3A_647, %parallel_loop3A_647 : vector<16xf32>
        %parallel_loop3A_653 = arith.addf %parallel_loop3A_581, %parallel_loop3A_652 : vector<16xf32>
        %parallel_loop3A_654 = arith.constant 4 : i32
        %parallel_loop3A_655 = arith.addi %parallel_loop3A_577, %parallel_loop3A_654 : i32
        %parallel_loop3A_656 = arith.constant 16 : i32
        %parallel_loop3A_657 = arith.muli %parallel_loop3A_655, %parallel_loop3A_656 : i32
        %parallel_loop3A_658 = arith.constant 4 : i32
        %parallel_loop3A_659 = arith.index_cast %parallel_loop3A_658 : i32 to index
        %parallel_loop3A_660 = arith.index_cast %parallel_loop3A_657 : i32 to index
        %parallel_loop3A_661 = tpu.vector_load %arg7[%parallel_loop3A_659, %parallel_loop3A_660] {strides = array<i32>} : memref<8x4096xf32, #tpu.memory_space<vmem>>, vector<16xf32>,
        %parallel_loop3A_662 = arith.mulf %parallel_loop3A_661, %parallel_loop3A_661 : vector<16xf32>
        %parallel_loop3A_663 = arith.subf %parallel_loop3A_661, %parallel_loop3A_662 : vector<16xf32>
        %parallel_loop3A_664 = arith.mulf %parallel_loop3A_663, %div3A_247 : vector<16xf32>
        %parallel_loop3A_665 = arith.constant 5 : i32
        %parallel_loop3A_666 = arith.index_cast %parallel_loop3A_665 : i32 to index
        %parallel_loop3A_667 = arith.index_cast %parallel_loop3A_657 : i32 to index
        %parallel_loop3A_668 = tpu.vector_load %arg7[%parallel_loop3A_666, %parallel_loop3A_667] {strides = array<i32>} : memref<8x4096xf32, #tpu.memory_space<vmem>>, vector<16xf32>,
        tpu.vector_store %arg7[%parallel_loop3A_666, %parallel_loop3A_667], %parallel_loop3A_664 {strides = array<i32>} : memref<8x4096xf32, #tpu.memory_space<vmem>>, vector<16xf32>,
        %parallel_loop3A_669 = arith.mulf %parallel_loop3A_664, %parallel_loop3A_664 : vector<16xf32>
        %parallel_loop3A_670 = arith.addf %parallel_loop3A_582, %parallel_loop3A_669 : vector<16xf32>
        %parallel_loop3A_671 = arith.constant 5 : i32
        %parallel_loop3A_672 = arith.addi %parallel_loop3A_577, %parallel_loop3A_671 : i32
        %parallel_loop3A_673 = arith.constant 16 : i32
        %parallel_loop3A_674 = arith.muli %parallel_loop3A_672, %parallel_loop3A_673 : i32
        %parallel_loop3A_675 = arith.constant 4 : i32
        %parallel_loop3A_676 = arith.index_cast %parallel_loop3A_675 : i32 to index
        %parallel_loop3A_677 = arith.index_cast %parallel_loop3A_674 : i32 to index
        %parallel_loop3A_678 = tpu.vector_load %arg7[%parallel_loop3A_676, %parallel_loop3A_677] {strides = array<i32>} : memref<8x4096xf32, #tpu.memory_space<vmem>>, vector<16xf32>,
        %parallel_loop3A_679 = arith.mulf %parallel_loop3A_678, %parallel_loop3A_678 : vector<16xf32>
        %parallel_loop3A_680 = arith.subf %parallel_loop3A_678, %parallel_loop3A_679 : vector<16xf32>
        %parallel_loop3A_681 = arith.mulf %parallel_loop3A_680, %div3A_247 : vector<16xf32>
        %parallel_loop3A_682 = arith.constant 5 : i32
        %parallel_loop3A_683 = arith.index_cast %parallel_loop3A_682 : i32 to index
        %parallel_loop3A_684 = arith.index_cast %parallel_loop3A_674 : i32 to index
        %parallel_loop3A_685 = tpu.vector_load %arg7[%parallel_loop3A_683, %parallel_loop3A_684] {strides = array<i32>} : memref<8x4096xf32, #tpu.memory_space<vmem>>, vector<16xf32>,
        tpu.vector_store %arg7[%parallel_loop3A_683, %parallel_loop3A_684], %parallel_loop3A_681 {strides = array<i32>} : memref<8x4096xf32, #tpu.memory_space<vmem>>, vector<16xf32>,
        %parallel_loop3A_686 = arith.mulf %parallel_loop3A_681, %parallel_loop3A_681 : vector<16xf32>
        %parallel_loop3A_687 = arith.addf %parallel_loop3A_583, %parallel_loop3A_686 : vector<16xf32>
        %parallel_loop3A_688 = arith.constant 6 : i32
        %parallel_loop3A_689 = arith.addi %parallel_loop3A_577, %parallel_loop3A_688 : i32
        %parallel_loop3A_690 = arith.constant 16 : i32
        %parallel_loop3A_691 = arith.muli %parallel_loop3A_689, %parallel_loop3A_690 : i32
        %parallel_loop3A_692 = arith.constant 4 : i32
        %parallel_loop3A_693 = arith.index_cast %parallel_loop3A_692 : i32 to index
        %parallel_loop3A_694 = arith.index_cast %parallel_loop3A_691 : i32 to index
        %parallel_loop3A_695 = tpu.vector_load %arg7[%parallel_loop3A_693, %parallel_loop3A_694] {strides = array<i32>} : memref<8x4096xf32, #tpu.memory_space<vmem>>, vector<16xf32>,
        %parallel_loop3A_696 = arith.mulf %parallel_loop3A_695, %parallel_loop3A_695 : vector<16xf32>
        %parallel_loop3A_697 = arith.subf %parallel_loop3A_695, %parallel_loop3A_696 : vector<16xf32>
        %parallel_loop3A_698 = arith.mulf %parallel_loop3A_697, %div3A_247 : vector<16xf32>
        %parallel_loop3A_699 = arith.constant 5 : i32
        %parallel_loop3A_700 = arith.index_cast %parallel_loop3A_699 : i32 to index
        %parallel_loop3A_701 = arith.index_cast %parallel_loop3A_691 : i32 to index
        %parallel_loop3A_702 = tpu.vector_load %arg7[%parallel_loop3A_700, %parallel_loop3A_701] {strides = array<i32>} : memref<8x4096xf32, #tpu.memory_space<vmem>>, vector<16xf32>,
        tpu.vector_store %arg7[%parallel_loop3A_700, %parallel_loop3A_701], %parallel_loop3A_698 {strides = array<i32>} : memref<8x4096xf32, #tpu.memory_space<vmem>>, vector<16xf32>,
        %parallel_loop3A_703 = arith.mulf %parallel_loop3A_698, %parallel_loop3A_698 : vector<16xf32>
        %parallel_loop3A_704 = arith.addf %parallel_loop3A_584, %parallel_loop3A_703 : vector<16xf32>
        %parallel_loop3A_705 = arith.constant 7 : i32
        %parallel_loop3A_706 = arith.addi %parallel_loop3A_577, %parallel_loop3A_705 : i32
        %parallel_loop3A_707 = arith.constant 16 : i32
        %parallel_loop3A_708 = arith.muli %parallel_loop3A_706, %parallel_loop3A_707 : i32
        %parallel_loop3A_709 = arith.constant 4 : i32
        %parallel_loop3A_710 = arith.index_cast %parallel_loop3A_709 : i32 to index
        %parallel_loop3A_711 = arith.index_cast %parallel_loop3A_708 : i32 to index
        %parallel_loop3A_712 = tpu.vector_load %arg7[%parallel_loop3A_710, %parallel_loop3A_711] {strides = array<i32>} : memref<8x4096xf32, #tpu.memory_space<vmem>>, vector<16xf32>,
        %parallel_loop3A_713 = arith.mulf %parallel_loop3A_712, %parallel_loop3A_712 : vector<16xf32>
        %parallel_loop3A_714 = arith.subf %parallel_loop3A_712, %parallel_loop3A_713 : vector<16xf32>
        %parallel_loop3A_715 = arith.mulf %parallel_loop3A_714, %div3A_247 : vector<16xf32>
        %parallel_loop3A_716 = arith.constant 5 : i32
        %parallel_loop3A_717 = arith.index_cast %parallel_loop3A_716 : i32 to index
        %parallel_loop3A_718 = arith.index_cast %parallel_loop3A_708 : i32 to index
        %parallel_loop3A_719 = tpu.vector_load %arg7[%parallel_loop3A_717, %parallel_loop3A_718] {strides = array<i32>} : memref<8x4096xf32, #tpu.memory_space<vmem>>, vector<16xf32>,
        tpu.vector_store %arg7[%parallel_loop3A_717, %parallel_loop3A_718], %parallel_loop3A_715 {strides = array<i32>} : memref<8x4096xf32, #tpu.memory_space<vmem>>, vector<16xf32>,
        %parallel_loop3A_720 = arith.mulf %parallel_loop3A_715, %parallel_loop3A_715 : vector<16xf32>
        %parallel_loop3A_721 = arith.addf %parallel_loop3A_585, %parallel_loop3A_720 : vector<16xf32>
        scf.yield %parallel_loop3A_602, %parallel_loop3A_619, %parallel_loop3A_636, %parallel_loop3A_653, %parallel_loop3A_670, %parallel_loop3A_687, %parallel_loop3A_704, %parallel_loop3A_721 : vector<16xf32>, vector<16xf32>, vector<16xf32>, vector<16xf32>, vector<16xf32>, vector<16xf32>, vector<16xf32>, vector<16xf32>
      } {sc.loop_unroll_factor = 1 : i64, sc.parallel_access}
      %add3A_252 = arith.addf %parallel_loop3A_251#0, %parallel_loop3A_251#1 : vector<16xf32>
      %add3A_253 = arith.addf %add3A_252, %parallel_loop3A_251#2 : vector<16xf32>
      %add3A_254 = arith.addf %add3A_253, %parallel_loop3A_251#3 : vector<16xf32>
      %add3A_255 = arith.addf %add3A_254, %parallel_loop3A_251#4 : vector<16xf32>
      %add3A_256 = arith.addf %add3A_255, %parallel_loop3A_251#5 : vector<16xf32>
      %add3A_257 = arith.addf %add3A_256, %parallel_loop3A_251#6 : vector<16xf32>
      %add3A_258 = arith.addf %add3A_257, %parallel_loop3A_251#7 : vector<16xf32>
      %reduce_sum3A_259 = arith.constant true
      %reduce_sum3A_260 = vector.broadcast %reduce_sum3A_259 : i1 to vector<16xi1>
      %reduce_sum3A_261 = tpu.scan <sum>, %add3A_258 masked %reduce_sum3A_260 : vector<16xf32>, vector<16xi1> -> vector<16xf32>
      %reduce_sum3A_262 = vector.extract %reduce_sum3A_261[15] : f32 from vector<16xf32>
      %sub3A_263 = arith.constant 1.000000e+00 : f32
      %sub3A_264 = arith.subf %sub3A_263, %reduce_sum3A_262 : f32
      %div3A_265 = vector.broadcast %sub3A_264 : f32 to vector<16xf32>
      %div3A_266 = arith.divf %broadcast_in_dim3A_3, %div3A_265 : vector<16xf32>
      %parallel_loop3A_267 = arith.constant 0 : i32
      %parallel_loop3A_268 = arith.constant 256 : i32
      %parallel_loop3A_269 = arith.constant 8 : i32
      %parallel_loop3A_270:8 = scf.for %parallel_loop3A_577 = %parallel_loop3A_267 to %parallel_loop3A_268 step %parallel_loop3A_269 iter_args(%parallel_loop3A_578 = %broadcast_in_dim3A_1, %parallel_loop3A_579 = %broadcast_in_dim3A_1, %parallel_loop3A_580 = %broadcast_in_dim3A_1, %parallel_loop3A_581 = %broadcast_in_dim3A_1, %parallel_loop3A_582 = %broadcast_in_dim3A_1, %parallel_loop3A_583 = %broadcast_in_dim3A_1, %parallel_loop3A_584 = %broadcast_in_dim3A_1, %parallel_loop3A_585 = %broadcast_in_dim3A_1) -> (vector<16xf32>, vector<16xf32>, vector<16xf32>, vector<16xf32>, vector<16xf32>, vector<16xf32>, vector<16xf32>, vector<16xf32>)  : i32 {
        %parallel_loop3A_586 = arith.constant 0 : i32
        %parallel_loop3A_587 = arith.addi %parallel_loop3A_577, %parallel_loop3A_586 : i32
        %parallel_loop3A_588 = arith.constant 16 : i32
        %parallel_loop3A_589 = arith.muli %parallel_loop3A_587, %parallel_loop3A_588 : i32
        %parallel_loop3A_590 = arith.constant 5 : i32
        %parallel_loop3A_591 = arith.index_cast %parallel_loop3A_590 : i32 to index
        %parallel_loop3A_592 = arith.index_cast %parallel_loop3A_589 : i32 to index
        %parallel_loop3A_593 = tpu.vector_load %arg7[%parallel_loop3A_591, %parallel_loop3A_592] {strides = array<i32>} : memref<8x4096xf32, #tpu.memory_space<vmem>>, vector<16xf32>,
        %parallel_loop3A_594 = arith.mulf %parallel_loop3A_593, %parallel_loop3A_593 : vector<16xf32>
        %parallel_loop3A_595 = arith.subf %parallel_loop3A_593, %parallel_loop3A_594 : vector<16xf32>
        %parallel_loop3A_596 = arith.mulf %parallel_loop3A_595, %div3A_266 : vector<16xf32>
        %parallel_loop3A_597 = arith.constant 6 : i32
        %parallel_loop3A_598 = arith.index_cast %parallel_loop3A_597 : i32 to index
        %parallel_loop3A_599 = arith.index_cast %parallel_loop3A_589 : i32 to index
        %parallel_loop3A_600 = tpu.vector_load %arg7[%parallel_loop3A_598, %parallel_loop3A_599] {strides = array<i32>} : memref<8x4096xf32, #tpu.memory_space<vmem>>, vector<16xf32>,
        tpu.vector_store %arg7[%parallel_loop3A_598, %parallel_loop3A_599], %parallel_loop3A_596 {strides = array<i32>} : memref<8x4096xf32, #tpu.memory_space<vmem>>, vector<16xf32>,
        %parallel_loop3A_601 = arith.mulf %parallel_loop3A_596, %parallel_loop3A_596 : vector<16xf32>
        %parallel_loop3A_602 = arith.addf %parallel_loop3A_578, %parallel_loop3A_601 : vector<16xf32>
        %parallel_loop3A_603 = arith.constant 1 : i32
        %parallel_loop3A_604 = arith.addi %parallel_loop3A_577, %parallel_loop3A_603 : i32
        %parallel_loop3A_605 = arith.constant 16 : i32
        %parallel_loop3A_606 = arith.muli %parallel_loop3A_604, %parallel_loop3A_605 : i32
        %parallel_loop3A_607 = arith.constant 5 : i32
        %parallel_loop3A_608 = arith.index_cast %parallel_loop3A_607 : i32 to index
        %parallel_loop3A_609 = arith.index_cast %parallel_loop3A_606 : i32 to index
        %parallel_loop3A_610 = tpu.vector_load %arg7[%parallel_loop3A_608, %parallel_loop3A_609] {strides = array<i32>} : memref<8x4096xf32, #tpu.memory_space<vmem>>, vector<16xf32>,
        %parallel_loop3A_611 = arith.mulf %parallel_loop3A_610, %parallel_loop3A_610 : vector<16xf32>
        %parallel_loop3A_612 = arith.subf %parallel_loop3A_610, %parallel_loop3A_611 : vector<16xf32>
        %parallel_loop3A_613 = arith.mulf %parallel_loop3A_612, %div3A_266 : vector<16xf32>
        %parallel_loop3A_614 = arith.constant 6 : i32
        %parallel_loop3A_615 = arith.index_cast %parallel_loop3A_614 : i32 to index
        %parallel_loop3A_616 = arith.index_cast %parallel_loop3A_606 : i32 to index
        %parallel_loop3A_617 = tpu.vector_load %arg7[%parallel_loop3A_615, %parallel_loop3A_616] {strides = array<i32>} : memref<8x4096xf32, #tpu.memory_space<vmem>>, vector<16xf32>,
        tpu.vector_store %arg7[%parallel_loop3A_615, %parallel_loop3A_616], %parallel_loop3A_613 {strides = array<i32>} : memref<8x4096xf32, #tpu.memory_space<vmem>>, vector<16xf32>,
        %parallel_loop3A_618 = arith.mulf %parallel_loop3A_613, %parallel_loop3A_613 : vector<16xf32>
        %parallel_loop3A_619 = arith.addf %parallel_loop3A_579, %parallel_loop3A_618 : vector<16xf32>
        %parallel_loop3A_620 = arith.constant 2 : i32
        %parallel_loop3A_621 = arith.addi %parallel_loop3A_577, %parallel_loop3A_620 : i32
        %parallel_loop3A_622 = arith.constant 16 : i32
        %parallel_loop3A_623 = arith.muli %parallel_loop3A_621, %parallel_loop3A_622 : i32
        %parallel_loop3A_624 = arith.constant 5 : i32
        %parallel_loop3A_625 = arith.index_cast %parallel_loop3A_624 : i32 to index
        %parallel_loop3A_626 = arith.index_cast %parallel_loop3A_623 : i32 to index
        %parallel_loop3A_627 = tpu.vector_load %arg7[%parallel_loop3A_625, %parallel_loop3A_626] {strides = array<i32>} : memref<8x4096xf32, #tpu.memory_space<vmem>>, vector<16xf32>,
        %parallel_loop3A_628 = arith.mulf %parallel_loop3A_627, %parallel_loop3A_627 : vector<16xf32>
        %parallel_loop3A_629 = arith.subf %parallel_loop3A_627, %parallel_loop3A_628 : vector<16xf32>
        %parallel_loop3A_630 = arith.mulf %parallel_loop3A_629, %div3A_266 : vector<16xf32>
        %parallel_loop3A_631 = arith.constant 6 : i32
        %parallel_loop3A_632 = arith.index_cast %parallel_loop3A_631 : i32 to index
        %parallel_loop3A_633 = arith.index_cast %parallel_loop3A_623 : i32 to index
        %parallel_loop3A_634 = tpu.vector_load %arg7[%parallel_loop3A_632, %parallel_loop3A_633] {strides = array<i32>} : memref<8x4096xf32, #tpu.memory_space<vmem>>, vector<16xf32>,
        tpu.vector_store %arg7[%parallel_loop3A_632, %parallel_loop3A_633], %parallel_loop3A_630 {strides = array<i32>} : memref<8x4096xf32, #tpu.memory_space<vmem>>, vector<16xf32>,
        %parallel_loop3A_635 = arith.mulf %parallel_loop3A_630, %parallel_loop3A_630 : vector<16xf32>
        %parallel_loop3A_636 = arith.addf %parallel_loop3A_580, %parallel_loop3A_635 : vector<16xf32>
        %parallel_loop3A_637 = arith.constant 3 : i32
        %parallel_loop3A_638 = arith.addi %parallel_loop3A_577, %parallel_loop3A_637 : i32
        %parallel_loop3A_639 = arith.constant 16 : i32
        %parallel_loop3A_640 = arith.muli %parallel_loop3A_638, %parallel_loop3A_639 : i32
        %parallel_loop3A_641 = arith.constant 5 : i32
        %parallel_loop3A_642 = arith.index_cast %parallel_loop3A_641 : i32 to index
        %parallel_loop3A_643 = arith.index_cast %parallel_loop3A_640 : i32 to index
        %parallel_loop3A_644 = tpu.vector_load %arg7[%parallel_loop3A_642, %parallel_loop3A_643] {strides = array<i32>} : memref<8x4096xf32, #tpu.memory_space<vmem>>, vector<16xf32>,
        %parallel_loop3A_645 = arith.mulf %parallel_loop3A_644, %parallel_loop3A_644 : vector<16xf32>
        %parallel_loop3A_646 = arith.subf %parallel_loop3A_644, %parallel_loop3A_645 : vector<16xf32>
        %parallel_loop3A_647 = arith.mulf %parallel_loop3A_646, %div3A_266 : vector<16xf32>
        %parallel_loop3A_648 = arith.constant 6 : i32
        %parallel_loop3A_649 = arith.index_cast %parallel_loop3A_648 : i32 to index
        %parallel_loop3A_650 = arith.index_cast %parallel_loop3A_640 : i32 to index
        %parallel_loop3A_651 = tpu.vector_load %arg7[%parallel_loop3A_649, %parallel_loop3A_650] {strides = array<i32>} : memref<8x4096xf32, #tpu.memory_space<vmem>>, vector<16xf32>,
        tpu.vector_store %arg7[%parallel_loop3A_649, %parallel_loop3A_650], %parallel_loop3A_647 {strides = array<i32>} : memref<8x4096xf32, #tpu.memory_space<vmem>>, vector<16xf32>,
        %parallel_loop3A_652 = arith.mulf %parallel_loop3A_647, %parallel_loop3A_647 : vector<16xf32>
        %parallel_loop3A_653 = arith.addf %parallel_loop3A_581, %parallel_loop3A_652 : vector<16xf32>
        %parallel_loop3A_654 = arith.constant 4 : i32
        %parallel_loop3A_655 = arith.addi %parallel_loop3A_577, %parallel_loop3A_654 : i32
        %parallel_loop3A_656 = arith.constant 16 : i32
        %parallel_loop3A_657 = arith.muli %parallel_loop3A_655, %parallel_loop3A_656 : i32
        %parallel_loop3A_658 = arith.constant 5 : i32
        %parallel_loop3A_659 = arith.index_cast %parallel_loop3A_658 : i32 to index
        %parallel_loop3A_660 = arith.index_cast %parallel_loop3A_657 : i32 to index
        %parallel_loop3A_661 = tpu.vector_load %arg7[%parallel_loop3A_659, %parallel_loop3A_660] {strides = array<i32>} : memref<8x4096xf32, #tpu.memory_space<vmem>>, vector<16xf32>,
        %parallel_loop3A_662 = arith.mulf %parallel_loop3A_661, %parallel_loop3A_661 : vector<16xf32>
        %parallel_loop3A_663 = arith.subf %parallel_loop3A_661, %parallel_loop3A_662 : vector<16xf32>
        %parallel_loop3A_664 = arith.mulf %parallel_loop3A_663, %div3A_266 : vector<16xf32>
        %parallel_loop3A_665 = arith.constant 6 : i32
        %parallel_loop3A_666 = arith.index_cast %parallel_loop3A_665 : i32 to index
        %parallel_loop3A_667 = arith.index_cast %parallel_loop3A_657 : i32 to index
        %parallel_loop3A_668 = tpu.vector_load %arg7[%parallel_loop3A_666, %parallel_loop3A_667] {strides = array<i32>} : memref<8x4096xf32, #tpu.memory_space<vmem>>, vector<16xf32>,
        tpu.vector_store %arg7[%parallel_loop3A_666, %parallel_loop3A_667], %parallel_loop3A_664 {strides = array<i32>} : memref<8x4096xf32, #tpu.memory_space<vmem>>, vector<16xf32>,
        %parallel_loop3A_669 = arith.mulf %parallel_loop3A_664, %parallel_loop3A_664 : vector<16xf32>
        %parallel_loop3A_670 = arith.addf %parallel_loop3A_582, %parallel_loop3A_669 : vector<16xf32>
        %parallel_loop3A_671 = arith.constant 5 : i32
        %parallel_loop3A_672 = arith.addi %parallel_loop3A_577, %parallel_loop3A_671 : i32
        %parallel_loop3A_673 = arith.constant 16 : i32
        %parallel_loop3A_674 = arith.muli %parallel_loop3A_672, %parallel_loop3A_673 : i32
        %parallel_loop3A_675 = arith.constant 5 : i32
        %parallel_loop3A_676 = arith.index_cast %parallel_loop3A_675 : i32 to index
        %parallel_loop3A_677 = arith.index_cast %parallel_loop3A_674 : i32 to index
        %parallel_loop3A_678 = tpu.vector_load %arg7[%parallel_loop3A_676, %parallel_loop3A_677] {strides = array<i32>} : memref<8x4096xf32, #tpu.memory_space<vmem>>, vector<16xf32>,
        %parallel_loop3A_679 = arith.mulf %parallel_loop3A_678, %parallel_loop3A_678 : vector<16xf32>
        %parallel_loop3A_680 = arith.subf %parallel_loop3A_678, %parallel_loop3A_679 : vector<16xf32>
        %parallel_loop3A_681 = arith.mulf %parallel_loop3A_680, %div3A_266 : vector<16xf32>
        %parallel_loop3A_682 = arith.constant 6 : i32
        %parallel_loop3A_683 = arith.index_cast %parallel_loop3A_682 : i32 to index
        %parallel_loop3A_684 = arith.index_cast %parallel_loop3A_674 : i32 to index
        %parallel_loop3A_685 = tpu.vector_load %arg7[%parallel_loop3A_683, %parallel_loop3A_684] {strides = array<i32>} : memref<8x4096xf32, #tpu.memory_space<vmem>>, vector<16xf32>,
        tpu.vector_store %arg7[%parallel_loop3A_683, %parallel_loop3A_684], %parallel_loop3A_681 {strides = array<i32>} : memref<8x4096xf32, #tpu.memory_space<vmem>>, vector<16xf32>,
        %parallel_loop3A_686 = arith.mulf %parallel_loop3A_681, %parallel_loop3A_681 : vector<16xf32>
        %parallel_loop3A_687 = arith.addf %parallel_loop3A_583, %parallel_loop3A_686 : vector<16xf32>
        %parallel_loop3A_688 = arith.constant 6 : i32
        %parallel_loop3A_689 = arith.addi %parallel_loop3A_577, %parallel_loop3A_688 : i32
        %parallel_loop3A_690 = arith.constant 16 : i32
        %parallel_loop3A_691 = arith.muli %parallel_loop3A_689, %parallel_loop3A_690 : i32
        %parallel_loop3A_692 = arith.constant 5 : i32
        %parallel_loop3A_693 = arith.index_cast %parallel_loop3A_692 : i32 to index
        %parallel_loop3A_694 = arith.index_cast %parallel_loop3A_691 : i32 to index
        %parallel_loop3A_695 = tpu.vector_load %arg7[%parallel_loop3A_693, %parallel_loop3A_694] {strides = array<i32>} : memref<8x4096xf32, #tpu.memory_space<vmem>>, vector<16xf32>,
        %parallel_loop3A_696 = arith.mulf %parallel_loop3A_695, %parallel_loop3A_695 : vector<16xf32>
        %parallel_loop3A_697 = arith.subf %parallel_loop3A_695, %parallel_loop3A_696 : vector<16xf32>
        %parallel_loop3A_698 = arith.mulf %parallel_loop3A_697, %div3A_266 : vector<16xf32>
        %parallel_loop3A_699 = arith.constant 6 : i32
        %parallel_loop3A_700 = arith.index_cast %parallel_loop3A_699 : i32 to index
        %parallel_loop3A_701 = arith.index_cast %parallel_loop3A_691 : i32 to index
        %parallel_loop3A_702 = tpu.vector_load %arg7[%parallel_loop3A_700, %parallel_loop3A_701] {strides = array<i32>} : memref<8x4096xf32, #tpu.memory_space<vmem>>, vector<16xf32>,
        tpu.vector_store %arg7[%parallel_loop3A_700, %parallel_loop3A_701], %parallel_loop3A_698 {strides = array<i32>} : memref<8x4096xf32, #tpu.memory_space<vmem>>, vector<16xf32>,
        %parallel_loop3A_703 = arith.mulf %parallel_loop3A_698, %parallel_loop3A_698 : vector<16xf32>
        %parallel_loop3A_704 = arith.addf %parallel_loop3A_584, %parallel_loop3A_703 : vector<16xf32>
        %parallel_loop3A_705 = arith.constant 7 : i32
        %parallel_loop3A_706 = arith.addi %parallel_loop3A_577, %parallel_loop3A_705 : i32
        %parallel_loop3A_707 = arith.constant 16 : i32
        %parallel_loop3A_708 = arith.muli %parallel_loop3A_706, %parallel_loop3A_707 : i32
        %parallel_loop3A_709 = arith.constant 5 : i32
        %parallel_loop3A_710 = arith.index_cast %parallel_loop3A_709 : i32 to index
        %parallel_loop3A_711 = arith.index_cast %parallel_loop3A_708 : i32 to index
        %parallel_loop3A_712 = tpu.vector_load %arg7[%parallel_loop3A_710, %parallel_loop3A_711] {strides = array<i32>} : memref<8x4096xf32, #tpu.memory_space<vmem>>, vector<16xf32>,
        %parallel_loop3A_713 = arith.mulf %parallel_loop3A_712, %parallel_loop3A_712 : vector<16xf32>
        %parallel_loop3A_714 = arith.subf %parallel_loop3A_712, %parallel_loop3A_713 : vector<16xf32>
        %parallel_loop3A_715 = arith.mulf %parallel_loop3A_714, %div3A_266 : vector<16xf32>
        %parallel_loop3A_716 = arith.constant 6 : i32
        %parallel_loop3A_717 = arith.index_cast %parallel_loop3A_716 : i32 to index
        %parallel_loop3A_718 = arith.index_cast %parallel_loop3A_708 : i32 to index
        %parallel_loop3A_719 = tpu.vector_load %arg7[%parallel_loop3A_717, %parallel_loop3A_718] {strides = array<i32>} : memref<8x4096xf32, #tpu.memory_space<vmem>>, vector<16xf32>,
        tpu.vector_store %arg7[%parallel_loop3A_717, %parallel_loop3A_718], %parallel_loop3A_715 {strides = array<i32>} : memref<8x4096xf32, #tpu.memory_space<vmem>>, vector<16xf32>,
        %parallel_loop3A_720 = arith.mulf %parallel_loop3A_715, %parallel_loop3A_715 : vector<16xf32>
        %parallel_loop3A_721 = arith.addf %parallel_loop3A_585, %parallel_loop3A_720 : vector<16xf32>
        scf.yield %parallel_loop3A_602, %parallel_loop3A_619, %parallel_loop3A_636, %parallel_loop3A_653, %parallel_loop3A_670, %parallel_loop3A_687, %parallel_loop3A_704, %parallel_loop3A_721 : vector<16xf32>, vector<16xf32>, vector<16xf32>, vector<16xf32>, vector<16xf32>, vector<16xf32>, vector<16xf32>, vector<16xf32>
      } {sc.loop_unroll_factor = 1 : i64, sc.parallel_access}
      %add3A_271 = arith.addf %parallel_loop3A_270#0, %parallel_loop3A_270#1 : vector<16xf32>
      %add3A_272 = arith.addf %add3A_271, %parallel_loop3A_270#2 : vector<16xf32>
      %add3A_273 = arith.addf %add3A_272, %parallel_loop3A_270#3 : vector<16xf32>
      %add3A_274 = arith.addf %add3A_273, %parallel_loop3A_270#4 : vector<16xf32>
      %add3A_275 = arith.addf %add3A_274, %parallel_loop3A_270#5 : vector<16xf32>
      %add3A_276 = arith.addf %add3A_275, %parallel_loop3A_270#6 : vector<16xf32>
      %add3A_277 = arith.addf %add3A_276, %parallel_loop3A_270#7 : vector<16xf32>
      %reduce_sum3A_278 = arith.constant true
      %reduce_sum3A_279 = vector.broadcast %reduce_sum3A_278 : i1 to vector<16xi1>
      %reduce_sum3A_280 = tpu.scan <sum>, %add3A_277 masked %reduce_sum3A_279 : vector<16xf32>, vector<16xi1> -> vector<16xf32>
      %reduce_sum3A_281 = vector.extract %reduce_sum3A_280[15] : f32 from vector<16xf32>
      %sub3A_282 = arith.constant 1.000000e+00 : f32
      %sub3A_283 = arith.subf %sub3A_282, %reduce_sum3A_281 : f32
      %div3A_284 = vector.broadcast %sub3A_283 : f32 to vector<16xf32>
      %div3A_285 = arith.divf %broadcast_in_dim3A_3, %div3A_284 : vector<16xf32>
      %parallel_loop3A_286 = arith.constant 0 : i32
      %parallel_loop3A_287 = arith.constant 256 : i32
      %parallel_loop3A_288 = arith.constant 8 : i32
      %parallel_loop3A_289:8 = scf.for %parallel_loop3A_577 = %parallel_loop3A_286 to %parallel_loop3A_287 step %parallel_loop3A_288 iter_args(%parallel_loop3A_578 = %broadcast_in_dim3A_1, %parallel_loop3A_579 = %broadcast_in_dim3A_1, %parallel_loop3A_580 = %broadcast_in_dim3A_1, %parallel_loop3A_581 = %broadcast_in_dim3A_1, %parallel_loop3A_582 = %broadcast_in_dim3A_1, %parallel_loop3A_583 = %broadcast_in_dim3A_1, %parallel_loop3A_584 = %broadcast_in_dim3A_1, %parallel_loop3A_585 = %broadcast_in_dim3A_1) -> (vector<16xf32>, vector<16xf32>, vector<16xf32>, vector<16xf32>, vector<16xf32>, vector<16xf32>, vector<16xf32>, vector<16xf32>)  : i32 {
        %parallel_loop3A_586 = arith.constant 0 : i32
        %parallel_loop3A_587 = arith.addi %parallel_loop3A_577, %parallel_loop3A_586 : i32
        %parallel_loop3A_588 = arith.constant 16 : i32
        %parallel_loop3A_589 = arith.muli %parallel_loop3A_587, %parallel_loop3A_588 : i32
        %parallel_loop3A_590 = arith.constant 6 : i32
        %parallel_loop3A_591 = arith.index_cast %parallel_loop3A_590 : i32 to index
        %parallel_loop3A_592 = arith.index_cast %parallel_loop3A_589 : i32 to index
        %parallel_loop3A_593 = tpu.vector_load %arg7[%parallel_loop3A_591, %parallel_loop3A_592] {strides = array<i32>} : memref<8x4096xf32, #tpu.memory_space<vmem>>, vector<16xf32>,
        %parallel_loop3A_594 = arith.mulf %parallel_loop3A_593, %parallel_loop3A_593 : vector<16xf32>
        %parallel_loop3A_595 = arith.subf %parallel_loop3A_593, %parallel_loop3A_594 : vector<16xf32>
        %parallel_loop3A_596 = arith.mulf %parallel_loop3A_595, %div3A_285 : vector<16xf32>
        %parallel_loop3A_597 = arith.constant 7 : i32
        %parallel_loop3A_598 = arith.index_cast %parallel_loop3A_597 : i32 to index
        %parallel_loop3A_599 = arith.index_cast %parallel_loop3A_589 : i32 to index
        %parallel_loop3A_600 = tpu.vector_load %arg7[%parallel_loop3A_598, %parallel_loop3A_599] {strides = array<i32>} : memref<8x4096xf32, #tpu.memory_space<vmem>>, vector<16xf32>,
        tpu.vector_store %arg7[%parallel_loop3A_598, %parallel_loop3A_599], %parallel_loop3A_596 {strides = array<i32>} : memref<8x4096xf32, #tpu.memory_space<vmem>>, vector<16xf32>,
        %parallel_loop3A_601 = arith.constant 1 : i32
        %parallel_loop3A_602 = arith.addi %parallel_loop3A_577, %parallel_loop3A_601 : i32
        %parallel_loop3A_603 = arith.constant 16 : i32
        %parallel_loop3A_604 = arith.muli %parallel_loop3A_602, %parallel_loop3A_603 : i32
        %parallel_loop3A_605 = arith.constant 6 : i32
        %parallel_loop3A_606 = arith.index_cast %parallel_loop3A_605 : i32 to index
        %parallel_loop3A_607 = arith.index_cast %parallel_loop3A_604 : i32 to index
        %parallel_loop3A_608 = tpu.vector_load %arg7[%parallel_loop3A_606, %parallel_loop3A_607] {strides = array<i32>} : memref<8x4096xf32, #tpu.memory_space<vmem>>, vector<16xf32>,
        %parallel_loop3A_609 = arith.mulf %parallel_loop3A_608, %parallel_loop3A_608 : vector<16xf32>
        %parallel_loop3A_610 = arith.subf %parallel_loop3A_608, %parallel_loop3A_609 : vector<16xf32>
        %parallel_loop3A_611 = arith.mulf %parallel_loop3A_610, %div3A_285 : vector<16xf32>
        %parallel_loop3A_612 = arith.constant 7 : i32
        %parallel_loop3A_613 = arith.index_cast %parallel_loop3A_612 : i32 to index
        %parallel_loop3A_614 = arith.index_cast %parallel_loop3A_604 : i32 to index
        %parallel_loop3A_615 = tpu.vector_load %arg7[%parallel_loop3A_613, %parallel_loop3A_614] {strides = array<i32>} : memref<8x4096xf32, #tpu.memory_space<vmem>>, vector<16xf32>,
        tpu.vector_store %arg7[%parallel_loop3A_613, %parallel_loop3A_614], %parallel_loop3A_611 {strides = array<i32>} : memref<8x4096xf32, #tpu.memory_space<vmem>>, vector<16xf32>,
        %parallel_loop3A_616 = arith.constant 2 : i32
        %parallel_loop3A_617 = arith.addi %parallel_loop3A_577, %parallel_loop3A_616 : i32
        %parallel_loop3A_618 = arith.constant 16 : i32
        %parallel_loop3A_619 = arith.muli %parallel_loop3A_617, %parallel_loop3A_618 : i32
        %parallel_loop3A_620 = arith.constant 6 : i32
        %parallel_loop3A_621 = arith.index_cast %parallel_loop3A_620 : i32 to index
        %parallel_loop3A_622 = arith.index_cast %parallel_loop3A_619 : i32 to index
        %parallel_loop3A_623 = tpu.vector_load %arg7[%parallel_loop3A_621, %parallel_loop3A_622] {strides = array<i32>} : memref<8x4096xf32, #tpu.memory_space<vmem>>, vector<16xf32>,
        %parallel_loop3A_624 = arith.mulf %parallel_loop3A_623, %parallel_loop3A_623 : vector<16xf32>
        %parallel_loop3A_625 = arith.subf %parallel_loop3A_623, %parallel_loop3A_624 : vector<16xf32>
        %parallel_loop3A_626 = arith.mulf %parallel_loop3A_625, %div3A_285 : vector<16xf32>
        %parallel_loop3A_627 = arith.constant 7 : i32
        %parallel_loop3A_628 = arith.index_cast %parallel_loop3A_627 : i32 to index
        %parallel_loop3A_629 = arith.index_cast %parallel_loop3A_619 : i32 to index
        %parallel_loop3A_630 = tpu.vector_load %arg7[%parallel_loop3A_628, %parallel_loop3A_629] {strides = array<i32>} : memref<8x4096xf32, #tpu.memory_space<vmem>>, vector<16xf32>,
        tpu.vector_store %arg7[%parallel_loop3A_628, %parallel_loop3A_629], %parallel_loop3A_626 {strides = array<i32>} : memref<8x4096xf32, #tpu.memory_space<vmem>>, vector<16xf32>,
        %parallel_loop3A_631 = arith.constant 3 : i32
        %parallel_loop3A_632 = arith.addi %parallel_loop3A_577, %parallel_loop3A_631 : i32
        %parallel_loop3A_633 = arith.constant 16 : i32
        %parallel_loop3A_634 = arith.muli %parallel_loop3A_632, %parallel_loop3A_633 : i32
        %parallel_loop3A_635 = arith.constant 6 : i32
        %parallel_loop3A_636 = arith.index_cast %parallel_loop3A_635 : i32 to index
        %parallel_loop3A_637 = arith.index_cast %parallel_loop3A_634 : i32 to index
        %parallel_loop3A_638 = tpu.vector_load %arg7[%parallel_loop3A_636, %parallel_loop3A_637] {strides = array<i32>} : memref<8x4096xf32, #tpu.memory_space<vmem>>, vector<16xf32>,
        %parallel_loop3A_639 = arith.mulf %parallel_loop3A_638, %parallel_loop3A_638 : vector<16xf32>
        %parallel_loop3A_640 = arith.subf %parallel_loop3A_638, %parallel_loop3A_639 : vector<16xf32>
        %parallel_loop3A_641 = arith.mulf %parallel_loop3A_640, %div3A_285 : vector<16xf32>
        %parallel_loop3A_642 = arith.constant 7 : i32
        %parallel_loop3A_643 = arith.index_cast %parallel_loop3A_642 : i32 to index
        %parallel_loop3A_644 = arith.index_cast %parallel_loop3A_634 : i32 to index
        %parallel_loop3A_645 = tpu.vector_load %arg7[%parallel_loop3A_643, %parallel_loop3A_644] {strides = array<i32>} : memref<8x4096xf32, #tpu.memory_space<vmem>>, vector<16xf32>,
        tpu.vector_store %arg7[%parallel_loop3A_643, %parallel_loop3A_644], %parallel_loop3A_641 {strides = array<i32>} : memref<8x4096xf32, #tpu.memory_space<vmem>>, vector<16xf32>,
        %parallel_loop3A_646 = arith.constant 4 : i32
        %parallel_loop3A_647 = arith.addi %parallel_loop3A_577, %parallel_loop3A_646 : i32
        %parallel_loop3A_648 = arith.constant 16 : i32
        %parallel_loop3A_649 = arith.muli %parallel_loop3A_647, %parallel_loop3A_648 : i32
        %parallel_loop3A_650 = arith.constant 6 : i32
        %parallel_loop3A_651 = arith.index_cast %parallel_loop3A_650 : i32 to index
        %parallel_loop3A_652 = arith.index_cast %parallel_loop3A_649 : i32 to index
        %parallel_loop3A_653 = tpu.vector_load %arg7[%parallel_loop3A_651, %parallel_loop3A_652] {strides = array<i32>} : memref<8x4096xf32, #tpu.memory_space<vmem>>, vector<16xf32>,
        %parallel_loop3A_654 = arith.mulf %parallel_loop3A_653, %parallel_loop3A_653 : vector<16xf32>
        %parallel_loop3A_655 = arith.subf %parallel_loop3A_653, %parallel_loop3A_654 : vector<16xf32>
        %parallel_loop3A_656 = arith.mulf %parallel_loop3A_655, %div3A_285 : vector<16xf32>
        %parallel_loop3A_657 = arith.constant 7 : i32
        %parallel_loop3A_658 = arith.index_cast %parallel_loop3A_657 : i32 to index
        %parallel_loop3A_659 = arith.index_cast %parallel_loop3A_649 : i32 to index
        %parallel_loop3A_660 = tpu.vector_load %arg7[%parallel_loop3A_658, %parallel_loop3A_659] {strides = array<i32>} : memref<8x4096xf32, #tpu.memory_space<vmem>>, vector<16xf32>,
        tpu.vector_store %arg7[%parallel_loop3A_658, %parallel_loop3A_659], %parallel_loop3A_656 {strides = array<i32>} : memref<8x4096xf32, #tpu.memory_space<vmem>>, vector<16xf32>,
        %parallel_loop3A_661 = arith.constant 5 : i32
        %parallel_loop3A_662 = arith.addi %parallel_loop3A_577, %parallel_loop3A_661 : i32
        %parallel_loop3A_663 = arith.constant 16 : i32
        %parallel_loop3A_664 = arith.muli %parallel_loop3A_662, %parallel_loop3A_663 : i32
        %parallel_loop3A_665 = arith.constant 6 : i32
        %parallel_loop3A_666 = arith.index_cast %parallel_loop3A_665 : i32 to index
        %parallel_loop3A_667 = arith.index_cast %parallel_loop3A_664 : i32 to index
        %parallel_loop3A_668 = tpu.vector_load %arg7[%parallel_loop3A_666, %parallel_loop3A_667] {strides = array<i32>} : memref<8x4096xf32, #tpu.memory_space<vmem>>, vector<16xf32>,
        %parallel_loop3A_669 = arith.mulf %parallel_loop3A_668, %parallel_loop3A_668 : vector<16xf32>
        %parallel_loop3A_670 = arith.subf %parallel_loop3A_668, %parallel_loop3A_669 : vector<16xf32>
        %parallel_loop3A_671 = arith.mulf %parallel_loop3A_670, %div3A_285 : vector<16xf32>
        %parallel_loop3A_672 = arith.constant 7 : i32
        %parallel_loop3A_673 = arith.index_cast %parallel_loop3A_672 : i32 to index
        %parallel_loop3A_674 = arith.index_cast %parallel_loop3A_664 : i32 to index
        %parallel_loop3A_675 = tpu.vector_load %arg7[%parallel_loop3A_673, %parallel_loop3A_674] {strides = array<i32>} : memref<8x4096xf32, #tpu.memory_space<vmem>>, vector<16xf32>,
        tpu.vector_store %arg7[%parallel_loop3A_673, %parallel_loop3A_674], %parallel_loop3A_671 {strides = array<i32>} : memref<8x4096xf32, #tpu.memory_space<vmem>>, vector<16xf32>,
        %parallel_loop3A_676 = arith.constant 6 : i32
        %parallel_loop3A_677 = arith.addi %parallel_loop3A_577, %parallel_loop3A_676 : i32
        %parallel_loop3A_678 = arith.constant 16 : i32
        %parallel_loop3A_679 = arith.muli %parallel_loop3A_677, %parallel_loop3A_678 : i32
        %parallel_loop3A_680 = arith.constant 6 : i32
        %parallel_loop3A_681 = arith.index_cast %parallel_loop3A_680 : i32 to index
        %parallel_loop3A_682 = arith.index_cast %parallel_loop3A_679 : i32 to index
        %parallel_loop3A_683 = tpu.vector_load %arg7[%parallel_loop3A_681, %parallel_loop3A_682] {strides = array<i32>} : memref<8x4096xf32, #tpu.memory_space<vmem>>, vector<16xf32>,
        %parallel_loop3A_684 = arith.mulf %parallel_loop3A_683, %parallel_loop3A_683 : vector<16xf32>
        %parallel_loop3A_685 = arith.subf %parallel_loop3A_683, %parallel_loop3A_684 : vector<16xf32>
        %parallel_loop3A_686 = arith.mulf %parallel_loop3A_685, %div3A_285 : vector<16xf32>
        %parallel_loop3A_687 = arith.constant 7 : i32
        %parallel_loop3A_688 = arith.index_cast %parallel_loop3A_687 : i32 to index
        %parallel_loop3A_689 = arith.index_cast %parallel_loop3A_679 : i32 to index
        %parallel_loop3A_690 = tpu.vector_load %arg7[%parallel_loop3A_688, %parallel_loop3A_689] {strides = array<i32>} : memref<8x4096xf32, #tpu.memory_space<vmem>>, vector<16xf32>,
        tpu.vector_store %arg7[%parallel_loop3A_688, %parallel_loop3A_689], %parallel_loop3A_686 {strides = array<i32>} : memref<8x4096xf32, #tpu.memory_space<vmem>>, vector<16xf32>,
        %parallel_loop3A_691 = arith.constant 7 : i32
        %parallel_loop3A_692 = arith.addi %parallel_loop3A_577, %parallel_loop3A_691 : i32
        %parallel_loop3A_693 = arith.constant 16 : i32
        %parallel_loop3A_694 = arith.muli %parallel_loop3A_692, %parallel_loop3A_693 : i32
        %parallel_loop3A_695 = arith.constant 6 : i32
        %parallel_loop3A_696 = arith.index_cast %parallel_loop3A_695 : i32 to index
        %parallel_loop3A_697 = arith.index_cast %parallel_loop3A_694 : i32 to index
        %parallel_loop3A_698 = tpu.vector_load %arg7[%parallel_loop3A_696, %parallel_loop3A_697] {strides = array<i32>} : memref<8x4096xf32, #tpu.memory_space<vmem>>, vector<16xf32>,
        %parallel_loop3A_699 = arith.mulf %parallel_loop3A_698, %parallel_loop3A_698 : vector<16xf32>
        %parallel_loop3A_700 = arith.subf %parallel_loop3A_698, %parallel_loop3A_699 : vector<16xf32>
        %parallel_loop3A_701 = arith.mulf %parallel_loop3A_700, %div3A_285 : vector<16xf32>
        %parallel_loop3A_702 = arith.constant 7 : i32
        %parallel_loop3A_703 = arith.index_cast %parallel_loop3A_702 : i32 to index
        %parallel_loop3A_704 = arith.index_cast %parallel_loop3A_694 : i32 to index
        %parallel_loop3A_705 = tpu.vector_load %arg7[%parallel_loop3A_703, %parallel_loop3A_704] {strides = array<i32>} : memref<8x4096xf32, #tpu.memory_space<vmem>>, vector<16xf32>,
        tpu.vector_store %arg7[%parallel_loop3A_703, %parallel_loop3A_704], %parallel_loop3A_701 {strides = array<i32>} : memref<8x4096xf32, #tpu.memory_space<vmem>>, vector<16xf32>,
        scf.yield %parallel_loop3A_578, %parallel_loop3A_579, %parallel_loop3A_580, %parallel_loop3A_581, %parallel_loop3A_582, %parallel_loop3A_583, %parallel_loop3A_584, %parallel_loop3A_585 : vector<16xf32>, vector<16xf32>, vector<16xf32>, vector<16xf32>, vector<16xf32>, vector<16xf32>, vector<16xf32>, vector<16xf32>
      } {sc.loop_unroll_factor = 1 : i64, sc.parallel_access}
      %dma_start3A_290 = arith.constant 4 : i32
      %dma_start3A_291 = arith.constant 0 : i32
      %dma_start3A_292 = tpu.memref_slice %arg7[%dma_start3A_290, %dma_start3A_291] : memref<8x4096xf32, #tpu.memory_space<vmem>> -> memref<4x4096xf32, #tpu.memory_space<vmem>>
      %dma_start3A_293 = arith.constant 4 : i32
      %dma_start3A_294 = arith.constant 0 : i32
      %dma_start3A_295 = tpu.memref_slice %arg3[%shift_right_arithmetic3A_74, %and3A_78, %and3A_80, %dma_start3A_293, %dma_start3A_294] : memref<16x8x4x8x4096xf32, #tpu.memory_space<hbm>> -> memref<1x1x1x4x4096xf32, #tpu.memory_space<hbm>>
      %dma_start3A_296 = tpu.memref_squeeze %dma_start3A_295 : memref<1x1x1x4x4096xf32, #tpu.memory_space<hbm>> -> memref<4x4096xf32, #tpu.memory_space<hbm>>
      %dma_start3A_297 = arith.constant 4 : i32
      %dma_start3A_298 = arith.constant 0 : i32
      %dma_start3A_299 = tpu.memref_slice %arg3[%shift_right_arithmetic3A_74, %and3A_78, %and3A_80, %dma_start3A_297, %dma_start3A_298] : memref<16x8x4x8x4096xf32, #tpu.memory_space<hbm>> -> memref<1x1x1x4x4096xf32, #tpu.memory_space<hbm>>
      %dma_start3A_300 = tpu.memref_squeeze %dma_start3A_299 : memref<1x1x1x4x4096xf32, #tpu.memory_space<hbm>> -> memref<4x4096xf32, #tpu.memory_space<hbm>>
      %dma_start3A_301 = arith.constant 4 : i32
      %dma_start3A_302 = arith.constant 0 : i32
      %dma_start3A_303 = tpu.memref_slice %arg7[%dma_start3A_301, %dma_start3A_302] : memref<8x4096xf32, #tpu.memory_space<vmem>> -> memref<4x4096xf32, #tpu.memory_space<vmem>>
      tpu.enqueue_dma source(%dma_start3A_303 : memref<4x4096xf32, #tpu.memory_space<vmem>>) target(%dma_start3A_300 : memref<4x4096xf32, #tpu.memory_space<hbm>>) target_semaphore(%arg9 : memref<!tpu.dma_semaphore, #tpu.memory_space<semaphore_mem>>)
      %add3A_304 = arith.addf %parallel_loop3A_289#0, %parallel_loop3A_289#1 : vector<16xf32>
      %add3A_305 = arith.addf %add3A_304, %parallel_loop3A_289#2 : vector<16xf32>
      %add3A_306 = arith.addf %add3A_305, %parallel_loop3A_289#3 : vector<16xf32>
      %add3A_307 = arith.addf %add3A_306, %parallel_loop3A_289#4 : vector<16xf32>
      %add3A_308 = arith.addf %add3A_307, %parallel_loop3A_289#5 : vector<16xf32>
      %add3A_309 = arith.addf %add3A_308, %parallel_loop3A_289#6 : vector<16xf32>
      %add3A_310 = arith.addf %add3A_309, %parallel_loop3A_289#7 : vector<16xf32>
      %reduce_sum3A_311 = arith.constant true
      %reduce_sum3A_312 = vector.broadcast %reduce_sum3A_311 : i1 to vector<16xi1>
      %reduce_sum3A_313 = tpu.scan <sum>, %add3A_310 masked %reduce_sum3A_312 : vector<16xf32>, vector<16xi1> -> vector<16xf32>
      %reduce_sum3A_314 = vector.extract %reduce_sum3A_313[15] : f32 from vector<16xf32>
      %sub3A_315 = arith.constant 1.000000e+00 : f32
      %sub3A_316 = arith.subf %sub3A_315, %reduce_sum3A_314 : f32
      %mul3A_317 = arith.constant 2 : i32
      %mul3A_318 = arith.muli %mul3A_317, %scan3A_67 : i32
      %add3A_319 = arith.constant 1 : i32
      %add3A_320 = arith.addi %mul3A_318, %add3A_319 : i32
      %mul3A_321 = arith.constant 16 : i32
      %mul3A_322 = arith.muli %add3A, %mul3A_321 : i32
      %add3A_323 = arith.addi %mul3A_322, %add3A_320 : i32
      %shift_right_arithmetic3A_324 = arith.constant 5 : i32
      %shift_right_arithmetic3A_325 = arith.shrsi %add3A_323, %shift_right_arithmetic3A_324 : i32
      %shift_right_arithmetic3A_326 = arith.constant 2 : i32
      %shift_right_arithmetic3A_327 = arith.shrsi %add3A_323, %shift_right_arithmetic3A_326 : i32
      %and3A_328 = arith.constant 7 : i32
      %and3A_329 = arith.andi %shift_right_arithmetic3A_327, %and3A_328 : i32
      %and3A_330 = arith.constant 3 : i32
      %and3A_331 = arith.andi %add3A_323, %and3A_330 : i32
      %dma_wait3A_332 = arith.constant 0 : i32
      %dma_wait3A_333 = arith.constant 0 : i32
      %dma_wait3A_334 = arith.constant 0 : i32
      %dma_wait3A_335 = arith.constant 0 : i32
      %dma_wait3A_336 = tpu.memref_slice %arg2[%dma_wait3A_332, %dma_wait3A_333, %dma_wait3A_334, %dma_wait3A_335] : memref<16x8x4x4096xf32, #tpu.memory_space<hbm>> -> memref<1x1x1x4096xf32, #tpu.memory_space<hbm>>
      %dma_wait3A_337 = tpu.memref_squeeze %dma_wait3A_336 : memref<1x1x1x4096xf32, #tpu.memory_space<hbm>> -> memref<4096xf32, #tpu.memory_space<hbm>>
      %dma_wait3A_338 = arith.constant 0 : i32
      %dma_wait3A_339 = tpu.memref_slice %arg2[%dma_wait3A_332, %dma_wait3A_333, %dma_wait3A_334, %dma_wait3A_338] : memref<16x8x4x4096xf32, #tpu.memory_space<hbm>> -> memref<1x1x1x4096xf32, #tpu.memory_space<hbm>>
      %dma_wait3A_340 = tpu.memref_squeeze %dma_wait3A_339 : memref<1x1x1x4096xf32, #tpu.memory_space<hbm>> -> memref<4096xf32, #tpu.memory_space<hbm>>
      tpu.wait_dma2 semaphore(%arg8 : memref<!tpu.dma_semaphore, #tpu.memory_space<semaphore_mem>>) src(%dma_wait3A_340 : memref<4096xf32, #tpu.memory_space<hbm>>) dst(%arg5 : memref<4096xf32, #tpu.memory_space<vmem>>)
      %add3A_341 = arith.constant 1 : i32
      %add3A_342 = arith.addi %add3A_320, %add3A_341 : i32
      %mul3A_343 = arith.constant 16 : i32
      %mul3A_344 = arith.muli %add3A, %mul3A_343 : i32
      %min3A_345 = arith.constant 15 : i32
      %min3A_346 = arith.minsi %add3A_342, %min3A_345 : i32
      %add3A_347 = arith.addi %mul3A_344, %min3A_346 : i32
      %shift_right_arithmetic3A_348 = arith.constant 5 : i32
      %shift_right_arithmetic3A_349 = arith.shrsi %add3A_347, %shift_right_arithmetic3A_348 : i32
      %shift_right_arithmetic3A_350 = arith.constant 2 : i32
      %shift_right_arithmetic3A_351 = arith.shrsi %add3A_347, %shift_right_arithmetic3A_350 : i32
      %and3A_352 = arith.constant 7 : i32
      %and3A_353 = arith.andi %shift_right_arithmetic3A_351, %and3A_352 : i32
      %and3A_354 = arith.constant 3 : i32
      %and3A_355 = arith.andi %add3A_347, %and3A_354 : i32
      %dma_start3A_356 = arith.constant 0 : i32
      %dma_start3A_357 = tpu.memref_slice %arg2[%shift_right_arithmetic3A_349, %and3A_353, %and3A_355, %dma_start3A_356] : memref<16x8x4x4096xf32, #tpu.memory_space<hbm>> -> memref<1x1x1x4096xf32, #tpu.memory_space<hbm>>
      %dma_start3A_358 = tpu.memref_squeeze %dma_start3A_357 : memref<1x1x1x4096xf32, #tpu.memory_space<hbm>> -> memref<4096xf32, #tpu.memory_space<hbm>>
      %dma_start3A_359 = arith.constant 0 : i32
      %dma_start3A_360 = tpu.memref_slice %arg2[%shift_right_arithmetic3A_349, %and3A_353, %and3A_355, %dma_start3A_359] : memref<16x8x4x4096xf32, #tpu.memory_space<hbm>> -> memref<1x1x1x4096xf32, #tpu.memory_space<hbm>>
      %dma_start3A_361 = tpu.memref_squeeze %dma_start3A_360 : memref<1x1x1x4096xf32, #tpu.memory_space<hbm>> -> memref<4096xf32, #tpu.memory_space<hbm>>
      tpu.enqueue_dma source(%dma_start3A_361 : memref<4096xf32, #tpu.memory_space<hbm>>) target(%arg4 : memref<4096xf32, #tpu.memory_space<vmem>>) target_semaphore(%arg8 : memref<!tpu.dma_semaphore, #tpu.memory_space<semaphore_mem>>)
      %parallel_loop3A_362 = arith.constant 0 : i32
      %parallel_loop3A_363 = arith.constant 256 : i32
      %parallel_loop3A_364 = arith.constant 8 : i32
      %parallel_loop3A_365:8 = scf.for %parallel_loop3A_577 = %parallel_loop3A_362 to %parallel_loop3A_363 step %parallel_loop3A_364 iter_args(%parallel_loop3A_578 = %broadcast_in_dim3A_1, %parallel_loop3A_579 = %broadcast_in_dim3A_1, %parallel_loop3A_580 = %broadcast_in_dim3A_1, %parallel_loop3A_581 = %broadcast_in_dim3A_1, %parallel_loop3A_582 = %broadcast_in_dim3A_1, %parallel_loop3A_583 = %broadcast_in_dim3A_1, %parallel_loop3A_584 = %broadcast_in_dim3A_1, %parallel_loop3A_585 = %broadcast_in_dim3A_1) -> (vector<16xf32>, vector<16xf32>, vector<16xf32>, vector<16xf32>, vector<16xf32>, vector<16xf32>, vector<16xf32>, vector<16xf32>)  : i32 {
        %parallel_loop3A_586 = arith.constant 0 : i32
        %parallel_loop3A_587 = arith.addi %parallel_loop3A_577, %parallel_loop3A_586 : i32
        %parallel_loop3A_588 = arith.constant 16 : i32
        %parallel_loop3A_589 = arith.muli %parallel_loop3A_587, %parallel_loop3A_588 : i32
        %parallel_loop3A_590 = arith.index_cast %parallel_loop3A_589 : i32 to index
        %parallel_loop3A_591 = tpu.vector_load %arg5[%parallel_loop3A_590] {strides = array<i32>} : memref<4096xf32, #tpu.memory_space<vmem>>, vector<16xf32>,
        %parallel_loop3A_592 = arith.maximumf %parallel_loop3A_578, %parallel_loop3A_591 : vector<16xf32>
        %parallel_loop3A_593 = arith.constant 1 : i32
        %parallel_loop3A_594 = arith.addi %parallel_loop3A_577, %parallel_loop3A_593 : i32
        %parallel_loop3A_595 = arith.constant 16 : i32
        %parallel_loop3A_596 = arith.muli %parallel_loop3A_594, %parallel_loop3A_595 : i32
        %parallel_loop3A_597 = arith.index_cast %parallel_loop3A_596 : i32 to index
        %parallel_loop3A_598 = tpu.vector_load %arg5[%parallel_loop3A_597] {strides = array<i32>} : memref<4096xf32, #tpu.memory_space<vmem>>, vector<16xf32>,
        %parallel_loop3A_599 = arith.maximumf %parallel_loop3A_579, %parallel_loop3A_598 : vector<16xf32>
        %parallel_loop3A_600 = arith.constant 2 : i32
        %parallel_loop3A_601 = arith.addi %parallel_loop3A_577, %parallel_loop3A_600 : i32
        %parallel_loop3A_602 = arith.constant 16 : i32
        %parallel_loop3A_603 = arith.muli %parallel_loop3A_601, %parallel_loop3A_602 : i32
        %parallel_loop3A_604 = arith.index_cast %parallel_loop3A_603 : i32 to index
        %parallel_loop3A_605 = tpu.vector_load %arg5[%parallel_loop3A_604] {strides = array<i32>} : memref<4096xf32, #tpu.memory_space<vmem>>, vector<16xf32>,
        %parallel_loop3A_606 = arith.maximumf %parallel_loop3A_580, %parallel_loop3A_605 : vector<16xf32>
        %parallel_loop3A_607 = arith.constant 3 : i32
        %parallel_loop3A_608 = arith.addi %parallel_loop3A_577, %parallel_loop3A_607 : i32
        %parallel_loop3A_609 = arith.constant 16 : i32
        %parallel_loop3A_610 = arith.muli %parallel_loop3A_608, %parallel_loop3A_609 : i32
        %parallel_loop3A_611 = arith.index_cast %parallel_loop3A_610 : i32 to index
        %parallel_loop3A_612 = tpu.vector_load %arg5[%parallel_loop3A_611] {strides = array<i32>} : memref<4096xf32, #tpu.memory_space<vmem>>, vector<16xf32>,
        %parallel_loop3A_613 = arith.maximumf %parallel_loop3A_581, %parallel_loop3A_612 : vector<16xf32>
        %parallel_loop3A_614 = arith.constant 4 : i32
        %parallel_loop3A_615 = arith.addi %parallel_loop3A_577, %parallel_loop3A_614 : i32
        %parallel_loop3A_616 = arith.constant 16 : i32
        %parallel_loop3A_617 = arith.muli %parallel_loop3A_615, %parallel_loop3A_616 : i32
        %parallel_loop3A_618 = arith.index_cast %parallel_loop3A_617 : i32 to index
        %parallel_loop3A_619 = tpu.vector_load %arg5[%parallel_loop3A_618] {strides = array<i32>} : memref<4096xf32, #tpu.memory_space<vmem>>, vector<16xf32>,
        %parallel_loop3A_620 = arith.maximumf %parallel_loop3A_582, %parallel_loop3A_619 : vector<16xf32>
        %parallel_loop3A_621 = arith.constant 5 : i32
        %parallel_loop3A_622 = arith.addi %parallel_loop3A_577, %parallel_loop3A_621 : i32
        %parallel_loop3A_623 = arith.constant 16 : i32
        %parallel_loop3A_624 = arith.muli %parallel_loop3A_622, %parallel_loop3A_623 : i32
        %parallel_loop3A_625 = arith.index_cast %parallel_loop3A_624 : i32 to index
        %parallel_loop3A_626 = tpu.vector_load %arg5[%parallel_loop3A_625] {strides = array<i32>} : memref<4096xf32, #tpu.memory_space<vmem>>, vector<16xf32>,
        %parallel_loop3A_627 = arith.maximumf %parallel_loop3A_583, %parallel_loop3A_626 : vector<16xf32>
        %parallel_loop3A_628 = arith.constant 6 : i32
        %parallel_loop3A_629 = arith.addi %parallel_loop3A_577, %parallel_loop3A_628 : i32
        %parallel_loop3A_630 = arith.constant 16 : i32
        %parallel_loop3A_631 = arith.muli %parallel_loop3A_629, %parallel_loop3A_630 : i32
        %parallel_loop3A_632 = arith.index_cast %parallel_loop3A_631 : i32 to index
        %parallel_loop3A_633 = tpu.vector_load %arg5[%parallel_loop3A_632] {strides = array<i32>} : memref<4096xf32, #tpu.memory_space<vmem>>, vector<16xf32>,
        %parallel_loop3A_634 = arith.maximumf %parallel_loop3A_584, %parallel_loop3A_633 : vector<16xf32>
        %parallel_loop3A_635 = arith.constant 7 : i32
        %parallel_loop3A_636 = arith.addi %parallel_loop3A_577, %parallel_loop3A_635 : i32
        %parallel_loop3A_637 = arith.constant 16 : i32
        %parallel_loop3A_638 = arith.muli %parallel_loop3A_636, %parallel_loop3A_637 : i32
        %parallel_loop3A_639 = arith.index_cast %parallel_loop3A_638 : i32 to index
        %parallel_loop3A_640 = tpu.vector_load %arg5[%parallel_loop3A_639] {strides = array<i32>} : memref<4096xf32, #tpu.memory_space<vmem>>, vector<16xf32>,
        %parallel_loop3A_641 = arith.maximumf %parallel_loop3A_585, %parallel_loop3A_640 : vector<16xf32>
        scf.yield %parallel_loop3A_592, %parallel_loop3A_599, %parallel_loop3A_606, %parallel_loop3A_613, %parallel_loop3A_620, %parallel_loop3A_627, %parallel_loop3A_634, %parallel_loop3A_641 : vector<16xf32>, vector<16xf32>, vector<16xf32>, vector<16xf32>, vector<16xf32>, vector<16xf32>, vector<16xf32>, vector<16xf32>
      } {sc.loop_unroll_factor = 1 : i64, sc.parallel_access}
      %max3A_366 = arith.maximumf %parallel_loop3A_365#0, %parallel_loop3A_365#1 : vector<16xf32>
      %max3A_367 = arith.maximumf %parallel_loop3A_365#2, %parallel_loop3A_365#3 : vector<16xf32>
      %max3A_368 = arith.maximumf %parallel_loop3A_365#4, %parallel_loop3A_365#5 : vector<16xf32>
      %max3A_369 = arith.maximumf %parallel_loop3A_365#6, %parallel_loop3A_365#7 : vector<16xf32>
      %max3A_370 = arith.maximumf %max3A_366, %max3A_367 : vector<16xf32>
      %max3A_371 = arith.maximumf %max3A_368, %max3A_369 : vector<16xf32>
      %max3A_372 = arith.maximumf %max3A_370, %max3A_371 : vector<16xf32>
      %reduce_max3A_373 = arith.constant true
      %reduce_max3A_374 = vector.broadcast %reduce_max3A_373 : i1 to vector<16xi1>
      %reduce_max3A_375 = tpu.scan <max>, %max3A_372 masked %reduce_max3A_374 : vector<16xf32>, vector<16xi1> -> vector<16xf32>
      %reduce_max3A_376 = vector.extract %reduce_max3A_375[15] : f32 from vector<16xf32>
      %parallel_loop3A_377 = arith.constant 0 : i32
      %parallel_loop3A_378 = arith.constant 256 : i32
      %parallel_loop3A_379 = arith.constant 8 : i32
      %parallel_loop3A_380:8 = scf.for %parallel_loop3A_577 = %parallel_loop3A_377 to %parallel_loop3A_378 step %parallel_loop3A_379 iter_args(%parallel_loop3A_578 = %broadcast_in_dim3A_1, %parallel_loop3A_579 = %broadcast_in_dim3A_1, %parallel_loop3A_580 = %broadcast_in_dim3A_1, %parallel_loop3A_581 = %broadcast_in_dim3A_1, %parallel_loop3A_582 = %broadcast_in_dim3A_1, %parallel_loop3A_583 = %broadcast_in_dim3A_1, %parallel_loop3A_584 = %broadcast_in_dim3A_1, %parallel_loop3A_585 = %broadcast_in_dim3A_1) -> (vector<16xf32>, vector<16xf32>, vector<16xf32>, vector<16xf32>, vector<16xf32>, vector<16xf32>, vector<16xf32>, vector<16xf32>)  : i32 {
        %parallel_loop3A_586 = arith.constant 0 : i32
        %parallel_loop3A_587 = arith.addi %parallel_loop3A_577, %parallel_loop3A_586 : i32
        %parallel_loop3A_588 = arith.constant 16 : i32
        %parallel_loop3A_589 = arith.muli %parallel_loop3A_587, %parallel_loop3A_588 : i32
        %parallel_loop3A_590 = arith.index_cast %parallel_loop3A_589 : i32 to index
        %parallel_loop3A_591 = tpu.vector_load %arg5[%parallel_loop3A_590] {strides = array<i32>} : memref<4096xf32, #tpu.memory_space<vmem>>, vector<16xf32>,
        %parallel_loop3A_592 = vector.broadcast %reduce_max3A_376 : f32 to vector<16xf32>
        %parallel_loop3A_593 = arith.subf %parallel_loop3A_591, %parallel_loop3A_592 : vector<16xf32>
        %parallel_loop3A_594 = math.exp %parallel_loop3A_593 : vector<16xf32>
        %parallel_loop3A_595 = arith.index_cast %parallel_loop3A_589 : i32 to index
        %parallel_loop3A_596 = tpu.vector_load %arg6[%parallel_loop3A_595] {strides = array<i32>} : memref<4096xf32, #tpu.memory_space<vmem>>, vector<16xf32>,
        tpu.vector_store %arg6[%parallel_loop3A_595], %parallel_loop3A_594 {strides = array<i32>} : memref<4096xf32, #tpu.memory_space<vmem>>, vector<16xf32>,
        %parallel_loop3A_597 = arith.addf %parallel_loop3A_578, %parallel_loop3A_594 : vector<16xf32>
        %parallel_loop3A_598 = arith.constant 1 : i32
        %parallel_loop3A_599 = arith.addi %parallel_loop3A_577, %parallel_loop3A_598 : i32
        %parallel_loop3A_600 = arith.constant 16 : i32
        %parallel_loop3A_601 = arith.muli %parallel_loop3A_599, %parallel_loop3A_600 : i32
        %parallel_loop3A_602 = arith.index_cast %parallel_loop3A_601 : i32 to index
        %parallel_loop3A_603 = tpu.vector_load %arg5[%parallel_loop3A_602] {strides = array<i32>} : memref<4096xf32, #tpu.memory_space<vmem>>, vector<16xf32>,
        %parallel_loop3A_604 = vector.broadcast %reduce_max3A_376 : f32 to vector<16xf32>
        %parallel_loop3A_605 = arith.subf %parallel_loop3A_603, %parallel_loop3A_604 : vector<16xf32>
        %parallel_loop3A_606 = math.exp %parallel_loop3A_605 : vector<16xf32>
        %parallel_loop3A_607 = arith.index_cast %parallel_loop3A_601 : i32 to index
        %parallel_loop3A_608 = tpu.vector_load %arg6[%parallel_loop3A_607] {strides = array<i32>} : memref<4096xf32, #tpu.memory_space<vmem>>, vector<16xf32>,
        tpu.vector_store %arg6[%parallel_loop3A_607], %parallel_loop3A_606 {strides = array<i32>} : memref<4096xf32, #tpu.memory_space<vmem>>, vector<16xf32>,
        %parallel_loop3A_609 = arith.addf %parallel_loop3A_579, %parallel_loop3A_606 : vector<16xf32>
        %parallel_loop3A_610 = arith.constant 2 : i32
        %parallel_loop3A_611 = arith.addi %parallel_loop3A_577, %parallel_loop3A_610 : i32
        %parallel_loop3A_612 = arith.constant 16 : i32
        %parallel_loop3A_613 = arith.muli %parallel_loop3A_611, %parallel_loop3A_612 : i32
        %parallel_loop3A_614 = arith.index_cast %parallel_loop3A_613 : i32 to index
        %parallel_loop3A_615 = tpu.vector_load %arg5[%parallel_loop3A_614] {strides = array<i32>} : memref<4096xf32, #tpu.memory_space<vmem>>, vector<16xf32>,
        %parallel_loop3A_616 = vector.broadcast %reduce_max3A_376 : f32 to vector<16xf32>
        %parallel_loop3A_617 = arith.subf %parallel_loop3A_615, %parallel_loop3A_616 : vector<16xf32>
        %parallel_loop3A_618 = math.exp %parallel_loop3A_617 : vector<16xf32>
        %parallel_loop3A_619 = arith.index_cast %parallel_loop3A_613 : i32 to index
        %parallel_loop3A_620 = tpu.vector_load %arg6[%parallel_loop3A_619] {strides = array<i32>} : memref<4096xf32, #tpu.memory_space<vmem>>, vector<16xf32>,
        tpu.vector_store %arg6[%parallel_loop3A_619], %parallel_loop3A_618 {strides = array<i32>} : memref<4096xf32, #tpu.memory_space<vmem>>, vector<16xf32>,
        %parallel_loop3A_621 = arith.addf %parallel_loop3A_580, %parallel_loop3A_618 : vector<16xf32>
        %parallel_loop3A_622 = arith.constant 3 : i32
        %parallel_loop3A_623 = arith.addi %parallel_loop3A_577, %parallel_loop3A_622 : i32
        %parallel_loop3A_624 = arith.constant 16 : i32
        %parallel_loop3A_625 = arith.muli %parallel_loop3A_623, %parallel_loop3A_624 : i32
        %parallel_loop3A_626 = arith.index_cast %parallel_loop3A_625 : i32 to index
        %parallel_loop3A_627 = tpu.vector_load %arg5[%parallel_loop3A_626] {strides = array<i32>} : memref<4096xf32, #tpu.memory_space<vmem>>, vector<16xf32>,
        %parallel_loop3A_628 = vector.broadcast %reduce_max3A_376 : f32 to vector<16xf32>
        %parallel_loop3A_629 = arith.subf %parallel_loop3A_627, %parallel_loop3A_628 : vector<16xf32>
        %parallel_loop3A_630 = math.exp %parallel_loop3A_629 : vector<16xf32>
        %parallel_loop3A_631 = arith.index_cast %parallel_loop3A_625 : i32 to index
        %parallel_loop3A_632 = tpu.vector_load %arg6[%parallel_loop3A_631] {strides = array<i32>} : memref<4096xf32, #tpu.memory_space<vmem>>, vector<16xf32>,
        tpu.vector_store %arg6[%parallel_loop3A_631], %parallel_loop3A_630 {strides = array<i32>} : memref<4096xf32, #tpu.memory_space<vmem>>, vector<16xf32>,
        %parallel_loop3A_633 = arith.addf %parallel_loop3A_581, %parallel_loop3A_630 : vector<16xf32>
        %parallel_loop3A_634 = arith.constant 4 : i32
        %parallel_loop3A_635 = arith.addi %parallel_loop3A_577, %parallel_loop3A_634 : i32
        %parallel_loop3A_636 = arith.constant 16 : i32
        %parallel_loop3A_637 = arith.muli %parallel_loop3A_635, %parallel_loop3A_636 : i32
        %parallel_loop3A_638 = arith.index_cast %parallel_loop3A_637 : i32 to index
        %parallel_loop3A_639 = tpu.vector_load %arg5[%parallel_loop3A_638] {strides = array<i32>} : memref<4096xf32, #tpu.memory_space<vmem>>, vector<16xf32>,
        %parallel_loop3A_640 = vector.broadcast %reduce_max3A_376 : f32 to vector<16xf32>
        %parallel_loop3A_641 = arith.subf %parallel_loop3A_639, %parallel_loop3A_640 : vector<16xf32>
        %parallel_loop3A_642 = math.exp %parallel_loop3A_641 : vector<16xf32>
        %parallel_loop3A_643 = arith.index_cast %parallel_loop3A_637 : i32 to index
        %parallel_loop3A_644 = tpu.vector_load %arg6[%parallel_loop3A_643] {strides = array<i32>} : memref<4096xf32, #tpu.memory_space<vmem>>, vector<16xf32>,
        tpu.vector_store %arg6[%parallel_loop3A_643], %parallel_loop3A_642 {strides = array<i32>} : memref<4096xf32, #tpu.memory_space<vmem>>, vector<16xf32>,
        %parallel_loop3A_645 = arith.addf %parallel_loop3A_582, %parallel_loop3A_642 : vector<16xf32>
        %parallel_loop3A_646 = arith.constant 5 : i32
        %parallel_loop3A_647 = arith.addi %parallel_loop3A_577, %parallel_loop3A_646 : i32
        %parallel_loop3A_648 = arith.constant 16 : i32
        %parallel_loop3A_649 = arith.muli %parallel_loop3A_647, %parallel_loop3A_648 : i32
        %parallel_loop3A_650 = arith.index_cast %parallel_loop3A_649 : i32 to index
        %parallel_loop3A_651 = tpu.vector_load %arg5[%parallel_loop3A_650] {strides = array<i32>} : memref<4096xf32, #tpu.memory_space<vmem>>, vector<16xf32>,
        %parallel_loop3A_652 = vector.broadcast %reduce_max3A_376 : f32 to vector<16xf32>
        %parallel_loop3A_653 = arith.subf %parallel_loop3A_651, %parallel_loop3A_652 : vector<16xf32>
        %parallel_loop3A_654 = math.exp %parallel_loop3A_653 : vector<16xf32>
        %parallel_loop3A_655 = arith.index_cast %parallel_loop3A_649 : i32 to index
        %parallel_loop3A_656 = tpu.vector_load %arg6[%parallel_loop3A_655] {strides = array<i32>} : memref<4096xf32, #tpu.memory_space<vmem>>, vector<16xf32>,
        tpu.vector_store %arg6[%parallel_loop3A_655], %parallel_loop3A_654 {strides = array<i32>} : memref<4096xf32, #tpu.memory_space<vmem>>, vector<16xf32>,
        %parallel_loop3A_657 = arith.addf %parallel_loop3A_583, %parallel_loop3A_654 : vector<16xf32>
        %parallel_loop3A_658 = arith.constant 6 : i32
        %parallel_loop3A_659 = arith.addi %parallel_loop3A_577, %parallel_loop3A_658 : i32
        %parallel_loop3A_660 = arith.constant 16 : i32
        %parallel_loop3A_661 = arith.muli %parallel_loop3A_659, %parallel_loop3A_660 : i32
        %parallel_loop3A_662 = arith.index_cast %parallel_loop3A_661 : i32 to index
        %parallel_loop3A_663 = tpu.vector_load %arg5[%parallel_loop3A_662] {strides = array<i32>} : memref<4096xf32, #tpu.memory_space<vmem>>, vector<16xf32>,
        %parallel_loop3A_664 = vector.broadcast %reduce_max3A_376 : f32 to vector<16xf32>
        %parallel_loop3A_665 = arith.subf %parallel_loop3A_663, %parallel_loop3A_664 : vector<16xf32>
        %parallel_loop3A_666 = math.exp %parallel_loop3A_665 : vector<16xf32>
        %parallel_loop3A_667 = arith.index_cast %parallel_loop3A_661 : i32 to index
        %parallel_loop3A_668 = tpu.vector_load %arg6[%parallel_loop3A_667] {strides = array<i32>} : memref<4096xf32, #tpu.memory_space<vmem>>, vector<16xf32>,
        tpu.vector_store %arg6[%parallel_loop3A_667], %parallel_loop3A_666 {strides = array<i32>} : memref<4096xf32, #tpu.memory_space<vmem>>, vector<16xf32>,
        %parallel_loop3A_669 = arith.addf %parallel_loop3A_584, %parallel_loop3A_666 : vector<16xf32>
        %parallel_loop3A_670 = arith.constant 7 : i32
        %parallel_loop3A_671 = arith.addi %parallel_loop3A_577, %parallel_loop3A_670 : i32
        %parallel_loop3A_672 = arith.constant 16 : i32
        %parallel_loop3A_673 = arith.muli %parallel_loop3A_671, %parallel_loop3A_672 : i32
        %parallel_loop3A_674 = arith.index_cast %parallel_loop3A_673 : i32 to index
        %parallel_loop3A_675 = tpu.vector_load %arg5[%parallel_loop3A_674] {strides = array<i32>} : memref<4096xf32, #tpu.memory_space<vmem>>, vector<16xf32>,
        %parallel_loop3A_676 = vector.broadcast %reduce_max3A_376 : f32 to vector<16xf32>
        %parallel_loop3A_677 = arith.subf %parallel_loop3A_675, %parallel_loop3A_676 : vector<16xf32>
        %parallel_loop3A_678 = math.exp %parallel_loop3A_677 : vector<16xf32>
        %parallel_loop3A_679 = arith.index_cast %parallel_loop3A_673 : i32 to index
        %parallel_loop3A_680 = tpu.vector_load %arg6[%parallel_loop3A_679] {strides = array<i32>} : memref<4096xf32, #tpu.memory_space<vmem>>, vector<16xf32>,
        tpu.vector_store %arg6[%parallel_loop3A_679], %parallel_loop3A_678 {strides = array<i32>} : memref<4096xf32, #tpu.memory_space<vmem>>, vector<16xf32>,
        %parallel_loop3A_681 = arith.addf %parallel_loop3A_585, %parallel_loop3A_678 : vector<16xf32>
        scf.yield %parallel_loop3A_597, %parallel_loop3A_609, %parallel_loop3A_621, %parallel_loop3A_633, %parallel_loop3A_645, %parallel_loop3A_657, %parallel_loop3A_669, %parallel_loop3A_681 : vector<16xf32>, vector<16xf32>, vector<16xf32>, vector<16xf32>, vector<16xf32>, vector<16xf32>, vector<16xf32>, vector<16xf32>
      } {sc.loop_unroll_factor = 1 : i64, sc.parallel_access}
      %add3A_381 = arith.addf %parallel_loop3A_380#0, %parallel_loop3A_380#1 : vector<16xf32>
      %add3A_382 = arith.addf %add3A_381, %parallel_loop3A_380#2 : vector<16xf32>
      %add3A_383 = arith.addf %add3A_382, %parallel_loop3A_380#3 : vector<16xf32>
      %add3A_384 = arith.addf %add3A_383, %parallel_loop3A_380#4 : vector<16xf32>
      %add3A_385 = arith.addf %add3A_384, %parallel_loop3A_380#5 : vector<16xf32>
      %add3A_386 = arith.addf %add3A_385, %parallel_loop3A_380#6 : vector<16xf32>
      %add3A_387 = arith.addf %add3A_386, %parallel_loop3A_380#7 : vector<16xf32>
      %reduce_sum3A_388 = arith.constant true
      %reduce_sum3A_389 = vector.broadcast %reduce_sum3A_388 : i1 to vector<16xi1>
      %reduce_sum3A_390 = tpu.scan <sum>, %add3A_387 masked %reduce_sum3A_389 : vector<16xf32>, vector<16xi1> -> vector<16xf32>
      %reduce_sum3A_391 = vector.extract %reduce_sum3A_390[15] : f32 from vector<16xf32>
      %ne3A_392 = arith.constant 0 : i32
      %ne3A_393 = arith.cmpi ne, %add3A_320, %ne3A_392 : i32
      %convert_element_type3A_394 = arith.extui %ne3A_393 : i1 to i32
      %cond3A_395 = arith.constant 0 : i32
      %cond3A_396 = arith.cmpi ne, %convert_element_type3A_394, %cond3A_395 : i32
      scf.if %cond3A_396 {
        %dma_wait3A_577 = arith.constant 0 : i32
        %dma_wait3A_578 = arith.constant 0 : i32
        %dma_wait3A_579 = arith.constant 0 : i32
        %dma_wait3A_580 = arith.constant 0 : i32
        %dma_wait3A_581 = arith.constant 0 : i32
        %dma_wait3A_582 = tpu.memref_slice %arg7[%dma_wait3A_580, %dma_wait3A_581] : memref<8x4096xf32, #tpu.memory_space<vmem>> -> memref<4x4096xf32, #tpu.memory_space<vmem>>
        %dma_wait3A_583 = arith.constant 0 : i32
        %dma_wait3A_584 = arith.constant 0 : i32
        %dma_wait3A_585 = tpu.memref_slice %arg3[%dma_wait3A_577, %dma_wait3A_578, %dma_wait3A_579, %dma_wait3A_583, %dma_wait3A_584] : memref<16x8x4x8x4096xf32, #tpu.memory_space<hbm>> -> memref<1x1x1x4x4096xf32, #tpu.memory_space<hbm>>
        %dma_wait3A_586 = tpu.memref_squeeze %dma_wait3A_585 : memref<1x1x1x4x4096xf32, #tpu.memory_space<hbm>> -> memref<4x4096xf32, #tpu.memory_space<hbm>>
        %dma_wait3A_587 = arith.constant 0 : i32
        %dma_wait3A_588 = arith.constant 0 : i32
        %dma_wait3A_589 = tpu.memref_slice %arg3[%dma_wait3A_577, %dma_wait3A_578, %dma_wait3A_579, %dma_wait3A_587, %dma_wait3A_588] : memref<16x8x4x8x4096xf32, #tpu.memory_space<hbm>> -> memref<1x1x1x4x4096xf32, #tpu.memory_space<hbm>>
        %dma_wait3A_590 = tpu.memref_squeeze %dma_wait3A_589 : memref<1x1x1x4x4096xf32, #tpu.memory_space<hbm>> -> memref<4x4096xf32, #tpu.memory_space<hbm>>
        %dma_wait3A_591 = arith.constant 0 : i32
        %dma_wait3A_592 = arith.constant 0 : i32
        %dma_wait3A_593 = tpu.memref_slice %arg7[%dma_wait3A_591, %dma_wait3A_592] : memref<8x4096xf32, #tpu.memory_space<vmem>> -> memref<4x4096xf32, #tpu.memory_space<vmem>>
        tpu.wait_dma2 semaphore(%arg9 : memref<!tpu.dma_semaphore, #tpu.memory_space<semaphore_mem>>) src(%dma_wait3A_593 : memref<4x4096xf32, #tpu.memory_space<vmem>>) dst(%dma_wait3A_590 : memref<4x4096xf32, #tpu.memory_space<hbm>>)
        %dma_wait3A_594 = arith.constant 0 : i32
        %dma_wait3A_595 = arith.constant 0 : i32
        %dma_wait3A_596 = arith.constant 0 : i32
        %dma_wait3A_597 = arith.constant 0 : i32
        %dma_wait3A_598 = arith.constant 0 : i32
        %dma_wait3A_599 = tpu.memref_slice %arg7[%dma_wait3A_597, %dma_wait3A_598] : memref<8x4096xf32, #tpu.memory_space<vmem>> -> memref<4x4096xf32, #tpu.memory_space<vmem>>
        %dma_wait3A_600 = arith.constant 0 : i32
        %dma_wait3A_601 = arith.constant 0 : i32
        %dma_wait3A_602 = tpu.memref_slice %arg3[%dma_wait3A_594, %dma_wait3A_595, %dma_wait3A_596, %dma_wait3A_600, %dma_wait3A_601] : memref<16x8x4x8x4096xf32, #tpu.memory_space<hbm>> -> memref<1x1x1x4x4096xf32, #tpu.memory_space<hbm>>
        %dma_wait3A_603 = tpu.memref_squeeze %dma_wait3A_602 : memref<1x1x1x4x4096xf32, #tpu.memory_space<hbm>> -> memref<4x4096xf32, #tpu.memory_space<hbm>>
        %dma_wait3A_604 = arith.constant 0 : i32
        %dma_wait3A_605 = arith.constant 0 : i32
        %dma_wait3A_606 = tpu.memref_slice %arg3[%dma_wait3A_594, %dma_wait3A_595, %dma_wait3A_596, %dma_wait3A_604, %dma_wait3A_605] : memref<16x8x4x8x4096xf32, #tpu.memory_space<hbm>> -> memref<1x1x1x4x4096xf32, #tpu.memory_space<hbm>>
        %dma_wait3A_607 = tpu.memref_squeeze %dma_wait3A_606 : memref<1x1x1x4x4096xf32, #tpu.memory_space<hbm>> -> memref<4x4096xf32, #tpu.memory_space<hbm>>
        %dma_wait3A_608 = arith.constant 0 : i32
        %dma_wait3A_609 = arith.constant 0 : i32
        %dma_wait3A_610 = tpu.memref_slice %arg7[%dma_wait3A_608, %dma_wait3A_609] : memref<8x4096xf32, #tpu.memory_space<vmem>> -> memref<4x4096xf32, #tpu.memory_space<vmem>>
        tpu.wait_dma2 semaphore(%arg9 : memref<!tpu.dma_semaphore, #tpu.memory_space<semaphore_mem>>) src(%dma_wait3A_610 : memref<4x4096xf32, #tpu.memory_space<vmem>>) dst(%dma_wait3A_607 : memref<4x4096xf32, #tpu.memory_space<hbm>>)
      } else {
      }
      %div3A_397 = vector.broadcast %reduce_sum3A_391 : f32 to vector<16xf32>
      %div3A_398 = arith.divf %broadcast_in_dim3A_3, %div3A_397 : vector<16xf32>
      %parallel_loop3A_399 = arith.constant 0 : i32
      %parallel_loop3A_400 = arith.constant 256 : i32
      %parallel_loop3A_401 = arith.constant 8 : i32
      %parallel_loop3A_402:8 = scf.for %parallel_loop3A_577 = %parallel_loop3A_399 to %parallel_loop3A_400 step %parallel_loop3A_401 iter_args(%parallel_loop3A_578 = %broadcast_in_dim3A_1, %parallel_loop3A_579 = %broadcast_in_dim3A_1, %parallel_loop3A_580 = %broadcast_in_dim3A_1, %parallel_loop3A_581 = %broadcast_in_dim3A_1, %parallel_loop3A_582 = %broadcast_in_dim3A_1, %parallel_loop3A_583 = %broadcast_in_dim3A_1, %parallel_loop3A_584 = %broadcast_in_dim3A_1, %parallel_loop3A_585 = %broadcast_in_dim3A_1) -> (vector<16xf32>, vector<16xf32>, vector<16xf32>, vector<16xf32>, vector<16xf32>, vector<16xf32>, vector<16xf32>, vector<16xf32>)  : i32 {
        %parallel_loop3A_586 = arith.constant 0 : i32
        %parallel_loop3A_587 = arith.addi %parallel_loop3A_577, %parallel_loop3A_586 : i32
        %parallel_loop3A_588 = arith.constant 16 : i32
        %parallel_loop3A_589 = arith.muli %parallel_loop3A_587, %parallel_loop3A_588 : i32
        %parallel_loop3A_590 = arith.index_cast %parallel_loop3A_589 : i32 to index
        %parallel_loop3A_591 = tpu.vector_load %arg6[%parallel_loop3A_590] {strides = array<i32>} : memref<4096xf32, #tpu.memory_space<vmem>>, vector<16xf32>,
        %parallel_loop3A_592 = arith.mulf %parallel_loop3A_591, %div3A_398 : vector<16xf32>
        %parallel_loop3A_593 = arith.constant 0 : i32
        %parallel_loop3A_594 = arith.index_cast %parallel_loop3A_593 : i32 to index
        %parallel_loop3A_595 = arith.index_cast %parallel_loop3A_589 : i32 to index
        %parallel_loop3A_596 = tpu.vector_load %arg7[%parallel_loop3A_594, %parallel_loop3A_595] {strides = array<i32>} : memref<8x4096xf32, #tpu.memory_space<vmem>>, vector<16xf32>,
        tpu.vector_store %arg7[%parallel_loop3A_594, %parallel_loop3A_595], %parallel_loop3A_592 {strides = array<i32>} : memref<8x4096xf32, #tpu.memory_space<vmem>>, vector<16xf32>,
        %parallel_loop3A_597 = arith.mulf %parallel_loop3A_592, %parallel_loop3A_592 : vector<16xf32>
        %parallel_loop3A_598 = arith.addf %parallel_loop3A_578, %parallel_loop3A_597 : vector<16xf32>
        %parallel_loop3A_599 = arith.constant 1 : i32
        %parallel_loop3A_600 = arith.addi %parallel_loop3A_577, %parallel_loop3A_599 : i32
        %parallel_loop3A_601 = arith.constant 16 : i32
        %parallel_loop3A_602 = arith.muli %parallel_loop3A_600, %parallel_loop3A_601 : i32
        %parallel_loop3A_603 = arith.index_cast %parallel_loop3A_602 : i32 to index
        %parallel_loop3A_604 = tpu.vector_load %arg6[%parallel_loop3A_603] {strides = array<i32>} : memref<4096xf32, #tpu.memory_space<vmem>>, vector<16xf32>,
        %parallel_loop3A_605 = arith.mulf %parallel_loop3A_604, %div3A_398 : vector<16xf32>
        %parallel_loop3A_606 = arith.constant 0 : i32
        %parallel_loop3A_607 = arith.index_cast %parallel_loop3A_606 : i32 to index
        %parallel_loop3A_608 = arith.index_cast %parallel_loop3A_602 : i32 to index
        %parallel_loop3A_609 = tpu.vector_load %arg7[%parallel_loop3A_607, %parallel_loop3A_608] {strides = array<i32>} : memref<8x4096xf32, #tpu.memory_space<vmem>>, vector<16xf32>,
        tpu.vector_store %arg7[%parallel_loop3A_607, %parallel_loop3A_608], %parallel_loop3A_605 {strides = array<i32>} : memref<8x4096xf32, #tpu.memory_space<vmem>>, vector<16xf32>,
        %parallel_loop3A_610 = arith.mulf %parallel_loop3A_605, %parallel_loop3A_605 : vector<16xf32>
        %parallel_loop3A_611 = arith.addf %parallel_loop3A_579, %parallel_loop3A_610 : vector<16xf32>
        %parallel_loop3A_612 = arith.constant 2 : i32
        %parallel_loop3A_613 = arith.addi %parallel_loop3A_577, %parallel_loop3A_612 : i32
        %parallel_loop3A_614 = arith.constant 16 : i32
        %parallel_loop3A_615 = arith.muli %parallel_loop3A_613, %parallel_loop3A_614 : i32
        %parallel_loop3A_616 = arith.index_cast %parallel_loop3A_615 : i32 to index
        %parallel_loop3A_617 = tpu.vector_load %arg6[%parallel_loop3A_616] {strides = array<i32>} : memref<4096xf32, #tpu.memory_space<vmem>>, vector<16xf32>,
        %parallel_loop3A_618 = arith.mulf %parallel_loop3A_617, %div3A_398 : vector<16xf32>
        %parallel_loop3A_619 = arith.constant 0 : i32
        %parallel_loop3A_620 = arith.index_cast %parallel_loop3A_619 : i32 to index
        %parallel_loop3A_621 = arith.index_cast %parallel_loop3A_615 : i32 to index
        %parallel_loop3A_622 = tpu.vector_load %arg7[%parallel_loop3A_620, %parallel_loop3A_621] {strides = array<i32>} : memref<8x4096xf32, #tpu.memory_space<vmem>>, vector<16xf32>,
        tpu.vector_store %arg7[%parallel_loop3A_620, %parallel_loop3A_621], %parallel_loop3A_618 {strides = array<i32>} : memref<8x4096xf32, #tpu.memory_space<vmem>>, vector<16xf32>,
        %parallel_loop3A_623 = arith.mulf %parallel_loop3A_618, %parallel_loop3A_618 : vector<16xf32>
        %parallel_loop3A_624 = arith.addf %parallel_loop3A_580, %parallel_loop3A_623 : vector<16xf32>
        %parallel_loop3A_625 = arith.constant 3 : i32
        %parallel_loop3A_626 = arith.addi %parallel_loop3A_577, %parallel_loop3A_625 : i32
        %parallel_loop3A_627 = arith.constant 16 : i32
        %parallel_loop3A_628 = arith.muli %parallel_loop3A_626, %parallel_loop3A_627 : i32
        %parallel_loop3A_629 = arith.index_cast %parallel_loop3A_628 : i32 to index
        %parallel_loop3A_630 = tpu.vector_load %arg6[%parallel_loop3A_629] {strides = array<i32>} : memref<4096xf32, #tpu.memory_space<vmem>>, vector<16xf32>,
        %parallel_loop3A_631 = arith.mulf %parallel_loop3A_630, %div3A_398 : vector<16xf32>
        %parallel_loop3A_632 = arith.constant 0 : i32
        %parallel_loop3A_633 = arith.index_cast %parallel_loop3A_632 : i32 to index
        %parallel_loop3A_634 = arith.index_cast %parallel_loop3A_628 : i32 to index
        %parallel_loop3A_635 = tpu.vector_load %arg7[%parallel_loop3A_633, %parallel_loop3A_634] {strides = array<i32>} : memref<8x4096xf32, #tpu.memory_space<vmem>>, vector<16xf32>,
        tpu.vector_store %arg7[%parallel_loop3A_633, %parallel_loop3A_634], %parallel_loop3A_631 {strides = array<i32>} : memref<8x4096xf32, #tpu.memory_space<vmem>>, vector<16xf32>,
        %parallel_loop3A_636 = arith.mulf %parallel_loop3A_631, %parallel_loop3A_631 : vector<16xf32>
        %parallel_loop3A_637 = arith.addf %parallel_loop3A_581, %parallel_loop3A_636 : vector<16xf32>
        %parallel_loop3A_638 = arith.constant 4 : i32
        %parallel_loop3A_639 = arith.addi %parallel_loop3A_577, %parallel_loop3A_638 : i32
        %parallel_loop3A_640 = arith.constant 16 : i32
        %parallel_loop3A_641 = arith.muli %parallel_loop3A_639, %parallel_loop3A_640 : i32
        %parallel_loop3A_642 = arith.index_cast %parallel_loop3A_641 : i32 to index
        %parallel_loop3A_643 = tpu.vector_load %arg6[%parallel_loop3A_642] {strides = array<i32>} : memref<4096xf32, #tpu.memory_space<vmem>>, vector<16xf32>,
        %parallel_loop3A_644 = arith.mulf %parallel_loop3A_643, %div3A_398 : vector<16xf32>
        %parallel_loop3A_645 = arith.constant 0 : i32
        %parallel_loop3A_646 = arith.index_cast %parallel_loop3A_645 : i32 to index
        %parallel_loop3A_647 = arith.index_cast %parallel_loop3A_641 : i32 to index
        %parallel_loop3A_648 = tpu.vector_load %arg7[%parallel_loop3A_646, %parallel_loop3A_647] {strides = array<i32>} : memref<8x4096xf32, #tpu.memory_space<vmem>>, vector<16xf32>,
        tpu.vector_store %arg7[%parallel_loop3A_646, %parallel_loop3A_647], %parallel_loop3A_644 {strides = array<i32>} : memref<8x4096xf32, #tpu.memory_space<vmem>>, vector<16xf32>,
        %parallel_loop3A_649 = arith.mulf %parallel_loop3A_644, %parallel_loop3A_644 : vector<16xf32>
        %parallel_loop3A_650 = arith.addf %parallel_loop3A_582, %parallel_loop3A_649 : vector<16xf32>
        %parallel_loop3A_651 = arith.constant 5 : i32
        %parallel_loop3A_652 = arith.addi %parallel_loop3A_577, %parallel_loop3A_651 : i32
        %parallel_loop3A_653 = arith.constant 16 : i32
        %parallel_loop3A_654 = arith.muli %parallel_loop3A_652, %parallel_loop3A_653 : i32
        %parallel_loop3A_655 = arith.index_cast %parallel_loop3A_654 : i32 to index
        %parallel_loop3A_656 = tpu.vector_load %arg6[%parallel_loop3A_655] {strides = array<i32>} : memref<4096xf32, #tpu.memory_space<vmem>>, vector<16xf32>,
        %parallel_loop3A_657 = arith.mulf %parallel_loop3A_656, %div3A_398 : vector<16xf32>
        %parallel_loop3A_658 = arith.constant 0 : i32
        %parallel_loop3A_659 = arith.index_cast %parallel_loop3A_658 : i32 to index
        %parallel_loop3A_660 = arith.index_cast %parallel_loop3A_654 : i32 to index
        %parallel_loop3A_661 = tpu.vector_load %arg7[%parallel_loop3A_659, %parallel_loop3A_660] {strides = array<i32>} : memref<8x4096xf32, #tpu.memory_space<vmem>>, vector<16xf32>,
        tpu.vector_store %arg7[%parallel_loop3A_659, %parallel_loop3A_660], %parallel_loop3A_657 {strides = array<i32>} : memref<8x4096xf32, #tpu.memory_space<vmem>>, vector<16xf32>,
        %parallel_loop3A_662 = arith.mulf %parallel_loop3A_657, %parallel_loop3A_657 : vector<16xf32>
        %parallel_loop3A_663 = arith.addf %parallel_loop3A_583, %parallel_loop3A_662 : vector<16xf32>
        %parallel_loop3A_664 = arith.constant 6 : i32
        %parallel_loop3A_665 = arith.addi %parallel_loop3A_577, %parallel_loop3A_664 : i32
        %parallel_loop3A_666 = arith.constant 16 : i32
        %parallel_loop3A_667 = arith.muli %parallel_loop3A_665, %parallel_loop3A_666 : i32
        %parallel_loop3A_668 = arith.index_cast %parallel_loop3A_667 : i32 to index
        %parallel_loop3A_669 = tpu.vector_load %arg6[%parallel_loop3A_668] {strides = array<i32>} : memref<4096xf32, #tpu.memory_space<vmem>>, vector<16xf32>,
        %parallel_loop3A_670 = arith.mulf %parallel_loop3A_669, %div3A_398 : vector<16xf32>
        %parallel_loop3A_671 = arith.constant 0 : i32
        %parallel_loop3A_672 = arith.index_cast %parallel_loop3A_671 : i32 to index
        %parallel_loop3A_673 = arith.index_cast %parallel_loop3A_667 : i32 to index
        %parallel_loop3A_674 = tpu.vector_load %arg7[%parallel_loop3A_672, %parallel_loop3A_673] {strides = array<i32>} : memref<8x4096xf32, #tpu.memory_space<vmem>>, vector<16xf32>,
        tpu.vector_store %arg7[%parallel_loop3A_672, %parallel_loop3A_673], %parallel_loop3A_670 {strides = array<i32>} : memref<8x4096xf32, #tpu.memory_space<vmem>>, vector<16xf32>,
        %parallel_loop3A_675 = arith.mulf %parallel_loop3A_670, %parallel_loop3A_670 : vector<16xf32>
        %parallel_loop3A_676 = arith.addf %parallel_loop3A_584, %parallel_loop3A_675 : vector<16xf32>
        %parallel_loop3A_677 = arith.constant 7 : i32
        %parallel_loop3A_678 = arith.addi %parallel_loop3A_577, %parallel_loop3A_677 : i32
        %parallel_loop3A_679 = arith.constant 16 : i32
        %parallel_loop3A_680 = arith.muli %parallel_loop3A_678, %parallel_loop3A_679 : i32
        %parallel_loop3A_681 = arith.index_cast %parallel_loop3A_680 : i32 to index
        %parallel_loop3A_682 = tpu.vector_load %arg6[%parallel_loop3A_681] {strides = array<i32>} : memref<4096xf32, #tpu.memory_space<vmem>>, vector<16xf32>,
        %parallel_loop3A_683 = arith.mulf %parallel_loop3A_682, %div3A_398 : vector<16xf32>
        %parallel_loop3A_684 = arith.constant 0 : i32
        %parallel_loop3A_685 = arith.index_cast %parallel_loop3A_684 : i32 to index
        %parallel_loop3A_686 = arith.index_cast %parallel_loop3A_680 : i32 to index
        %parallel_loop3A_687 = tpu.vector_load %arg7[%parallel_loop3A_685, %parallel_loop3A_686] {strides = array<i32>} : memref<8x4096xf32, #tpu.memory_space<vmem>>, vector<16xf32>,
        tpu.vector_store %arg7[%parallel_loop3A_685, %parallel_loop3A_686], %parallel_loop3A_683 {strides = array<i32>} : memref<8x4096xf32, #tpu.memory_space<vmem>>, vector<16xf32>,
        %parallel_loop3A_688 = arith.mulf %parallel_loop3A_683, %parallel_loop3A_683 : vector<16xf32>
        %parallel_loop3A_689 = arith.addf %parallel_loop3A_585, %parallel_loop3A_688 : vector<16xf32>
        scf.yield %parallel_loop3A_598, %parallel_loop3A_611, %parallel_loop3A_624, %parallel_loop3A_637, %parallel_loop3A_650, %parallel_loop3A_663, %parallel_loop3A_676, %parallel_loop3A_689 : vector<16xf32>, vector<16xf32>, vector<16xf32>, vector<16xf32>, vector<16xf32>, vector<16xf32>, vector<16xf32>, vector<16xf32>
      } {sc.loop_unroll_factor = 1 : i64, sc.parallel_access}
      %add3A_403 = arith.addf %parallel_loop3A_402#0, %parallel_loop3A_402#1 : vector<16xf32>
      %add3A_404 = arith.addf %add3A_403, %parallel_loop3A_402#2 : vector<16xf32>
      %add3A_405 = arith.addf %add3A_404, %parallel_loop3A_402#3 : vector<16xf32>
      %add3A_406 = arith.addf %add3A_405, %parallel_loop3A_402#4 : vector<16xf32>
      %add3A_407 = arith.addf %add3A_406, %parallel_loop3A_402#5 : vector<16xf32>
      %add3A_408 = arith.addf %add3A_407, %parallel_loop3A_402#6 : vector<16xf32>
      %add3A_409 = arith.addf %add3A_408, %parallel_loop3A_402#7 : vector<16xf32>
      %reduce_sum3A_410 = arith.constant true
      %reduce_sum3A_411 = vector.broadcast %reduce_sum3A_410 : i1 to vector<16xi1>
      %reduce_sum3A_412 = tpu.scan <sum>, %add3A_409 masked %reduce_sum3A_411 : vector<16xf32>, vector<16xi1> -> vector<16xf32>
      %reduce_sum3A_413 = vector.extract %reduce_sum3A_412[15] : f32 from vector<16xf32>
      %sub3A_414 = arith.constant 1.000000e+00 : f32
      %sub3A_415 = arith.subf %sub3A_414, %reduce_sum3A_413 : f32
      %div3A_416 = vector.broadcast %sub3A_415 : f32 to vector<16xf32>
      %div3A_417 = arith.divf %broadcast_in_dim3A_3, %div3A_416 : vector<16xf32>
      %parallel_loop3A_418 = arith.constant 0 : i32
      %parallel_loop3A_419 = arith.constant 256 : i32
      %parallel_loop3A_420 = arith.constant 8 : i32
      %parallel_loop3A_421:8 = scf.for %parallel_loop3A_577 = %parallel_loop3A_418 to %parallel_loop3A_419 step %parallel_loop3A_420 iter_args(%parallel_loop3A_578 = %broadcast_in_dim3A_1, %parallel_loop3A_579 = %broadcast_in_dim3A_1, %parallel_loop3A_580 = %broadcast_in_dim3A_1, %parallel_loop3A_581 = %broadcast_in_dim3A_1, %parallel_loop3A_582 = %broadcast_in_dim3A_1, %parallel_loop3A_583 = %broadcast_in_dim3A_1, %parallel_loop3A_584 = %broadcast_in_dim3A_1, %parallel_loop3A_585 = %broadcast_in_dim3A_1) -> (vector<16xf32>, vector<16xf32>, vector<16xf32>, vector<16xf32>, vector<16xf32>, vector<16xf32>, vector<16xf32>, vector<16xf32>)  : i32 {
        %parallel_loop3A_586 = arith.constant 0 : i32
        %parallel_loop3A_587 = arith.addi %parallel_loop3A_577, %parallel_loop3A_586 : i32
        %parallel_loop3A_588 = arith.constant 16 : i32
        %parallel_loop3A_589 = arith.muli %parallel_loop3A_587, %parallel_loop3A_588 : i32
        %parallel_loop3A_590 = arith.constant 0 : i32
        %parallel_loop3A_591 = arith.index_cast %parallel_loop3A_590 : i32 to index
        %parallel_loop3A_592 = arith.index_cast %parallel_loop3A_589 : i32 to index
        %parallel_loop3A_593 = tpu.vector_load %arg7[%parallel_loop3A_591, %parallel_loop3A_592] {strides = array<i32>} : memref<8x4096xf32, #tpu.memory_space<vmem>>, vector<16xf32>,
        %parallel_loop3A_594 = arith.mulf %parallel_loop3A_593, %parallel_loop3A_593 : vector<16xf32>
        %parallel_loop3A_595 = arith.subf %parallel_loop3A_593, %parallel_loop3A_594 : vector<16xf32>
        %parallel_loop3A_596 = arith.mulf %parallel_loop3A_595, %div3A_417 : vector<16xf32>
        %parallel_loop3A_597 = arith.constant 1 : i32
        %parallel_loop3A_598 = arith.index_cast %parallel_loop3A_597 : i32 to index
        %parallel_loop3A_599 = arith.index_cast %parallel_loop3A_589 : i32 to index
        %parallel_loop3A_600 = tpu.vector_load %arg7[%parallel_loop3A_598, %parallel_loop3A_599] {strides = array<i32>} : memref<8x4096xf32, #tpu.memory_space<vmem>>, vector<16xf32>,
        tpu.vector_store %arg7[%parallel_loop3A_598, %parallel_loop3A_599], %parallel_loop3A_596 {strides = array<i32>} : memref<8x4096xf32, #tpu.memory_space<vmem>>, vector<16xf32>,
        %parallel_loop3A_601 = arith.mulf %parallel_loop3A_596, %parallel_loop3A_596 : vector<16xf32>
        %parallel_loop3A_602 = arith.addf %parallel_loop3A_578, %parallel_loop3A_601 : vector<16xf32>
        %parallel_loop3A_603 = arith.constant 1 : i32
        %parallel_loop3A_604 = arith.addi %parallel_loop3A_577, %parallel_loop3A_603 : i32
        %parallel_loop3A_605 = arith.constant 16 : i32
        %parallel_loop3A_606 = arith.muli %parallel_loop3A_604, %parallel_loop3A_605 : i32
        %parallel_loop3A_607 = arith.constant 0 : i32
        %parallel_loop3A_608 = arith.index_cast %parallel_loop3A_607 : i32 to index
        %parallel_loop3A_609 = arith.index_cast %parallel_loop3A_606 : i32 to index
        %parallel_loop3A_610 = tpu.vector_load %arg7[%parallel_loop3A_608, %parallel_loop3A_609] {strides = array<i32>} : memref<8x4096xf32, #tpu.memory_space<vmem>>, vector<16xf32>,
        %parallel_loop3A_611 = arith.mulf %parallel_loop3A_610, %parallel_loop3A_610 : vector<16xf32>
        %parallel_loop3A_612 = arith.subf %parallel_loop3A_610, %parallel_loop3A_611 : vector<16xf32>
        %parallel_loop3A_613 = arith.mulf %parallel_loop3A_612, %div3A_417 : vector<16xf32>
        %parallel_loop3A_614 = arith.constant 1 : i32
        %parallel_loop3A_615 = arith.index_cast %parallel_loop3A_614 : i32 to index
        %parallel_loop3A_616 = arith.index_cast %parallel_loop3A_606 : i32 to index
        %parallel_loop3A_617 = tpu.vector_load %arg7[%parallel_loop3A_615, %parallel_loop3A_616] {strides = array<i32>} : memref<8x4096xf32, #tpu.memory_space<vmem>>, vector<16xf32>,
        tpu.vector_store %arg7[%parallel_loop3A_615, %parallel_loop3A_616], %parallel_loop3A_613 {strides = array<i32>} : memref<8x4096xf32, #tpu.memory_space<vmem>>, vector<16xf32>,
        %parallel_loop3A_618 = arith.mulf %parallel_loop3A_613, %parallel_loop3A_613 : vector<16xf32>
        %parallel_loop3A_619 = arith.addf %parallel_loop3A_579, %parallel_loop3A_618 : vector<16xf32>
        %parallel_loop3A_620 = arith.constant 2 : i32
        %parallel_loop3A_621 = arith.addi %parallel_loop3A_577, %parallel_loop3A_620 : i32
        %parallel_loop3A_622 = arith.constant 16 : i32
        %parallel_loop3A_623 = arith.muli %parallel_loop3A_621, %parallel_loop3A_622 : i32
        %parallel_loop3A_624 = arith.constant 0 : i32
        %parallel_loop3A_625 = arith.index_cast %parallel_loop3A_624 : i32 to index
        %parallel_loop3A_626 = arith.index_cast %parallel_loop3A_623 : i32 to index
        %parallel_loop3A_627 = tpu.vector_load %arg7[%parallel_loop3A_625, %parallel_loop3A_626] {strides = array<i32>} : memref<8x4096xf32, #tpu.memory_space<vmem>>, vector<16xf32>,
        %parallel_loop3A_628 = arith.mulf %parallel_loop3A_627, %parallel_loop3A_627 : vector<16xf32>
        %parallel_loop3A_629 = arith.subf %parallel_loop3A_627, %parallel_loop3A_628 : vector<16xf32>
        %parallel_loop3A_630 = arith.mulf %parallel_loop3A_629, %div3A_417 : vector<16xf32>
        %parallel_loop3A_631 = arith.constant 1 : i32
        %parallel_loop3A_632 = arith.index_cast %parallel_loop3A_631 : i32 to index
        %parallel_loop3A_633 = arith.index_cast %parallel_loop3A_623 : i32 to index
        %parallel_loop3A_634 = tpu.vector_load %arg7[%parallel_loop3A_632, %parallel_loop3A_633] {strides = array<i32>} : memref<8x4096xf32, #tpu.memory_space<vmem>>, vector<16xf32>,
        tpu.vector_store %arg7[%parallel_loop3A_632, %parallel_loop3A_633], %parallel_loop3A_630 {strides = array<i32>} : memref<8x4096xf32, #tpu.memory_space<vmem>>, vector<16xf32>,
        %parallel_loop3A_635 = arith.mulf %parallel_loop3A_630, %parallel_loop3A_630 : vector<16xf32>
        %parallel_loop3A_636 = arith.addf %parallel_loop3A_580, %parallel_loop3A_635 : vector<16xf32>
        %parallel_loop3A_637 = arith.constant 3 : i32
        %parallel_loop3A_638 = arith.addi %parallel_loop3A_577, %parallel_loop3A_637 : i32
        %parallel_loop3A_639 = arith.constant 16 : i32
        %parallel_loop3A_640 = arith.muli %parallel_loop3A_638, %parallel_loop3A_639 : i32
        %parallel_loop3A_641 = arith.constant 0 : i32
        %parallel_loop3A_642 = arith.index_cast %parallel_loop3A_641 : i32 to index
        %parallel_loop3A_643 = arith.index_cast %parallel_loop3A_640 : i32 to index
        %parallel_loop3A_644 = tpu.vector_load %arg7[%parallel_loop3A_642, %parallel_loop3A_643] {strides = array<i32>} : memref<8x4096xf32, #tpu.memory_space<vmem>>, vector<16xf32>,
        %parallel_loop3A_645 = arith.mulf %parallel_loop3A_644, %parallel_loop3A_644 : vector<16xf32>
        %parallel_loop3A_646 = arith.subf %parallel_loop3A_644, %parallel_loop3A_645 : vector<16xf32>
        %parallel_loop3A_647 = arith.mulf %parallel_loop3A_646, %div3A_417 : vector<16xf32>
        %parallel_loop3A_648 = arith.constant 1 : i32
        %parallel_loop3A_649 = arith.index_cast %parallel_loop3A_648 : i32 to index
        %parallel_loop3A_650 = arith.index_cast %parallel_loop3A_640 : i32 to index
        %parallel_loop3A_651 = tpu.vector_load %arg7[%parallel_loop3A_649, %parallel_loop3A_650] {strides = array<i32>} : memref<8x4096xf32, #tpu.memory_space<vmem>>, vector<16xf32>,
        tpu.vector_store %arg7[%parallel_loop3A_649, %parallel_loop3A_650], %parallel_loop3A_647 {strides = array<i32>} : memref<8x4096xf32, #tpu.memory_space<vmem>>, vector<16xf32>,
        %parallel_loop3A_652 = arith.mulf %parallel_loop3A_647, %parallel_loop3A_647 : vector<16xf32>
        %parallel_loop3A_653 = arith.addf %parallel_loop3A_581, %parallel_loop3A_652 : vector<16xf32>
        %parallel_loop3A_654 = arith.constant 4 : i32
        %parallel_loop3A_655 = arith.addi %parallel_loop3A_577, %parallel_loop3A_654 : i32
        %parallel_loop3A_656 = arith.constant 16 : i32
        %parallel_loop3A_657 = arith.muli %parallel_loop3A_655, %parallel_loop3A_656 : i32
        %parallel_loop3A_658 = arith.constant 0 : i32
        %parallel_loop3A_659 = arith.index_cast %parallel_loop3A_658 : i32 to index
        %parallel_loop3A_660 = arith.index_cast %parallel_loop3A_657 : i32 to index
        %parallel_loop3A_661 = tpu.vector_load %arg7[%parallel_loop3A_659, %parallel_loop3A_660] {strides = array<i32>} : memref<8x4096xf32, #tpu.memory_space<vmem>>, vector<16xf32>,
        %parallel_loop3A_662 = arith.mulf %parallel_loop3A_661, %parallel_loop3A_661 : vector<16xf32>
        %parallel_loop3A_663 = arith.subf %parallel_loop3A_661, %parallel_loop3A_662 : vector<16xf32>
        %parallel_loop3A_664 = arith.mulf %parallel_loop3A_663, %div3A_417 : vector<16xf32>
        %parallel_loop3A_665 = arith.constant 1 : i32
        %parallel_loop3A_666 = arith.index_cast %parallel_loop3A_665 : i32 to index
        %parallel_loop3A_667 = arith.index_cast %parallel_loop3A_657 : i32 to index
        %parallel_loop3A_668 = tpu.vector_load %arg7[%parallel_loop3A_666, %parallel_loop3A_667] {strides = array<i32>} : memref<8x4096xf32, #tpu.memory_space<vmem>>, vector<16xf32>,
        tpu.vector_store %arg7[%parallel_loop3A_666, %parallel_loop3A_667], %parallel_loop3A_664 {strides = array<i32>} : memref<8x4096xf32, #tpu.memory_space<vmem>>, vector<16xf32>,
        %parallel_loop3A_669 = arith.mulf %parallel_loop3A_664, %parallel_loop3A_664 : vector<16xf32>
        %parallel_loop3A_670 = arith.addf %parallel_loop3A_582, %parallel_loop3A_669 : vector<16xf32>
        %parallel_loop3A_671 = arith.constant 5 : i32
        %parallel_loop3A_672 = arith.addi %parallel_loop3A_577, %parallel_loop3A_671 : i32
        %parallel_loop3A_673 = arith.constant 16 : i32
        %parallel_loop3A_674 = arith.muli %parallel_loop3A_672, %parallel_loop3A_673 : i32
        %parallel_loop3A_675 = arith.constant 0 : i32
        %parallel_loop3A_676 = arith.index_cast %parallel_loop3A_675 : i32 to index
        %parallel_loop3A_677 = arith.index_cast %parallel_loop3A_674 : i32 to index
        %parallel_loop3A_678 = tpu.vector_load %arg7[%parallel_loop3A_676, %parallel_loop3A_677] {strides = array<i32>} : memref<8x4096xf32, #tpu.memory_space<vmem>>, vector<16xf32>,
        %parallel_loop3A_679 = arith.mulf %parallel_loop3A_678, %parallel_loop3A_678 : vector<16xf32>
        %parallel_loop3A_680 = arith.subf %parallel_loop3A_678, %parallel_loop3A_679 : vector<16xf32>
        %parallel_loop3A_681 = arith.mulf %parallel_loop3A_680, %div3A_417 : vector<16xf32>
        %parallel_loop3A_682 = arith.constant 1 : i32
        %parallel_loop3A_683 = arith.index_cast %parallel_loop3A_682 : i32 to index
        %parallel_loop3A_684 = arith.index_cast %parallel_loop3A_674 : i32 to index
        %parallel_loop3A_685 = tpu.vector_load %arg7[%parallel_loop3A_683, %parallel_loop3A_684] {strides = array<i32>} : memref<8x4096xf32, #tpu.memory_space<vmem>>, vector<16xf32>,
        tpu.vector_store %arg7[%parallel_loop3A_683, %parallel_loop3A_684], %parallel_loop3A_681 {strides = array<i32>} : memref<8x4096xf32, #tpu.memory_space<vmem>>, vector<16xf32>,
        %parallel_loop3A_686 = arith.mulf %parallel_loop3A_681, %parallel_loop3A_681 : vector<16xf32>
        %parallel_loop3A_687 = arith.addf %parallel_loop3A_583, %parallel_loop3A_686 : vector<16xf32>
        %parallel_loop3A_688 = arith.constant 6 : i32
        %parallel_loop3A_689 = arith.addi %parallel_loop3A_577, %parallel_loop3A_688 : i32
        %parallel_loop3A_690 = arith.constant 16 : i32
        %parallel_loop3A_691 = arith.muli %parallel_loop3A_689, %parallel_loop3A_690 : i32
        %parallel_loop3A_692 = arith.constant 0 : i32
        %parallel_loop3A_693 = arith.index_cast %parallel_loop3A_692 : i32 to index
        %parallel_loop3A_694 = arith.index_cast %parallel_loop3A_691 : i32 to index
        %parallel_loop3A_695 = tpu.vector_load %arg7[%parallel_loop3A_693, %parallel_loop3A_694] {strides = array<i32>} : memref<8x4096xf32, #tpu.memory_space<vmem>>, vector<16xf32>,
        %parallel_loop3A_696 = arith.mulf %parallel_loop3A_695, %parallel_loop3A_695 : vector<16xf32>
        %parallel_loop3A_697 = arith.subf %parallel_loop3A_695, %parallel_loop3A_696 : vector<16xf32>
        %parallel_loop3A_698 = arith.mulf %parallel_loop3A_697, %div3A_417 : vector<16xf32>
        %parallel_loop3A_699 = arith.constant 1 : i32
        %parallel_loop3A_700 = arith.index_cast %parallel_loop3A_699 : i32 to index
        %parallel_loop3A_701 = arith.index_cast %parallel_loop3A_691 : i32 to index
        %parallel_loop3A_702 = tpu.vector_load %arg7[%parallel_loop3A_700, %parallel_loop3A_701] {strides = array<i32>} : memref<8x4096xf32, #tpu.memory_space<vmem>>, vector<16xf32>,
        tpu.vector_store %arg7[%parallel_loop3A_700, %parallel_loop3A_701], %parallel_loop3A_698 {strides = array<i32>} : memref<8x4096xf32, #tpu.memory_space<vmem>>, vector<16xf32>,
        %parallel_loop3A_703 = arith.mulf %parallel_loop3A_698, %parallel_loop3A_698 : vector<16xf32>
        %parallel_loop3A_704 = arith.addf %parallel_loop3A_584, %parallel_loop3A_703 : vector<16xf32>
        %parallel_loop3A_705 = arith.constant 7 : i32
        %parallel_loop3A_706 = arith.addi %parallel_loop3A_577, %parallel_loop3A_705 : i32
        %parallel_loop3A_707 = arith.constant 16 : i32
        %parallel_loop3A_708 = arith.muli %parallel_loop3A_706, %parallel_loop3A_707 : i32
        %parallel_loop3A_709 = arith.constant 0 : i32
        %parallel_loop3A_710 = arith.index_cast %parallel_loop3A_709 : i32 to index
        %parallel_loop3A_711 = arith.index_cast %parallel_loop3A_708 : i32 to index
        %parallel_loop3A_712 = tpu.vector_load %arg7[%parallel_loop3A_710, %parallel_loop3A_711] {strides = array<i32>} : memref<8x4096xf32, #tpu.memory_space<vmem>>, vector<16xf32>,
        %parallel_loop3A_713 = arith.mulf %parallel_loop3A_712, %parallel_loop3A_712 : vector<16xf32>
        %parallel_loop3A_714 = arith.subf %parallel_loop3A_712, %parallel_loop3A_713 : vector<16xf32>
        %parallel_loop3A_715 = arith.mulf %parallel_loop3A_714, %div3A_417 : vector<16xf32>
        %parallel_loop3A_716 = arith.constant 1 : i32
        %parallel_loop3A_717 = arith.index_cast %parallel_loop3A_716 : i32 to index
        %parallel_loop3A_718 = arith.index_cast %parallel_loop3A_708 : i32 to index
        %parallel_loop3A_719 = tpu.vector_load %arg7[%parallel_loop3A_717, %parallel_loop3A_718] {strides = array<i32>} : memref<8x4096xf32, #tpu.memory_space<vmem>>, vector<16xf32>,
        tpu.vector_store %arg7[%parallel_loop3A_717, %parallel_loop3A_718], %parallel_loop3A_715 {strides = array<i32>} : memref<8x4096xf32, #tpu.memory_space<vmem>>, vector<16xf32>,
        %parallel_loop3A_720 = arith.mulf %parallel_loop3A_715, %parallel_loop3A_715 : vector<16xf32>
        %parallel_loop3A_721 = arith.addf %parallel_loop3A_585, %parallel_loop3A_720 : vector<16xf32>
        scf.yield %parallel_loop3A_602, %parallel_loop3A_619, %parallel_loop3A_636, %parallel_loop3A_653, %parallel_loop3A_670, %parallel_loop3A_687, %parallel_loop3A_704, %parallel_loop3A_721 : vector<16xf32>, vector<16xf32>, vector<16xf32>, vector<16xf32>, vector<16xf32>, vector<16xf32>, vector<16xf32>, vector<16xf32>
      } {sc.loop_unroll_factor = 1 : i64, sc.parallel_access}
      %add3A_422 = arith.addf %parallel_loop3A_421#0, %parallel_loop3A_421#1 : vector<16xf32>
      %add3A_423 = arith.addf %add3A_422, %parallel_loop3A_421#2 : vector<16xf32>
      %add3A_424 = arith.addf %add3A_423, %parallel_loop3A_421#3 : vector<16xf32>
      %add3A_425 = arith.addf %add3A_424, %parallel_loop3A_421#4 : vector<16xf32>
      %add3A_426 = arith.addf %add3A_425, %parallel_loop3A_421#5 : vector<16xf32>
      %add3A_427 = arith.addf %add3A_426, %parallel_loop3A_421#6 : vector<16xf32>
      %add3A_428 = arith.addf %add3A_427, %parallel_loop3A_421#7 : vector<16xf32>
      %reduce_sum3A_429 = arith.constant true
      %reduce_sum3A_430 = vector.broadcast %reduce_sum3A_429 : i1 to vector<16xi1>
      %reduce_sum3A_431 = tpu.scan <sum>, %add3A_428 masked %reduce_sum3A_430 : vector<16xf32>, vector<16xi1> -> vector<16xf32>
      %reduce_sum3A_432 = vector.extract %reduce_sum3A_431[15] : f32 from vector<16xf32>
      %sub3A_433 = arith.constant 1.000000e+00 : f32
      %sub3A_434 = arith.subf %sub3A_433, %reduce_sum3A_432 : f32
      %div3A_435 = vector.broadcast %sub3A_434 : f32 to vector<16xf32>
      %div3A_436 = arith.divf %broadcast_in_dim3A_3, %div3A_435 : vector<16xf32>
      %parallel_loop3A_437 = arith.constant 0 : i32
      %parallel_loop3A_438 = arith.constant 256 : i32
      %parallel_loop3A_439 = arith.constant 8 : i32
      %parallel_loop3A_440:8 = scf.for %parallel_loop3A_577 = %parallel_loop3A_437 to %parallel_loop3A_438 step %parallel_loop3A_439 iter_args(%parallel_loop3A_578 = %broadcast_in_dim3A_1, %parallel_loop3A_579 = %broadcast_in_dim3A_1, %parallel_loop3A_580 = %broadcast_in_dim3A_1, %parallel_loop3A_581 = %broadcast_in_dim3A_1, %parallel_loop3A_582 = %broadcast_in_dim3A_1, %parallel_loop3A_583 = %broadcast_in_dim3A_1, %parallel_loop3A_584 = %broadcast_in_dim3A_1, %parallel_loop3A_585 = %broadcast_in_dim3A_1) -> (vector<16xf32>, vector<16xf32>, vector<16xf32>, vector<16xf32>, vector<16xf32>, vector<16xf32>, vector<16xf32>, vector<16xf32>)  : i32 {
        %parallel_loop3A_586 = arith.constant 0 : i32
        %parallel_loop3A_587 = arith.addi %parallel_loop3A_577, %parallel_loop3A_586 : i32
        %parallel_loop3A_588 = arith.constant 16 : i32
        %parallel_loop3A_589 = arith.muli %parallel_loop3A_587, %parallel_loop3A_588 : i32
        %parallel_loop3A_590 = arith.constant 1 : i32
        %parallel_loop3A_591 = arith.index_cast %parallel_loop3A_590 : i32 to index
        %parallel_loop3A_592 = arith.index_cast %parallel_loop3A_589 : i32 to index
        %parallel_loop3A_593 = tpu.vector_load %arg7[%parallel_loop3A_591, %parallel_loop3A_592] {strides = array<i32>} : memref<8x4096xf32, #tpu.memory_space<vmem>>, vector<16xf32>,
        %parallel_loop3A_594 = arith.mulf %parallel_loop3A_593, %parallel_loop3A_593 : vector<16xf32>
        %parallel_loop3A_595 = arith.subf %parallel_loop3A_593, %parallel_loop3A_594 : vector<16xf32>
        %parallel_loop3A_596 = arith.mulf %parallel_loop3A_595, %div3A_436 : vector<16xf32>
        %parallel_loop3A_597 = arith.constant 2 : i32
        %parallel_loop3A_598 = arith.index_cast %parallel_loop3A_597 : i32 to index
        %parallel_loop3A_599 = arith.index_cast %parallel_loop3A_589 : i32 to index
        %parallel_loop3A_600 = tpu.vector_load %arg7[%parallel_loop3A_598, %parallel_loop3A_599] {strides = array<i32>} : memref<8x4096xf32, #tpu.memory_space<vmem>>, vector<16xf32>,
        tpu.vector_store %arg7[%parallel_loop3A_598, %parallel_loop3A_599], %parallel_loop3A_596 {strides = array<i32>} : memref<8x4096xf32, #tpu.memory_space<vmem>>, vector<16xf32>,
        %parallel_loop3A_601 = arith.mulf %parallel_loop3A_596, %parallel_loop3A_596 : vector<16xf32>
        %parallel_loop3A_602 = arith.addf %parallel_loop3A_578, %parallel_loop3A_601 : vector<16xf32>
        %parallel_loop3A_603 = arith.constant 1 : i32
        %parallel_loop3A_604 = arith.addi %parallel_loop3A_577, %parallel_loop3A_603 : i32
        %parallel_loop3A_605 = arith.constant 16 : i32
        %parallel_loop3A_606 = arith.muli %parallel_loop3A_604, %parallel_loop3A_605 : i32
        %parallel_loop3A_607 = arith.constant 1 : i32
        %parallel_loop3A_608 = arith.index_cast %parallel_loop3A_607 : i32 to index
        %parallel_loop3A_609 = arith.index_cast %parallel_loop3A_606 : i32 to index
        %parallel_loop3A_610 = tpu.vector_load %arg7[%parallel_loop3A_608, %parallel_loop3A_609] {strides = array<i32>} : memref<8x4096xf32, #tpu.memory_space<vmem>>, vector<16xf32>,
        %parallel_loop3A_611 = arith.mulf %parallel_loop3A_610, %parallel_loop3A_610 : vector<16xf32>
        %parallel_loop3A_612 = arith.subf %parallel_loop3A_610, %parallel_loop3A_611 : vector<16xf32>
        %parallel_loop3A_613 = arith.mulf %parallel_loop3A_612, %div3A_436 : vector<16xf32>
        %parallel_loop3A_614 = arith.constant 2 : i32
        %parallel_loop3A_615 = arith.index_cast %parallel_loop3A_614 : i32 to index
        %parallel_loop3A_616 = arith.index_cast %parallel_loop3A_606 : i32 to index
        %parallel_loop3A_617 = tpu.vector_load %arg7[%parallel_loop3A_615, %parallel_loop3A_616] {strides = array<i32>} : memref<8x4096xf32, #tpu.memory_space<vmem>>, vector<16xf32>,
        tpu.vector_store %arg7[%parallel_loop3A_615, %parallel_loop3A_616], %parallel_loop3A_613 {strides = array<i32>} : memref<8x4096xf32, #tpu.memory_space<vmem>>, vector<16xf32>,
        %parallel_loop3A_618 = arith.mulf %parallel_loop3A_613, %parallel_loop3A_613 : vector<16xf32>
        %parallel_loop3A_619 = arith.addf %parallel_loop3A_579, %parallel_loop3A_618 : vector<16xf32>
        %parallel_loop3A_620 = arith.constant 2 : i32
        %parallel_loop3A_621 = arith.addi %parallel_loop3A_577, %parallel_loop3A_620 : i32
        %parallel_loop3A_622 = arith.constant 16 : i32
        %parallel_loop3A_623 = arith.muli %parallel_loop3A_621, %parallel_loop3A_622 : i32
        %parallel_loop3A_624 = arith.constant 1 : i32
        %parallel_loop3A_625 = arith.index_cast %parallel_loop3A_624 : i32 to index
        %parallel_loop3A_626 = arith.index_cast %parallel_loop3A_623 : i32 to index
        %parallel_loop3A_627 = tpu.vector_load %arg7[%parallel_loop3A_625, %parallel_loop3A_626] {strides = array<i32>} : memref<8x4096xf32, #tpu.memory_space<vmem>>, vector<16xf32>,
        %parallel_loop3A_628 = arith.mulf %parallel_loop3A_627, %parallel_loop3A_627 : vector<16xf32>
        %parallel_loop3A_629 = arith.subf %parallel_loop3A_627, %parallel_loop3A_628 : vector<16xf32>
        %parallel_loop3A_630 = arith.mulf %parallel_loop3A_629, %div3A_436 : vector<16xf32>
        %parallel_loop3A_631 = arith.constant 2 : i32
        %parallel_loop3A_632 = arith.index_cast %parallel_loop3A_631 : i32 to index
        %parallel_loop3A_633 = arith.index_cast %parallel_loop3A_623 : i32 to index
        %parallel_loop3A_634 = tpu.vector_load %arg7[%parallel_loop3A_632, %parallel_loop3A_633] {strides = array<i32>} : memref<8x4096xf32, #tpu.memory_space<vmem>>, vector<16xf32>,
        tpu.vector_store %arg7[%parallel_loop3A_632, %parallel_loop3A_633], %parallel_loop3A_630 {strides = array<i32>} : memref<8x4096xf32, #tpu.memory_space<vmem>>, vector<16xf32>,
        %parallel_loop3A_635 = arith.mulf %parallel_loop3A_630, %parallel_loop3A_630 : vector<16xf32>
        %parallel_loop3A_636 = arith.addf %parallel_loop3A_580, %parallel_loop3A_635 : vector<16xf32>
        %parallel_loop3A_637 = arith.constant 3 : i32
        %parallel_loop3A_638 = arith.addi %parallel_loop3A_577, %parallel_loop3A_637 : i32
        %parallel_loop3A_639 = arith.constant 16 : i32
        %parallel_loop3A_640 = arith.muli %parallel_loop3A_638, %parallel_loop3A_639 : i32
        %parallel_loop3A_641 = arith.constant 1 : i32
        %parallel_loop3A_642 = arith.index_cast %parallel_loop3A_641 : i32 to index
        %parallel_loop3A_643 = arith.index_cast %parallel_loop3A_640 : i32 to index
        %parallel_loop3A_644 = tpu.vector_load %arg7[%parallel_loop3A_642, %parallel_loop3A_643] {strides = array<i32>} : memref<8x4096xf32, #tpu.memory_space<vmem>>, vector<16xf32>,
        %parallel_loop3A_645 = arith.mulf %parallel_loop3A_644, %parallel_loop3A_644 : vector<16xf32>
        %parallel_loop3A_646 = arith.subf %parallel_loop3A_644, %parallel_loop3A_645 : vector<16xf32>
        %parallel_loop3A_647 = arith.mulf %parallel_loop3A_646, %div3A_436 : vector<16xf32>
        %parallel_loop3A_648 = arith.constant 2 : i32
        %parallel_loop3A_649 = arith.index_cast %parallel_loop3A_648 : i32 to index
        %parallel_loop3A_650 = arith.index_cast %parallel_loop3A_640 : i32 to index
        %parallel_loop3A_651 = tpu.vector_load %arg7[%parallel_loop3A_649, %parallel_loop3A_650] {strides = array<i32>} : memref<8x4096xf32, #tpu.memory_space<vmem>>, vector<16xf32>,
        tpu.vector_store %arg7[%parallel_loop3A_649, %parallel_loop3A_650], %parallel_loop3A_647 {strides = array<i32>} : memref<8x4096xf32, #tpu.memory_space<vmem>>, vector<16xf32>,
        %parallel_loop3A_652 = arith.mulf %parallel_loop3A_647, %parallel_loop3A_647 : vector<16xf32>
        %parallel_loop3A_653 = arith.addf %parallel_loop3A_581, %parallel_loop3A_652 : vector<16xf32>
        %parallel_loop3A_654 = arith.constant 4 : i32
        %parallel_loop3A_655 = arith.addi %parallel_loop3A_577, %parallel_loop3A_654 : i32
        %parallel_loop3A_656 = arith.constant 16 : i32
        %parallel_loop3A_657 = arith.muli %parallel_loop3A_655, %parallel_loop3A_656 : i32
        %parallel_loop3A_658 = arith.constant 1 : i32
        %parallel_loop3A_659 = arith.index_cast %parallel_loop3A_658 : i32 to index
        %parallel_loop3A_660 = arith.index_cast %parallel_loop3A_657 : i32 to index
        %parallel_loop3A_661 = tpu.vector_load %arg7[%parallel_loop3A_659, %parallel_loop3A_660] {strides = array<i32>} : memref<8x4096xf32, #tpu.memory_space<vmem>>, vector<16xf32>,
        %parallel_loop3A_662 = arith.mulf %parallel_loop3A_661, %parallel_loop3A_661 : vector<16xf32>
        %parallel_loop3A_663 = arith.subf %parallel_loop3A_661, %parallel_loop3A_662 : vector<16xf32>
        %parallel_loop3A_664 = arith.mulf %parallel_loop3A_663, %div3A_436 : vector<16xf32>
        %parallel_loop3A_665 = arith.constant 2 : i32
        %parallel_loop3A_666 = arith.index_cast %parallel_loop3A_665 : i32 to index
        %parallel_loop3A_667 = arith.index_cast %parallel_loop3A_657 : i32 to index
        %parallel_loop3A_668 = tpu.vector_load %arg7[%parallel_loop3A_666, %parallel_loop3A_667] {strides = array<i32>} : memref<8x4096xf32, #tpu.memory_space<vmem>>, vector<16xf32>,
        tpu.vector_store %arg7[%parallel_loop3A_666, %parallel_loop3A_667], %parallel_loop3A_664 {strides = array<i32>} : memref<8x4096xf32, #tpu.memory_space<vmem>>, vector<16xf32>,
        %parallel_loop3A_669 = arith.mulf %parallel_loop3A_664, %parallel_loop3A_664 : vector<16xf32>
        %parallel_loop3A_670 = arith.addf %parallel_loop3A_582, %parallel_loop3A_669 : vector<16xf32>
        %parallel_loop3A_671 = arith.constant 5 : i32
        %parallel_loop3A_672 = arith.addi %parallel_loop3A_577, %parallel_loop3A_671 : i32
        %parallel_loop3A_673 = arith.constant 16 : i32
        %parallel_loop3A_674 = arith.muli %parallel_loop3A_672, %parallel_loop3A_673 : i32
        %parallel_loop3A_675 = arith.constant 1 : i32
        %parallel_loop3A_676 = arith.index_cast %parallel_loop3A_675 : i32 to index
        %parallel_loop3A_677 = arith.index_cast %parallel_loop3A_674 : i32 to index
        %parallel_loop3A_678 = tpu.vector_load %arg7[%parallel_loop3A_676, %parallel_loop3A_677] {strides = array<i32>} : memref<8x4096xf32, #tpu.memory_space<vmem>>, vector<16xf32>,
        %parallel_loop3A_679 = arith.mulf %parallel_loop3A_678, %parallel_loop3A_678 : vector<16xf32>
        %parallel_loop3A_680 = arith.subf %parallel_loop3A_678, %parallel_loop3A_679 : vector<16xf32>
        %parallel_loop3A_681 = arith.mulf %parallel_loop3A_680, %div3A_436 : vector<16xf32>
        %parallel_loop3A_682 = arith.constant 2 : i32
        %parallel_loop3A_683 = arith.index_cast %parallel_loop3A_682 : i32 to index
        %parallel_loop3A_684 = arith.index_cast %parallel_loop3A_674 : i32 to index
        %parallel_loop3A_685 = tpu.vector_load %arg7[%parallel_loop3A_683, %parallel_loop3A_684] {strides = array<i32>} : memref<8x4096xf32, #tpu.memory_space<vmem>>, vector<16xf32>,
        tpu.vector_store %arg7[%parallel_loop3A_683, %parallel_loop3A_684], %parallel_loop3A_681 {strides = array<i32>} : memref<8x4096xf32, #tpu.memory_space<vmem>>, vector<16xf32>,
        %parallel_loop3A_686 = arith.mulf %parallel_loop3A_681, %parallel_loop3A_681 : vector<16xf32>
        %parallel_loop3A_687 = arith.addf %parallel_loop3A_583, %parallel_loop3A_686 : vector<16xf32>
        %parallel_loop3A_688 = arith.constant 6 : i32
        %parallel_loop3A_689 = arith.addi %parallel_loop3A_577, %parallel_loop3A_688 : i32
        %parallel_loop3A_690 = arith.constant 16 : i32
        %parallel_loop3A_691 = arith.muli %parallel_loop3A_689, %parallel_loop3A_690 : i32
        %parallel_loop3A_692 = arith.constant 1 : i32
        %parallel_loop3A_693 = arith.index_cast %parallel_loop3A_692 : i32 to index
        %parallel_loop3A_694 = arith.index_cast %parallel_loop3A_691 : i32 to index
        %parallel_loop3A_695 = tpu.vector_load %arg7[%parallel_loop3A_693, %parallel_loop3A_694] {strides = array<i32>} : memref<8x4096xf32, #tpu.memory_space<vmem>>, vector<16xf32>,
        %parallel_loop3A_696 = arith.mulf %parallel_loop3A_695, %parallel_loop3A_695 : vector<16xf32>
        %parallel_loop3A_697 = arith.subf %parallel_loop3A_695, %parallel_loop3A_696 : vector<16xf32>
        %parallel_loop3A_698 = arith.mulf %parallel_loop3A_697, %div3A_436 : vector<16xf32>
        %parallel_loop3A_699 = arith.constant 2 : i32
        %parallel_loop3A_700 = arith.index_cast %parallel_loop3A_699 : i32 to index
        %parallel_loop3A_701 = arith.index_cast %parallel_loop3A_691 : i32 to index
        %parallel_loop3A_702 = tpu.vector_load %arg7[%parallel_loop3A_700, %parallel_loop3A_701] {strides = array<i32>} : memref<8x4096xf32, #tpu.memory_space<vmem>>, vector<16xf32>,
        tpu.vector_store %arg7[%parallel_loop3A_700, %parallel_loop3A_701], %parallel_loop3A_698 {strides = array<i32>} : memref<8x4096xf32, #tpu.memory_space<vmem>>, vector<16xf32>,
        %parallel_loop3A_703 = arith.mulf %parallel_loop3A_698, %parallel_loop3A_698 : vector<16xf32>
        %parallel_loop3A_704 = arith.addf %parallel_loop3A_584, %parallel_loop3A_703 : vector<16xf32>
        %parallel_loop3A_705 = arith.constant 7 : i32
        %parallel_loop3A_706 = arith.addi %parallel_loop3A_577, %parallel_loop3A_705 : i32
        %parallel_loop3A_707 = arith.constant 16 : i32
        %parallel_loop3A_708 = arith.muli %parallel_loop3A_706, %parallel_loop3A_707 : i32
        %parallel_loop3A_709 = arith.constant 1 : i32
        %parallel_loop3A_710 = arith.index_cast %parallel_loop3A_709 : i32 to index
        %parallel_loop3A_711 = arith.index_cast %parallel_loop3A_708 : i32 to index
        %parallel_loop3A_712 = tpu.vector_load %arg7[%parallel_loop3A_710, %parallel_loop3A_711] {strides = array<i32>} : memref<8x4096xf32, #tpu.memory_space<vmem>>, vector<16xf32>,
        %parallel_loop3A_713 = arith.mulf %parallel_loop3A_712, %parallel_loop3A_712 : vector<16xf32>
        %parallel_loop3A_714 = arith.subf %parallel_loop3A_712, %parallel_loop3A_713 : vector<16xf32>
        %parallel_loop3A_715 = arith.mulf %parallel_loop3A_714, %div3A_436 : vector<16xf32>
        %parallel_loop3A_716 = arith.constant 2 : i32
        %parallel_loop3A_717 = arith.index_cast %parallel_loop3A_716 : i32 to index
        %parallel_loop3A_718 = arith.index_cast %parallel_loop3A_708 : i32 to index
        %parallel_loop3A_719 = tpu.vector_load %arg7[%parallel_loop3A_717, %parallel_loop3A_718] {strides = array<i32>} : memref<8x4096xf32, #tpu.memory_space<vmem>>, vector<16xf32>,
        tpu.vector_store %arg7[%parallel_loop3A_717, %parallel_loop3A_718], %parallel_loop3A_715 {strides = array<i32>} : memref<8x4096xf32, #tpu.memory_space<vmem>>, vector<16xf32>,
        %parallel_loop3A_720 = arith.mulf %parallel_loop3A_715, %parallel_loop3A_715 : vector<16xf32>
        %parallel_loop3A_721 = arith.addf %parallel_loop3A_585, %parallel_loop3A_720 : vector<16xf32>
        scf.yield %parallel_loop3A_602, %parallel_loop3A_619, %parallel_loop3A_636, %parallel_loop3A_653, %parallel_loop3A_670, %parallel_loop3A_687, %parallel_loop3A_704, %parallel_loop3A_721 : vector<16xf32>, vector<16xf32>, vector<16xf32>, vector<16xf32>, vector<16xf32>, vector<16xf32>, vector<16xf32>, vector<16xf32>
      } {sc.loop_unroll_factor = 1 : i64, sc.parallel_access}
      %add3A_441 = arith.addf %parallel_loop3A_440#0, %parallel_loop3A_440#1 : vector<16xf32>
      %add3A_442 = arith.addf %add3A_441, %parallel_loop3A_440#2 : vector<16xf32>
      %add3A_443 = arith.addf %add3A_442, %parallel_loop3A_440#3 : vector<16xf32>
      %add3A_444 = arith.addf %add3A_443, %parallel_loop3A_440#4 : vector<16xf32>
      %add3A_445 = arith.addf %add3A_444, %parallel_loop3A_440#5 : vector<16xf32>
      %add3A_446 = arith.addf %add3A_445, %parallel_loop3A_440#6 : vector<16xf32>
      %add3A_447 = arith.addf %add3A_446, %parallel_loop3A_440#7 : vector<16xf32>
      %reduce_sum3A_448 = arith.constant true
      %reduce_sum3A_449 = vector.broadcast %reduce_sum3A_448 : i1 to vector<16xi1>
      %reduce_sum3A_450 = tpu.scan <sum>, %add3A_447 masked %reduce_sum3A_449 : vector<16xf32>, vector<16xi1> -> vector<16xf32>
      %reduce_sum3A_451 = vector.extract %reduce_sum3A_450[15] : f32 from vector<16xf32>
      %sub3A_452 = arith.constant 1.000000e+00 : f32
      %sub3A_453 = arith.subf %sub3A_452, %reduce_sum3A_451 : f32
      %div3A_454 = vector.broadcast %sub3A_453 : f32 to vector<16xf32>
      %div3A_455 = arith.divf %broadcast_in_dim3A_3, %div3A_454 : vector<16xf32>
      %parallel_loop3A_456 = arith.constant 0 : i32
      %parallel_loop3A_457 = arith.constant 256 : i32
      %parallel_loop3A_458 = arith.constant 8 : i32
      %parallel_loop3A_459:8 = scf.for %parallel_loop3A_577 = %parallel_loop3A_456 to %parallel_loop3A_457 step %parallel_loop3A_458 iter_args(%parallel_loop3A_578 = %broadcast_in_dim3A_1, %parallel_loop3A_579 = %broadcast_in_dim3A_1, %parallel_loop3A_580 = %broadcast_in_dim3A_1, %parallel_loop3A_581 = %broadcast_in_dim3A_1, %parallel_loop3A_582 = %broadcast_in_dim3A_1, %parallel_loop3A_583 = %broadcast_in_dim3A_1, %parallel_loop3A_584 = %broadcast_in_dim3A_1, %parallel_loop3A_585 = %broadcast_in_dim3A_1) -> (vector<16xf32>, vector<16xf32>, vector<16xf32>, vector<16xf32>, vector<16xf32>, vector<16xf32>, vector<16xf32>, vector<16xf32>)  : i32 {
        %parallel_loop3A_586 = arith.constant 0 : i32
        %parallel_loop3A_587 = arith.addi %parallel_loop3A_577, %parallel_loop3A_586 : i32
        %parallel_loop3A_588 = arith.constant 16 : i32
        %parallel_loop3A_589 = arith.muli %parallel_loop3A_587, %parallel_loop3A_588 : i32
        %parallel_loop3A_590 = arith.constant 2 : i32
        %parallel_loop3A_591 = arith.index_cast %parallel_loop3A_590 : i32 to index
        %parallel_loop3A_592 = arith.index_cast %parallel_loop3A_589 : i32 to index
        %parallel_loop3A_593 = tpu.vector_load %arg7[%parallel_loop3A_591, %parallel_loop3A_592] {strides = array<i32>} : memref<8x4096xf32, #tpu.memory_space<vmem>>, vector<16xf32>,
        %parallel_loop3A_594 = arith.mulf %parallel_loop3A_593, %parallel_loop3A_593 : vector<16xf32>
        %parallel_loop3A_595 = arith.subf %parallel_loop3A_593, %parallel_loop3A_594 : vector<16xf32>
        %parallel_loop3A_596 = arith.mulf %parallel_loop3A_595, %div3A_455 : vector<16xf32>
        %parallel_loop3A_597 = arith.constant 3 : i32
        %parallel_loop3A_598 = arith.index_cast %parallel_loop3A_597 : i32 to index
        %parallel_loop3A_599 = arith.index_cast %parallel_loop3A_589 : i32 to index
        %parallel_loop3A_600 = tpu.vector_load %arg7[%parallel_loop3A_598, %parallel_loop3A_599] {strides = array<i32>} : memref<8x4096xf32, #tpu.memory_space<vmem>>, vector<16xf32>,
        tpu.vector_store %arg7[%parallel_loop3A_598, %parallel_loop3A_599], %parallel_loop3A_596 {strides = array<i32>} : memref<8x4096xf32, #tpu.memory_space<vmem>>, vector<16xf32>,
        %parallel_loop3A_601 = arith.mulf %parallel_loop3A_596, %parallel_loop3A_596 : vector<16xf32>
        %parallel_loop3A_602 = arith.addf %parallel_loop3A_578, %parallel_loop3A_601 : vector<16xf32>
        %parallel_loop3A_603 = arith.constant 1 : i32
        %parallel_loop3A_604 = arith.addi %parallel_loop3A_577, %parallel_loop3A_603 : i32
        %parallel_loop3A_605 = arith.constant 16 : i32
        %parallel_loop3A_606 = arith.muli %parallel_loop3A_604, %parallel_loop3A_605 : i32
        %parallel_loop3A_607 = arith.constant 2 : i32
        %parallel_loop3A_608 = arith.index_cast %parallel_loop3A_607 : i32 to index
        %parallel_loop3A_609 = arith.index_cast %parallel_loop3A_606 : i32 to index
        %parallel_loop3A_610 = tpu.vector_load %arg7[%parallel_loop3A_608, %parallel_loop3A_609] {strides = array<i32>} : memref<8x4096xf32, #tpu.memory_space<vmem>>, vector<16xf32>,
        %parallel_loop3A_611 = arith.mulf %parallel_loop3A_610, %parallel_loop3A_610 : vector<16xf32>
        %parallel_loop3A_612 = arith.subf %parallel_loop3A_610, %parallel_loop3A_611 : vector<16xf32>
        %parallel_loop3A_613 = arith.mulf %parallel_loop3A_612, %div3A_455 : vector<16xf32>
        %parallel_loop3A_614 = arith.constant 3 : i32
        %parallel_loop3A_615 = arith.index_cast %parallel_loop3A_614 : i32 to index
        %parallel_loop3A_616 = arith.index_cast %parallel_loop3A_606 : i32 to index
        %parallel_loop3A_617 = tpu.vector_load %arg7[%parallel_loop3A_615, %parallel_loop3A_616] {strides = array<i32>} : memref<8x4096xf32, #tpu.memory_space<vmem>>, vector<16xf32>,
        tpu.vector_store %arg7[%parallel_loop3A_615, %parallel_loop3A_616], %parallel_loop3A_613 {strides = array<i32>} : memref<8x4096xf32, #tpu.memory_space<vmem>>, vector<16xf32>,
        %parallel_loop3A_618 = arith.mulf %parallel_loop3A_613, %parallel_loop3A_613 : vector<16xf32>
        %parallel_loop3A_619 = arith.addf %parallel_loop3A_579, %parallel_loop3A_618 : vector<16xf32>
        %parallel_loop3A_620 = arith.constant 2 : i32
        %parallel_loop3A_621 = arith.addi %parallel_loop3A_577, %parallel_loop3A_620 : i32
        %parallel_loop3A_622 = arith.constant 16 : i32
        %parallel_loop3A_623 = arith.muli %parallel_loop3A_621, %parallel_loop3A_622 : i32
        %parallel_loop3A_624 = arith.constant 2 : i32
        %parallel_loop3A_625 = arith.index_cast %parallel_loop3A_624 : i32 to index
        %parallel_loop3A_626 = arith.index_cast %parallel_loop3A_623 : i32 to index
        %parallel_loop3A_627 = tpu.vector_load %arg7[%parallel_loop3A_625, %parallel_loop3A_626] {strides = array<i32>} : memref<8x4096xf32, #tpu.memory_space<vmem>>, vector<16xf32>,
        %parallel_loop3A_628 = arith.mulf %parallel_loop3A_627, %parallel_loop3A_627 : vector<16xf32>
        %parallel_loop3A_629 = arith.subf %parallel_loop3A_627, %parallel_loop3A_628 : vector<16xf32>
        %parallel_loop3A_630 = arith.mulf %parallel_loop3A_629, %div3A_455 : vector<16xf32>
        %parallel_loop3A_631 = arith.constant 3 : i32
        %parallel_loop3A_632 = arith.index_cast %parallel_loop3A_631 : i32 to index
        %parallel_loop3A_633 = arith.index_cast %parallel_loop3A_623 : i32 to index
        %parallel_loop3A_634 = tpu.vector_load %arg7[%parallel_loop3A_632, %parallel_loop3A_633] {strides = array<i32>} : memref<8x4096xf32, #tpu.memory_space<vmem>>, vector<16xf32>,
        tpu.vector_store %arg7[%parallel_loop3A_632, %parallel_loop3A_633], %parallel_loop3A_630 {strides = array<i32>} : memref<8x4096xf32, #tpu.memory_space<vmem>>, vector<16xf32>,
        %parallel_loop3A_635 = arith.mulf %parallel_loop3A_630, %parallel_loop3A_630 : vector<16xf32>
        %parallel_loop3A_636 = arith.addf %parallel_loop3A_580, %parallel_loop3A_635 : vector<16xf32>
        %parallel_loop3A_637 = arith.constant 3 : i32
        %parallel_loop3A_638 = arith.addi %parallel_loop3A_577, %parallel_loop3A_637 : i32
        %parallel_loop3A_639 = arith.constant 16 : i32
        %parallel_loop3A_640 = arith.muli %parallel_loop3A_638, %parallel_loop3A_639 : i32
        %parallel_loop3A_641 = arith.constant 2 : i32
        %parallel_loop3A_642 = arith.index_cast %parallel_loop3A_641 : i32 to index
        %parallel_loop3A_643 = arith.index_cast %parallel_loop3A_640 : i32 to index
        %parallel_loop3A_644 = tpu.vector_load %arg7[%parallel_loop3A_642, %parallel_loop3A_643] {strides = array<i32>} : memref<8x4096xf32, #tpu.memory_space<vmem>>, vector<16xf32>,
        %parallel_loop3A_645 = arith.mulf %parallel_loop3A_644, %parallel_loop3A_644 : vector<16xf32>
        %parallel_loop3A_646 = arith.subf %parallel_loop3A_644, %parallel_loop3A_645 : vector<16xf32>
        %parallel_loop3A_647 = arith.mulf %parallel_loop3A_646, %div3A_455 : vector<16xf32>
        %parallel_loop3A_648 = arith.constant 3 : i32
        %parallel_loop3A_649 = arith.index_cast %parallel_loop3A_648 : i32 to index
        %parallel_loop3A_650 = arith.index_cast %parallel_loop3A_640 : i32 to index
        %parallel_loop3A_651 = tpu.vector_load %arg7[%parallel_loop3A_649, %parallel_loop3A_650] {strides = array<i32>} : memref<8x4096xf32, #tpu.memory_space<vmem>>, vector<16xf32>,
        tpu.vector_store %arg7[%parallel_loop3A_649, %parallel_loop3A_650], %parallel_loop3A_647 {strides = array<i32>} : memref<8x4096xf32, #tpu.memory_space<vmem>>, vector<16xf32>,
        %parallel_loop3A_652 = arith.mulf %parallel_loop3A_647, %parallel_loop3A_647 : vector<16xf32>
        %parallel_loop3A_653 = arith.addf %parallel_loop3A_581, %parallel_loop3A_652 : vector<16xf32>
        %parallel_loop3A_654 = arith.constant 4 : i32
        %parallel_loop3A_655 = arith.addi %parallel_loop3A_577, %parallel_loop3A_654 : i32
        %parallel_loop3A_656 = arith.constant 16 : i32
        %parallel_loop3A_657 = arith.muli %parallel_loop3A_655, %parallel_loop3A_656 : i32
        %parallel_loop3A_658 = arith.constant 2 : i32
        %parallel_loop3A_659 = arith.index_cast %parallel_loop3A_658 : i32 to index
        %parallel_loop3A_660 = arith.index_cast %parallel_loop3A_657 : i32 to index
        %parallel_loop3A_661 = tpu.vector_load %arg7[%parallel_loop3A_659, %parallel_loop3A_660] {strides = array<i32>} : memref<8x4096xf32, #tpu.memory_space<vmem>>, vector<16xf32>,
        %parallel_loop3A_662 = arith.mulf %parallel_loop3A_661, %parallel_loop3A_661 : vector<16xf32>
        %parallel_loop3A_663 = arith.subf %parallel_loop3A_661, %parallel_loop3A_662 : vector<16xf32>
        %parallel_loop3A_664 = arith.mulf %parallel_loop3A_663, %div3A_455 : vector<16xf32>
        %parallel_loop3A_665 = arith.constant 3 : i32
        %parallel_loop3A_666 = arith.index_cast %parallel_loop3A_665 : i32 to index
        %parallel_loop3A_667 = arith.index_cast %parallel_loop3A_657 : i32 to index
        %parallel_loop3A_668 = tpu.vector_load %arg7[%parallel_loop3A_666, %parallel_loop3A_667] {strides = array<i32>} : memref<8x4096xf32, #tpu.memory_space<vmem>>, vector<16xf32>,
        tpu.vector_store %arg7[%parallel_loop3A_666, %parallel_loop3A_667], %parallel_loop3A_664 {strides = array<i32>} : memref<8x4096xf32, #tpu.memory_space<vmem>>, vector<16xf32>,
        %parallel_loop3A_669 = arith.mulf %parallel_loop3A_664, %parallel_loop3A_664 : vector<16xf32>
        %parallel_loop3A_670 = arith.addf %parallel_loop3A_582, %parallel_loop3A_669 : vector<16xf32>
        %parallel_loop3A_671 = arith.constant 5 : i32
        %parallel_loop3A_672 = arith.addi %parallel_loop3A_577, %parallel_loop3A_671 : i32
        %parallel_loop3A_673 = arith.constant 16 : i32
        %parallel_loop3A_674 = arith.muli %parallel_loop3A_672, %parallel_loop3A_673 : i32
        %parallel_loop3A_675 = arith.constant 2 : i32
        %parallel_loop3A_676 = arith.index_cast %parallel_loop3A_675 : i32 to index
        %parallel_loop3A_677 = arith.index_cast %parallel_loop3A_674 : i32 to index
        %parallel_loop3A_678 = tpu.vector_load %arg7[%parallel_loop3A_676, %parallel_loop3A_677] {strides = array<i32>} : memref<8x4096xf32, #tpu.memory_space<vmem>>, vector<16xf32>,
        %parallel_loop3A_679 = arith.mulf %parallel_loop3A_678, %parallel_loop3A_678 : vector<16xf32>
        %parallel_loop3A_680 = arith.subf %parallel_loop3A_678, %parallel_loop3A_679 : vector<16xf32>
        %parallel_loop3A_681 = arith.mulf %parallel_loop3A_680, %div3A_455 : vector<16xf32>
        %parallel_loop3A_682 = arith.constant 3 : i32
        %parallel_loop3A_683 = arith.index_cast %parallel_loop3A_682 : i32 to index
        %parallel_loop3A_684 = arith.index_cast %parallel_loop3A_674 : i32 to index
        %parallel_loop3A_685 = tpu.vector_load %arg7[%parallel_loop3A_683, %parallel_loop3A_684] {strides = array<i32>} : memref<8x4096xf32, #tpu.memory_space<vmem>>, vector<16xf32>,
        tpu.vector_store %arg7[%parallel_loop3A_683, %parallel_loop3A_684], %parallel_loop3A_681 {strides = array<i32>} : memref<8x4096xf32, #tpu.memory_space<vmem>>, vector<16xf32>,
        %parallel_loop3A_686 = arith.mulf %parallel_loop3A_681, %parallel_loop3A_681 : vector<16xf32>
        %parallel_loop3A_687 = arith.addf %parallel_loop3A_583, %parallel_loop3A_686 : vector<16xf32>
        %parallel_loop3A_688 = arith.constant 6 : i32
        %parallel_loop3A_689 = arith.addi %parallel_loop3A_577, %parallel_loop3A_688 : i32
        %parallel_loop3A_690 = arith.constant 16 : i32
        %parallel_loop3A_691 = arith.muli %parallel_loop3A_689, %parallel_loop3A_690 : i32
        %parallel_loop3A_692 = arith.constant 2 : i32
        %parallel_loop3A_693 = arith.index_cast %parallel_loop3A_692 : i32 to index
        %parallel_loop3A_694 = arith.index_cast %parallel_loop3A_691 : i32 to index
        %parallel_loop3A_695 = tpu.vector_load %arg7[%parallel_loop3A_693, %parallel_loop3A_694] {strides = array<i32>} : memref<8x4096xf32, #tpu.memory_space<vmem>>, vector<16xf32>,
        %parallel_loop3A_696 = arith.mulf %parallel_loop3A_695, %parallel_loop3A_695 : vector<16xf32>
        %parallel_loop3A_697 = arith.subf %parallel_loop3A_695, %parallel_loop3A_696 : vector<16xf32>
        %parallel_loop3A_698 = arith.mulf %parallel_loop3A_697, %div3A_455 : vector<16xf32>
        %parallel_loop3A_699 = arith.constant 3 : i32
        %parallel_loop3A_700 = arith.index_cast %parallel_loop3A_699 : i32 to index
        %parallel_loop3A_701 = arith.index_cast %parallel_loop3A_691 : i32 to index
        %parallel_loop3A_702 = tpu.vector_load %arg7[%parallel_loop3A_700, %parallel_loop3A_701] {strides = array<i32>} : memref<8x4096xf32, #tpu.memory_space<vmem>>, vector<16xf32>,
        tpu.vector_store %arg7[%parallel_loop3A_700, %parallel_loop3A_701], %parallel_loop3A_698 {strides = array<i32>} : memref<8x4096xf32, #tpu.memory_space<vmem>>, vector<16xf32>,
        %parallel_loop3A_703 = arith.mulf %parallel_loop3A_698, %parallel_loop3A_698 : vector<16xf32>
        %parallel_loop3A_704 = arith.addf %parallel_loop3A_584, %parallel_loop3A_703 : vector<16xf32>
        %parallel_loop3A_705 = arith.constant 7 : i32
        %parallel_loop3A_706 = arith.addi %parallel_loop3A_577, %parallel_loop3A_705 : i32
        %parallel_loop3A_707 = arith.constant 16 : i32
        %parallel_loop3A_708 = arith.muli %parallel_loop3A_706, %parallel_loop3A_707 : i32
        %parallel_loop3A_709 = arith.constant 2 : i32
        %parallel_loop3A_710 = arith.index_cast %parallel_loop3A_709 : i32 to index
        %parallel_loop3A_711 = arith.index_cast %parallel_loop3A_708 : i32 to index
        %parallel_loop3A_712 = tpu.vector_load %arg7[%parallel_loop3A_710, %parallel_loop3A_711] {strides = array<i32>} : memref<8x4096xf32, #tpu.memory_space<vmem>>, vector<16xf32>,
        %parallel_loop3A_713 = arith.mulf %parallel_loop3A_712, %parallel_loop3A_712 : vector<16xf32>
        %parallel_loop3A_714 = arith.subf %parallel_loop3A_712, %parallel_loop3A_713 : vector<16xf32>
        %parallel_loop3A_715 = arith.mulf %parallel_loop3A_714, %div3A_455 : vector<16xf32>
        %parallel_loop3A_716 = arith.constant 3 : i32
        %parallel_loop3A_717 = arith.index_cast %parallel_loop3A_716 : i32 to index
        %parallel_loop3A_718 = arith.index_cast %parallel_loop3A_708 : i32 to index
        %parallel_loop3A_719 = tpu.vector_load %arg7[%parallel_loop3A_717, %parallel_loop3A_718] {strides = array<i32>} : memref<8x4096xf32, #tpu.memory_space<vmem>>, vector<16xf32>,
        tpu.vector_store %arg7[%parallel_loop3A_717, %parallel_loop3A_718], %parallel_loop3A_715 {strides = array<i32>} : memref<8x4096xf32, #tpu.memory_space<vmem>>, vector<16xf32>,
        %parallel_loop3A_720 = arith.mulf %parallel_loop3A_715, %parallel_loop3A_715 : vector<16xf32>
        %parallel_loop3A_721 = arith.addf %parallel_loop3A_585, %parallel_loop3A_720 : vector<16xf32>
        scf.yield %parallel_loop3A_602, %parallel_loop3A_619, %parallel_loop3A_636, %parallel_loop3A_653, %parallel_loop3A_670, %parallel_loop3A_687, %parallel_loop3A_704, %parallel_loop3A_721 : vector<16xf32>, vector<16xf32>, vector<16xf32>, vector<16xf32>, vector<16xf32>, vector<16xf32>, vector<16xf32>, vector<16xf32>
      } {sc.loop_unroll_factor = 1 : i64, sc.parallel_access}
      %dma_start3A_460 = arith.constant 0 : i32
      %dma_start3A_461 = arith.constant 0 : i32
      %dma_start3A_462 = tpu.memref_slice %arg7[%dma_start3A_460, %dma_start3A_461] : memref<8x4096xf32, #tpu.memory_space<vmem>> -> memref<4x4096xf32, #tpu.memory_space<vmem>>
      %dma_start3A_463 = arith.constant 0 : i32
      %dma_start3A_464 = arith.constant 0 : i32
      %dma_start3A_465 = tpu.memref_slice %arg3[%shift_right_arithmetic3A_325, %and3A_329, %and3A_331, %dma_start3A_463, %dma_start3A_464] : memref<16x8x4x8x4096xf32, #tpu.memory_space<hbm>> -> memref<1x1x1x4x4096xf32, #tpu.memory_space<hbm>>
      %dma_start3A_466 = tpu.memref_squeeze %dma_start3A_465 : memref<1x1x1x4x4096xf32, #tpu.memory_space<hbm>> -> memref<4x4096xf32, #tpu.memory_space<hbm>>
      %dma_start3A_467 = arith.constant 0 : i32
      %dma_start3A_468 = arith.constant 0 : i32
      %dma_start3A_469 = tpu.memref_slice %arg3[%shift_right_arithmetic3A_325, %and3A_329, %and3A_331, %dma_start3A_467, %dma_start3A_468] : memref<16x8x4x8x4096xf32, #tpu.memory_space<hbm>> -> memref<1x1x1x4x4096xf32, #tpu.memory_space<hbm>>
      %dma_start3A_470 = tpu.memref_squeeze %dma_start3A_469 : memref<1x1x1x4x4096xf32, #tpu.memory_space<hbm>> -> memref<4x4096xf32, #tpu.memory_space<hbm>>
      %dma_start3A_471 = arith.constant 0 : i32
      %dma_start3A_472 = arith.constant 0 : i32
      %dma_start3A_473 = tpu.memref_slice %arg7[%dma_start3A_471, %dma_start3A_472] : memref<8x4096xf32, #tpu.memory_space<vmem>> -> memref<4x4096xf32, #tpu.memory_space<vmem>>
      tpu.enqueue_dma source(%dma_start3A_473 : memref<4x4096xf32, #tpu.memory_space<vmem>>) target(%dma_start3A_470 : memref<4x4096xf32, #tpu.memory_space<hbm>>) target_semaphore(%arg9 : memref<!tpu.dma_semaphore, #tpu.memory_space<semaphore_mem>>)
      %add3A_474 = arith.addf %parallel_loop3A_459#0, %parallel_loop3A_459#1 : vector<16xf32>
      %add3A_475 = arith.addf %add3A_474, %parallel_loop3A_459#2 : vector<16xf32>
      %add3A_476 = arith.addf %add3A_475, %parallel_loop3A_459#3 : vector<16xf32>
      %add3A_477 = arith.addf %add3A_476, %parallel_loop3A_459#4 : vector<16xf32>
      %add3A_478 = arith.addf %add3A_477, %parallel_loop3A_459#5 : vector<16xf32>
      %add3A_479 = arith.addf %add3A_478, %parallel_loop3A_459#6 : vector<16xf32>
      %add3A_480 = arith.addf %add3A_479, %parallel_loop3A_459#7 : vector<16xf32>
      %reduce_sum3A_481 = arith.constant true
      %reduce_sum3A_482 = vector.broadcast %reduce_sum3A_481 : i1 to vector<16xi1>
      %reduce_sum3A_483 = tpu.scan <sum>, %add3A_480 masked %reduce_sum3A_482 : vector<16xf32>, vector<16xi1> -> vector<16xf32>
      %reduce_sum3A_484 = vector.extract %reduce_sum3A_483[15] : f32 from vector<16xf32>
      %sub3A_485 = arith.constant 1.000000e+00 : f32
      %sub3A_486 = arith.subf %sub3A_485, %reduce_sum3A_484 : f32
      %div3A_487 = vector.broadcast %sub3A_486 : f32 to vector<16xf32>
      %div3A_488 = arith.divf %broadcast_in_dim3A_3, %div3A_487 : vector<16xf32>
      %parallel_loop3A_489 = arith.constant 0 : i32
      %parallel_loop3A_490 = arith.constant 256 : i32
      %parallel_loop3A_491 = arith.constant 8 : i32
      %parallel_loop3A_492:8 = scf.for %parallel_loop3A_577 = %parallel_loop3A_489 to %parallel_loop3A_490 step %parallel_loop3A_491 iter_args(%parallel_loop3A_578 = %broadcast_in_dim3A_1, %parallel_loop3A_579 = %broadcast_in_dim3A_1, %parallel_loop3A_580 = %broadcast_in_dim3A_1, %parallel_loop3A_581 = %broadcast_in_dim3A_1, %parallel_loop3A_582 = %broadcast_in_dim3A_1, %parallel_loop3A_583 = %broadcast_in_dim3A_1, %parallel_loop3A_584 = %broadcast_in_dim3A_1, %parallel_loop3A_585 = %broadcast_in_dim3A_1) -> (vector<16xf32>, vector<16xf32>, vector<16xf32>, vector<16xf32>, vector<16xf32>, vector<16xf32>, vector<16xf32>, vector<16xf32>)  : i32 {
        %parallel_loop3A_586 = arith.constant 0 : i32
        %parallel_loop3A_587 = arith.addi %parallel_loop3A_577, %parallel_loop3A_586 : i32
        %parallel_loop3A_588 = arith.constant 16 : i32
        %parallel_loop3A_589 = arith.muli %parallel_loop3A_587, %parallel_loop3A_588 : i32
        %parallel_loop3A_590 = arith.constant 3 : i32
        %parallel_loop3A_591 = arith.index_cast %parallel_loop3A_590 : i32 to index
        %parallel_loop3A_592 = arith.index_cast %parallel_loop3A_589 : i32 to index
        %parallel_loop3A_593 = tpu.vector_load %arg7[%parallel_loop3A_591, %parallel_loop3A_592] {strides = array<i32>} : memref<8x4096xf32, #tpu.memory_space<vmem>>, vector<16xf32>,
        %parallel_loop3A_594 = arith.mulf %parallel_loop3A_593, %parallel_loop3A_593 : vector<16xf32>
        %parallel_loop3A_595 = arith.subf %parallel_loop3A_593, %parallel_loop3A_594 : vector<16xf32>
        %parallel_loop3A_596 = arith.mulf %parallel_loop3A_595, %div3A_488 : vector<16xf32>
        %parallel_loop3A_597 = arith.constant 4 : i32
        %parallel_loop3A_598 = arith.index_cast %parallel_loop3A_597 : i32 to index
        %parallel_loop3A_599 = arith.index_cast %parallel_loop3A_589 : i32 to index
        %parallel_loop3A_600 = tpu.vector_load %arg7[%parallel_loop3A_598, %parallel_loop3A_599] {strides = array<i32>} : memref<8x4096xf32, #tpu.memory_space<vmem>>, vector<16xf32>,
        tpu.vector_store %arg7[%parallel_loop3A_598, %parallel_loop3A_599], %parallel_loop3A_596 {strides = array<i32>} : memref<8x4096xf32, #tpu.memory_space<vmem>>, vector<16xf32>,
        %parallel_loop3A_601 = arith.mulf %parallel_loop3A_596, %parallel_loop3A_596 : vector<16xf32>
        %parallel_loop3A_602 = arith.addf %parallel_loop3A_578, %parallel_loop3A_601 : vector<16xf32>
        %parallel_loop3A_603 = arith.constant 1 : i32
        %parallel_loop3A_604 = arith.addi %parallel_loop3A_577, %parallel_loop3A_603 : i32
        %parallel_loop3A_605 = arith.constant 16 : i32
        %parallel_loop3A_606 = arith.muli %parallel_loop3A_604, %parallel_loop3A_605 : i32
        %parallel_loop3A_607 = arith.constant 3 : i32
        %parallel_loop3A_608 = arith.index_cast %parallel_loop3A_607 : i32 to index
        %parallel_loop3A_609 = arith.index_cast %parallel_loop3A_606 : i32 to index
        %parallel_loop3A_610 = tpu.vector_load %arg7[%parallel_loop3A_608, %parallel_loop3A_609] {strides = array<i32>} : memref<8x4096xf32, #tpu.memory_space<vmem>>, vector<16xf32>,
        %parallel_loop3A_611 = arith.mulf %parallel_loop3A_610, %parallel_loop3A_610 : vector<16xf32>
        %parallel_loop3A_612 = arith.subf %parallel_loop3A_610, %parallel_loop3A_611 : vector<16xf32>
        %parallel_loop3A_613 = arith.mulf %parallel_loop3A_612, %div3A_488 : vector<16xf32>
        %parallel_loop3A_614 = arith.constant 4 : i32
        %parallel_loop3A_615 = arith.index_cast %parallel_loop3A_614 : i32 to index
        %parallel_loop3A_616 = arith.index_cast %parallel_loop3A_606 : i32 to index
        %parallel_loop3A_617 = tpu.vector_load %arg7[%parallel_loop3A_615, %parallel_loop3A_616] {strides = array<i32>} : memref<8x4096xf32, #tpu.memory_space<vmem>>, vector<16xf32>,
        tpu.vector_store %arg7[%parallel_loop3A_615, %parallel_loop3A_616], %parallel_loop3A_613 {strides = array<i32>} : memref<8x4096xf32, #tpu.memory_space<vmem>>, vector<16xf32>,
        %parallel_loop3A_618 = arith.mulf %parallel_loop3A_613, %parallel_loop3A_613 : vector<16xf32>
        %parallel_loop3A_619 = arith.addf %parallel_loop3A_579, %parallel_loop3A_618 : vector<16xf32>
        %parallel_loop3A_620 = arith.constant 2 : i32
        %parallel_loop3A_621 = arith.addi %parallel_loop3A_577, %parallel_loop3A_620 : i32
        %parallel_loop3A_622 = arith.constant 16 : i32
        %parallel_loop3A_623 = arith.muli %parallel_loop3A_621, %parallel_loop3A_622 : i32
        %parallel_loop3A_624 = arith.constant 3 : i32
        %parallel_loop3A_625 = arith.index_cast %parallel_loop3A_624 : i32 to index
        %parallel_loop3A_626 = arith.index_cast %parallel_loop3A_623 : i32 to index
        %parallel_loop3A_627 = tpu.vector_load %arg7[%parallel_loop3A_625, %parallel_loop3A_626] {strides = array<i32>} : memref<8x4096xf32, #tpu.memory_space<vmem>>, vector<16xf32>,
        %parallel_loop3A_628 = arith.mulf %parallel_loop3A_627, %parallel_loop3A_627 : vector<16xf32>
        %parallel_loop3A_629 = arith.subf %parallel_loop3A_627, %parallel_loop3A_628 : vector<16xf32>
        %parallel_loop3A_630 = arith.mulf %parallel_loop3A_629, %div3A_488 : vector<16xf32>
        %parallel_loop3A_631 = arith.constant 4 : i32
        %parallel_loop3A_632 = arith.index_cast %parallel_loop3A_631 : i32 to index
        %parallel_loop3A_633 = arith.index_cast %parallel_loop3A_623 : i32 to index
        %parallel_loop3A_634 = tpu.vector_load %arg7[%parallel_loop3A_632, %parallel_loop3A_633] {strides = array<i32>} : memref<8x4096xf32, #tpu.memory_space<vmem>>, vector<16xf32>,
        tpu.vector_store %arg7[%parallel_loop3A_632, %parallel_loop3A_633], %parallel_loop3A_630 {strides = array<i32>} : memref<8x4096xf32, #tpu.memory_space<vmem>>, vector<16xf32>,
        %parallel_loop3A_635 = arith.mulf %parallel_loop3A_630, %parallel_loop3A_630 : vector<16xf32>
        %parallel_loop3A_636 = arith.addf %parallel_loop3A_580, %parallel_loop3A_635 : vector<16xf32>
        %parallel_loop3A_637 = arith.constant 3 : i32
        %parallel_loop3A_638 = arith.addi %parallel_loop3A_577, %parallel_loop3A_637 : i32
        %parallel_loop3A_639 = arith.constant 16 : i32
        %parallel_loop3A_640 = arith.muli %parallel_loop3A_638, %parallel_loop3A_639 : i32
        %parallel_loop3A_641 = arith.constant 3 : i32
        %parallel_loop3A_642 = arith.index_cast %parallel_loop3A_641 : i32 to index
        %parallel_loop3A_643 = arith.index_cast %parallel_loop3A_640 : i32 to index
        %parallel_loop3A_644 = tpu.vector_load %arg7[%parallel_loop3A_642, %parallel_loop3A_643] {strides = array<i32>} : memref<8x4096xf32, #tpu.memory_space<vmem>>, vector<16xf32>,
        %parallel_loop3A_645 = arith.mulf %parallel_loop3A_644, %parallel_loop3A_644 : vector<16xf32>
        %parallel_loop3A_646 = arith.subf %parallel_loop3A_644, %parallel_loop3A_645 : vector<16xf32>
        %parallel_loop3A_647 = arith.mulf %parallel_loop3A_646, %div3A_488 : vector<16xf32>
        %parallel_loop3A_648 = arith.constant 4 : i32
        %parallel_loop3A_649 = arith.index_cast %parallel_loop3A_648 : i32 to index
        %parallel_loop3A_650 = arith.index_cast %parallel_loop3A_640 : i32 to index
        %parallel_loop3A_651 = tpu.vector_load %arg7[%parallel_loop3A_649, %parallel_loop3A_650] {strides = array<i32>} : memref<8x4096xf32, #tpu.memory_space<vmem>>, vector<16xf32>,
        tpu.vector_store %arg7[%parallel_loop3A_649, %parallel_loop3A_650], %parallel_loop3A_647 {strides = array<i32>} : memref<8x4096xf32, #tpu.memory_space<vmem>>, vector<16xf32>,
        %parallel_loop3A_652 = arith.mulf %parallel_loop3A_647, %parallel_loop3A_647 : vector<16xf32>
        %parallel_loop3A_653 = arith.addf %parallel_loop3A_581, %parallel_loop3A_652 : vector<16xf32>
        %parallel_loop3A_654 = arith.constant 4 : i32
        %parallel_loop3A_655 = arith.addi %parallel_loop3A_577, %parallel_loop3A_654 : i32
        %parallel_loop3A_656 = arith.constant 16 : i32
        %parallel_loop3A_657 = arith.muli %parallel_loop3A_655, %parallel_loop3A_656 : i32
        %parallel_loop3A_658 = arith.constant 3 : i32
        %parallel_loop3A_659 = arith.index_cast %parallel_loop3A_658 : i32 to index
        %parallel_loop3A_660 = arith.index_cast %parallel_loop3A_657 : i32 to index
        %parallel_loop3A_661 = tpu.vector_load %arg7[%parallel_loop3A_659, %parallel_loop3A_660] {strides = array<i32>} : memref<8x4096xf32, #tpu.memory_space<vmem>>, vector<16xf32>,
        %parallel_loop3A_662 = arith.mulf %parallel_loop3A_661, %parallel_loop3A_661 : vector<16xf32>
        %parallel_loop3A_663 = arith.subf %parallel_loop3A_661, %parallel_loop3A_662 : vector<16xf32>
        %parallel_loop3A_664 = arith.mulf %parallel_loop3A_663, %div3A_488 : vector<16xf32>
        %parallel_loop3A_665 = arith.constant 4 : i32
        %parallel_loop3A_666 = arith.index_cast %parallel_loop3A_665 : i32 to index
        %parallel_loop3A_667 = arith.index_cast %parallel_loop3A_657 : i32 to index
        %parallel_loop3A_668 = tpu.vector_load %arg7[%parallel_loop3A_666, %parallel_loop3A_667] {strides = array<i32>} : memref<8x4096xf32, #tpu.memory_space<vmem>>, vector<16xf32>,
        tpu.vector_store %arg7[%parallel_loop3A_666, %parallel_loop3A_667], %parallel_loop3A_664 {strides = array<i32>} : memref<8x4096xf32, #tpu.memory_space<vmem>>, vector<16xf32>,
        %parallel_loop3A_669 = arith.mulf %parallel_loop3A_664, %parallel_loop3A_664 : vector<16xf32>
        %parallel_loop3A_670 = arith.addf %parallel_loop3A_582, %parallel_loop3A_669 : vector<16xf32>
        %parallel_loop3A_671 = arith.constant 5 : i32
        %parallel_loop3A_672 = arith.addi %parallel_loop3A_577, %parallel_loop3A_671 : i32
        %parallel_loop3A_673 = arith.constant 16 : i32
        %parallel_loop3A_674 = arith.muli %parallel_loop3A_672, %parallel_loop3A_673 : i32
        %parallel_loop3A_675 = arith.constant 3 : i32
        %parallel_loop3A_676 = arith.index_cast %parallel_loop3A_675 : i32 to index
        %parallel_loop3A_677 = arith.index_cast %parallel_loop3A_674 : i32 to index
        %parallel_loop3A_678 = tpu.vector_load %arg7[%parallel_loop3A_676, %parallel_loop3A_677] {strides = array<i32>} : memref<8x4096xf32, #tpu.memory_space<vmem>>, vector<16xf32>,
        %parallel_loop3A_679 = arith.mulf %parallel_loop3A_678, %parallel_loop3A_678 : vector<16xf32>
        %parallel_loop3A_680 = arith.subf %parallel_loop3A_678, %parallel_loop3A_679 : vector<16xf32>
        %parallel_loop3A_681 = arith.mulf %parallel_loop3A_680, %div3A_488 : vector<16xf32>
        %parallel_loop3A_682 = arith.constant 4 : i32
        %parallel_loop3A_683 = arith.index_cast %parallel_loop3A_682 : i32 to index
        %parallel_loop3A_684 = arith.index_cast %parallel_loop3A_674 : i32 to index
        %parallel_loop3A_685 = tpu.vector_load %arg7[%parallel_loop3A_683, %parallel_loop3A_684] {strides = array<i32>} : memref<8x4096xf32, #tpu.memory_space<vmem>>, vector<16xf32>,
        tpu.vector_store %arg7[%parallel_loop3A_683, %parallel_loop3A_684], %parallel_loop3A_681 {strides = array<i32>} : memref<8x4096xf32, #tpu.memory_space<vmem>>, vector<16xf32>,
        %parallel_loop3A_686 = arith.mulf %parallel_loop3A_681, %parallel_loop3A_681 : vector<16xf32>
        %parallel_loop3A_687 = arith.addf %parallel_loop3A_583, %parallel_loop3A_686 : vector<16xf32>
        %parallel_loop3A_688 = arith.constant 6 : i32
        %parallel_loop3A_689 = arith.addi %parallel_loop3A_577, %parallel_loop3A_688 : i32
        %parallel_loop3A_690 = arith.constant 16 : i32
        %parallel_loop3A_691 = arith.muli %parallel_loop3A_689, %parallel_loop3A_690 : i32
        %parallel_loop3A_692 = arith.constant 3 : i32
        %parallel_loop3A_693 = arith.index_cast %parallel_loop3A_692 : i32 to index
        %parallel_loop3A_694 = arith.index_cast %parallel_loop3A_691 : i32 to index
        %parallel_loop3A_695 = tpu.vector_load %arg7[%parallel_loop3A_693, %parallel_loop3A_694] {strides = array<i32>} : memref<8x4096xf32, #tpu.memory_space<vmem>>, vector<16xf32>,
        %parallel_loop3A_696 = arith.mulf %parallel_loop3A_695, %parallel_loop3A_695 : vector<16xf32>
        %parallel_loop3A_697 = arith.subf %parallel_loop3A_695, %parallel_loop3A_696 : vector<16xf32>
        %parallel_loop3A_698 = arith.mulf %parallel_loop3A_697, %div3A_488 : vector<16xf32>
        %parallel_loop3A_699 = arith.constant 4 : i32
        %parallel_loop3A_700 = arith.index_cast %parallel_loop3A_699 : i32 to index
        %parallel_loop3A_701 = arith.index_cast %parallel_loop3A_691 : i32 to index
        %parallel_loop3A_702 = tpu.vector_load %arg7[%parallel_loop3A_700, %parallel_loop3A_701] {strides = array<i32>} : memref<8x4096xf32, #tpu.memory_space<vmem>>, vector<16xf32>,
        tpu.vector_store %arg7[%parallel_loop3A_700, %parallel_loop3A_701], %parallel_loop3A_698 {strides = array<i32>} : memref<8x4096xf32, #tpu.memory_space<vmem>>, vector<16xf32>,
        %parallel_loop3A_703 = arith.mulf %parallel_loop3A_698, %parallel_loop3A_698 : vector<16xf32>
        %parallel_loop3A_704 = arith.addf %parallel_loop3A_584, %parallel_loop3A_703 : vector<16xf32>
        %parallel_loop3A_705 = arith.constant 7 : i32
        %parallel_loop3A_706 = arith.addi %parallel_loop3A_577, %parallel_loop3A_705 : i32
        %parallel_loop3A_707 = arith.constant 16 : i32
        %parallel_loop3A_708 = arith.muli %parallel_loop3A_706, %parallel_loop3A_707 : i32
        %parallel_loop3A_709 = arith.constant 3 : i32
        %parallel_loop3A_710 = arith.index_cast %parallel_loop3A_709 : i32 to index
        %parallel_loop3A_711 = arith.index_cast %parallel_loop3A_708 : i32 to index
        %parallel_loop3A_712 = tpu.vector_load %arg7[%parallel_loop3A_710, %parallel_loop3A_711] {strides = array<i32>} : memref<8x4096xf32, #tpu.memory_space<vmem>>, vector<16xf32>,
        %parallel_loop3A_713 = arith.mulf %parallel_loop3A_712, %parallel_loop3A_712 : vector<16xf32>
        %parallel_loop3A_714 = arith.subf %parallel_loop3A_712, %parallel_loop3A_713 : vector<16xf32>
        %parallel_loop3A_715 = arith.mulf %parallel_loop3A_714, %div3A_488 : vector<16xf32>
        %parallel_loop3A_716 = arith.constant 4 : i32
        %parallel_loop3A_717 = arith.index_cast %parallel_loop3A_716 : i32 to index
        %parallel_loop3A_718 = arith.index_cast %parallel_loop3A_708 : i32 to index
        %parallel_loop3A_719 = tpu.vector_load %arg7[%parallel_loop3A_717, %parallel_loop3A_718] {strides = array<i32>} : memref<8x4096xf32, #tpu.memory_space<vmem>>, vector<16xf32>,
        tpu.vector_store %arg7[%parallel_loop3A_717, %parallel_loop3A_718], %parallel_loop3A_715 {strides = array<i32>} : memref<8x4096xf32, #tpu.memory_space<vmem>>, vector<16xf32>,
        %parallel_loop3A_720 = arith.mulf %parallel_loop3A_715, %parallel_loop3A_715 : vector<16xf32>
        %parallel_loop3A_721 = arith.addf %parallel_loop3A_585, %parallel_loop3A_720 : vector<16xf32>
        scf.yield %parallel_loop3A_602, %parallel_loop3A_619, %parallel_loop3A_636, %parallel_loop3A_653, %parallel_loop3A_670, %parallel_loop3A_687, %parallel_loop3A_704, %parallel_loop3A_721 : vector<16xf32>, vector<16xf32>, vector<16xf32>, vector<16xf32>, vector<16xf32>, vector<16xf32>, vector<16xf32>, vector<16xf32>
      } {sc.loop_unroll_factor = 1 : i64, sc.parallel_access}
      %add3A_493 = arith.addf %parallel_loop3A_492#0, %parallel_loop3A_492#1 : vector<16xf32>
      %add3A_494 = arith.addf %add3A_493, %parallel_loop3A_492#2 : vector<16xf32>
      %add3A_495 = arith.addf %add3A_494, %parallel_loop3A_492#3 : vector<16xf32>
      %add3A_496 = arith.addf %add3A_495, %parallel_loop3A_492#4 : vector<16xf32>
      %add3A_497 = arith.addf %add3A_496, %parallel_loop3A_492#5 : vector<16xf32>
      %add3A_498 = arith.addf %add3A_497, %parallel_loop3A_492#6 : vector<16xf32>
      %add3A_499 = arith.addf %add3A_498, %parallel_loop3A_492#7 : vector<16xf32>
      %reduce_sum3A_500 = arith.constant true
      %reduce_sum3A_501 = vector.broadcast %reduce_sum3A_500 : i1 to vector<16xi1>
      %reduce_sum3A_502 = tpu.scan <sum>, %add3A_499 masked %reduce_sum3A_501 : vector<16xf32>, vector<16xi1> -> vector<16xf32>
      %reduce_sum3A_503 = vector.extract %reduce_sum3A_502[15] : f32 from vector<16xf32>
      %sub3A_504 = arith.constant 1.000000e+00 : f32
      %sub3A_505 = arith.subf %sub3A_504, %reduce_sum3A_503 : f32
      %div3A_506 = vector.broadcast %sub3A_505 : f32 to vector<16xf32>
      %div3A_507 = arith.divf %broadcast_in_dim3A_3, %div3A_506 : vector<16xf32>
      %parallel_loop3A_508 = arith.constant 0 : i32
      %parallel_loop3A_509 = arith.constant 256 : i32
      %parallel_loop3A_510 = arith.constant 8 : i32
      %parallel_loop3A_511:8 = scf.for %parallel_loop3A_577 = %parallel_loop3A_508 to %parallel_loop3A_509 step %parallel_loop3A_510 iter_args(%parallel_loop3A_578 = %broadcast_in_dim3A_1, %parallel_loop3A_579 = %broadcast_in_dim3A_1, %parallel_loop3A_580 = %broadcast_in_dim3A_1, %parallel_loop3A_581 = %broadcast_in_dim3A_1, %parallel_loop3A_582 = %broadcast_in_dim3A_1, %parallel_loop3A_583 = %broadcast_in_dim3A_1, %parallel_loop3A_584 = %broadcast_in_dim3A_1, %parallel_loop3A_585 = %broadcast_in_dim3A_1) -> (vector<16xf32>, vector<16xf32>, vector<16xf32>, vector<16xf32>, vector<16xf32>, vector<16xf32>, vector<16xf32>, vector<16xf32>)  : i32 {
        %parallel_loop3A_586 = arith.constant 0 : i32
        %parallel_loop3A_587 = arith.addi %parallel_loop3A_577, %parallel_loop3A_586 : i32
        %parallel_loop3A_588 = arith.constant 16 : i32
        %parallel_loop3A_589 = arith.muli %parallel_loop3A_587, %parallel_loop3A_588 : i32
        %parallel_loop3A_590 = arith.constant 4 : i32
        %parallel_loop3A_591 = arith.index_cast %parallel_loop3A_590 : i32 to index
        %parallel_loop3A_592 = arith.index_cast %parallel_loop3A_589 : i32 to index
        %parallel_loop3A_593 = tpu.vector_load %arg7[%parallel_loop3A_591, %parallel_loop3A_592] {strides = array<i32>} : memref<8x4096xf32, #tpu.memory_space<vmem>>, vector<16xf32>,
        %parallel_loop3A_594 = arith.mulf %parallel_loop3A_593, %parallel_loop3A_593 : vector<16xf32>
        %parallel_loop3A_595 = arith.subf %parallel_loop3A_593, %parallel_loop3A_594 : vector<16xf32>
        %parallel_loop3A_596 = arith.mulf %parallel_loop3A_595, %div3A_507 : vector<16xf32>
        %parallel_loop3A_597 = arith.constant 5 : i32
        %parallel_loop3A_598 = arith.index_cast %parallel_loop3A_597 : i32 to index
        %parallel_loop3A_599 = arith.index_cast %parallel_loop3A_589 : i32 to index
        %parallel_loop3A_600 = tpu.vector_load %arg7[%parallel_loop3A_598, %parallel_loop3A_599] {strides = array<i32>} : memref<8x4096xf32, #tpu.memory_space<vmem>>, vector<16xf32>,
        tpu.vector_store %arg7[%parallel_loop3A_598, %parallel_loop3A_599], %parallel_loop3A_596 {strides = array<i32>} : memref<8x4096xf32, #tpu.memory_space<vmem>>, vector<16xf32>,
        %parallel_loop3A_601 = arith.mulf %parallel_loop3A_596, %parallel_loop3A_596 : vector<16xf32>
        %parallel_loop3A_602 = arith.addf %parallel_loop3A_578, %parallel_loop3A_601 : vector<16xf32>
        %parallel_loop3A_603 = arith.constant 1 : i32
        %parallel_loop3A_604 = arith.addi %parallel_loop3A_577, %parallel_loop3A_603 : i32
        %parallel_loop3A_605 = arith.constant 16 : i32
        %parallel_loop3A_606 = arith.muli %parallel_loop3A_604, %parallel_loop3A_605 : i32
        %parallel_loop3A_607 = arith.constant 4 : i32
        %parallel_loop3A_608 = arith.index_cast %parallel_loop3A_607 : i32 to index
        %parallel_loop3A_609 = arith.index_cast %parallel_loop3A_606 : i32 to index
        %parallel_loop3A_610 = tpu.vector_load %arg7[%parallel_loop3A_608, %parallel_loop3A_609] {strides = array<i32>} : memref<8x4096xf32, #tpu.memory_space<vmem>>, vector<16xf32>,
        %parallel_loop3A_611 = arith.mulf %parallel_loop3A_610, %parallel_loop3A_610 : vector<16xf32>
        %parallel_loop3A_612 = arith.subf %parallel_loop3A_610, %parallel_loop3A_611 : vector<16xf32>
        %parallel_loop3A_613 = arith.mulf %parallel_loop3A_612, %div3A_507 : vector<16xf32>
        %parallel_loop3A_614 = arith.constant 5 : i32
        %parallel_loop3A_615 = arith.index_cast %parallel_loop3A_614 : i32 to index
        %parallel_loop3A_616 = arith.index_cast %parallel_loop3A_606 : i32 to index
        %parallel_loop3A_617 = tpu.vector_load %arg7[%parallel_loop3A_615, %parallel_loop3A_616] {strides = array<i32>} : memref<8x4096xf32, #tpu.memory_space<vmem>>, vector<16xf32>,
        tpu.vector_store %arg7[%parallel_loop3A_615, %parallel_loop3A_616], %parallel_loop3A_613 {strides = array<i32>} : memref<8x4096xf32, #tpu.memory_space<vmem>>, vector<16xf32>,
        %parallel_loop3A_618 = arith.mulf %parallel_loop3A_613, %parallel_loop3A_613 : vector<16xf32>
        %parallel_loop3A_619 = arith.addf %parallel_loop3A_579, %parallel_loop3A_618 : vector<16xf32>
        %parallel_loop3A_620 = arith.constant 2 : i32
        %parallel_loop3A_621 = arith.addi %parallel_loop3A_577, %parallel_loop3A_620 : i32
        %parallel_loop3A_622 = arith.constant 16 : i32
        %parallel_loop3A_623 = arith.muli %parallel_loop3A_621, %parallel_loop3A_622 : i32
        %parallel_loop3A_624 = arith.constant 4 : i32
        %parallel_loop3A_625 = arith.index_cast %parallel_loop3A_624 : i32 to index
        %parallel_loop3A_626 = arith.index_cast %parallel_loop3A_623 : i32 to index
        %parallel_loop3A_627 = tpu.vector_load %arg7[%parallel_loop3A_625, %parallel_loop3A_626] {strides = array<i32>} : memref<8x4096xf32, #tpu.memory_space<vmem>>, vector<16xf32>,
        %parallel_loop3A_628 = arith.mulf %parallel_loop3A_627, %parallel_loop3A_627 : vector<16xf32>
        %parallel_loop3A_629 = arith.subf %parallel_loop3A_627, %parallel_loop3A_628 : vector<16xf32>
        %parallel_loop3A_630 = arith.mulf %parallel_loop3A_629, %div3A_507 : vector<16xf32>
        %parallel_loop3A_631 = arith.constant 5 : i32
        %parallel_loop3A_632 = arith.index_cast %parallel_loop3A_631 : i32 to index
        %parallel_loop3A_633 = arith.index_cast %parallel_loop3A_623 : i32 to index
        %parallel_loop3A_634 = tpu.vector_load %arg7[%parallel_loop3A_632, %parallel_loop3A_633] {strides = array<i32>} : memref<8x4096xf32, #tpu.memory_space<vmem>>, vector<16xf32>,
        tpu.vector_store %arg7[%parallel_loop3A_632, %parallel_loop3A_633], %parallel_loop3A_630 {strides = array<i32>} : memref<8x4096xf32, #tpu.memory_space<vmem>>, vector<16xf32>,
        %parallel_loop3A_635 = arith.mulf %parallel_loop3A_630, %parallel_loop3A_630 : vector<16xf32>
        %parallel_loop3A_636 = arith.addf %parallel_loop3A_580, %parallel_loop3A_635 : vector<16xf32>
        %parallel_loop3A_637 = arith.constant 3 : i32
        %parallel_loop3A_638 = arith.addi %parallel_loop3A_577, %parallel_loop3A_637 : i32
        %parallel_loop3A_639 = arith.constant 16 : i32
        %parallel_loop3A_640 = arith.muli %parallel_loop3A_638, %parallel_loop3A_639 : i32
        %parallel_loop3A_641 = arith.constant 4 : i32
        %parallel_loop3A_642 = arith.index_cast %parallel_loop3A_641 : i32 to index
        %parallel_loop3A_643 = arith.index_cast %parallel_loop3A_640 : i32 to index
        %parallel_loop3A_644 = tpu.vector_load %arg7[%parallel_loop3A_642, %parallel_loop3A_643] {strides = array<i32>} : memref<8x4096xf32, #tpu.memory_space<vmem>>, vector<16xf32>,
        %parallel_loop3A_645 = arith.mulf %parallel_loop3A_644, %parallel_loop3A_644 : vector<16xf32>
        %parallel_loop3A_646 = arith.subf %parallel_loop3A_644, %parallel_loop3A_645 : vector<16xf32>
        %parallel_loop3A_647 = arith.mulf %parallel_loop3A_646, %div3A_507 : vector<16xf32>
        %parallel_loop3A_648 = arith.constant 5 : i32
        %parallel_loop3A_649 = arith.index_cast %parallel_loop3A_648 : i32 to index
        %parallel_loop3A_650 = arith.index_cast %parallel_loop3A_640 : i32 to index
        %parallel_loop3A_651 = tpu.vector_load %arg7[%parallel_loop3A_649, %parallel_loop3A_650] {strides = array<i32>} : memref<8x4096xf32, #tpu.memory_space<vmem>>, vector<16xf32>,
        tpu.vector_store %arg7[%parallel_loop3A_649, %parallel_loop3A_650], %parallel_loop3A_647 {strides = array<i32>} : memref<8x4096xf32, #tpu.memory_space<vmem>>, vector<16xf32>,
        %parallel_loop3A_652 = arith.mulf %parallel_loop3A_647, %parallel_loop3A_647 : vector<16xf32>
        %parallel_loop3A_653 = arith.addf %parallel_loop3A_581, %parallel_loop3A_652 : vector<16xf32>
        %parallel_loop3A_654 = arith.constant 4 : i32
        %parallel_loop3A_655 = arith.addi %parallel_loop3A_577, %parallel_loop3A_654 : i32
        %parallel_loop3A_656 = arith.constant 16 : i32
        %parallel_loop3A_657 = arith.muli %parallel_loop3A_655, %parallel_loop3A_656 : i32
        %parallel_loop3A_658 = arith.constant 4 : i32
        %parallel_loop3A_659 = arith.index_cast %parallel_loop3A_658 : i32 to index
        %parallel_loop3A_660 = arith.index_cast %parallel_loop3A_657 : i32 to index
        %parallel_loop3A_661 = tpu.vector_load %arg7[%parallel_loop3A_659, %parallel_loop3A_660] {strides = array<i32>} : memref<8x4096xf32, #tpu.memory_space<vmem>>, vector<16xf32>,
        %parallel_loop3A_662 = arith.mulf %parallel_loop3A_661, %parallel_loop3A_661 : vector<16xf32>
        %parallel_loop3A_663 = arith.subf %parallel_loop3A_661, %parallel_loop3A_662 : vector<16xf32>
        %parallel_loop3A_664 = arith.mulf %parallel_loop3A_663, %div3A_507 : vector<16xf32>
        %parallel_loop3A_665 = arith.constant 5 : i32
        %parallel_loop3A_666 = arith.index_cast %parallel_loop3A_665 : i32 to index
        %parallel_loop3A_667 = arith.index_cast %parallel_loop3A_657 : i32 to index
        %parallel_loop3A_668 = tpu.vector_load %arg7[%parallel_loop3A_666, %parallel_loop3A_667] {strides = array<i32>} : memref<8x4096xf32, #tpu.memory_space<vmem>>, vector<16xf32>,
        tpu.vector_store %arg7[%parallel_loop3A_666, %parallel_loop3A_667], %parallel_loop3A_664 {strides = array<i32>} : memref<8x4096xf32, #tpu.memory_space<vmem>>, vector<16xf32>,
        %parallel_loop3A_669 = arith.mulf %parallel_loop3A_664, %parallel_loop3A_664 : vector<16xf32>
        %parallel_loop3A_670 = arith.addf %parallel_loop3A_582, %parallel_loop3A_669 : vector<16xf32>
        %parallel_loop3A_671 = arith.constant 5 : i32
        %parallel_loop3A_672 = arith.addi %parallel_loop3A_577, %parallel_loop3A_671 : i32
        %parallel_loop3A_673 = arith.constant 16 : i32
        %parallel_loop3A_674 = arith.muli %parallel_loop3A_672, %parallel_loop3A_673 : i32
        %parallel_loop3A_675 = arith.constant 4 : i32
        %parallel_loop3A_676 = arith.index_cast %parallel_loop3A_675 : i32 to index
        %parallel_loop3A_677 = arith.index_cast %parallel_loop3A_674 : i32 to index
        %parallel_loop3A_678 = tpu.vector_load %arg7[%parallel_loop3A_676, %parallel_loop3A_677] {strides = array<i32>} : memref<8x4096xf32, #tpu.memory_space<vmem>>, vector<16xf32>,
        %parallel_loop3A_679 = arith.mulf %parallel_loop3A_678, %parallel_loop3A_678 : vector<16xf32>
        %parallel_loop3A_680 = arith.subf %parallel_loop3A_678, %parallel_loop3A_679 : vector<16xf32>
        %parallel_loop3A_681 = arith.mulf %parallel_loop3A_680, %div3A_507 : vector<16xf32>
        %parallel_loop3A_682 = arith.constant 5 : i32
        %parallel_loop3A_683 = arith.index_cast %parallel_loop3A_682 : i32 to index
        %parallel_loop3A_684 = arith.index_cast %parallel_loop3A_674 : i32 to index
        %parallel_loop3A_685 = tpu.vector_load %arg7[%parallel_loop3A_683, %parallel_loop3A_684] {strides = array<i32>} : memref<8x4096xf32, #tpu.memory_space<vmem>>, vector<16xf32>,
        tpu.vector_store %arg7[%parallel_loop3A_683, %parallel_loop3A_684], %parallel_loop3A_681 {strides = array<i32>} : memref<8x4096xf32, #tpu.memory_space<vmem>>, vector<16xf32>,
        %parallel_loop3A_686 = arith.mulf %parallel_loop3A_681, %parallel_loop3A_681 : vector<16xf32>
        %parallel_loop3A_687 = arith.addf %parallel_loop3A_583, %parallel_loop3A_686 : vector<16xf32>
        %parallel_loop3A_688 = arith.constant 6 : i32
        %parallel_loop3A_689 = arith.addi %parallel_loop3A_577, %parallel_loop3A_688 : i32
        %parallel_loop3A_690 = arith.constant 16 : i32
        %parallel_loop3A_691 = arith.muli %parallel_loop3A_689, %parallel_loop3A_690 : i32
        %parallel_loop3A_692 = arith.constant 4 : i32
        %parallel_loop3A_693 = arith.index_cast %parallel_loop3A_692 : i32 to index
        %parallel_loop3A_694 = arith.index_cast %parallel_loop3A_691 : i32 to index
        %parallel_loop3A_695 = tpu.vector_load %arg7[%parallel_loop3A_693, %parallel_loop3A_694] {strides = array<i32>} : memref<8x4096xf32, #tpu.memory_space<vmem>>, vector<16xf32>,
        %parallel_loop3A_696 = arith.mulf %parallel_loop3A_695, %parallel_loop3A_695 : vector<16xf32>
        %parallel_loop3A_697 = arith.subf %parallel_loop3A_695, %parallel_loop3A_696 : vector<16xf32>
        %parallel_loop3A_698 = arith.mulf %parallel_loop3A_697, %div3A_507 : vector<16xf32>
        %parallel_loop3A_699 = arith.constant 5 : i32
        %parallel_loop3A_700 = arith.index_cast %parallel_loop3A_699 : i32 to index
        %parallel_loop3A_701 = arith.index_cast %parallel_loop3A_691 : i32 to index
        %parallel_loop3A_702 = tpu.vector_load %arg7[%parallel_loop3A_700, %parallel_loop3A_701] {strides = array<i32>} : memref<8x4096xf32, #tpu.memory_space<vmem>>, vector<16xf32>,
        tpu.vector_store %arg7[%parallel_loop3A_700, %parallel_loop3A_701], %parallel_loop3A_698 {strides = array<i32>} : memref<8x4096xf32, #tpu.memory_space<vmem>>, vector<16xf32>,
        %parallel_loop3A_703 = arith.mulf %parallel_loop3A_698, %parallel_loop3A_698 : vector<16xf32>
        %parallel_loop3A_704 = arith.addf %parallel_loop3A_584, %parallel_loop3A_703 : vector<16xf32>
        %parallel_loop3A_705 = arith.constant 7 : i32
        %parallel_loop3A_706 = arith.addi %parallel_loop3A_577, %parallel_loop3A_705 : i32
        %parallel_loop3A_707 = arith.constant 16 : i32
        %parallel_loop3A_708 = arith.muli %parallel_loop3A_706, %parallel_loop3A_707 : i32
        %parallel_loop3A_709 = arith.constant 4 : i32
        %parallel_loop3A_710 = arith.index_cast %parallel_loop3A_709 : i32 to index
        %parallel_loop3A_711 = arith.index_cast %parallel_loop3A_708 : i32 to index
        %parallel_loop3A_712 = tpu.vector_load %arg7[%parallel_loop3A_710, %parallel_loop3A_711] {strides = array<i32>} : memref<8x4096xf32, #tpu.memory_space<vmem>>, vector<16xf32>,
        %parallel_loop3A_713 = arith.mulf %parallel_loop3A_712, %parallel_loop3A_712 : vector<16xf32>
        %parallel_loop3A_714 = arith.subf %parallel_loop3A_712, %parallel_loop3A_713 : vector<16xf32>
        %parallel_loop3A_715 = arith.mulf %parallel_loop3A_714, %div3A_507 : vector<16xf32>
        %parallel_loop3A_716 = arith.constant 5 : i32
        %parallel_loop3A_717 = arith.index_cast %parallel_loop3A_716 : i32 to index
        %parallel_loop3A_718 = arith.index_cast %parallel_loop3A_708 : i32 to index
        %parallel_loop3A_719 = tpu.vector_load %arg7[%parallel_loop3A_717, %parallel_loop3A_718] {strides = array<i32>} : memref<8x4096xf32, #tpu.memory_space<vmem>>, vector<16xf32>,
        tpu.vector_store %arg7[%parallel_loop3A_717, %parallel_loop3A_718], %parallel_loop3A_715 {strides = array<i32>} : memref<8x4096xf32, #tpu.memory_space<vmem>>, vector<16xf32>,
        %parallel_loop3A_720 = arith.mulf %parallel_loop3A_715, %parallel_loop3A_715 : vector<16xf32>
        %parallel_loop3A_721 = arith.addf %parallel_loop3A_585, %parallel_loop3A_720 : vector<16xf32>
        scf.yield %parallel_loop3A_602, %parallel_loop3A_619, %parallel_loop3A_636, %parallel_loop3A_653, %parallel_loop3A_670, %parallel_loop3A_687, %parallel_loop3A_704, %parallel_loop3A_721 : vector<16xf32>, vector<16xf32>, vector<16xf32>, vector<16xf32>, vector<16xf32>, vector<16xf32>, vector<16xf32>, vector<16xf32>
      } {sc.loop_unroll_factor = 1 : i64, sc.parallel_access}
      %add3A_512 = arith.addf %parallel_loop3A_511#0, %parallel_loop3A_511#1 : vector<16xf32>
      %add3A_513 = arith.addf %add3A_512, %parallel_loop3A_511#2 : vector<16xf32>
      %add3A_514 = arith.addf %add3A_513, %parallel_loop3A_511#3 : vector<16xf32>
      %add3A_515 = arith.addf %add3A_514, %parallel_loop3A_511#4 : vector<16xf32>
      %add3A_516 = arith.addf %add3A_515, %parallel_loop3A_511#5 : vector<16xf32>
      %add3A_517 = arith.addf %add3A_516, %parallel_loop3A_511#6 : vector<16xf32>
      %add3A_518 = arith.addf %add3A_517, %parallel_loop3A_511#7 : vector<16xf32>
      %reduce_sum3A_519 = arith.constant true
      %reduce_sum3A_520 = vector.broadcast %reduce_sum3A_519 : i1 to vector<16xi1>
      %reduce_sum3A_521 = tpu.scan <sum>, %add3A_518 masked %reduce_sum3A_520 : vector<16xf32>, vector<16xi1> -> vector<16xf32>
      %reduce_sum3A_522 = vector.extract %reduce_sum3A_521[15] : f32 from vector<16xf32>
      %sub3A_523 = arith.constant 1.000000e+00 : f32
      %sub3A_524 = arith.subf %sub3A_523, %reduce_sum3A_522 : f32
      %div3A_525 = vector.broadcast %sub3A_524 : f32 to vector<16xf32>
      %div3A_526 = arith.divf %broadcast_in_dim3A_3, %div3A_525 : vector<16xf32>
      %parallel_loop3A_527 = arith.constant 0 : i32
      %parallel_loop3A_528 = arith.constant 256 : i32
      %parallel_loop3A_529 = arith.constant 8 : i32
      %parallel_loop3A_530:8 = scf.for %parallel_loop3A_577 = %parallel_loop3A_527 to %parallel_loop3A_528 step %parallel_loop3A_529 iter_args(%parallel_loop3A_578 = %broadcast_in_dim3A_1, %parallel_loop3A_579 = %broadcast_in_dim3A_1, %parallel_loop3A_580 = %broadcast_in_dim3A_1, %parallel_loop3A_581 = %broadcast_in_dim3A_1, %parallel_loop3A_582 = %broadcast_in_dim3A_1, %parallel_loop3A_583 = %broadcast_in_dim3A_1, %parallel_loop3A_584 = %broadcast_in_dim3A_1, %parallel_loop3A_585 = %broadcast_in_dim3A_1) -> (vector<16xf32>, vector<16xf32>, vector<16xf32>, vector<16xf32>, vector<16xf32>, vector<16xf32>, vector<16xf32>, vector<16xf32>)  : i32 {
        %parallel_loop3A_586 = arith.constant 0 : i32
        %parallel_loop3A_587 = arith.addi %parallel_loop3A_577, %parallel_loop3A_586 : i32
        %parallel_loop3A_588 = arith.constant 16 : i32
        %parallel_loop3A_589 = arith.muli %parallel_loop3A_587, %parallel_loop3A_588 : i32
        %parallel_loop3A_590 = arith.constant 5 : i32
        %parallel_loop3A_591 = arith.index_cast %parallel_loop3A_590 : i32 to index
        %parallel_loop3A_592 = arith.index_cast %parallel_loop3A_589 : i32 to index
        %parallel_loop3A_593 = tpu.vector_load %arg7[%parallel_loop3A_591, %parallel_loop3A_592] {strides = array<i32>} : memref<8x4096xf32, #tpu.memory_space<vmem>>, vector<16xf32>,
        %parallel_loop3A_594 = arith.mulf %parallel_loop3A_593, %parallel_loop3A_593 : vector<16xf32>
        %parallel_loop3A_595 = arith.subf %parallel_loop3A_593, %parallel_loop3A_594 : vector<16xf32>
        %parallel_loop3A_596 = arith.mulf %parallel_loop3A_595, %div3A_526 : vector<16xf32>
        %parallel_loop3A_597 = arith.constant 6 : i32
        %parallel_loop3A_598 = arith.index_cast %parallel_loop3A_597 : i32 to index
        %parallel_loop3A_599 = arith.index_cast %parallel_loop3A_589 : i32 to index
        %parallel_loop3A_600 = tpu.vector_load %arg7[%parallel_loop3A_598, %parallel_loop3A_599] {strides = array<i32>} : memref<8x4096xf32, #tpu.memory_space<vmem>>, vector<16xf32>,
        tpu.vector_store %arg7[%parallel_loop3A_598, %parallel_loop3A_599], %parallel_loop3A_596 {strides = array<i32>} : memref<8x4096xf32, #tpu.memory_space<vmem>>, vector<16xf32>,
        %parallel_loop3A_601 = arith.mulf %parallel_loop3A_596, %parallel_loop3A_596 : vector<16xf32>
        %parallel_loop3A_602 = arith.addf %parallel_loop3A_578, %parallel_loop3A_601 : vector<16xf32>
        %parallel_loop3A_603 = arith.constant 1 : i32
        %parallel_loop3A_604 = arith.addi %parallel_loop3A_577, %parallel_loop3A_603 : i32
        %parallel_loop3A_605 = arith.constant 16 : i32
        %parallel_loop3A_606 = arith.muli %parallel_loop3A_604, %parallel_loop3A_605 : i32
        %parallel_loop3A_607 = arith.constant 5 : i32
        %parallel_loop3A_608 = arith.index_cast %parallel_loop3A_607 : i32 to index
        %parallel_loop3A_609 = arith.index_cast %parallel_loop3A_606 : i32 to index
        %parallel_loop3A_610 = tpu.vector_load %arg7[%parallel_loop3A_608, %parallel_loop3A_609] {strides = array<i32>} : memref<8x4096xf32, #tpu.memory_space<vmem>>, vector<16xf32>,
        %parallel_loop3A_611 = arith.mulf %parallel_loop3A_610, %parallel_loop3A_610 : vector<16xf32>
        %parallel_loop3A_612 = arith.subf %parallel_loop3A_610, %parallel_loop3A_611 : vector<16xf32>
        %parallel_loop3A_613 = arith.mulf %parallel_loop3A_612, %div3A_526 : vector<16xf32>
        %parallel_loop3A_614 = arith.constant 6 : i32
        %parallel_loop3A_615 = arith.index_cast %parallel_loop3A_614 : i32 to index
        %parallel_loop3A_616 = arith.index_cast %parallel_loop3A_606 : i32 to index
        %parallel_loop3A_617 = tpu.vector_load %arg7[%parallel_loop3A_615, %parallel_loop3A_616] {strides = array<i32>} : memref<8x4096xf32, #tpu.memory_space<vmem>>, vector<16xf32>,
        tpu.vector_store %arg7[%parallel_loop3A_615, %parallel_loop3A_616], %parallel_loop3A_613 {strides = array<i32>} : memref<8x4096xf32, #tpu.memory_space<vmem>>, vector<16xf32>,
        %parallel_loop3A_618 = arith.mulf %parallel_loop3A_613, %parallel_loop3A_613 : vector<16xf32>
        %parallel_loop3A_619 = arith.addf %parallel_loop3A_579, %parallel_loop3A_618 : vector<16xf32>
        %parallel_loop3A_620 = arith.constant 2 : i32
        %parallel_loop3A_621 = arith.addi %parallel_loop3A_577, %parallel_loop3A_620 : i32
        %parallel_loop3A_622 = arith.constant 16 : i32
        %parallel_loop3A_623 = arith.muli %parallel_loop3A_621, %parallel_loop3A_622 : i32
        %parallel_loop3A_624 = arith.constant 5 : i32
        %parallel_loop3A_625 = arith.index_cast %parallel_loop3A_624 : i32 to index
        %parallel_loop3A_626 = arith.index_cast %parallel_loop3A_623 : i32 to index
        %parallel_loop3A_627 = tpu.vector_load %arg7[%parallel_loop3A_625, %parallel_loop3A_626] {strides = array<i32>} : memref<8x4096xf32, #tpu.memory_space<vmem>>, vector<16xf32>,
        %parallel_loop3A_628 = arith.mulf %parallel_loop3A_627, %parallel_loop3A_627 : vector<16xf32>
        %parallel_loop3A_629 = arith.subf %parallel_loop3A_627, %parallel_loop3A_628 : vector<16xf32>
        %parallel_loop3A_630 = arith.mulf %parallel_loop3A_629, %div3A_526 : vector<16xf32>
        %parallel_loop3A_631 = arith.constant 6 : i32
        %parallel_loop3A_632 = arith.index_cast %parallel_loop3A_631 : i32 to index
        %parallel_loop3A_633 = arith.index_cast %parallel_loop3A_623 : i32 to index
        %parallel_loop3A_634 = tpu.vector_load %arg7[%parallel_loop3A_632, %parallel_loop3A_633] {strides = array<i32>} : memref<8x4096xf32, #tpu.memory_space<vmem>>, vector<16xf32>,
        tpu.vector_store %arg7[%parallel_loop3A_632, %parallel_loop3A_633], %parallel_loop3A_630 {strides = array<i32>} : memref<8x4096xf32, #tpu.memory_space<vmem>>, vector<16xf32>,
        %parallel_loop3A_635 = arith.mulf %parallel_loop3A_630, %parallel_loop3A_630 : vector<16xf32>
        %parallel_loop3A_636 = arith.addf %parallel_loop3A_580, %parallel_loop3A_635 : vector<16xf32>
        %parallel_loop3A_637 = arith.constant 3 : i32
        %parallel_loop3A_638 = arith.addi %parallel_loop3A_577, %parallel_loop3A_637 : i32
        %parallel_loop3A_639 = arith.constant 16 : i32
        %parallel_loop3A_640 = arith.muli %parallel_loop3A_638, %parallel_loop3A_639 : i32
        %parallel_loop3A_641 = arith.constant 5 : i32
        %parallel_loop3A_642 = arith.index_cast %parallel_loop3A_641 : i32 to index
        %parallel_loop3A_643 = arith.index_cast %parallel_loop3A_640 : i32 to index
        %parallel_loop3A_644 = tpu.vector_load %arg7[%parallel_loop3A_642, %parallel_loop3A_643] {strides = array<i32>} : memref<8x4096xf32, #tpu.memory_space<vmem>>, vector<16xf32>,
        %parallel_loop3A_645 = arith.mulf %parallel_loop3A_644, %parallel_loop3A_644 : vector<16xf32>
        %parallel_loop3A_646 = arith.subf %parallel_loop3A_644, %parallel_loop3A_645 : vector<16xf32>
        %parallel_loop3A_647 = arith.mulf %parallel_loop3A_646, %div3A_526 : vector<16xf32>
        %parallel_loop3A_648 = arith.constant 6 : i32
        %parallel_loop3A_649 = arith.index_cast %parallel_loop3A_648 : i32 to index
        %parallel_loop3A_650 = arith.index_cast %parallel_loop3A_640 : i32 to index
        %parallel_loop3A_651 = tpu.vector_load %arg7[%parallel_loop3A_649, %parallel_loop3A_650] {strides = array<i32>} : memref<8x4096xf32, #tpu.memory_space<vmem>>, vector<16xf32>,
        tpu.vector_store %arg7[%parallel_loop3A_649, %parallel_loop3A_650], %parallel_loop3A_647 {strides = array<i32>} : memref<8x4096xf32, #tpu.memory_space<vmem>>, vector<16xf32>,
        %parallel_loop3A_652 = arith.mulf %parallel_loop3A_647, %parallel_loop3A_647 : vector<16xf32>
        %parallel_loop3A_653 = arith.addf %parallel_loop3A_581, %parallel_loop3A_652 : vector<16xf32>
        %parallel_loop3A_654 = arith.constant 4 : i32
        %parallel_loop3A_655 = arith.addi %parallel_loop3A_577, %parallel_loop3A_654 : i32
        %parallel_loop3A_656 = arith.constant 16 : i32
        %parallel_loop3A_657 = arith.muli %parallel_loop3A_655, %parallel_loop3A_656 : i32
        %parallel_loop3A_658 = arith.constant 5 : i32
        %parallel_loop3A_659 = arith.index_cast %parallel_loop3A_658 : i32 to index
        %parallel_loop3A_660 = arith.index_cast %parallel_loop3A_657 : i32 to index
        %parallel_loop3A_661 = tpu.vector_load %arg7[%parallel_loop3A_659, %parallel_loop3A_660] {strides = array<i32>} : memref<8x4096xf32, #tpu.memory_space<vmem>>, vector<16xf32>,
        %parallel_loop3A_662 = arith.mulf %parallel_loop3A_661, %parallel_loop3A_661 : vector<16xf32>
        %parallel_loop3A_663 = arith.subf %parallel_loop3A_661, %parallel_loop3A_662 : vector<16xf32>
        %parallel_loop3A_664 = arith.mulf %parallel_loop3A_663, %div3A_526 : vector<16xf32>
        %parallel_loop3A_665 = arith.constant 6 : i32
        %parallel_loop3A_666 = arith.index_cast %parallel_loop3A_665 : i32 to index
        %parallel_loop3A_667 = arith.index_cast %parallel_loop3A_657 : i32 to index
        %parallel_loop3A_668 = tpu.vector_load %arg7[%parallel_loop3A_666, %parallel_loop3A_667] {strides = array<i32>} : memref<8x4096xf32, #tpu.memory_space<vmem>>, vector<16xf32>,
        tpu.vector_store %arg7[%parallel_loop3A_666, %parallel_loop3A_667], %parallel_loop3A_664 {strides = array<i32>} : memref<8x4096xf32, #tpu.memory_space<vmem>>, vector<16xf32>,
        %parallel_loop3A_669 = arith.mulf %parallel_loop3A_664, %parallel_loop3A_664 : vector<16xf32>
        %parallel_loop3A_670 = arith.addf %parallel_loop3A_582, %parallel_loop3A_669 : vector<16xf32>
        %parallel_loop3A_671 = arith.constant 5 : i32
        %parallel_loop3A_672 = arith.addi %parallel_loop3A_577, %parallel_loop3A_671 : i32
        %parallel_loop3A_673 = arith.constant 16 : i32
        %parallel_loop3A_674 = arith.muli %parallel_loop3A_672, %parallel_loop3A_673 : i32
        %parallel_loop3A_675 = arith.constant 5 : i32
        %parallel_loop3A_676 = arith.index_cast %parallel_loop3A_675 : i32 to index
        %parallel_loop3A_677 = arith.index_cast %parallel_loop3A_674 : i32 to index
        %parallel_loop3A_678 = tpu.vector_load %arg7[%parallel_loop3A_676, %parallel_loop3A_677] {strides = array<i32>} : memref<8x4096xf32, #tpu.memory_space<vmem>>, vector<16xf32>,
        %parallel_loop3A_679 = arith.mulf %parallel_loop3A_678, %parallel_loop3A_678 : vector<16xf32>
        %parallel_loop3A_680 = arith.subf %parallel_loop3A_678, %parallel_loop3A_679 : vector<16xf32>
        %parallel_loop3A_681 = arith.mulf %parallel_loop3A_680, %div3A_526 : vector<16xf32>
        %parallel_loop3A_682 = arith.constant 6 : i32
        %parallel_loop3A_683 = arith.index_cast %parallel_loop3A_682 : i32 to index
        %parallel_loop3A_684 = arith.index_cast %parallel_loop3A_674 : i32 to index
        %parallel_loop3A_685 = tpu.vector_load %arg7[%parallel_loop3A_683, %parallel_loop3A_684] {strides = array<i32>} : memref<8x4096xf32, #tpu.memory_space<vmem>>, vector<16xf32>,
        tpu.vector_store %arg7[%parallel_loop3A_683, %parallel_loop3A_684], %parallel_loop3A_681 {strides = array<i32>} : memref<8x4096xf32, #tpu.memory_space<vmem>>, vector<16xf32>,
        %parallel_loop3A_686 = arith.mulf %parallel_loop3A_681, %parallel_loop3A_681 : vector<16xf32>
        %parallel_loop3A_687 = arith.addf %parallel_loop3A_583, %parallel_loop3A_686 : vector<16xf32>
        %parallel_loop3A_688 = arith.constant 6 : i32
        %parallel_loop3A_689 = arith.addi %parallel_loop3A_577, %parallel_loop3A_688 : i32
        %parallel_loop3A_690 = arith.constant 16 : i32
        %parallel_loop3A_691 = arith.muli %parallel_loop3A_689, %parallel_loop3A_690 : i32
        %parallel_loop3A_692 = arith.constant 5 : i32
        %parallel_loop3A_693 = arith.index_cast %parallel_loop3A_692 : i32 to index
        %parallel_loop3A_694 = arith.index_cast %parallel_loop3A_691 : i32 to index
        %parallel_loop3A_695 = tpu.vector_load %arg7[%parallel_loop3A_693, %parallel_loop3A_694] {strides = array<i32>} : memref<8x4096xf32, #tpu.memory_space<vmem>>, vector<16xf32>,
        %parallel_loop3A_696 = arith.mulf %parallel_loop3A_695, %parallel_loop3A_695 : vector<16xf32>
        %parallel_loop3A_697 = arith.subf %parallel_loop3A_695, %parallel_loop3A_696 : vector<16xf32>
        %parallel_loop3A_698 = arith.mulf %parallel_loop3A_697, %div3A_526 : vector<16xf32>
        %parallel_loop3A_699 = arith.constant 6 : i32
        %parallel_loop3A_700 = arith.index_cast %parallel_loop3A_699 : i32 to index
        %parallel_loop3A_701 = arith.index_cast %parallel_loop3A_691 : i32 to index
        %parallel_loop3A_702 = tpu.vector_load %arg7[%parallel_loop3A_700, %parallel_loop3A_701] {strides = array<i32>} : memref<8x4096xf32, #tpu.memory_space<vmem>>, vector<16xf32>,
        tpu.vector_store %arg7[%parallel_loop3A_700, %parallel_loop3A_701], %parallel_loop3A_698 {strides = array<i32>} : memref<8x4096xf32, #tpu.memory_space<vmem>>, vector<16xf32>,
        %parallel_loop3A_703 = arith.mulf %parallel_loop3A_698, %parallel_loop3A_698 : vector<16xf32>
        %parallel_loop3A_704 = arith.addf %parallel_loop3A_584, %parallel_loop3A_703 : vector<16xf32>
        %parallel_loop3A_705 = arith.constant 7 : i32
        %parallel_loop3A_706 = arith.addi %parallel_loop3A_577, %parallel_loop3A_705 : i32
        %parallel_loop3A_707 = arith.constant 16 : i32
        %parallel_loop3A_708 = arith.muli %parallel_loop3A_706, %parallel_loop3A_707 : i32
        %parallel_loop3A_709 = arith.constant 5 : i32
        %parallel_loop3A_710 = arith.index_cast %parallel_loop3A_709 : i32 to index
        %parallel_loop3A_711 = arith.index_cast %parallel_loop3A_708 : i32 to index
        %parallel_loop3A_712 = tpu.vector_load %arg7[%parallel_loop3A_710, %parallel_loop3A_711] {strides = array<i32>} : memref<8x4096xf32, #tpu.memory_space<vmem>>, vector<16xf32>,
        %parallel_loop3A_713 = arith.mulf %parallel_loop3A_712, %parallel_loop3A_712 : vector<16xf32>
        %parallel_loop3A_714 = arith.subf %parallel_loop3A_712, %parallel_loop3A_713 : vector<16xf32>
        %parallel_loop3A_715 = arith.mulf %parallel_loop3A_714, %div3A_526 : vector<16xf32>
        %parallel_loop3A_716 = arith.constant 6 : i32
        %parallel_loop3A_717 = arith.index_cast %parallel_loop3A_716 : i32 to index
        %parallel_loop3A_718 = arith.index_cast %parallel_loop3A_708 : i32 to index
        %parallel_loop3A_719 = tpu.vector_load %arg7[%parallel_loop3A_717, %parallel_loop3A_718] {strides = array<i32>} : memref<8x4096xf32, #tpu.memory_space<vmem>>, vector<16xf32>,
        tpu.vector_store %arg7[%parallel_loop3A_717, %parallel_loop3A_718], %parallel_loop3A_715 {strides = array<i32>} : memref<8x4096xf32, #tpu.memory_space<vmem>>, vector<16xf32>,
        %parallel_loop3A_720 = arith.mulf %parallel_loop3A_715, %parallel_loop3A_715 : vector<16xf32>
        %parallel_loop3A_721 = arith.addf %parallel_loop3A_585, %parallel_loop3A_720 : vector<16xf32>
        scf.yield %parallel_loop3A_602, %parallel_loop3A_619, %parallel_loop3A_636, %parallel_loop3A_653, %parallel_loop3A_670, %parallel_loop3A_687, %parallel_loop3A_704, %parallel_loop3A_721 : vector<16xf32>, vector<16xf32>, vector<16xf32>, vector<16xf32>, vector<16xf32>, vector<16xf32>, vector<16xf32>, vector<16xf32>
      } {sc.loop_unroll_factor = 1 : i64, sc.parallel_access}
      %add3A_531 = arith.addf %parallel_loop3A_530#0, %parallel_loop3A_530#1 : vector<16xf32>
      %add3A_532 = arith.addf %add3A_531, %parallel_loop3A_530#2 : vector<16xf32>
      %add3A_533 = arith.addf %add3A_532, %parallel_loop3A_530#3 : vector<16xf32>
      %add3A_534 = arith.addf %add3A_533, %parallel_loop3A_530#4 : vector<16xf32>
      %add3A_535 = arith.addf %add3A_534, %parallel_loop3A_530#5 : vector<16xf32>
      %add3A_536 = arith.addf %add3A_535, %parallel_loop3A_530#6 : vector<16xf32>
      %add3A_537 = arith.addf %add3A_536, %parallel_loop3A_530#7 : vector<16xf32>
      %reduce_sum3A_538 = arith.constant true
      %reduce_sum3A_539 = vector.broadcast %reduce_sum3A_538 : i1 to vector<16xi1>
      %reduce_sum3A_540 = tpu.scan <sum>, %add3A_537 masked %reduce_sum3A_539 : vector<16xf32>, vector<16xi1> -> vector<16xf32>
      %reduce_sum3A_541 = vector.extract %reduce_sum3A_540[15] : f32 from vector<16xf32>
      %sub3A_542 = arith.constant 1.000000e+00 : f32
      %sub3A_543 = arith.subf %sub3A_542, %reduce_sum3A_541 : f32
      %div3A_544 = vector.broadcast %sub3A_543 : f32 to vector<16xf32>
      %div3A_545 = arith.divf %broadcast_in_dim3A_3, %div3A_544 : vector<16xf32>
      %parallel_loop3A_546 = arith.constant 0 : i32
      %parallel_loop3A_547 = arith.constant 256 : i32
      %parallel_loop3A_548 = arith.constant 8 : i32
      %parallel_loop3A_549:8 = scf.for %parallel_loop3A_577 = %parallel_loop3A_546 to %parallel_loop3A_547 step %parallel_loop3A_548 iter_args(%parallel_loop3A_578 = %broadcast_in_dim3A_1, %parallel_loop3A_579 = %broadcast_in_dim3A_1, %parallel_loop3A_580 = %broadcast_in_dim3A_1, %parallel_loop3A_581 = %broadcast_in_dim3A_1, %parallel_loop3A_582 = %broadcast_in_dim3A_1, %parallel_loop3A_583 = %broadcast_in_dim3A_1, %parallel_loop3A_584 = %broadcast_in_dim3A_1, %parallel_loop3A_585 = %broadcast_in_dim3A_1) -> (vector<16xf32>, vector<16xf32>, vector<16xf32>, vector<16xf32>, vector<16xf32>, vector<16xf32>, vector<16xf32>, vector<16xf32>)  : i32 {
        %parallel_loop3A_586 = arith.constant 0 : i32
        %parallel_loop3A_587 = arith.addi %parallel_loop3A_577, %parallel_loop3A_586 : i32
        %parallel_loop3A_588 = arith.constant 16 : i32
        %parallel_loop3A_589 = arith.muli %parallel_loop3A_587, %parallel_loop3A_588 : i32
        %parallel_loop3A_590 = arith.constant 6 : i32
        %parallel_loop3A_591 = arith.index_cast %parallel_loop3A_590 : i32 to index
        %parallel_loop3A_592 = arith.index_cast %parallel_loop3A_589 : i32 to index
        %parallel_loop3A_593 = tpu.vector_load %arg7[%parallel_loop3A_591, %parallel_loop3A_592] {strides = array<i32>} : memref<8x4096xf32, #tpu.memory_space<vmem>>, vector<16xf32>,
        %parallel_loop3A_594 = arith.mulf %parallel_loop3A_593, %parallel_loop3A_593 : vector<16xf32>
        %parallel_loop3A_595 = arith.subf %parallel_loop3A_593, %parallel_loop3A_594 : vector<16xf32>
        %parallel_loop3A_596 = arith.mulf %parallel_loop3A_595, %div3A_545 : vector<16xf32>
        %parallel_loop3A_597 = arith.constant 7 : i32
        %parallel_loop3A_598 = arith.index_cast %parallel_loop3A_597 : i32 to index
        %parallel_loop3A_599 = arith.index_cast %parallel_loop3A_589 : i32 to index
        %parallel_loop3A_600 = tpu.vector_load %arg7[%parallel_loop3A_598, %parallel_loop3A_599] {strides = array<i32>} : memref<8x4096xf32, #tpu.memory_space<vmem>>, vector<16xf32>,
        tpu.vector_store %arg7[%parallel_loop3A_598, %parallel_loop3A_599], %parallel_loop3A_596 {strides = array<i32>} : memref<8x4096xf32, #tpu.memory_space<vmem>>, vector<16xf32>,
        %parallel_loop3A_601 = arith.constant 1 : i32
        %parallel_loop3A_602 = arith.addi %parallel_loop3A_577, %parallel_loop3A_601 : i32
        %parallel_loop3A_603 = arith.constant 16 : i32
        %parallel_loop3A_604 = arith.muli %parallel_loop3A_602, %parallel_loop3A_603 : i32
        %parallel_loop3A_605 = arith.constant 6 : i32
        %parallel_loop3A_606 = arith.index_cast %parallel_loop3A_605 : i32 to index
        %parallel_loop3A_607 = arith.index_cast %parallel_loop3A_604 : i32 to index
        %parallel_loop3A_608 = tpu.vector_load %arg7[%parallel_loop3A_606, %parallel_loop3A_607] {strides = array<i32>} : memref<8x4096xf32, #tpu.memory_space<vmem>>, vector<16xf32>,
        %parallel_loop3A_609 = arith.mulf %parallel_loop3A_608, %parallel_loop3A_608 : vector<16xf32>
        %parallel_loop3A_610 = arith.subf %parallel_loop3A_608, %parallel_loop3A_609 : vector<16xf32>
        %parallel_loop3A_611 = arith.mulf %parallel_loop3A_610, %div3A_545 : vector<16xf32>
        %parallel_loop3A_612 = arith.constant 7 : i32
        %parallel_loop3A_613 = arith.index_cast %parallel_loop3A_612 : i32 to index
        %parallel_loop3A_614 = arith.index_cast %parallel_loop3A_604 : i32 to index
        %parallel_loop3A_615 = tpu.vector_load %arg7[%parallel_loop3A_613, %parallel_loop3A_614] {strides = array<i32>} : memref<8x4096xf32, #tpu.memory_space<vmem>>, vector<16xf32>,
        tpu.vector_store %arg7[%parallel_loop3A_613, %parallel_loop3A_614], %parallel_loop3A_611 {strides = array<i32>} : memref<8x4096xf32, #tpu.memory_space<vmem>>, vector<16xf32>,
        %parallel_loop3A_616 = arith.constant 2 : i32
        %parallel_loop3A_617 = arith.addi %parallel_loop3A_577, %parallel_loop3A_616 : i32
        %parallel_loop3A_618 = arith.constant 16 : i32
        %parallel_loop3A_619 = arith.muli %parallel_loop3A_617, %parallel_loop3A_618 : i32
        %parallel_loop3A_620 = arith.constant 6 : i32
        %parallel_loop3A_621 = arith.index_cast %parallel_loop3A_620 : i32 to index
        %parallel_loop3A_622 = arith.index_cast %parallel_loop3A_619 : i32 to index
        %parallel_loop3A_623 = tpu.vector_load %arg7[%parallel_loop3A_621, %parallel_loop3A_622] {strides = array<i32>} : memref<8x4096xf32, #tpu.memory_space<vmem>>, vector<16xf32>,
        %parallel_loop3A_624 = arith.mulf %parallel_loop3A_623, %parallel_loop3A_623 : vector<16xf32>
        %parallel_loop3A_625 = arith.subf %parallel_loop3A_623, %parallel_loop3A_624 : vector<16xf32>
        %parallel_loop3A_626 = arith.mulf %parallel_loop3A_625, %div3A_545 : vector<16xf32>
        %parallel_loop3A_627 = arith.constant 7 : i32
        %parallel_loop3A_628 = arith.index_cast %parallel_loop3A_627 : i32 to index
        %parallel_loop3A_629 = arith.index_cast %parallel_loop3A_619 : i32 to index
        %parallel_loop3A_630 = tpu.vector_load %arg7[%parallel_loop3A_628, %parallel_loop3A_629] {strides = array<i32>} : memref<8x4096xf32, #tpu.memory_space<vmem>>, vector<16xf32>,
        tpu.vector_store %arg7[%parallel_loop3A_628, %parallel_loop3A_629], %parallel_loop3A_626 {strides = array<i32>} : memref<8x4096xf32, #tpu.memory_space<vmem>>, vector<16xf32>,
        %parallel_loop3A_631 = arith.constant 3 : i32
        %parallel_loop3A_632 = arith.addi %parallel_loop3A_577, %parallel_loop3A_631 : i32
        %parallel_loop3A_633 = arith.constant 16 : i32
        %parallel_loop3A_634 = arith.muli %parallel_loop3A_632, %parallel_loop3A_633 : i32
        %parallel_loop3A_635 = arith.constant 6 : i32
        %parallel_loop3A_636 = arith.index_cast %parallel_loop3A_635 : i32 to index
        %parallel_loop3A_637 = arith.index_cast %parallel_loop3A_634 : i32 to index
        %parallel_loop3A_638 = tpu.vector_load %arg7[%parallel_loop3A_636, %parallel_loop3A_637] {strides = array<i32>} : memref<8x4096xf32, #tpu.memory_space<vmem>>, vector<16xf32>,
        %parallel_loop3A_639 = arith.mulf %parallel_loop3A_638, %parallel_loop3A_638 : vector<16xf32>
        %parallel_loop3A_640 = arith.subf %parallel_loop3A_638, %parallel_loop3A_639 : vector<16xf32>
        %parallel_loop3A_641 = arith.mulf %parallel_loop3A_640, %div3A_545 : vector<16xf32>
        %parallel_loop3A_642 = arith.constant 7 : i32
        %parallel_loop3A_643 = arith.index_cast %parallel_loop3A_642 : i32 to index
        %parallel_loop3A_644 = arith.index_cast %parallel_loop3A_634 : i32 to index
        %parallel_loop3A_645 = tpu.vector_load %arg7[%parallel_loop3A_643, %parallel_loop3A_644] {strides = array<i32>} : memref<8x4096xf32, #tpu.memory_space<vmem>>, vector<16xf32>,
        tpu.vector_store %arg7[%parallel_loop3A_643, %parallel_loop3A_644], %parallel_loop3A_641 {strides = array<i32>} : memref<8x4096xf32, #tpu.memory_space<vmem>>, vector<16xf32>,
        %parallel_loop3A_646 = arith.constant 4 : i32
        %parallel_loop3A_647 = arith.addi %parallel_loop3A_577, %parallel_loop3A_646 : i32
        %parallel_loop3A_648 = arith.constant 16 : i32
        %parallel_loop3A_649 = arith.muli %parallel_loop3A_647, %parallel_loop3A_648 : i32
        %parallel_loop3A_650 = arith.constant 6 : i32
        %parallel_loop3A_651 = arith.index_cast %parallel_loop3A_650 : i32 to index
        %parallel_loop3A_652 = arith.index_cast %parallel_loop3A_649 : i32 to index
        %parallel_loop3A_653 = tpu.vector_load %arg7[%parallel_loop3A_651, %parallel_loop3A_652] {strides = array<i32>} : memref<8x4096xf32, #tpu.memory_space<vmem>>, vector<16xf32>,
        %parallel_loop3A_654 = arith.mulf %parallel_loop3A_653, %parallel_loop3A_653 : vector<16xf32>
        %parallel_loop3A_655 = arith.subf %parallel_loop3A_653, %parallel_loop3A_654 : vector<16xf32>
        %parallel_loop3A_656 = arith.mulf %parallel_loop3A_655, %div3A_545 : vector<16xf32>
        %parallel_loop3A_657 = arith.constant 7 : i32
        %parallel_loop3A_658 = arith.index_cast %parallel_loop3A_657 : i32 to index
        %parallel_loop3A_659 = arith.index_cast %parallel_loop3A_649 : i32 to index
        %parallel_loop3A_660 = tpu.vector_load %arg7[%parallel_loop3A_658, %parallel_loop3A_659] {strides = array<i32>} : memref<8x4096xf32, #tpu.memory_space<vmem>>, vector<16xf32>,
        tpu.vector_store %arg7[%parallel_loop3A_658, %parallel_loop3A_659], %parallel_loop3A_656 {strides = array<i32>} : memref<8x4096xf32, #tpu.memory_space<vmem>>, vector<16xf32>,
        %parallel_loop3A_661 = arith.constant 5 : i32
        %parallel_loop3A_662 = arith.addi %parallel_loop3A_577, %parallel_loop3A_661 : i32
        %parallel_loop3A_663 = arith.constant 16 : i32
        %parallel_loop3A_664 = arith.muli %parallel_loop3A_662, %parallel_loop3A_663 : i32
        %parallel_loop3A_665 = arith.constant 6 : i32
        %parallel_loop3A_666 = arith.index_cast %parallel_loop3A_665 : i32 to index
        %parallel_loop3A_667 = arith.index_cast %parallel_loop3A_664 : i32 to index
        %parallel_loop3A_668 = tpu.vector_load %arg7[%parallel_loop3A_666, %parallel_loop3A_667] {strides = array<i32>} : memref<8x4096xf32, #tpu.memory_space<vmem>>, vector<16xf32>,
        %parallel_loop3A_669 = arith.mulf %parallel_loop3A_668, %parallel_loop3A_668 : vector<16xf32>
        %parallel_loop3A_670 = arith.subf %parallel_loop3A_668, %parallel_loop3A_669 : vector<16xf32>
        %parallel_loop3A_671 = arith.mulf %parallel_loop3A_670, %div3A_545 : vector<16xf32>
        %parallel_loop3A_672 = arith.constant 7 : i32
        %parallel_loop3A_673 = arith.index_cast %parallel_loop3A_672 : i32 to index
        %parallel_loop3A_674 = arith.index_cast %parallel_loop3A_664 : i32 to index
        %parallel_loop3A_675 = tpu.vector_load %arg7[%parallel_loop3A_673, %parallel_loop3A_674] {strides = array<i32>} : memref<8x4096xf32, #tpu.memory_space<vmem>>, vector<16xf32>,
        tpu.vector_store %arg7[%parallel_loop3A_673, %parallel_loop3A_674], %parallel_loop3A_671 {strides = array<i32>} : memref<8x4096xf32, #tpu.memory_space<vmem>>, vector<16xf32>,
        %parallel_loop3A_676 = arith.constant 6 : i32
        %parallel_loop3A_677 = arith.addi %parallel_loop3A_577, %parallel_loop3A_676 : i32
        %parallel_loop3A_678 = arith.constant 16 : i32
        %parallel_loop3A_679 = arith.muli %parallel_loop3A_677, %parallel_loop3A_678 : i32
        %parallel_loop3A_680 = arith.constant 6 : i32
        %parallel_loop3A_681 = arith.index_cast %parallel_loop3A_680 : i32 to index
        %parallel_loop3A_682 = arith.index_cast %parallel_loop3A_679 : i32 to index
        %parallel_loop3A_683 = tpu.vector_load %arg7[%parallel_loop3A_681, %parallel_loop3A_682] {strides = array<i32>} : memref<8x4096xf32, #tpu.memory_space<vmem>>, vector<16xf32>,
        %parallel_loop3A_684 = arith.mulf %parallel_loop3A_683, %parallel_loop3A_683 : vector<16xf32>
        %parallel_loop3A_685 = arith.subf %parallel_loop3A_683, %parallel_loop3A_684 : vector<16xf32>
        %parallel_loop3A_686 = arith.mulf %parallel_loop3A_685, %div3A_545 : vector<16xf32>
        %parallel_loop3A_687 = arith.constant 7 : i32
        %parallel_loop3A_688 = arith.index_cast %parallel_loop3A_687 : i32 to index
        %parallel_loop3A_689 = arith.index_cast %parallel_loop3A_679 : i32 to index
        %parallel_loop3A_690 = tpu.vector_load %arg7[%parallel_loop3A_688, %parallel_loop3A_689] {strides = array<i32>} : memref<8x4096xf32, #tpu.memory_space<vmem>>, vector<16xf32>,
        tpu.vector_store %arg7[%parallel_loop3A_688, %parallel_loop3A_689], %parallel_loop3A_686 {strides = array<i32>} : memref<8x4096xf32, #tpu.memory_space<vmem>>, vector<16xf32>,
        %parallel_loop3A_691 = arith.constant 7 : i32
        %parallel_loop3A_692 = arith.addi %parallel_loop3A_577, %parallel_loop3A_691 : i32
        %parallel_loop3A_693 = arith.constant 16 : i32
        %parallel_loop3A_694 = arith.muli %parallel_loop3A_692, %parallel_loop3A_693 : i32
        %parallel_loop3A_695 = arith.constant 6 : i32
        %parallel_loop3A_696 = arith.index_cast %parallel_loop3A_695 : i32 to index
        %parallel_loop3A_697 = arith.index_cast %parallel_loop3A_694 : i32 to index
        %parallel_loop3A_698 = tpu.vector_load %arg7[%parallel_loop3A_696, %parallel_loop3A_697] {strides = array<i32>} : memref<8x4096xf32, #tpu.memory_space<vmem>>, vector<16xf32>,
        %parallel_loop3A_699 = arith.mulf %parallel_loop3A_698, %parallel_loop3A_698 : vector<16xf32>
        %parallel_loop3A_700 = arith.subf %parallel_loop3A_698, %parallel_loop3A_699 : vector<16xf32>
        %parallel_loop3A_701 = arith.mulf %parallel_loop3A_700, %div3A_545 : vector<16xf32>
        %parallel_loop3A_702 = arith.constant 7 : i32
        %parallel_loop3A_703 = arith.index_cast %parallel_loop3A_702 : i32 to index
        %parallel_loop3A_704 = arith.index_cast %parallel_loop3A_694 : i32 to index
        %parallel_loop3A_705 = tpu.vector_load %arg7[%parallel_loop3A_703, %parallel_loop3A_704] {strides = array<i32>} : memref<8x4096xf32, #tpu.memory_space<vmem>>, vector<16xf32>,
        tpu.vector_store %arg7[%parallel_loop3A_703, %parallel_loop3A_704], %parallel_loop3A_701 {strides = array<i32>} : memref<8x4096xf32, #tpu.memory_space<vmem>>, vector<16xf32>,
        scf.yield %parallel_loop3A_578, %parallel_loop3A_579, %parallel_loop3A_580, %parallel_loop3A_581, %parallel_loop3A_582, %parallel_loop3A_583, %parallel_loop3A_584, %parallel_loop3A_585 : vector<16xf32>, vector<16xf32>, vector<16xf32>, vector<16xf32>, vector<16xf32>, vector<16xf32>, vector<16xf32>, vector<16xf32>
      } {sc.loop_unroll_factor = 1 : i64, sc.parallel_access}
      %dma_start3A_550 = arith.constant 4 : i32
      %dma_start3A_551 = arith.constant 0 : i32
      %dma_start3A_552 = tpu.memref_slice %arg7[%dma_start3A_550, %dma_start3A_551] : memref<8x4096xf32, #tpu.memory_space<vmem>> -> memref<4x4096xf32, #tpu.memory_space<vmem>>
      %dma_start3A_553 = arith.constant 4 : i32
      %dma_start3A_554 = arith.constant 0 : i32
      %dma_start3A_555 = tpu.memref_slice %arg3[%shift_right_arithmetic3A_325, %and3A_329, %and3A_331, %dma_start3A_553, %dma_start3A_554] : memref<16x8x4x8x4096xf32, #tpu.memory_space<hbm>> -> memref<1x1x1x4x4096xf32, #tpu.memory_space<hbm>>
      %dma_start3A_556 = tpu.memref_squeeze %dma_start3A_555 : memref<1x1x1x4x4096xf32, #tpu.memory_space<hbm>> -> memref<4x4096xf32, #tpu.memory_space<hbm>>
      %dma_start3A_557 = arith.constant 4 : i32
      %dma_start3A_558 = arith.constant 0 : i32
      %dma_start3A_559 = tpu.memref_slice %arg3[%shift_right_arithmetic3A_325, %and3A_329, %and3A_331, %dma_start3A_557, %dma_start3A_558] : memref<16x8x4x8x4096xf32, #tpu.memory_space<hbm>> -> memref<1x1x1x4x4096xf32, #tpu.memory_space<hbm>>
      %dma_start3A_560 = tpu.memref_squeeze %dma_start3A_559 : memref<1x1x1x4x4096xf32, #tpu.memory_space<hbm>> -> memref<4x4096xf32, #tpu.memory_space<hbm>>
      %dma_start3A_561 = arith.constant 4 : i32
      %dma_start3A_562 = arith.constant 0 : i32
      %dma_start3A_563 = tpu.memref_slice %arg7[%dma_start3A_561, %dma_start3A_562] : memref<8x4096xf32, #tpu.memory_space<vmem>> -> memref<4x4096xf32, #tpu.memory_space<vmem>>
      tpu.enqueue_dma source(%dma_start3A_563 : memref<4x4096xf32, #tpu.memory_space<vmem>>) target(%dma_start3A_560 : memref<4x4096xf32, #tpu.memory_space<hbm>>) target_semaphore(%arg9 : memref<!tpu.dma_semaphore, #tpu.memory_space<semaphore_mem>>)
      %add3A_564 = arith.addf %parallel_loop3A_549#0, %parallel_loop3A_549#1 : vector<16xf32>
      %add3A_565 = arith.addf %add3A_564, %parallel_loop3A_549#2 : vector<16xf32>
      %add3A_566 = arith.addf %add3A_565, %parallel_loop3A_549#3 : vector<16xf32>
      %add3A_567 = arith.addf %add3A_566, %parallel_loop3A_549#4 : vector<16xf32>
      %add3A_568 = arith.addf %add3A_567, %parallel_loop3A_549#5 : vector<16xf32>
      %add3A_569 = arith.addf %add3A_568, %parallel_loop3A_549#6 : vector<16xf32>
      %add3A_570 = arith.addf %add3A_569, %parallel_loop3A_549#7 : vector<16xf32>
      %reduce_sum3A_571 = arith.constant true
      %reduce_sum3A_572 = vector.broadcast %reduce_sum3A_571 : i1 to vector<16xi1>
      %reduce_sum3A_573 = tpu.scan <sum>, %add3A_570 masked %reduce_sum3A_572 : vector<16xf32>, vector<16xi1> -> vector<16xf32>
      %reduce_sum3A_574 = vector.extract %reduce_sum3A_573[15] : f32 from vector<16xf32>
      %sub3A_575 = arith.constant 1.000000e+00 : f32
      %sub3A_576 = arith.subf %sub3A_575, %reduce_sum3A_574 : f32
    }
    %scan3A_24 = arith.constant 8 : i32
    %dma_wait3A = arith.constant 0 : i32
    %dma_wait3A_25 = arith.constant 0 : i32
    %dma_wait3A_26 = arith.constant 0 : i32
    %dma_wait3A_27 = arith.constant 0 : i32
    %dma_wait3A_28 = arith.constant 0 : i32
    %dma_wait3A_29 = tpu.memref_slice %arg7[%dma_wait3A_27, %dma_wait3A_28] : memref<8x4096xf32, #tpu.memory_space<vmem>> -> memref<4x4096xf32, #tpu.memory_space<vmem>>
    %dma_wait3A_30 = arith.constant 0 : i32
    %dma_wait3A_31 = arith.constant 0 : i32
    %dma_wait3A_32 = tpu.memref_slice %arg3[%dma_wait3A, %dma_wait3A_25, %dma_wait3A_26, %dma_wait3A_30, %dma_wait3A_31] : memref<16x8x4x8x4096xf32, #tpu.memory_space<hbm>> -> memref<1x1x1x4x4096xf32, #tpu.memory_space<hbm>>
    %dma_wait3A_33 = tpu.memref_squeeze %dma_wait3A_32 : memref<1x1x1x4x4096xf32, #tpu.memory_space<hbm>> -> memref<4x4096xf32, #tpu.memory_space<hbm>>
    %dma_wait3A_34 = arith.constant 0 : i32
    %dma_wait3A_35 = arith.constant 0 : i32
    %dma_wait3A_36 = tpu.memref_slice %arg3[%dma_wait3A, %dma_wait3A_25, %dma_wait3A_26, %dma_wait3A_34, %dma_wait3A_35] : memref<16x8x4x8x4096xf32, #tpu.memory_space<hbm>> -> memref<1x1x1x4x4096xf32, #tpu.memory_space<hbm>>
    %dma_wait3A_37 = tpu.memref_squeeze %dma_wait3A_36 : memref<1x1x1x4x4096xf32, #tpu.memory_space<hbm>> -> memref<4x4096xf32, #tpu.memory_space<hbm>>
    %dma_wait3A_38 = arith.constant 0 : i32
    %dma_wait3A_39 = arith.constant 0 : i32
    %dma_wait3A_40 = tpu.memref_slice %arg7[%dma_wait3A_38, %dma_wait3A_39] : memref<8x4096xf32, #tpu.memory_space<vmem>> -> memref<4x4096xf32, #tpu.memory_space<vmem>>
    tpu.wait_dma2 semaphore(%arg9 : memref<!tpu.dma_semaphore, #tpu.memory_space<semaphore_mem>>) src(%dma_wait3A_40 : memref<4x4096xf32, #tpu.memory_space<vmem>>) dst(%dma_wait3A_37 : memref<4x4096xf32, #tpu.memory_space<hbm>>)
    %dma_wait3A_41 = arith.constant 0 : i32
    %dma_wait3A_42 = arith.constant 0 : i32
    %dma_wait3A_43 = arith.constant 0 : i32
    %dma_wait3A_44 = arith.constant 0 : i32
    %dma_wait3A_45 = arith.constant 0 : i32
    %dma_wait3A_46 = tpu.memref_slice %arg7[%dma_wait3A_44, %dma_wait3A_45] : memref<8x4096xf32, #tpu.memory_space<vmem>> -> memref<4x4096xf32, #tpu.memory_space<vmem>>
    %dma_wait3A_47 = arith.constant 0 : i32
    %dma_wait3A_48 = arith.constant 0 : i32
    %dma_wait3A_49 = tpu.memref_slice %arg3[%dma_wait3A_41, %dma_wait3A_42, %dma_wait3A_43, %dma_wait3A_47, %dma_wait3A_48] : memref<16x8x4x8x4096xf32, #tpu.memory_space<hbm>> -> memref<1x1x1x4x4096xf32, #tpu.memory_space<hbm>>
    %dma_wait3A_50 = tpu.memref_squeeze %dma_wait3A_49 : memref<1x1x1x4x4096xf32, #tpu.memory_space<hbm>> -> memref<4x4096xf32, #tpu.memory_space<hbm>>
    %dma_wait3A_51 = arith.constant 0 : i32
    %dma_wait3A_52 = arith.constant 0 : i32
    %dma_wait3A_53 = tpu.memref_slice %arg3[%dma_wait3A_41, %dma_wait3A_42, %dma_wait3A_43, %dma_wait3A_51, %dma_wait3A_52] : memref<16x8x4x8x4096xf32, #tpu.memory_space<hbm>> -> memref<1x1x1x4x4096xf32, #tpu.memory_space<hbm>>
    %dma_wait3A_54 = tpu.memref_squeeze %dma_wait3A_53 : memref<1x1x1x4x4096xf32, #tpu.memory_space<hbm>> -> memref<4x4096xf32, #tpu.memory_space<hbm>>
    %dma_wait3A_55 = arith.constant 0 : i32
    %dma_wait3A_56 = arith.constant 0 : i32
    %dma_wait3A_57 = tpu.memref_slice %arg7[%dma_wait3A_55, %dma_wait3A_56] : memref<8x4096xf32, #tpu.memory_space<vmem>> -> memref<4x4096xf32, #tpu.memory_space<vmem>>
    tpu.wait_dma2 semaphore(%arg9 : memref<!tpu.dma_semaphore, #tpu.memory_space<semaphore_mem>>) src(%dma_wait3A_57 : memref<4x4096xf32, #tpu.memory_space<vmem>>) dst(%dma_wait3A_54 : memref<4x4096xf32, #tpu.memory_space<hbm>>)
    %dma_wait3A_58 = arith.constant 0 : i32
    %dma_wait3A_59 = arith.constant 0 : i32
    %dma_wait3A_60 = arith.constant 0 : i32
    %dma_wait3A_61 = arith.constant 0 : i32
    %dma_wait3A_62 = tpu.memref_slice %arg2[%dma_wait3A_58, %dma_wait3A_59, %dma_wait3A_60, %dma_wait3A_61] : memref<16x8x4x4096xf32, #tpu.memory_space<hbm>> -> memref<1x1x1x4096xf32, #tpu.memory_space<hbm>>
    %dma_wait3A_63 = tpu.memref_squeeze %dma_wait3A_62 : memref<1x1x1x4096xf32, #tpu.memory_space<hbm>> -> memref<4096xf32, #tpu.memory_space<hbm>>
    %dma_wait3A_64 = arith.constant 0 : i32
    %dma_wait3A_65 = tpu.memref_slice %arg2[%dma_wait3A_58, %dma_wait3A_59, %dma_wait3A_60, %dma_wait3A_64] : memref<16x8x4x4096xf32, #tpu.memory_space<hbm>> -> memref<1x1x1x4096xf32, #tpu.memory_space<hbm>>
    %dma_wait3A_66 = tpu.memref_squeeze %dma_wait3A_65 : memref<1x1x1x4096xf32, #tpu.memory_space<hbm>> -> memref<4096xf32, #tpu.memory_space<hbm>>
    tpu.wait_dma2 semaphore(%arg8 : memref<!tpu.dma_semaphore, #tpu.memory_space<semaphore_mem>>) src(%dma_wait3A_66 : memref<4096xf32, #tpu.memory_space<hbm>>) dst(%arg4 : memref<4096xf32, #tpu.memory_space<vmem>>)
    return
  }
}

module attributes {stable_mosaic.version = 14 : i64} {
  func.func @_tc_khot_body(%arg0: i32, %arg1: memref<1x8x4x4096xf32, #tpu.memory_space<vmem>>, %arg2: memref<1x8x4x4096xf32, #tpu.memory_space<vmem>>) attributes {dimension_semantics = [#tpu.dimension_semantics<arbitrary>], iteration_bounds = array<i64: 16>, scalar_prefetch = 0 : i64, scratch_operands = 0 : i64, tpu.core_type = #tpu.core_type<tc>, window_params = [{transform_indices = @transform_0, window_bounds = array<i64: 1, 8, 4, 4096>}, {transform_indices = @transform_1, window_bounds = array<i64: 1, 8, 4, 4096>}]} {
    %get3A = arith.constant 0 : index
    %get3A_0 = arith.constant 0 : index
    %get3A_1 = arith.constant 0 : index
    %get3A_2 = arith.constant 0 : index
    %get3A_3 = vector.load %arg1[%get3A, %get3A_0, %get3A_1, %get3A_2] : memref<1x8x4x4096xf32, #tpu.memory_space<vmem>>, vector<1x8x4x4096xf32>
    %reduce_max3A = arith.constant dense<0xFF800000> : vector<1x8x4xf32>
    %reduce_max3A_4 = vector.multi_reduction <maximumf>, %get3A_3, %reduce_max3A [3] : vector<1x8x4x4096xf32> to vector<1x8x4xf32>
    %broadcast_in_dim3A = vector.shape_cast %reduce_max3A_4 : vector<1x8x4xf32> to vector<1x8x4x1xf32>
    %sub3A = vector.broadcast %broadcast_in_dim3A : vector<1x8x4x1xf32> to vector<1x8x4x4096xf32>
    %sub3A_5 = arith.subf %get3A_3, %sub3A : vector<1x8x4x4096xf32>
    %exp3A = math.exp %sub3A_5 : vector<1x8x4x4096xf32>
    %broadcast_in_dim3A_6 = arith.constant 0.000000e+00 : f32
    %broadcast_in_dim3A_7 = vector.broadcast %broadcast_in_dim3A_6 : f32 to vector<1x8x4x4096xf32>
    %reduce_sum3A = arith.constant dense<0.000000e+00> : vector<1x8x4xf32>
    %reduce_sum3A_8 = vector.multi_reduction <add>, %exp3A, %reduce_sum3A [3] : vector<1x8x4x4096xf32> to vector<1x8x4xf32>
    %broadcast_in_dim3A_9 = vector.shape_cast %reduce_sum3A_8 : vector<1x8x4xf32> to vector<1x8x4x1xf32>
    %div3A = arith.constant 1.000000e+00 : f32
    %div3A_10 = vector.broadcast %div3A : f32 to vector<1x8x4x1xf32>
    %div3A_11 = arith.divf %div3A_10, %broadcast_in_dim3A_9 : vector<1x8x4x1xf32>
    %mul3A = vector.broadcast %div3A_11 : vector<1x8x4x1xf32> to vector<1x8x4x4096xf32>
    %mul3A_12 = arith.mulf %exp3A, %mul3A : vector<1x8x4x4096xf32>
    %add3A = arith.addf %broadcast_in_dim3A_7, %mul3A_12 : vector<1x8x4x4096xf32>
    %sub3A_13 = arith.constant 1.000000e+00 : f32
    %sub3A_14 = vector.broadcast %sub3A_13 : f32 to vector<1x8x4x4096xf32>
    %sub3A_15 = arith.subf %sub3A_14, %mul3A_12 : vector<1x8x4x4096xf32>
    %max3A = arith.constant 1.17549435E-38 : f32
    %max3A_16 = vector.broadcast %max3A : f32 to vector<1x8x4x4096xf32>
    %max3A_17 = arith.maximumf %sub3A_15, %max3A_16 : vector<1x8x4x4096xf32>
    %mul3A_18 = arith.mulf %exp3A, %max3A_17 : vector<1x8x4x4096xf32>
    %reduce_sum3A_19 = arith.constant dense<0.000000e+00> : vector<1x8x4xf32>
    %reduce_sum3A_20 = vector.multi_reduction <add>, %mul3A_18, %reduce_sum3A_19 [3] : vector<1x8x4x4096xf32> to vector<1x8x4xf32>
    %broadcast_in_dim3A_21 = vector.shape_cast %reduce_sum3A_20 : vector<1x8x4xf32> to vector<1x8x4x1xf32>
    %div3A_22 = arith.constant 1.000000e+00 : f32
    %div3A_23 = vector.broadcast %div3A_22 : f32 to vector<1x8x4x1xf32>
    %div3A_24 = arith.divf %div3A_23, %broadcast_in_dim3A_21 : vector<1x8x4x1xf32>
    %mul3A_25 = vector.broadcast %div3A_24 : vector<1x8x4x1xf32> to vector<1x8x4x4096xf32>
    %mul3A_26 = arith.mulf %mul3A_18, %mul3A_25 : vector<1x8x4x4096xf32>
    %add3A_27 = arith.addf %add3A, %mul3A_26 : vector<1x8x4x4096xf32>
    %sub3A_28 = arith.constant 1.000000e+00 : f32
    %sub3A_29 = vector.broadcast %sub3A_28 : f32 to vector<1x8x4x4096xf32>
    %sub3A_30 = arith.subf %sub3A_29, %mul3A_26 : vector<1x8x4x4096xf32>
    %max3A_31 = arith.constant 1.17549435E-38 : f32
    %max3A_32 = vector.broadcast %max3A_31 : f32 to vector<1x8x4x4096xf32>
    %max3A_33 = arith.maximumf %sub3A_30, %max3A_32 : vector<1x8x4x4096xf32>
    %mul3A_34 = arith.mulf %mul3A_18, %max3A_33 : vector<1x8x4x4096xf32>
    %reduce_sum3A_35 = arith.constant dense<0.000000e+00> : vector<1x8x4xf32>
    %reduce_sum3A_36 = vector.multi_reduction <add>, %mul3A_34, %reduce_sum3A_35 [3] : vector<1x8x4x4096xf32> to vector<1x8x4xf32>
    %broadcast_in_dim3A_37 = vector.shape_cast %reduce_sum3A_36 : vector<1x8x4xf32> to vector<1x8x4x1xf32>
    %div3A_38 = arith.constant 1.000000e+00 : f32
    %div3A_39 = vector.broadcast %div3A_38 : f32 to vector<1x8x4x1xf32>
    %div3A_40 = arith.divf %div3A_39, %broadcast_in_dim3A_37 : vector<1x8x4x1xf32>
    %mul3A_41 = vector.broadcast %div3A_40 : vector<1x8x4x1xf32> to vector<1x8x4x4096xf32>
    %mul3A_42 = arith.mulf %mul3A_34, %mul3A_41 : vector<1x8x4x4096xf32>
    %add3A_43 = arith.addf %add3A_27, %mul3A_42 : vector<1x8x4x4096xf32>
    %sub3A_44 = arith.constant 1.000000e+00 : f32
    %sub3A_45 = vector.broadcast %sub3A_44 : f32 to vector<1x8x4x4096xf32>
    %sub3A_46 = arith.subf %sub3A_45, %mul3A_42 : vector<1x8x4x4096xf32>
    %max3A_47 = arith.constant 1.17549435E-38 : f32
    %max3A_48 = vector.broadcast %max3A_47 : f32 to vector<1x8x4x4096xf32>
    %max3A_49 = arith.maximumf %sub3A_46, %max3A_48 : vector<1x8x4x4096xf32>
    %mul3A_50 = arith.mulf %mul3A_34, %max3A_49 : vector<1x8x4x4096xf32>
    %reduce_sum3A_51 = arith.constant dense<0.000000e+00> : vector<1x8x4xf32>
    %reduce_sum3A_52 = vector.multi_reduction <add>, %mul3A_50, %reduce_sum3A_51 [3] : vector<1x8x4x4096xf32> to vector<1x8x4xf32>
    %broadcast_in_dim3A_53 = vector.shape_cast %reduce_sum3A_52 : vector<1x8x4xf32> to vector<1x8x4x1xf32>
    %div3A_54 = arith.constant 1.000000e+00 : f32
    %div3A_55 = vector.broadcast %div3A_54 : f32 to vector<1x8x4x1xf32>
    %div3A_56 = arith.divf %div3A_55, %broadcast_in_dim3A_53 : vector<1x8x4x1xf32>
    %mul3A_57 = vector.broadcast %div3A_56 : vector<1x8x4x1xf32> to vector<1x8x4x4096xf32>
    %mul3A_58 = arith.mulf %mul3A_50, %mul3A_57 : vector<1x8x4x4096xf32>
    %add3A_59 = arith.addf %add3A_43, %mul3A_58 : vector<1x8x4x4096xf32>
    %sub3A_60 = arith.constant 1.000000e+00 : f32
    %sub3A_61 = vector.broadcast %sub3A_60 : f32 to vector<1x8x4x4096xf32>
    %sub3A_62 = arith.subf %sub3A_61, %mul3A_58 : vector<1x8x4x4096xf32>
    %max3A_63 = arith.constant 1.17549435E-38 : f32
    %max3A_64 = vector.broadcast %max3A_63 : f32 to vector<1x8x4x4096xf32>
    %max3A_65 = arith.maximumf %sub3A_62, %max3A_64 : vector<1x8x4x4096xf32>
    %mul3A_66 = arith.mulf %mul3A_50, %max3A_65 : vector<1x8x4x4096xf32>
    %reduce_sum3A_67 = arith.constant dense<0.000000e+00> : vector<1x8x4xf32>
    %reduce_sum3A_68 = vector.multi_reduction <add>, %mul3A_66, %reduce_sum3A_67 [3] : vector<1x8x4x4096xf32> to vector<1x8x4xf32>
    %broadcast_in_dim3A_69 = vector.shape_cast %reduce_sum3A_68 : vector<1x8x4xf32> to vector<1x8x4x1xf32>
    %div3A_70 = arith.constant 1.000000e+00 : f32
    %div3A_71 = vector.broadcast %div3A_70 : f32 to vector<1x8x4x1xf32>
    %div3A_72 = arith.divf %div3A_71, %broadcast_in_dim3A_69 : vector<1x8x4x1xf32>
    %mul3A_73 = vector.broadcast %div3A_72 : vector<1x8x4x1xf32> to vector<1x8x4x4096xf32>
    %mul3A_74 = arith.mulf %mul3A_66, %mul3A_73 : vector<1x8x4x4096xf32>
    %add3A_75 = arith.addf %add3A_59, %mul3A_74 : vector<1x8x4x4096xf32>
    %sub3A_76 = arith.constant 1.000000e+00 : f32
    %sub3A_77 = vector.broadcast %sub3A_76 : f32 to vector<1x8x4x4096xf32>
    %sub3A_78 = arith.subf %sub3A_77, %mul3A_74 : vector<1x8x4x4096xf32>
    %max3A_79 = arith.constant 1.17549435E-38 : f32
    %max3A_80 = vector.broadcast %max3A_79 : f32 to vector<1x8x4x4096xf32>
    %max3A_81 = arith.maximumf %sub3A_78, %max3A_80 : vector<1x8x4x4096xf32>
    %mul3A_82 = arith.mulf %mul3A_66, %max3A_81 : vector<1x8x4x4096xf32>
    %reduce_sum3A_83 = arith.constant dense<0.000000e+00> : vector<1x8x4xf32>
    %reduce_sum3A_84 = vector.multi_reduction <add>, %mul3A_82, %reduce_sum3A_83 [3] : vector<1x8x4x4096xf32> to vector<1x8x4xf32>
    %broadcast_in_dim3A_85 = vector.shape_cast %reduce_sum3A_84 : vector<1x8x4xf32> to vector<1x8x4x1xf32>
    %div3A_86 = arith.constant 1.000000e+00 : f32
    %div3A_87 = vector.broadcast %div3A_86 : f32 to vector<1x8x4x1xf32>
    %div3A_88 = arith.divf %div3A_87, %broadcast_in_dim3A_85 : vector<1x8x4x1xf32>
    %mul3A_89 = vector.broadcast %div3A_88 : vector<1x8x4x1xf32> to vector<1x8x4x4096xf32>
    %mul3A_90 = arith.mulf %mul3A_82, %mul3A_89 : vector<1x8x4x4096xf32>
    %add3A_91 = arith.addf %add3A_75, %mul3A_90 : vector<1x8x4x4096xf32>
    %sub3A_92 = arith.constant 1.000000e+00 : f32
    %sub3A_93 = vector.broadcast %sub3A_92 : f32 to vector<1x8x4x4096xf32>
    %sub3A_94 = arith.subf %sub3A_93, %mul3A_90 : vector<1x8x4x4096xf32>
    %max3A_95 = arith.constant 1.17549435E-38 : f32
    %max3A_96 = vector.broadcast %max3A_95 : f32 to vector<1x8x4x4096xf32>
    %max3A_97 = arith.maximumf %sub3A_94, %max3A_96 : vector<1x8x4x4096xf32>
    %mul3A_98 = arith.mulf %mul3A_82, %max3A_97 : vector<1x8x4x4096xf32>
    %reduce_sum3A_99 = arith.constant dense<0.000000e+00> : vector<1x8x4xf32>
    %reduce_sum3A_100 = vector.multi_reduction <add>, %mul3A_98, %reduce_sum3A_99 [3] : vector<1x8x4x4096xf32> to vector<1x8x4xf32>
    %broadcast_in_dim3A_101 = vector.shape_cast %reduce_sum3A_100 : vector<1x8x4xf32> to vector<1x8x4x1xf32>
    %div3A_102 = arith.constant 1.000000e+00 : f32
    %div3A_103 = vector.broadcast %div3A_102 : f32 to vector<1x8x4x1xf32>
    %div3A_104 = arith.divf %div3A_103, %broadcast_in_dim3A_101 : vector<1x8x4x1xf32>
    %mul3A_105 = vector.broadcast %div3A_104 : vector<1x8x4x1xf32> to vector<1x8x4x4096xf32>
    %mul3A_106 = arith.mulf %mul3A_98, %mul3A_105 : vector<1x8x4x4096xf32>
    %add3A_107 = arith.addf %add3A_91, %mul3A_106 : vector<1x8x4x4096xf32>
    %sub3A_108 = arith.constant 1.000000e+00 : f32
    %sub3A_109 = vector.broadcast %sub3A_108 : f32 to vector<1x8x4x4096xf32>
    %sub3A_110 = arith.subf %sub3A_109, %mul3A_106 : vector<1x8x4x4096xf32>
    %max3A_111 = arith.constant 1.17549435E-38 : f32
    %max3A_112 = vector.broadcast %max3A_111 : f32 to vector<1x8x4x4096xf32>
    %max3A_113 = arith.maximumf %sub3A_110, %max3A_112 : vector<1x8x4x4096xf32>
    %mul3A_114 = arith.mulf %mul3A_98, %max3A_113 : vector<1x8x4x4096xf32>
    %reduce_sum3A_115 = arith.constant dense<0.000000e+00> : vector<1x8x4xf32>
    %reduce_sum3A_116 = vector.multi_reduction <add>, %mul3A_114, %reduce_sum3A_115 [3] : vector<1x8x4x4096xf32> to vector<1x8x4xf32>
    %broadcast_in_dim3A_117 = vector.shape_cast %reduce_sum3A_116 : vector<1x8x4xf32> to vector<1x8x4x1xf32>
    %div3A_118 = arith.constant 1.000000e+00 : f32
    %div3A_119 = vector.broadcast %div3A_118 : f32 to vector<1x8x4x1xf32>
    %div3A_120 = arith.divf %div3A_119, %broadcast_in_dim3A_117 : vector<1x8x4x1xf32>
    %mul3A_121 = vector.broadcast %div3A_120 : vector<1x8x4x1xf32> to vector<1x8x4x4096xf32>
    %mul3A_122 = arith.mulf %mul3A_114, %mul3A_121 : vector<1x8x4x4096xf32>
    %add3A_123 = arith.addf %add3A_107, %mul3A_122 : vector<1x8x4x4096xf32>
    %swap3A = arith.constant 0 : index
    %swap3A_124 = arith.constant 0 : index
    %swap3A_125 = arith.constant 0 : index
    %swap3A_126 = arith.constant 0 : index
    %swap3A_127 = vector.load %arg2[%swap3A, %swap3A_124, %swap3A_125, %swap3A_126] : memref<1x8x4x4096xf32, #tpu.memory_space<vmem>>, vector<1x8x4x4096xf32>
    tpu.vector_store %arg2[%swap3A, %swap3A_124, %swap3A_125, %swap3A_126], %add3A_123 {strides = array<i32>} : memref<1x8x4x4096xf32, #tpu.memory_space<vmem>>, vector<1x8x4x4096xf32>,
    return
  }
  func.func @transform_0(%arg0: i32) -> (i32, i32, i32, i32) {
    %c0_i32 = arith.constant 0 : i32
    %c0_i32_0 = arith.constant 0 : i32
    %c0_i32_1 = arith.constant 0 : i32
    %c0_i32_2 = arith.constant 0 : i32
    return %arg0, %c0_i32, %c0_i32_0, %c0_i32_1 : i32, i32, i32, i32
  }
  func.func @transform_1(%arg0: i32) -> (i32, i32, i32, i32) {
    %c0_i32 = arith.constant 0 : i32
    %c0_i32_0 = arith.constant 0 : i32
    %c0_i32_1 = arith.constant 0 : i32
    %c0_i32_2 = arith.constant 0 : i32
    return %arg0, %c0_i32, %c0_i32_0, %c0_i32_1 : i32, i32, i32, i32
  }
}

</mosaic_0001>

<sc_bundles>
// kernel: kernel.4.cloned.1.call-start
scs
__scs_entry_jumppad:
0x0: {  	(pc) =	sbr.rel $0x88, $3  }
0x1: {  	(tag) =	ssettag $0x0;
	lr =	simm.s32 $0x1  }
0x2: {  	[smem:$0x3FA0] =	sst lr;
	_ =	strace $0xD0000000  }
0x3: {  	_ = 	snop  }
0x4: {  	_ = 	snop  }
0x5: {  	_ = 	snop  }
0x6: {  	_ = 	snop  }
0x7: {  	_ = 	snop  }
__scs_overlays_trampoline_lowered:
0x8: {  	[smem:$0x3FAF] =	sst s0  }
0x9: {  	[smem:$0x3FB0] =	sst s1  }
0xa: {  	[smem:$0x3FB1] =	sst s2  }
0xb: {  	[smem:$0x3FB2] =	sst s3  }
0xc: {  	[smem:$0x3FB3] =	sst s4  }
0xd: {  	[smem:$0x3FB4] =	sst s5  }
0xe: {  	[smem:$0x3FB5] =	sst s6  }
0xf: {  	[smem:$0x3FB6] =	sst s7  }
0x10: {  	[smem:$0x3FB7] =	sst s8  }
0x11: {  	[smem:$0x3FB8] =	sst s9;
	s0 =	simm.s32 @!p0 $0x0  }
0x12: {  	s1 =	sld [smem:$0x3F9E];
	s0 =	simm.s32 @p0 $0x1  }
0x13: {  	[smem:$0x3FB9] =	sst s0;
	s0 =	simm.s32 @!p1 $0x0  }
0x14: {  	s2 =	sld [smem:$0x3F9D];
	s0 =	simm.s32 @p1 $0x1  }
0x15: {  	[smem:$0x3FBA] =	sst s0;
	s0 =	simm.s32 @!p2 $0x0  }
0x16: {  	s3 =	sld [smem:$0x3FDB];
	s0 =	simm.s32 @p2 $0x1  }
0x17: {  	s4 =	simm.s32 $0x1BF5;
	[smem:$0x3FBC] =	sst s0  }
0x18: {  	s0 =	sld [smem:$0x3F9F];
	_ =	swait.ge [sflag:s4], $0x0  }
0x19: {  	s7 =	sld [smem:$0x3FA0]  }
0x1a: {  	s8 =	sadd.s32 $0xFFFFE003, lr  }
0x1b: {  	s9 =	sadd.s32 $0xFFFFFEF7, lr;
	s5 =	simm.s32 $0xFFFFFFFF;
	p2 =	slt.u32 s8, $0xFFFFF086  }
0x1c: {  	p1 =	slt.u32 s9, $0xF7A;
	s5 =	simm.s32 @!p2 $0x0  }
0x1d: {  	s5 =	simm.s32 @p1 $0x1;
	p0 =	seq.s32 s7, s2  }
0x1e: {  	s7 =	smul.u32 @!p0 $0xF7A, s2;
	p2 =	seq.s32 @!p0 s5, $0x0  }
0x1f: {  	s9 =	smul.u32 $0xF7A, s1;
	s8 =	simm.s32 @!p0 $0x1BF5;
	p2 =	por !p2, p0  }
0x20: {  	[sflag:s8] =	ssyncset.s32 @!p0 $0xFFFFF086;
	s6 =	sadd.s32 @!p0 s3, s7;
	s7 =	simm.s32 @!p0 $0x108  }
0x21: {  	s3 =	sadd.s32 s3, s9;
	s6 =	sadd.s32 @!p0 $0x88, s6;
	s7 =	simm.s32 @p2 $0x1082  }
0x22: {  	[simem:s7], [sflag:s8] =	dma.local @!p0 [hbm:s6], $0xF7A  }
0x23: {  	s9 =	sor.u32 $0xD0000000, s2;
	s6 =	simm.s32 $0x108;
	_ =	swait.ge @!p0 [sflag:s8], $0x0  }
0x24: {  	s3 =	sadd.s32 $0x88, s3;
	s6 =	simm.s32 @!p1 $0x1082;
	[sflag:s4] =	ssyncset.s32 $0xFFFFF086  }
0x25: {  	[simem:s6], [sflag:s4] =	dma.local [hbm:s3], $0xF7A  }
0x26: {  	[smem:$0x3FA0] =	sst s1;
	(tag) =	ssettag s2;
	_ =	strace s9  }
0x27: {  	s1 =	sld [smem:$0x3FB0]  }
0x28: {  	s2 =	sld [smem:$0x3FB1]  }
0x29: {  	s4 =	sld [smem:$0x3FB3]  }
0x2a: {  	p0 =	seq.s32 s5, $0x0;
	s5 =	sld [smem:$0x3FB4]  }
0x2b: {  	s6 =	sld [smem:$0x3FB5]  }
0x2c: {  	s7 =	sld [smem:$0x3FB6]  }
0x2d: {  	s3 =	simm.s32 $0x108;
	s8 =	sld [smem:$0x3FB7]  }
0x2e: {  	s3 =	simm.s32 @!p0 $0x1082;
	s9 =	sld [smem:$0x3FB8]  }
0x2f: {  	lr =	sadd.s32 s0, s3;
	s0 =	sld [smem:$0x3FAF]  }
0x30: {  	s3 =	sld [smem:$0x3FB2]  }
0x31: {  	[smem:$0x3FBB] =	sst s10  }
0x32: {  	s10 =	sld [smem:$0x3FB9];
	_ =	sdelay $0x3  }
0x33: {  	p0 =	seq.s32 s10, $0x1;
	s10 =	sld [smem:$0x3FBB];
	_ =	sdelay $0x3  }
0x34: {  	[smem:$0x3FBB] =	sst s10  }
0x35: {  	s10 =	sld [smem:$0x3FBA];
	_ =	sdelay $0x3  }
0x36: {  	p1 =	seq.s32 s10, $0x1;
	s10 =	sld [smem:$0x3FBB];
	_ =	sdelay $0x3  }
0x37: {  	[smem:$0x3FBB] =	sst s10  }
0x38: {  	s10 =	sld [smem:$0x3FBC]  }
0x39: {  	_ = 	snop;
	(pc) =	sbr.ind lr, $3  }
0x3a: {  	_ = 	snop  }
0x3b: {  	_ = 	snop  }
0x3c: {  	p2 =	seq.s32 s10, $0x1;
	s10 =	sld [smem:$0x3FBB]  }
0x3d: {  	_ =	shalt  }
0x3e: {  	_ =	shalt  }
0x3f: {  	_ =	shalt  }
0x40: {  	_ =	shalt  }
0x41: {  	_ =	shalt  }
0x42: {  	_ =	shalt  }
0x43: {  	_ =	shalt  }
0x44: {  	_ =	shalt  }
0x45: {  	_ =	shalt  }
0x46: {  	_ =	shalt  }
0x47: {  	_ =	shalt  }
0x48: {  	_ =	shalt  }
0x49: {  	_ =	shalt  }
0x4a: {  	_ =	shalt  }
0x4b: {  	_ =	shalt  }
0x4c: {  	_ =	shalt  }
0x4d: {  	_ =	shalt  }
0x4e: {  	_ =	shalt  }
0x4f: {  	_ =	shalt  }
0x50: {  	_ =	shalt  }
0x51: {  	_ =	shalt  }
0x52: {  	_ =	shalt  }
0x53: {  	_ =	shalt  }
0x54: {  	_ =	shalt  }
0x55: {  	_ =	shalt  }
0x56: {  	_ =	shalt  }
0x57: {  	_ =	shalt  }
0x58: {  	_ =	shalt  }
0x59: {  	_ =	shalt  }
0x5a: {  	_ =	shalt  }
0x5b: {  	_ =	shalt  }
0x5c: {  	_ =	shalt  }
0x5d: {  	_ =	shalt  }
0x5e: {  	_ =	shalt  }
0x5f: {  	_ =	shalt  }
0x60: {  	_ =	shalt  }
0x61: {  	_ =	shalt  }
0x62: {  	_ =	shalt  }
0x63: {  	_ =	shalt  }
0x64: {  	_ =	shalt  }
0x65: {  	_ =	shalt  }
0x66: {  	_ =	shalt  }
0x67: {  	_ =	shalt  }
0x68: {  	_ =	shalt  }
0x69: {  	_ =	shalt  }
0x6a: {  	_ =	shalt  }
0x6b: {  	_ =	shalt  }
0x6c: {  	_ =	shalt  }
0x6d: {  	_ =	shalt  }
0x6e: {  	_ =	shalt  }
0x6f: {  	_ =	shalt  }
0x70: {  	_ =	shalt  }
0x71: {  	_ =	shalt  }
0x72: {  	_ =	shalt  }
0x73: {  	_ =	shalt  }
0x74: {  	_ =	shalt  }
0x75: {  	_ =	shalt  }
0x76: {  	_ =	shalt  }
0x77: {  	_ =	shalt  }
0x78: {  	_ =	shalt  }
0x79: {  	_ =	shalt  }
0x7a: {  	_ =	shalt  }
0x7b: {  	_ =	shalt  }
0x7c: {  	_ =	shalt  }
0x7d: {  	_ =	shalt  }
0x7e: {  	_ =	shalt  }
0x7f: {  	_ =	shalt  }
0x80: {  	_ =	shalt  }
0x81: {  	_ =	shalt  }
0x82: {  	_ =	shalt  }
0x83: {  	_ =	shalt  }
0x84: {  	_ =	shalt  }
0x85: {  	_ =	shalt  }
0x86: {  	_ =	shalt  }
0x87: {  	_ =	shalt  }
.Lfunc_end0:
.L_simem_size_0:
called_computation_lowered:
.L_overlay_start_0:
0x88: {  	s2 =	sld [smem:$0x3FD9]  }
0x89: {  	s3 =	sld [smem:$0x3FFE];
	_ =	sdelay $0x1  }
0x8a: {  	s1 =	srdreg.scid  }
0x8b: {  	s0 =	sand.u32 $0x1, s1  }
0x8c: {  	s15 =	sshll.u32 s0, $0xA;
	s2 =	sadd.s32 s3, s2  }
0x8d: {  	s2 =	sadd.s32 s2, s15  }
0x8e: {  	[smem:$0x3FC7] =	sst s2  }
0x8f: {  	_ = 	snop  }
0x90: {  	s2 =	sld [smem:$0x3FD0];
	_ =	sdelay $0x2  }
0x91: {  	s4 =	simm.s32 $0xA;
	s5 =	simm.s32 $0x10;
	s16 =	sld [smem:$0x3FC9]  }
0x92: {  	[smem:s5], [sflag:s4] =	dma.local [hbm:s2], $0x1  }
0x93: {  	_ =	swait.eq [sflag:s4], $0x1  }
0x94: {  	[sflag:s4] =	ssyncset.done $0x0  }
0x95: {  	[sflag:s4] =	ssyncadd.s32 $0xFFFFFFFF  }
0x96: {  	s17 =	sld [smem:$0x11];
	(tm) =	ssettm $0x1  }
0x97: {  	s18 =	sld [smem:$0x3FFB];
	_ =	sdelay $0x3  }
0x98: {  	_ =	strace s18  }
0x99: {  	s4 =	sld [smem:$0x3FFC];
	_ =	sdelay $0x3  }
0x9a: {  	_ =	strace s4  }
0x9b: {  	s4 =	sld [smem:$0x3FFD];
	_ =	sdelay $0x3  }
0x9c: {  	_ =	strace s4  }
0x9d: {  	_ =	strace $0x8FFFFFFF  }
0x9e: {  	s19 =	sld [smem:$0x3FDB];
	_ =	sdelay $0x1  }
0x9f: {  	s20 =	simm.s32 $_scs_section_size  }
0xa0: {  	s6 =	simm.s32 $_size__tile_overlayer_lowered;
	s7 =	simm.s32 $_tile_overlayer_lowered  }
0xa1: {  	s23 =	simm.s32 $0x1BFF;
	s22 =	sshll.u32 s7, $0x1;
	s4 =	sadd.s32 s20, s19  }
0xa2: {  	s8 =	simm.s32 $0x0;
	s21 =	sshll.u32 s6, $0x1;
	s6 =	sadd.s32 s22, s4  }
0xa3: {  	[timem:s8], [sflag:s23] =	dma.local [hbm:s6], s21  }
0xa4: {  	_ =	swait.ge [sflag:s23], s21  }
0xa5: {  	s5 =	ssub.s32 $0x0, s21;
	[sflag:s23] =	ssyncset.done $0x0  }
0xa6: {  	[sflag:s23] =	ssyncadd.s32 s5;
	_ =	sdelay $0x1  }
0xa7: {  	s24 =	simm.s32 $0x1B8B  }
0xa8: {  	_ =	swait.ge [sflag:s24], $0x1  }
0xa9: {  	[sflag:s24] =	ssyncset.done $0x0  }
0xaa: {  	s25 =	simm.s32 $0x1B8E;
	[sflag:s24] =	ssyncadd.s32 $0xFFFFFFFF  }
0xab: {  	s26 =	simm.s32 $execute0_lowered;
	[smem:$0x3FD2] =	sst s25  }
0xac: {  	s5 =	sshll.u32 s26, $0x1;
	_ =	strace $0x80000046;
	[dreg:$0x1] =	wrdreg $0xFFFFFFFF  }
0xad: {  	s28 =	simm.s32 $_size_execute0_lowered;
	s4 =	sadd.s32 s4, s5;
	[dreg:$0x0] =	wrdreg $0x0  }
0xae: {  	s5 =	sshll.u32 s28, $0x1;
	[dreg:$0x2] =	wrdreg s4  }
0xaf: {  	[dreg:$0x3] =	wrdreg s5  }
0xb0: {  	[dreg:$0x4] =	wrdreg $0xC0  }
0xb1: {  	_ =	task [dreg:s8], $0x5FFFF  }
0xb2: {  	[dreg:$0x1] =	wrdreg $0xFFFFFFFF  }
0xb3: {  	[dreg:$0x0] =	wrdreg $0x60  }
0xb4: {  	[dreg:$0x2] =	wrdreg s16  }
0xb5: {  	[dreg:$0x3] =	wrdreg s17  }
0xb6: {  	[dreg:$0x4] =	wrdreg $0x9  }
0xb7: {  	_ =	task.clear_ibuf [dreg:s8], $0x5FFFF;
	_ =	strace $0x90000046  }
0xb8: {  	s29 =	simm.s32 $0x9;
	_ =	strace $0x80000048  }
0xb9: {  	_ =	swait.ge [sflag:s29], $0x1  }
0xba: {  	[sflag:s29] =	ssyncadd.s32 $0xFFFFFFFF  }
0xbb: {  	_ =	strace $0x90000048  }
0xbc: {  	_ =	sfence  }
0xbd: {  	s30 =	sld [smem:$0x0];
	_ =	sdelay $0x2  }
0xbe: {  	s31 =	sshll.u32 s1, $0xD;
	s1 =	sshrl.u32 s1, $0x2  }
0xbf: {  	s3 =	sand.u32 $0x4000, s31;
	s1 =	sadd.s32 s1, s30  }
0xc0: {  	s0 =	sor.u32 s3, s0;
	s1 =	sshll.u32 s1, $0x11  }
0xc1: {  	s0 =	sor.u32 s1, s0  }
0xc2: {  	s0 =	sadd.s32 $0x8F2B, s0  }
0xc3: {  	[sflag:s0] =	ssyncadd.remote.s32 $0x1  }
0xc4: {  	_ =	sfence.sel $0xFFFF  }
0xc5: {  	[dreg:$0x0] =	wrdreg $0xFFFFFFFF;
	(pc) =	sbr.abs _section_cstart, $3  }
0xc6: {  	[dreg:$0x1] =	wrdreg $0xFFFFFFFF  }
0xc7: {  	_ =	task.clear_ibuf [dreg:s8], $0x2FFFF;
	_ =	strace $0x9FFFFFFF  }
0xc8: {  	(tm) =	ssettm $0x7FFFFFFF  }
0xc9: {  	_ =	shalt  }
tec
execute0_lowered:
.L_overlay_start_1:
0x0: {  	(tag) =	ssettag $0x1  }
0x1: {  	s5 =	rddreg [dreg:$0x0]  }
0x2: {  	s31 =	rddreg [dreg:$0x1];
	s0 =	srdreg.scid  }
0x3: {  	s3 =	simm.s32 $0x0;
	s6 =	stileid.u32;
	s0 =	sand.u32 $0x1, s0  }
0x4: {  	[smem:$0x7FF] =	sst s3;
	s24 =	sshll.u32 s6, $0x5;
	s25 =	sshll.u32 s6, $0xE  }
0x5: {  	s28 =	sshll.u32 s6, $0x14;
	s29 =	sadd.s32 $0x40, s31;
	s1 =	ssub.s32 $0x2, s0  }
0x6: {  	_ =	strace $0x80000047;
	s4 =	sshll.u32 s0, $0xD;
	[dreg:$0x7] =	wrdreg s28  }
0x7: {  	s7 =	sshll.u32 s0, $0x4;
	s0 =	sadd.s32 s5, s25;
	[dreg:$0x8] =	wrdreg s29  }
0x8: {  	s2 =	sshrl.u32 s1, $0x1;
	s4 =	sadd.s32 s5, s4;
	[dreg:$0x3] =	wrdreg s7  }
0x9: {  	[dreg:$0x6] =	wrdreg s0;
	s1 =	ssub.s32 s1, s2;
	s2 =	sor.u32 s7, s24  }
0xa: {  	s26 =	sadd.s32 s25, s4;
	[dreg:$0x4] =	wrdreg s2  }
0xb: {  	[dreg:$0x5] =	wrdreg s26;
	s30 =	smax.u32 s1, $0x1  }
0xc: {  	s2 =	simm.s32 $0x0;
	[dreg:$0x9] =	wrdreg s30  }
.LBB2_1:
0xd: {  	[dreg:$0xa] =	wrdreg s2  }
0xe: {  	s0 =	rddreg [dreg:$0x5]  }
0xf: {  	s1 =	simm.s32 $0x80;
	s30 =	simm.s32 $0x200;
	s18 =	simm.s32 $0x0  }
0x10: {  	[tilespmem:s3], [sflag:$0x1] =	stream.strided.gather [hbm4b:s0+s1], $0x1000, s30, s1, $0x38;
	[tilespmem:$0xB000] =	vst v63  }
.LBB2_2:
0x11: {  	s21 =	smov.u32 s31  }
0x12: {  	s1 =	sshll.u32 s18, $0x1;
	s0 =	rddreg [dreg:$0x3];
	s26 =	sshllo.u32 s18, $0x1  }
0x13: {  	s4 =	simm.s32 $0x1;
	s28 =	simm.s32 $0x80;
	s29 =	simm.s32 $0x200  }
0x14: {  	s30 =	simm.s32 $0x1000;
	[dreg:$0xc] =	wrdreg s1;
	s20 =	sor.u32 s0, s1  }
0x15: {  	s31 =	simm.s32 $0x40;
	s0 =	sshll.u32 s20, $0x9;
	_ =	swait.ge [sflag:s4], $0x1000  }
0x16: {  	s1 =	sshll.u32 s26, $0x4;
	s0 =	sand.u32 $0x3800, s0;
	s2 =	rddreg [dreg:$0x6]  }
0x17: {  	s1 =	sand.u32 $0x30, s1;
	[sflag:s4] =	ssyncset.done $0x0;
	s0 =	sadd.s32 s0, s2  }
0x18: {  	[dreg:$0xb] =	wrdreg s26;
	[sflag:s4] =	ssyncadd.s32 $0xFFFFF000;
	s0 =	sadd.s32 s1, s0  }
0x19: {  	[tilespmem:s30], [sflag:$0x1] =	stream.strided.gather [hbm4b:s0+s28], $0x1000, s29, s28, $0x38;
	[tilespmem:$0xB000] =	vst v63  }
0x1a: {  	v0 =	vld [tilespmem:s31+$0x30]  }
0x1b: {  	v1 =	vld [tilespmem:s31+$0xFFFFFFD0]  }
0x1c: {  	v3 =	vld [tilespmem:s31+$0xFFFFFFE0]  }
0x1d: {  	v6 =	vld [tilespmem:s31+$0xFFFFFFF0]  }
0x1e: {  	v7 =	vld [tilespmem:s31+$0x0]  }
0x1f: {  	v2 =	vimm.f32 $0.0e+00;
	v4 =	vimm.f32 $0.0e+00;
	v5 =	vld [tilespmem:s31+$0x10]  }
0x20: {  	v8 =	vimm.f32 $0.0e+00;
	v9 =	vimm.f32 $0.0e+00;
	v11 =	vimm.f32 $0.0e+00;
	v10 =	vld [tilespmem:s31+$0x20]  }
0x21: {  	s1 =	simm.s32 $0xC0;
	s0 =	simm.s32 $0x0;
	v12 =	vld [tilespmem:s31+$0xFFFFFFC0];
	v0 =	vmax.f32 v2, v0;
	v1 =	vmax.f32 v2, v1;
	v3 =	vmax.f32 v2, v3  }
.LBB2_3:
0x22: {  	v13 =	vld [tilespmem:s1+$0x30];
	s0 =	sadd.s32 $0x8, s0;
	v2 =	vmax.f32 v2, v6  }
0x23: {  	v14 =	vld [tilespmem:s1+$0xFFFFFFD0];
	p0 =	slt.u32 s0, $0xF8;
	v4 =	vmax.f32 v4, v7  }
0x24: {  	v15 =	vld [tilespmem:s1+$0xFFFFFFE0];
	v8 =	vmax.f32 v8, v5  }
.Ltmp0:
0x25: {  	v6 =	vld [tilespmem:s1+$0xFFFFFFF0];
	v9 =	vmax.f32 v9, v10;
	(pc) =	sbr.rel @p0 .LBB2_3-.Ltmp0, $4  }
0x26: {  	v7 =	vld [tilespmem:s1+$0x0];
	v11 =	vmax.f32 v11, v12  }
0x27: {  	v5 =	vld [tilespmem:s1+$0x10];
	v0 =	vmax.f32 v0, v13  }
0x28: {  	v1 =	vmax.f32 v1, v14;
	v10 =	vld [tilespmem:s1+$0x20]  }
0x29: {  	v12 =	vld [tilespmem:s1+$0xFFFFFFC0];
	v3 =	vmax.f32 v3, v15;
	s1 =	sadd.s32 $0x80, s1  }
0x2a: {  	_ =	sdelay $0x1  }
0x2b: {  	v2 =	vmax.f32 v2, v6  }
0x2c: {  	v4 =	vmax.f32 v4, v7;
	v2 =	vmax.f32 v3, v2  }
0x2d: {  	v5 =	vmax.f32 v8, v5;
	v7 =	vmax.f32 v9, v10;
	v6 =	vmax.f32 v11, v12  }
0x2e: {  	v3 =	vmax.f32 v4, v5;
	v0 =	vmax.f32 v7, v0;
	v1 =	vmax.f32 v6, v1  }
0x2f: {  	v0 =	vmax.f32 v3, v0;
	v1 =	vmax.f32 v1, v2  }
0x30: {  	v0 =	vmax.f32 v1, v0  }
0x31: {  	(xrf0) =	vmax.scan.msk.f32 $0xffff, v0;
	_ =	sdelay $0x2  }
0x32: {  	s10 =	simm.s32 $0x40  }
0x33: {  	v1 =	vld [tilespmem:s10+$0xFFFFFFC0];
	_ =	sdelay $0x1  }
0x34: {  	v0, _, _ =	vpop (xrf0)  }
0x35: {  	v0 =	vbroadcast v0, $0xF;
	_ =	sdelay $0x1  }
0x36: {  	v1 =	vsub.f32 v1, v0;
	_ =	sdelay $0x1  }
0x37: {  	v1 =	vmul.f32 $1.442695020e+00, v1;
	_ =	sdelay $0x1  }
0x38: {  	(erf) = vpow2.f32 v1;
	_ =	sdelay $0x2  }
0x39: {  	s13 =	simm.s32 $0xC0  }
0x3a: {  	v1 =	vld [tilespmem:s13+$0xFFFFFFC0];
	_ =	sdelay $0x4  }
0x3b: {  	s22 =	simm.s32 $0x2040;
	v1 =	vsub.f32 v1, v0;
	v2 =	vpop (erf)  }
0x3c: {  	[tilespmem:s22+$0xFFFFFFC0] =	vst v2  }
0x3d: {  	v1 =	vmul.f32 $1.442695020e+00, v1;
	v3 =	vld [tilespmem:s10+$0xFFFFFFD0];
	_ =	sdelay $0x1  }
0x3e: {  	(erf) = vpow2.f32 v1;
	_ =	sdelay $0x2  }
0x3f: {  	s5 =	simm.s32 $0x140;
	v3 =	vsub.f32 v3, v0  }
0x40: {  	v1 =	vld [tilespmem:s5+$0xFFFFFFC0]  }
0x41: {  	v3 =	vmul.f32 $1.442695020e+00, v3;
	_ =	sdelay $0x1  }
0x42: {  	(erf) = vpow2.f32 v3;
	_ =	sdelay $0x1  }
0x43: {  	s23 =	simm.s32 $0x20C0;
	v1 =	vsub.f32 v1, v0;
	v3 =	vpop (erf)  }
0x44: {  	[tilespmem:s23+$0xFFFFFFC0] =	vst v3  }
0x45: {  	v1 =	vmul.f32 $1.442695020e+00, v1;
	v4 =	vld [tilespmem:s13+$0xFFFFFFD0];
	_ =	sdelay $0x1  }
0x46: {  	(erf) = vpow2.f32 v1  }
0x47: {  	s6 =	simm.s32 $0x1C0  }
0x48: {  	v1 =	vld [tilespmem:s6+$0xFFFFFFC0]  }
0x49: {  	v5 =	vsub.f32 v4, v0;
	v4 =	vpop (erf)  }
0x4a: {  	[tilespmem:s22+$0xFFFFFFD0] =	vst v4  }
0x4b: {  	v5 =	vmul.f32 $1.442695020e+00, v5;
	v6 =	vld [tilespmem:s10+$0xFFFFFFE0];
	_ =	sdelay $0x1  }
0x4c: {  	v1 =	vsub.f32 v1, v0;
	(erf) = vpow2.f32 v5;
	_ =	sdelay $0x1  }
0x4d: {  	s24 =	simm.s32 $0x2140;
	v1 =	vmul.f32 $1.442695020e+00, v1;
	v5 =	vpop (erf)  }
0x4e: {  	[tilespmem:s24+$0xFFFFFFC0] =	vst v5;
	v6 =	vsub.f32 v6, v0  }
0x4f: {  	(erf) = vpow2.f32 v1;
	v7 =	vld [tilespmem:s5+$0xFFFFFFD0]  }
0x50: {  	v1 =	vmul.f32 $1.442695020e+00, v6  }
0x51: {  	s15 =	simm.s32 $0x240  }
0x52: {  	v8 =	vld [tilespmem:s15+$0xFFFFFFC0];
	(erf) = vpow2.f32 v1;
	_ =	sdelay $0x1  }
0x53: {  	v7 =	vsub.f32 v7, v0;
	v6 =	vpop (erf)  }
0x54: {  	[tilespmem:s23+$0xFFFFFFD0] =	vst v6  }
0x55: {  	v1 =	vmul.f32 $1.442695020e+00, v7;
	v9 =	vld [tilespmem:s13+$0xFFFFFFE0]  }
0x56: {  	v8 =	vsub.f32 v8, v0  }
0x57: {  	s25 =	simm.s32 $0x21C0;
	(erf) = vpow2.f32 v1;
	v7 =	vpop (erf)  }
0x58: {  	v1 =	vmul.f32 $1.442695020e+00, v8;
	[tilespmem:s25+$0xFFFFFFC0] =	vst v7  }
0x59: {  	v10 =	vld [tilespmem:s6+$0xFFFFFFD0]  }
0x5a: {  	s17 =	simm.s32 $0x2C0;
	(erf) = vpow2.f32 v1;
	v1 =	vsub.f32 v9, v0;
	v8 =	vpop (erf)  }
0x5b: {  	v9 =	vld [tilespmem:s17+$0xFFFFFFC0];
	[tilespmem:s22+$0xFFFFFFE0] =	vst v8  }
0x5c: {  	v1 =	vmul.f32 $1.442695020e+00, v1;
	v11 =	vld [tilespmem:s10+$0xFFFFFFF0];
	_ =	sdelay $0x1  }
0x5d: {  	(erf) = vpow2.f32 v1;
	v1 =	vsub.f32 v10, v0;
	_ =	sdelay $0x1  }
0x5e: {  	v10 =	vpop (erf);
	v1 =	vmul.f32 $1.442695020e+00, v1  }
0x5f: {  	v12 =	vsub.f32 v9, v0;
	[tilespmem:s24+$0xFFFFFFD0] =	vst v10;
	v11 =	vsub.f32 v11, v0  }
0x60: {  	v13 =	vld [tilespmem:s5+$0xFFFFFFE0];
	(erf) = vpow2.f32 v1  }
0x61: {  	s26 =	simm.s32 $0x2240;
	v9 =	vpop (erf);
	v1 =	vmul.f32 $1.442695020e+00, v12;
	v11 =	vmul.f32 $1.442695020e+00, v11  }
0x62: {  	[tilespmem:s26+$0xFFFFFFC0] =	vst v9  }
0x63: {  	v12 =	vld [tilespmem:s15+$0xFFFFFFD0];
	(erf) = vpow2.f32 v1  }
0x64: {  	s7 =	simm.s32 $0x340  }
0x65: {  	v14 =	vld [tilespmem:s7+$0xFFFFFFC0];
	(erf) = vpow2.f32 v11;
	v1 =	vsub.f32 v13, v0;
	v11 =	vpop (erf)  }
0x66: {  	[tilespmem:s23+$0xFFFFFFE0] =	vst v11  }
0x67: {  	v1 =	vmul.f32 $1.442695020e+00, v1;
	v15 =	vld [tilespmem:s13+$0xFFFFFFF0]  }
0x68: {  	v12 =	vsub.f32 v12, v0  }
0x69: {  	(erf) = vpow2.f32 v1  }
0x6a: {  	v13 =	vpop (erf);
	v1 =	vmul.f32 $1.442695020e+00, v12;
	v12 =	vsub.f32 v14, v0  }
0x6b: {  	[tilespmem:s25+$0xFFFFFFD0] =	vst v13  }
0x6c: {  	s28 =	simm.s32 $0x22C0;
	(erf) = vpow2.f32 v1;
	v1 =	vld [tilespmem:s6+$0xFFFFFFE0];
	v14 =	vpop (erf);
	v15 =	vsub.f32 v15, v0  }
0x6d: {  	[tilespmem:s28+$0xFFFFFFC0] =	vst v14  }
0x6e: {  	v16 =	vmul.f32 $1.442695020e+00, v12;
	v12 =	vpop (erf);
	v17 =	vld [tilespmem:s17+$0xFFFFFFD0];
	v15 =	vmul.f32 $1.442695020e+00, v15  }
0x6f: {  	[tilespmem:s22+$0xFFFFFFF0] =	vst v12  }
0x70: {  	(erf) = vpow2.f32 v16;
	v16 =	vld [tilespmem:s10+$0x0]  }
0x71: {  	s4 =	simm.s32 $0x3C0;
	v1 =	vsub.f32 v1, v0  }
0x72: {  	v18 =	vld [tilespmem:s4+$0xFFFFFFC0];
	(erf) = vpow2.f32 v15;
	v15 =	vpop (erf)  }
0x73: {  	v1 =	vmul.f32 $1.442695020e+00, v1;
	v17 =	vsub.f32 v17, v0;
	[tilespmem:s24+$0xFFFFFFE0] =	vst v15  }
0x74: {  	v19 =	vld [tilespmem:s5+$0xFFFFFFF0]  }
0x75: {  	v16 =	vsub.f32 v16, v0;
	v20 =	vpop (erf);
	(erf) = vpow2.f32 v1;
	v1 =	vmul.f32 $1.442695020e+00, v17  }
0x76: {  	[tilespmem:s26+$0xFFFFFFD0] =	vst v20  }
0x77: {  	v17 =	vsub.f32 v18, v0;
	v16 =	vmul.f32 $1.442695020e+00, v16;
	(erf) = vpow2.f32 v1;
	v1 =	vld [tilespmem:s15+$0xFFFFFFE0];
	_ =	sdelay $0x1  }
0x78: {  	s29 =	simm.s32 $0x2340;
	v18 =	vpop (erf);
	(erf) = vpow2.f32 v16;
	v19 =	vsub.f32 v19, v0  }
0x79: {  	[tilespmem:s29+$0xFFFFFFC0] =	vst v18;
	v16 =	vmul.f32 $1.442695020e+00, v17  }
0x7a: {  	v21 =	vld [tilespmem:s7+$0xFFFFFFD0];
	v17 =	vpop (erf);
	v19 =	vmul.f32 $1.442695020e+00, v19  }
0x7b: {  	[tilespmem:s23+$0xFFFFFFF0] =	vst v17;
	(erf) = vpow2.f32 v16;
	v1 =	vsub.f32 v1, v0  }
0x7c: {  	v16 =	vld [tilespmem:s13+$0x0]  }
0x7d: {  	(erf) = vpow2.f32 v19;
	v1 =	vmul.f32 $1.442695020e+00, v1  }
0x7e: {  	s11 =	simm.s32 $0x440;
	v19 =	vpop (erf)  }
0x7f: {  	v22 =	vld [tilespmem:s11+$0xFFFFFFC0];
	v21 =	vsub.f32 v21, v0;
	[tilespmem:s25+$0xFFFFFFE0] =	vst v19;
	v24 =	vpop (erf);
	(erf) = vpow2.f32 v1  }
0x80: {  	v23 =	vld [tilespmem:s6+$0xFFFFFFF0]  }
0x81: {  	v1 =	vsub.f32 v16, v0;
	v16 =	vmul.f32 $1.442695020e+00, v21;
	v56 =	vpop (erf);
	[tilespmem:s28+$0xFFFFFFD0] =	vst v24  }
0x82: {  	v25 =	vld [tilespmem:s17+$0xFFFFFFE0];
	[tilespmem:s22+$0x0] =	vst v56  }
0x83: {  	v1 =	vmul.f32 $1.442695020e+00, v1;
	(erf) = vpow2.f32 v16;
	v16 =	vld [tilespmem:s10+$0x10]  }
0x84: {  	s30 =	simm.s32 $0x23C0;
	v22 =	vsub.f32 v22, v0;
	v26 =	vpop (erf)  }
0x85: {  	(erf) = vpow2.f32 v1;
	[tilespmem:s30+$0xFFFFFFC0] =	vst v26;
	v1 =	vsub.f32 v23, v0  }
0x86: {  	v22 =	vmul.f32 $1.442695020e+00, v22;
	v27 =	vld [tilespmem:s4+$0xFFFFFFD0];
	v57 =	vpop (erf)  }
0x87: {  	[tilespmem:s24+$0xFFFFFFF0] =	vst v57;
	v1 =	vmul.f32 $1.442695020e+00, v1  }
0x88: {  	s1 =	simm.s32 $0x4C0;
	(erf) = vpow2.f32 v22;
	v25 =	vsub.f32 v25, v0;
	v28 =	vld [tilespmem:s5+$0x0];
	v16 =	vsub.f32 v16, v0;
	v58 =	vpop (erf)  }
0x89: {  	v29 =	vld [tilespmem:s1+$0xFFFFFFC0];
	(erf) = vpow2.f32 v1;
	v1 =	vimm.f32 $0.0e+00;
	[tilespmem:s26+$0xFFFFFFE0] =	vst v58  }
0x8a: {  	v25 =	vmul.f32 $1.442695020e+00, v25;
	v16 =	vmul.f32 $1.442695020e+00, v16;
	v2 =	vadd.f32 v2, v1;
	v30 =	vld [tilespmem:s15+$0xFFFFFFF0]  }
0x8b: {  	v27 =	vsub.f32 v27, v0  }
0x8c: {  	(erf) = vpow2.f32 v25;
	v4 =	vadd.f32 v4, v1;
	v2 =	vadd.f32 v3, v2  }
0x8d: {  	v59 =	vpop (erf);
	(erf) = vpow2.f32 v16;
	v28 =	vsub.f32 v28, v0  }
0x8e: {  	[tilespmem:s29+$0xFFFFFFD0] =	vst v59;
	v3 =	vmul.f32 $1.442695020e+00, v27;
	v4 =	vadd.f32 v6, v4;
	v16 =	vpop (erf);
	v2 =	vadd.f32 v5, v2  }
0x8f: {  	v61 =	vld [tilespmem:s7+$0xFFFFFFE0];
	[tilespmem:s23+$0x0] =	vst v16;
	v5 =	vsub.f32 v29, v0;
	v6 =	vsub.f32 v30, v0  }
0x90: {  	v60 =	vmul.f32 $1.442695020e+00, v28;
	(erf) = vpow2.f32 v3;
	v3 =	vld [tilespmem:s13+$0x10]  }
0x91: {  	s31 =	simm.s32 $0x2440;
	v62 =	vpop (erf);
	v5 =	vmul.f32 $1.442695020e+00, v5;
	v6 =	vmul.f32 $1.442695020e+00, v6  }
0x92: {  	[tilespmem:s31+$0xFFFFFFC0] =	vst v62;
	(erf) = vpow2.f32 v60  }
0x93: {  	v8 =	vadd.f32 v8, v1;
	v2 =	vadd.f32 v7, v2;
	v7 =	vpop (erf);
	(erf) = vpow2.f32 v5;
	v5 =	vld [tilespmem:s11+$0xFFFFFFD0]  }
0x94: {  	v4 =	vadd.f32 v10, v4;
	v10 =	vsub.f32 v61, v0;
	[tilespmem:s25+$0xFFFFFFF0] =	vst v7  }
0x95: {  	v2 =	vadd.f32 v9, v2;
	(erf) = vpow2.f32 v6;
	v9 =	vld [tilespmem:s6+$0x0];
	v3 =	vsub.f32 v3, v0;
	v6 =	vpop (erf)  }
0x96: {  	s8 =	simm.s32 $0x540;
	v4 =	vadd.f32 v13, v4;
	v10 =	vmul.f32 $1.442695020e+00, v10;
	v13 =	vpop (erf)  }
0x97: {  	v12 =	vadd.f32 v12, v1;
	v8 =	vadd.f32 v11, v8;
	v11 =	vld [tilespmem:s8+$0xFFFFFFC0];
	v3 =	vmul.f32 $1.442695020e+00, v3;
	[tilespmem:s22+$0x10] =	vst v13  }
0x98: {  	[tilespmem:s28+$0xFFFFFFE0] =	vst v6;
	(erf) = vpow2.f32 v10;
	v5 =	vsub.f32 v5, v0;
	v10 =	vld [tilespmem:s10+$0x20]  }
0x99: {  	v12 =	vadd.f32 v17, v12;
	v2 =	vadd.f32 v14, v2;
	v14 =	vld [tilespmem:s17+$0xFFFFFFF0]  }
0x9a: {  	v8 =	vadd.f32 v15, v8;
	v9 =	vsub.f32 v9, v0;
	v5 =	vmul.f32 $1.442695020e+00, v5  }
0x9b: {  	v12 =	vadd.f32 v57, v12;
	(erf) = vpow2.f32 v3;
	v3 =	vpop (erf)  }
0x9c: {  	v8 =	vadd.f32 v19, v8;
	v11 =	vsub.f32 v11, v0;
	[tilespmem:s30+$0xFFFFFFD0] =	vst v3;
	v9 =	vmul.f32 $1.442695020e+00, v9  }
0x9d: {  	v4 =	vadd.f32 v20, v4;
	v15 =	vpop (erf);
	v17 =	vld [tilespmem:s4+$0xFFFFFFE0];
	v10 =	vsub.f32 v10, v0  }
0x9e: {  	s0 =	simm.s32 $0x24C0;
	v11 =	vmul.f32 $1.442695020e+00, v11;
	(erf) = vpow2.f32 v5;
	[tilespmem:s24+$0x0] =	vst v15;
	v14 =	vsub.f32 v14, v0;
	v5 =	vpop (erf)  }
0x9f: {  	v2 =	vadd.f32 v18, v2;
	v18 =	vld [tilespmem:s5+$0x10];
	(erf) = vpow2.f32 v9;
	[tilespmem:s0+$0xFFFFFFC0] =	vst v5;
	v10 =	vmul.f32 $1.442695020e+00, v10  }
0xa0: {  	v19 =	vadd.f32 v56, v1;
	v14 =	vmul.f32 $1.442695020e+00, v14;
	(erf) = vpow2.f32 v11;
	v9 =	vpop (erf);
	v11 =	vld [tilespmem:s1+$0xFFFFFFD0]  }
0xa1: {  	v8 =	vadd.f32 v58, v8;
	v4 =	vadd.f32 v24, v4;
	[tilespmem:s26+$0xFFFFFFF0] =	vst v9  }
0xa2: {  	v16 =	vadd.f32 v16, v19;
	(erf) = vpow2.f32 v14;
	v14 =	vld [tilespmem:s15+$0x0];
	v17 =	vsub.f32 v17, v0  }
0xa3: {  	s9 =	simm.s32 $0x5C0;
	v7 =	vadd.f32 v7, v12;
	v4 =	vadd.f32 v59, v4;
	(erf) = vpow2.f32 v10;
	v10 =	vpop (erf)  }
0xa4: {  	v19 =	vld [tilespmem:s9+$0xFFFFFFC0];
	v2 =	vadd.f32 v26, v2;
	v18 =	vsub.f32 v18, v0;
	v17 =	vmul.f32 $1.442695020e+00, v17;
	[tilespmem:s29+$0xFFFFFFE0] =	vst v10  }
0xa5: {  	v6 =	vadd.f32 v6, v8;
	v20 =	vpop (erf);
	v11 =	vsub.f32 v11, v0;
	v63 =	vld [tilespmem:s7+$0xFFFFFFF0]  }
0xa6: {  	v2 =	vadd.f32 v62, v2;
	v18 =	vmul.f32 $1.442695020e+00, v18;
	[tilespmem:s23+$0x10] =	vst v20;
	(erf) = vpow2.f32 v17  }
0xa7: {  	v12 =	vld [tilespmem:s13+$0x20];
	v8 =	vsub.f32 v14, v0;
	v14 =	vadd.f32 v15, v16;
	v15 =	vpop (erf);
	v11 =	vmul.f32 $1.442695020e+00, v11  }
0xa8: {  	v3 =	vadd.f32 v3, v4;
	v2 =	vadd.f32 v5, v2;
	[tilespmem:s31+$0xFFFFFFD0] =	vst v15  }
0xa9: {  	(erf) = vpow2.f32 v18;
	v16 =	vsub.f32 v19, v0;
	v4 =	vpop (erf);
	v8 =	vmul.f32 $1.442695020e+00, v8;
	v5 =	vld [tilespmem:s11+$0xFFFFFFE0]  }
0xaa: {  	v13 =	vadd.f32 v13, v1;
	(erf) = vpow2.f32 v11;
	[tilespmem:s25+$0x0] =	vst v4;
	v17 =	vsub.f32 v63, v0  }
0xab: {  	s2 =	simm.s32 $0x2540;
	v7 =	vadd.f32 v9, v7;
	v16 =	vmul.f32 $1.442695020e+00, v16;
	v11 =	vpop (erf);
	(erf) = vpow2.f32 v8;
	v8 =	vld [tilespmem:s6+$0x10]  }
0xac: {  	v6 =	vadd.f32 v10, v6;
	[tilespmem:s2+$0xFFFFFFC0] =	vst v11;
	v18 =	vpop (erf);
	v12 =	vsub.f32 v12, v0  }
0xad: {  	v13 =	vadd.f32 v20, v13;
	(erf) = vpow2.f32 v16;
	v11 =	vadd.f32 v11, v2;
	v9 =	vld [tilespmem:s8+$0xFFFFFFD0];
	[tilespmem:s28+$0xFFFFFFF0] =	vst v18  }
0xae: {  	s12 =	simm.s32 $0x640;
	v10 =	vmul.f32 $1.442695020e+00, v17;
	v16 =	vld [tilespmem:s17+$0x0];
	v12 =	vmul.f32 $1.442695020e+00, v12;
	v2 =	vsub.f32 v5, v0;
	v17 =	vpop (erf)  }
0xaf: {  	v4 =	vadd.f32 v4, v14;
	v14 =	vadd.f32 v15, v3;
	v5 =	vld [tilespmem:s12+$0xFFFFFFC0];
	[tilespmem:s22+$0x20] =	vst v17;
	v3 =	vpop (erf)  }
0xb0: {  	(erf) = vpow2.f32 v10;
	v8 =	vsub.f32 v8, v0;
	v15 =	vmul.f32 $1.442695020e+00, v2;
	v10 =	vld [tilespmem:s10+$0x30];
	[tilespmem:s30+$0xFFFFFFE0] =	vst v3  }
0xb1: {  	v7 =	vadd.f32 v18, v7;
	(erf) = vpow2.f32 v12;
	v18 =	vadd.f32 v17, v1;
	v17 =	vld [tilespmem:s4+$0xFFFFFFF0]  }
0xb2: {  	v2 =	vadd.f32 v3, v6;
	v12 =	vpop (erf);
	v9 =	vsub.f32 v9, v0;
	v6 =	vmul.f32 $1.442695020e+00, v8  }
0xb3: {  	(erf) = vpow2.f32 v15;
	[tilespmem:s24+$0x10] =	vst v12;
	v3 =	vadd.f32 v12, v13;
	v12 =	vpop (erf);
	v13 =	vsub.f32 v16, v0  }
0xb4: {  	v8 =	vld [tilespmem:s5+$0x20];
	v9 =	vmul.f32 $1.442695020e+00, v9;
	v15 =	vpop (erf);
	(erf) = vpow2.f32 v6  }
0xb5: {  	v13 =	vmul.f32 $1.442695020e+00, v13;
	v6 =	vsub.f32 v10, v0;
	v10 =	vsub.f32 v5, v0  }
0xb6: {  	[tilespmem:s0+$0xFFFFFFD0] =	vst v12;
	v5 =	vadd.f32 v12, v14;
	v12 =	vsub.f32 v17, v0  }
0xb7: {  	v16 =	vld [tilespmem:s1+$0xFFFFFFE0];
	[tilespmem:s26+$0x0] =	vst v15;
	(erf) = vpow2.f32 v9;
	v6 =	vmul.f32 $1.442695020e+00, v6  }
0xb8: {  	s10 =	simm.s32 $0x25C0;
	v4 =	vadd.f32 v15, v4;
	v15 =	vpop (erf);
	v9 =	vld [tilespmem:s15+$0x10];
	(erf) = vpow2.f32 v13  }
0xb9: {  	[tilespmem:s10+$0xFFFFFFC0] =	vst v15;
	v10 =	vmul.f32 $1.442695020e+00, v10;
	v13 =	vpop (erf);
	v8 =	vsub.f32 v8, v0;
	(erf) = vpow2.f32 v6  }
0xba: {  	v6 =	vadd.f32 v15, v11;
	v15 =	vld [tilespmem:s9+$0xFFFFFFD0];
	v11 =	vmul.f32 $1.442695020e+00, v12;
	[tilespmem:s29+$0xFFFFFFF0] =	vst v13;
	v12 =	vpop (erf)  }
0xbb: {  	v7 =	vadd.f32 v13, v7;
	(erf) = vpow2.f32 v10;
	v10 =	vld [tilespmem:s7+$0x0];
	v17 =	vmul.f32 $1.442695020e+00, v8;
	[tilespmem:s23+$0x20] =	vst v12  }
0xbc: {  	s14 =	simm.s32 $0x60;
	s16 =	simm.s32 $0x6C0;
	v8 =	vadd.f32 v12, v18;
	v18 =	vsub.f32 v16, v0;
	(erf) = vpow2.f32 v11;
	v16 =	vld [tilespmem:s13+$0x30];
	s13 =	simm.s32 $0x25C0  }
.LBB2_5:
0xbd: {  	v11 =	vld [tilespmem:s16+$0xFFFFFFC0];
	v12 =	vpop (erf);
	v9 =	vsub.f32 v9, v0;
	(erf) = vpow2.f32 v17;
	s19 =	smov.u32 s5;
	s5 =	smov.u32 s6;
	s6 =	smov.u32 s15  }
0xbe: {  	s15 =	smov.u32 s17;
	s17 =	smov.u32 s7;
	s7 =	smov.u32 s4;
	v13 =	vmul.f32 $1.442695020e+00, v18;
	[tilespmem:s31+$0xFFFFFFE0] =	vst v12;
	v2 =	vadd.f32 v12, v2;
	v12 =	vpop (erf)  }
0xbf: {  	s4 =	smov.u32 s11;
	v14 =	vsub.f32 v15, v0;
	v15 =	vld [tilespmem:s11+$0xFFFFFFF0];
	v9 =	vmul.f32 $1.442695020e+00, v9;
	[tilespmem:s25+$0x10] =	vst v12;
	v3 =	vadd.f32 v12, v3;
	s11 =	smov.u32 s1;
	s1 =	smov.u32 s8  }
0xc0: {  	s14 =	sadd.s32 $0x8, s14;
	s8 =	smov.u32 s9;
	s9 =	smov.u32 s12;
	v12 =	vpop (erf);
	(erf) = vpow2.f32 v13;
	v10 =	vsub.f32 v10, v0;
	v13 =	vld [tilespmem:s5+$0x20]  }
0xc1: {  	p0 =	slt.u32 s14, $0xF8;
	s12 =	smov.u32 s16;
	v14 =	vmul.f32 $1.442695020e+00, v14;
	v17 =	vpop (erf);
	(erf) = vpow2.f32 v9;
	v9 =	vsub.f32 v16, v0  }
0xc2: {  	v19 =	vsub.f32 v11, v0;
	[tilespmem:s2+$0xFFFFFFD0] =	vst v12;
	v10 =	vmul.f32 $1.442695020e+00, v10;
	v4 =	vadd.f32 v17, v4;
	v16 =	vpop (erf)  }
0xc3: {  	(erf) = vpow2.f32 v14;
	v14 =	vld [tilespmem:s1+$0xFFFFFFE0];
	[tilespmem:s28+$0x0] =	vst v17;
	v17 =	vmul.f32 $1.442695020e+00, v9;
	v1 =	vadd.f32 v16, v1  }
.Ltmp1:
0xc4: {  	s10 =	sadd.s32 $0x80, s10;
	v5 =	vadd.f32 v12, v5;
	v18 =	vpop (erf);
	v12 =	vsub.f32 v15, v0;
	(erf) = vpow2.f32 v10;
	v9 =	vld [tilespmem:s15+$0x10];
	[tilespmem:s22+$0x30] =	vst v16;
	s22 =	smov.u32 s23;
	(pc) =	sbr.rel @p0 .LBB2_5-.Ltmp1, $4  }
0xc5: {  	v10 =	vmul.f32 $1.442695020e+00, v19;
	s23 =	smov.u32 s24;
	s24 =	smov.u32 s25;
	s25 =	smov.u32 s26;
	[tilespmem:s10+$0xFFFFFFC0] =	vst v18;
	v11 =	vpop (erf);
	v13 =	vsub.f32 v13, v0;
	(erf) = vpow2.f32 v17  }
0xc6: {  	s26 =	smov.u32 s28;
	s28 =	smov.u32 s29;
	s29 =	smov.u32 s30;
	v6 =	vadd.f32 v18, v6;
	v15 =	vld [tilespmem:s9+$0xFFFFFFD0];
	v12 =	vmul.f32 $1.442695020e+00, v12;
	[tilespmem:s30+$0xFFFFFFF0] =	vst v11;
	v7 =	vadd.f32 v11, v7;
	v11 =	vpop (erf)  }
0xc7: {  	s30 =	smov.u32 s31;
	s31 =	smov.u32 s0;
	s0 =	smov.u32 s2;
	(erf) = vpow2.f32 v10;
	v10 =	vld [tilespmem:s7+$0x0];
	v17 =	vmul.f32 $1.442695020e+00, v13;
	[tilespmem:s23+$0x20] =	vst v11;
	v8 =	vadd.f32 v11, v8  }
0xc8: {  	s16 =	sadd.s32 $0x80, s16;
	s2 =	smov.u32 s13;
	s13 =	smov.u32 s10;
	v18 =	vsub.f32 v14, v0;
	(erf) = vpow2.f32 v12;
	v16 =	vld [tilespmem:s19+$0x30]  }
0xc9: {  	_ =	sdelay $0x1  }
0xca: {  	v13 =	vpop (erf)  }
0xcb: {  	v12 =	vpop (erf)  }
0xcc: {  	[tilespmem:s31+$0xFFFFFFE0] =	vst v13;
	v11 =	vpop (erf)  }
0xcd: {  	v19 =	vld [tilespmem:s11+$0xFFFFFFF0];
	[tilespmem:s25+$0x10] =	vst v12;
	v14 =	vpop (erf)  }
0xce: {  	v20 =	vsub.f32 v9, v0;
	v21 =	vld [tilespmem:s6+$0x20];
	[tilespmem:s2+$0xFFFFFFD0] =	vst v11;
	v9 =	vpop (erf)  }
0xcf: {  	s10 =	sadd.s32 $0x80, s10;
	v18 =	vmul.f32 $1.442695020e+00, v18;
	v22 =	vsub.f32 v15, v0;
	v23 =	vld [tilespmem:s8+$0xFFFFFFE0];
	[tilespmem:s28+$0x0] =	vst v14;
	v15 =	vpop (erf)  }
0xd0: {  	(erf) = vpow2.f32 v17;
	v17 =	vmul.f32 $1.442695020e+00, v20;
	v10 =	vsub.f32 v10, v0;
	v35 =	vld [tilespmem:s17+$0x10];
	[tilespmem:s10+$0xFFFFFFC0] =	vst v15  }
0xd1: {  	(erf) = vpow2.f32 v18;
	v18 =	vmul.f32 $1.442695020e+00, v22;
	v16 =	vsub.f32 v16, v0;
	v36 =	vld [tilespmem:s12+$0xFFFFFFD0]  }
0xd2: {  	(erf) = vpow2.f32 v17;
	v10 =	vmul.f32 $1.442695020e+00, v10;
	v17 =	vsub.f32 v19, v0  }
0xd3: {  	(erf) = vpow2.f32 v18;
	v16 =	vmul.f32 $1.442695020e+00, v16;
	v18 =	vsub.f32 v21, v0  }
0xd4: {  	(erf) = vpow2.f32 v10;
	v10 =	vmul.f32 $1.442695020e+00, v17;
	v17 =	vsub.f32 v23, v0  }
0xd5: {  	(erf) = vpow2.f32 v16;
	v16 =	vmul.f32 $1.442695020e+00, v18;
	v18 =	vsub.f32 v35, v0  }
0xd6: {  	(erf) = vpow2.f32 v10;
	v10 =	vmul.f32 $1.442695020e+00, v17;
	v19 =	vsub.f32 v36, v0  }
0xd7: {  	(erf) = vpow2.f32 v16;
	v16 =	vmul.f32 $1.442695020e+00, v18  }
0xd8: {  	v17 =	vpop (erf);
	(erf) = vpow2.f32 v10;
	v10 =	vmul.f32 $1.442695020e+00, v19  }
0xd9: {  	v18 =	vpop (erf);
	(erf) = vpow2.f32 v16  }
0xda: {  	[tilespmem:s30+$0xFFFFFFF0] =	vst v17;
	v19 =	vpop (erf);
	(erf) = vpow2.f32 v10  }
0xdb: {  	v16 =	vld [tilespmem:s4+$0x0];
	[tilespmem:s24+$0x20] =	vst v18;
	v21 =	vpop (erf)  }
0xdc: {  	v37 =	vld [tilespmem:s5+$0x30];
	[tilespmem:s0+$0xFFFFFFE0] =	vst v19;
	v22 =	vpop (erf)  }
0xdd: {  	v27 =	vld [tilespmem:s1+$0xFFFFFFF0];
	[tilespmem:s26+$0x10] =	vst v21;
	v23 =	vpop (erf)  }
0xde: {  	v28 =	vld [tilespmem:s15+$0x20];
	[tilespmem:s13+$0xFFFFFFD0] =	vst v22;
	v10 =	vpop (erf)  }
0xdf: {  	v29 =	vld [tilespmem:s9+$0xFFFFFFE0];
	[tilespmem:s29+$0x0] =	vst v23;
	v24 =	vpop (erf)  }
0xe0: {  	v16 =	vsub.f32 v16, v0;
	v30 =	vld [tilespmem:s7+$0x10];
	[tilespmem:s31+$0xFFFFFFF0] =	vst v24;
	v25 =	vpop (erf)  }
0xe1: {  	v20 =	vsub.f32 v37, v0;
	v31 =	vld [tilespmem:s11+$0x0];
	[tilespmem:s25+$0x20] =	vst v25;
	v26 =	vpop (erf)  }
0xe2: {  	v16 =	vmul.f32 $1.442695020e+00, v16;
	v32 =	vsub.f32 v27, v0;
	v33 =	vld [tilespmem:s6+$0x30];
	[tilespmem:s2+$0xFFFFFFE0] =	vst v26;
	v27 =	vpop (erf)  }
0xe3: {  	v20 =	vmul.f32 $1.442695020e+00, v20;
	v34 =	vsub.f32 v28, v0;
	v35 =	vld [tilespmem:s8+$0xFFFFFFF0];
	[tilespmem:s28+$0x10] =	vst v27;
	v28 =	vpop (erf)  }
0xe4: {  	(erf) = vpow2.f32 v16;
	v16 =	vmul.f32 $1.442695020e+00, v32;
	v29 =	vsub.f32 v29, v0;
	v38 =	vld [tilespmem:s17+$0x20];
	[tilespmem:s10+$0xFFFFFFD0] =	vst v28  }
0xe5: {  	(erf) = vpow2.f32 v20;
	v39 =	vmul.f32 $1.442695020e+00, v34;
	v30 =	vsub.f32 v30, v0;
	v40 =	vld [tilespmem:s12+$0xFFFFFFE0]  }
0xe6: {  	(erf) = vpow2.f32 v16;
	v16 =	vmul.f32 $1.442695020e+00, v29;
	v41 =	vsub.f32 v31, v0  }
0xe7: {  	(erf) = vpow2.f32 v39;
	v42 =	vmul.f32 $1.442695020e+00, v30;
	v43 =	vsub.f32 v33, v0  }
0xe8: {  	(erf) = vpow2.f32 v16;
	v16 =	vmul.f32 $1.442695020e+00, v41;
	v44 =	vsub.f32 v35, v0  }
0xe9: {  	(erf) = vpow2.f32 v42;
	v45 =	vmul.f32 $1.442695020e+00, v43;
	v46 =	vsub.f32 v38, v0  }
0xea: {  	(erf) = vpow2.f32 v16;
	v16 =	vmul.f32 $1.442695020e+00, v44;
	v47 =	vsub.f32 v40, v0  }
0xeb: {  	(erf) = vpow2.f32 v45;
	v48 =	vmul.f32 $1.442695020e+00, v46  }
0xec: {  	(erf) = vpow2.f32 v16;
	v29 =	vmul.f32 $1.442695020e+00, v47  }
0xed: {  	v30 =	vpop (erf);
	(erf) = vpow2.f32 v48  }
0xee: {  	v16 =	vpop (erf);
	(erf) = vpow2.f32 v29  }
0xef: {  	v31 =	vpop (erf)  }
0xf0: {  	[tilespmem:s30+$0x0] =	vst v30;
	v33 =	vpop (erf)  }
0xf1: {  	v49 =	vld [tilespmem:s4+$0x10];
	[tilespmem:s0+$0xFFFFFFF0] =	vst v31;
	v34 =	vpop (erf)  }
0xf2: {  	v50 =	vld [tilespmem:s1+$0x0];
	[tilespmem:s26+$0x20] =	vst v33;
	v35 =	vpop (erf)  }
0xf3: {  	v40 =	vld [tilespmem:s15+$0x30];
	[tilespmem:s13+$0xFFFFFFE0] =	vst v34;
	v36 =	vpop (erf)  }
0xf4: {  	v41 =	vld [tilespmem:s9+$0xFFFFFFF0];
	[tilespmem:s29+$0x10] =	vst v35;
	v20 =	vpop (erf)  }
0xf5: {  	v42 =	vld [tilespmem:s7+$0x20];
	[tilespmem:s31+$0x0] =	vst v36;
	v37 =	vpop (erf)  }
0xf6: {  	v29 =	vsub.f32 v49, v0;
	v43 =	vld [tilespmem:s11+$0x10];
	[tilespmem:s2+$0xFFFFFFF0] =	vst v37;
	v38 =	vpop (erf)  }
0xf7: {  	v32 =	vsub.f32 v50, v0;
	v44 =	vld [tilespmem:s8+$0x0];
	[tilespmem:s28+$0x20] =	vst v38;
	v39 =	vpop (erf)  }
0xf8: {  	v29 =	vmul.f32 $1.442695020e+00, v29;
	v40 =	vsub.f32 v40, v0;
	v45 =	vld [tilespmem:s17+$0x30];
	[tilespmem:s10+$0xFFFFFFE0] =	vst v39  }
0xf9: {  	v32 =	vmul.f32 $1.442695020e+00, v32;
	v41 =	vsub.f32 v41, v0;
	v46 =	vld [tilespmem:s12+$0xFFFFFFF0]  }
0xfa: {  	(erf) = vpow2.f32 v29;
	v51 =	vmul.f32 $1.442695020e+00, v40;
	v52 =	vsub.f32 v42, v0  }
0xfb: {  	(erf) = vpow2.f32 v32;
	v53 =	vmul.f32 $1.442695020e+00, v41;
	v54 =	vsub.f32 v43, v0  }
0xfc: {  	(erf) = vpow2.f32 v51;
	v55 =	vmul.f32 $1.442695020e+00, v52;
	v56 =	vsub.f32 v44, v0  }
0xfd: {  	(erf) = vpow2.f32 v53;
	v57 =	vmul.f32 $1.442695020e+00, v54;
	v58 =	vsub.f32 v45, v0  }
0xfe: {  	(erf) = vpow2.f32 v55;
	v59 =	vmul.f32 $1.442695020e+00, v56;
	v60 =	vsub.f32 v46, v0  }
0xff: {  	(erf) = vpow2.f32 v57;
	v61 =	vmul.f32 $1.442695020e+00, v58  }
0x100: {  	(erf) = vpow2.f32 v59;
	v62 =	vmul.f32 $1.442695020e+00, v60  }
0x101: {  	(erf) = vpow2.f32 v61  }
0x102: {  	(erf) = vpow2.f32 v62  }
0x103: {  	v42 =	vpop (erf)  }
0x104: {  	v41 =	vpop (erf)  }
0x105: {  	v29 =	vpop (erf)  }
0x106: {  	[tilespmem:s30+$0x10] =	vst v42;
	v43 =	vpop (erf)  }
0x107: {  	v63 =	vld [tilespmem:s4+$0x20];
	[tilespmem:s0+$0x0] =	vst v41;
	v44 =	vpop (erf)  }
0x108: {  	v48 =	vld [tilespmem:s1+$0x10];
	[tilespmem:s13+$0xFFFFFFF0] =	vst v43;
	v45 =	vpop (erf)  }
0x109: {  	v49 =	vld [tilespmem:s9+$0x0];
	[tilespmem:s29+$0x20] =	vst v44;
	v46 =	vpop (erf)  }
0x10a: {  	v50 =	vld [tilespmem:s7+$0x30];
	[tilespmem:s31+$0x10] =	vst v45;
	v32 =	vpop (erf)  }
0x10b: {  	v51 =	vld [tilespmem:s11+$0x20];
	[tilespmem:s2+$0x0] =	vst v46;
	v47 =	vpop (erf)  }
0x10c: {  	v40 =	vsub.f32 v63, v0;
	v52 =	vld [tilespmem:s8+$0x10];
	[tilespmem:s10+$0xFFFFFFF0] =	vst v47  }
0x10d: {  	v48 =	vsub.f32 v48, v0;
	v53 =	vld [tilespmem:s12+$0x0]  }
0x10e: {  	v40 =	vmul.f32 $1.442695020e+00, v40;
	v49 =	vsub.f32 v49, v0  }
0x10f: {  	v48 =	vmul.f32 $1.442695020e+00, v48;
	v50 =	vsub.f32 v50, v0  }
0x110: {  	(erf) = vpow2.f32 v40;
	v54 =	vmul.f32 $1.442695020e+00, v49;
	v55 =	vsub.f32 v51, v0  }
0x111: {  	(erf) = vpow2.f32 v48;
	v56 =	vmul.f32 $1.442695020e+00, v50;
	v57 =	vsub.f32 v52, v0  }
0x112: {  	(erf) = vpow2.f32 v54;
	v58 =	vmul.f32 $1.442695020e+00, v55;
	v59 =	vsub.f32 v53, v0  }
0x113: {  	(erf) = vpow2.f32 v56;
	v60 =	vmul.f32 $1.442695020e+00, v57  }
0x114: {  	(erf) = vpow2.f32 v58;
	v61 =	vmul.f32 $1.442695020e+00, v59  }
0x115: {  	(erf) = vpow2.f32 v60  }
0x116: {  	(erf) = vpow2.f32 v61;
	_ =	sdelay $0x2  }
0x117: {  	v48 =	vpop (erf)  }
0x118: {  	v49 =	vpop (erf)  }
0x119: {  	[tilespmem:s30+$0x20] =	vst v48;
	v50 =	vpop (erf)  }
0x11a: {  	v62 =	vld [tilespmem:s4+$0x30];
	[tilespmem:s0+$0x10] =	vst v49;
	v40 =	vpop (erf)  }
0x11b: {  	v63 =	vld [tilespmem:s1+$0x20];
	[tilespmem:s13+$0x0] =	vst v50;
	v53 =	vpop (erf)  }
0x11c: {  	v54 =	vld [tilespmem:s9+$0x10];
	[tilespmem:s31+$0x20] =	vst v53;
	v55 =	vpop (erf)  }
0x11d: {  	v56 =	vld [tilespmem:s11+$0x30];
	[tilespmem:s2+$0x10] =	vst v55;
	v57 =	vpop (erf)  }
0x11e: {  	v58 =	vld [tilespmem:s8+$0x20];
	[tilespmem:s10+$0x0] =	vst v57  }
0x11f: {  	v51 =	vsub.f32 v62, v0;
	v59 =	vld [tilespmem:s12+$0x10]  }
0x120: {  	v52 =	vsub.f32 v63, v0  }
0x121: {  	v51 =	vmul.f32 $1.442695020e+00, v51;
	v54 =	vsub.f32 v54, v0  }
0x122: {  	v52 =	vmul.f32 $1.442695020e+00, v52;
	v56 =	vsub.f32 v56, v0  }
0x123: {  	(erf) = vpow2.f32 v51;
	v60 =	vmul.f32 $1.442695020e+00, v54;
	v61 =	vsub.f32 v58, v0  }
0x124: {  	(erf) = vpow2.f32 v52;
	v62 =	vmul.f32 $1.442695020e+00, v56;
	v63 =	vsub.f32 v59, v0  }
0x125: {  	(erf) = vpow2.f32 v60;
	v58 =	vmul.f32 $1.442695020e+00, v61  }
0x126: {  	(erf) = vpow2.f32 v62;
	v59 =	vmul.f32 $1.442695020e+00, v63  }
0x127: {  	(erf) = vpow2.f32 v58  }
0x128: {  	(erf) = vpow2.f32 v59;
	_ =	sdelay $0x3  }
0x129: {  	v51 =	vpop (erf)  }
0x12a: {  	v52 =	vpop (erf)  }
0x12b: {  	v54 =	vpop (erf)  }
0x12c: {  	[tilespmem:s0+$0x20] =	vst v52;
	v56 =	vpop (erf)  }
0x12d: {  	v58 =	vld [tilespmem:s1+$0x30];
	[tilespmem:s13+$0x10] =	vst v54;
	v59 =	vpop (erf)  }
0x12e: {  	v60 =	vld [tilespmem:s9+$0x20];
	[tilespmem:s2+$0x20] =	vst v59;
	v61 =	vpop (erf)  }
0x12f: {  	v62 =	vld [tilespmem:s8+$0x30];
	[tilespmem:s10+$0x10] =	vst v61  }
0x130: {  	v63 =	vld [tilespmem:s12+$0x20];
	_ =	sdelay $0x1  }
0x131: {  	v58 =	vsub.f32 v58, v0  }
0x132: {  	v2 =	vadd.f32 v13, v2;
	v13 =	vsub.f32 v60, v0  }
0x133: {  	v3 =	vadd.f32 v12, v3;
	v12 =	vmul.f32 $1.442695020e+00, v58;
	v60 =	vsub.f32 v62, v0  }
0x134: {  	v4 =	vadd.f32 v14, v4;
	v13 =	vmul.f32 $1.442695020e+00, v13;
	v14 =	vsub.f32 v63, v0  }
0x135: {  	v5 =	vadd.f32 v11, v5;
	(erf) = vpow2.f32 v12;
	v11 =	vmul.f32 $1.442695020e+00, v60  }
0x136: {  	v1 =	vadd.f32 v9, v1;
	(erf) = vpow2.f32 v13;
	v12 =	vmul.f32 $1.442695020e+00, v14  }
0x137: {  	v6 =	vadd.f32 v15, v6;
	v7 =	vadd.f32 v17, v7;
	(erf) = vpow2.f32 v11  }
0x138: {  	v8 =	vadd.f32 v18, v8;
	v2 =	vadd.f32 v19, v2;
	(erf) = vpow2.f32 v12  }
0x139: {  	v3 =	vadd.f32 v21, v3;
	v5 =	vadd.f32 v22, v5  }
0x13a: {  	v4 =	vadd.f32 v23, v4;
	v1 =	vadd.f32 v10, v1  }
0x13b: {  	v7 =	vadd.f32 v24, v7;
	v8 =	vadd.f32 v25, v8  }
0x13c: {  	v2 =	vadd.f32 v26, v2;
	v3 =	vadd.f32 v27, v3  }
0x13d: {  	v5 =	vadd.f32 v28, v5;
	v4 =	vadd.f32 v30, v4  }
0x13e: {  	v1 =	vadd.f32 v16, v1;
	v7 =	vadd.f32 v31, v7;
	v11 =	vpop (erf)  }
0x13f: {  	v8 =	vadd.f32 v33, v8;
	v2 =	vadd.f32 v34, v2;
	v12 =	vpop (erf)  }
0x140: {  	v3 =	vadd.f32 v35, v3;
	v4 =	vadd.f32 v36, v4;
	[tilespmem:s13+$0x20] =	vst v12;
	v13 =	vpop (erf)  }
0x141: {  	v1 =	vadd.f32 v20, v1;
	v7 =	vadd.f32 v37, v7;
	v14 =	vld [tilespmem:s9+$0x30];
	v15 =	vpop (erf)  }
0x142: {  	v8 =	vadd.f32 v38, v8;
	v2 =	vadd.f32 v39, v2;
	[tilespmem:s10+$0x20] =	vst v15  }
0x143: {  	v3 =	vadd.f32 v42, v3;
	v4 =	vadd.f32 v41, v4;
	v17 =	vld [tilespmem:s12+$0x30]  }
0x144: {  	v1 =	vadd.f32 v29, v1;
	v7 =	vadd.f32 v43, v7  }
0x145: {  	v8 =	vadd.f32 v44, v8;
	v3 =	vadd.f32 v45, v3  }
0x146: {  	v4 =	vadd.f32 v46, v4;
	v14 =	vsub.f32 v14, v0  }
0x147: {  	v1 =	vadd.f32 v32, v1;
	v7 =	vadd.f32 v47, v7  }
0x148: {  	v8 =	vadd.f32 v48, v8;
	v14 =	vmul.f32 $1.442695020e+00, v14;
	v0 =	vsub.f32 v17, v0  }
0x149: {  	v3 =	vadd.f32 v49, v3;
	v4 =	vadd.f32 v50, v4  }
0x14a: {  	v1 =	vadd.f32 v40, v1;
	(erf) = vpow2.f32 v14;
	v0 =	vmul.f32 $1.442695020e+00, v0  }
0x14b: {  	v8 =	vadd.f32 v53, v8;
	v3 =	vadd.f32 v55, v3  }
0x14c: {  	v1 =	vadd.f32 v51, v1;
	(erf) = vpow2.f32 v0;
	v0 =	vadd.f32 v5, v6  }
0x14d: {  	v4 =	vadd.f32 v57, v4;
	v5 =	vadd.f32 v52, v8  }
0x14e: {  	v1 =	vadd.f32 v56, v1;
	v0 =	vadd.f32 v2, v0  }
0x14f: {  	v2 =	vadd.f32 v54, v3;
	v3 =	vadd.f32 v59, v5  }
0x150: {  	v1 =	vadd.f32 v11, v1;
	v0 =	vadd.f32 v7, v0  }
0x151: {  	v2 =	vadd.f32 v61, v2;
	v3 =	vadd.f32 v12, v3  }
0x152: {  	v1 =	vadd.f32 v13, v1;
	v0 =	vadd.f32 v4, v0  }
0x153: {  	v3 =	vadd.f32 v15, v3;
	v4 =	vpop (erf)  }
0x154: {  	v1 =	vadd.f32 v4, v1;
	v0 =	vadd.f32 v2, v0  }
0x155: {  	v2 =	vpop (erf)  }
0x156: {  	v1 =	vadd.f32 v2, v1;
	v0 =	vadd.f32 v3, v0;
	_ =	sdelay $0x1  }
0x157: {  	[tilespmem:s22+$0x30] =	vst v9;
	v0 =	vadd.f32 v1, v0  }
0x158: {  	[tilespmem:s23+$0x30] =	vst v10  }
0x159: {  	[tilespmem:s24+$0x30] =	vst v16;
	(xrf2) =	vadd.scan.msk.f32 $0xffff, v0  }
0x15a: {  	[tilespmem:s25+$0x30] =	vst v20  }
0x15b: {  	[tilespmem:s26+$0x30] =	vst v29  }
0x15c: {  	[tilespmem:s28+$0x30] =	vst v32  }
0x15d: {  	[tilespmem:s29+$0x30] =	vst v40  }
0x15e: {  	[tilespmem:s30+$0x30] =	vst v51  }
0x15f: {  	[tilespmem:s31+$0x30] =	vst v56  }
0x160: {  	[tilespmem:s0+$0x30] =	vst v11  }
0x161: {  	[tilespmem:s2+$0x30] =	vst v13  }
0x162: {  	p0 =	seq.s32 s18, $0x0;
	[tilespmem:s13+$0x30] =	vst v4  }
0x163: {  	s0 =	simm.s32 @!p0 $0x2;
	[tilespmem:s10+$0x30] =	vst v2;
	v0, _, _ =	vpop (xrf2)  }
0x164: {  	_ =	swait.ge @!p0 [sflag:s0], $0x4000  }
0x165: {  	[sflag:s0] =	ssyncset.done @!p0 $0x0  }
0x166: {  	v0 =	vbroadcast v0, $0xF;
	[sflag:s0] =	ssyncadd.s32 @!p0 $0xFFFFC000  }
0x167: {  	_ =	swait.ge @!p0 [sflag:s0], $0x4000  }
0x168: {  	(erf) = vrcp.f32 v0;
	_ =	sdelay $0x2  }
0x169: {  	[sflag:s0] =	ssyncset.done @!p0 $0x0  }
0x16a: {  	s31 =	simm.s32 $0x2040;
	[sflag:s0] =	ssyncadd.s32 @!p0 $0xFFFFC000  }
0x16b: {  	v1 =	vld [tilespmem:s31+$0xFFFFFFC0];
	_ =	sdelay $0x3  }
0x16c: {  	v0 =	vpop (erf)  }
0x16d: {  	v1 =	vmul.f32 v1, v0  }
0x16e: {  	s10 =	simm.s32 $0x20C0;
	s0 =	simm.s32 $0x3040  }
0x16f: {  	v3 =	vld [tilespmem:s10+$0xFFFFFFC0];
	[tilespmem:s0+$0xFFFFFFC0] =	vst v1  }
0x170: {  	v2 =	vld [tilespmem:s31+$0xFFFFFFD0];
	_ =	sdelay $0x3  }
0x171: {  	v3 =	vmul.f32 v3, v0  }
0x172: {  	s1 =	simm.s32 $0x3440;
	v2 =	vmul.f32 v2, v0  }
0x173: {  	[tilespmem:s1+$0xFFFFFFC0] =	vst v3  }
0x174: {  	v5 =	vld [tilespmem:s10+$0xFFFFFFD0];
	[tilespmem:s0+$0xFFFFFFD0] =	vst v2  }
0x175: {  	v4 =	vld [tilespmem:s31+$0xFFFFFFE0]  }
0x176: {  	s9 =	simm.s32 $0x2140  }
0x177: {  	v6 =	vld [tilespmem:s9+$0xFFFFFFC0];
	_ =	sdelay $0x1  }
0x178: {  	v5 =	vmul.f32 v5, v0  }
0x179: {  	v4 =	vmul.f32 v4, v0  }
0x17a: {  	[tilespmem:s1+$0xFFFFFFD0] =	vst v5  }
0x17b: {  	v6 =	vmul.f32 v6, v0;
	v8 =	vld [tilespmem:s10+$0xFFFFFFE0];
	[tilespmem:s0+$0xFFFFFFE0] =	vst v4  }
0x17c: {  	s2 =	simm.s32 $0x3840;
	v7 =	vld [tilespmem:s31+$0xFFFFFFF0]  }
0x17d: {  	[tilespmem:s2+$0xFFFFFFC0] =	vst v6  }
0x17e: {  	s6 =	simm.s32 $0x21C0;
	v9 =	vld [tilespmem:s9+$0xFFFFFFD0]  }
0x17f: {  	v10 =	vld [tilespmem:s6+$0xFFFFFFC0]  }
0x180: {  	v8 =	vmul.f32 v8, v0  }
0x181: {  	s7 =	simm.s32 $0x2240;
	v7 =	vmul.f32 v7, v0  }
0x182: {  	v15 =	vld [tilespmem:s7+$0xFFFFFFC0];
	[tilespmem:s1+$0xFFFFFFE0] =	vst v8  }
0x183: {  	v9 =	vmul.f32 v9, v0;
	v12 =	vld [tilespmem:s10+$0xFFFFFFF0];
	[tilespmem:s0+$0xFFFFFFF0] =	vst v7  }
0x184: {  	v10 =	vmul.f32 v10, v0;
	v11 =	vld [tilespmem:s31+$0x0]  }
0x185: {  	s4 =	simm.s32 $0x3C40;
	[tilespmem:s2+$0xFFFFFFD0] =	vst v9  }
0x186: {  	[tilespmem:s4+$0xFFFFFFC0] =	vst v10;
	v16 =	vmul.f32 v1, v1;
	v13 =	vld [tilespmem:s9+$0xFFFFFFE0]  }
0x187: {  	v15 =	vmul.f32 v15, v0;
	v1 =	vimm.f32 $0.0e+00;
	v14 =	vld [tilespmem:s6+$0xFFFFFFD0]  }
0x188: {  	v3 =	vmul.f32 v3, v3;
	v16 =	vadd.f32 v16, v1;
	v12 =	vmul.f32 v12, v0  }
0x189: {  	v2 =	vmul.f32 v2, v2;
	v11 =	vmul.f32 v11, v0  }
0x18a: {  	v6 =	vmul.f32 v6, v6;
	v3 =	vadd.f32 v3, v16;
	v4 =	vmul.f32 v4, v4;
	[tilespmem:s1+$0xFFFFFFF0] =	vst v12  }
0x18b: {  	s5 =	simm.s32 $0x4040;
	v5 =	vmul.f32 v5, v5;
	v2 =	vadd.f32 v2, v1;
	v13 =	vmul.f32 v13, v0;
	v16 =	vld [tilespmem:s10+$0x0];
	[tilespmem:s0+$0x0] =	vst v11  }
0x18c: {  	[tilespmem:s5+$0xFFFFFFC0] =	vst v15;
	v14 =	vmul.f32 v14, v0;
	v8 =	vmul.f32 v8, v8;
	v4 =	vadd.f32 v4, v1;
	v17 =	vld [tilespmem:s31+$0x10]  }
0x18d: {  	v3 =	vadd.f32 v6, v3;
	v2 =	vadd.f32 v5, v2;
	[tilespmem:s2+$0xFFFFFFE0] =	vst v13;
	v6 =	vmul.f32 v7, v7;
	v7 =	vld [tilespmem:s7+$0xFFFFFFD0]  }
0x18e: {  	[tilespmem:s4+$0xFFFFFFD0] =	vst v14;
	v5 =	vmul.f32 v9, v9;
	v18 =	vld [tilespmem:s9+$0xFFFFFFF0];
	v4 =	vadd.f32 v8, v4;
	v8 =	vmul.f32 v10, v10  }
0x18f: {  	s11 =	simm.s32 $0x22C0;
	v9 =	vld [tilespmem:s6+$0xFFFFFFE0]  }
0x190: {  	v2 =	vadd.f32 v5, v2;
	v5 =	vld [tilespmem:s11+$0xFFFFFFC0];
	v3 =	vadd.f32 v8, v3;
	v16 =	vmul.f32 v16, v0  }
0x191: {  	v8 =	vmul.f32 v12, v12;
	v6 =	vadd.f32 v6, v1;
	v10 =	vmul.f32 v17, v0  }
0x192: {  	v14 =	vmul.f32 v14, v14;
	v7 =	vmul.f32 v7, v0;
	[tilespmem:s1+$0x0] =	vst v16  }
0x193: {  	v15 =	vmul.f32 v15, v15;
	v12 =	vmul.f32 v18, v0;
	v6 =	vadd.f32 v8, v6;
	v8 =	vld [tilespmem:s10+$0x10];
	[tilespmem:s0+$0x10] =	vst v10  }
0x194: {  	v13 =	vmul.f32 v13, v13;
	v2 =	vadd.f32 v14, v2;
	v9 =	vmul.f32 v9, v0;
	[tilespmem:s5+$0xFFFFFFD0] =	vst v7;
	v17 =	vld [tilespmem:s31+$0x20]  }
0x195: {  	v5 =	vmul.f32 v5, v0;
	v3 =	vadd.f32 v15, v3;
	[tilespmem:s2+$0xFFFFFFF0] =	vst v12;
	v11 =	vmul.f32 v11, v11;
	v15 =	vld [tilespmem:s7+$0xFFFFFFE0]  }
0x196: {  	s8 =	simm.s32 $0x4440;
	[tilespmem:s4+$0xFFFFFFE0] =	vst v9;
	v9 =	vmul.f32 v9, v9;
	v4 =	vadd.f32 v13, v4;
	v12 =	vmul.f32 v12, v12;
	v13 =	vld [tilespmem:s9+$0x0]  }
0x197: {  	s13 =	simm.s32 $0x2340;
	[tilespmem:s8+$0xFFFFFFC0] =	vst v5;
	v5 =	vmul.f32 v5, v5;
	v14 =	vmul.f32 v16, v16;
	v16 =	vld [tilespmem:s6+$0xFFFFFFF0];
	v11 =	vadd.f32 v11, v1  }
0x198: {  	v6 =	vadd.f32 v12, v6;
	v12 =	vld [tilespmem:s13+$0xFFFFFFC0];
	v7 =	vmul.f32 v7, v7;
	v8 =	vmul.f32 v8, v0  }
0x199: {  	v14 =	vadd.f32 v14, v11;
	v11 =	vld [tilespmem:s11+$0xFFFFFFD0];
	v10 =	vmul.f32 v10, v10;
	v17 =	vmul.f32 v17, v0  }
0x19a: {  	v19 =	vadd.f32 v7, v2;
	v7 =	vadd.f32 v5, v3;
	v2 =	vmul.f32 v15, v0;
	[tilespmem:s1+$0x10] =	vst v8  }
0x19b: {  	v8 =	vmul.f32 v8, v8;
	v18 =	vadd.f32 v10, v1;
	v10 =	vmul.f32 v13, v0;
	[tilespmem:s0+$0x20] =	vst v17  }
0x19c: {  	[tilespmem:s5+$0xFFFFFFE0] =	vst v2;
	v13 =	vmul.f32 v17, v17;
	v17 =	vadd.f32 v9, v4;
	v4 =	vmul.f32 v16, v0;
	v16 =	vld [tilespmem:s31+$0x30]  }
0x19d: {  	v2 =	vmul.f32 v2, v2;
	v62 =	vld [tilespmem:s10+$0x20];
	[tilespmem:s2+$0x0] =	vst v10;
	v3 =	vadd.f32 v8, v18;
	v8 =	vmul.f32 v12, v0  }
0x19e: {  	v5 =	vmul.f32 v11, v0;
	v15 =	vmul.f32 v10, v10;
	v10 =	vld [tilespmem:s9+$0x10];
	[tilespmem:s4+$0xFFFFFFF0] =	vst v4  }
0x19f: {  	v12 =	vmul.f32 v8, v8;
	v63 =	vmul.f32 v4, v4;
	v11 =	vld [tilespmem:s6+$0x0]  }
0x1a0: {  	s12 =	simm.s32 $0x4840;
	[tilespmem:s8+$0xFFFFFFD0] =	vst v5;
	v9 =	vadd.f32 v13, v1;
	v4 =	vadd.f32 v15, v14;
	v13 =	vmul.f32 v5, v5;
	v14 =	vld [tilespmem:s7+$0xFFFFFFF0]  }
0x1a1: {  	[tilespmem:s12+$0xFFFFFFC0] =	vst v8;
	v15 =	vld [tilespmem:s11+$0xFFFFFFE0];
	v5 =	vadd.f32 v63, v6;
	v6 =	vadd.f32 v2, v17;
	v2 =	vmul.f32 v16, v0  }
0x1a2: {  	s14 =	simm.s32 $0x30;
	s15 =	simm.s32 $0x23C0;
	v8 =	vadd.f32 v13, v19;
	v13 =	vmul.f32 v62, v0;
	v16 =	vld [tilespmem:s13+$0xFFFFFFD0]  }
.LBB2_7:
0x1a3: {  	v17 =	vld [tilespmem:s15+$0xFFFFFFC0];
	s14 =	sadd.s32 $0x8, s14;
	v7 =	vadd.f32 v12, v7;
	v10 =	vmul.f32 v10, v0;
	[tilespmem:s0+$0x30] =	vst v2;
	v2 =	vmul.f32 v2, v2;
	s0 =	smov.u32 s1;
	s1 =	smov.u32 s2  }
0x1a4: {  	s2 =	smov.u32 s4;
	s4 =	smov.u32 s5;
	p0 =	slt.u32 s14, $0xF8;
	v11 =	vmul.f32 v11, v0;
	[tilespmem:s0+$0x20] =	vst v13;
	v12 =	vmul.f32 v13, v13  }
0x1a5: {  	s5 =	smov.u32 s8;
	s8 =	smov.u32 s12;
	v13 =	vmul.f32 v14, v0;
	[tilespmem:s1+$0x10] =	vst v10;
	v14 =	vmul.f32 v10, v10;
	v18 =	vld [tilespmem:s10+$0x30];
	v1 =	vadd.f32 v2, v1;
	s10 =	smov.u32 s9  }
0x1a6: {  	s9 =	smov.u32 s6;
	s6 =	smov.u32 s7;
	s7 =	smov.u32 s11;
	v2 =	vmul.f32 v15, v0;
	[tilespmem:s2+$0x0] =	vst v11;
	v15 =	vmul.f32 v11, v11;
	v19 =	vld [tilespmem:s10+$0x20];
	v9 =	vadd.f32 v12, v9  }
.Ltmp2:
0x1a7: {  	s11 =	smov.u32 s13;
	s13 =	smov.u32 s15;
	v12 =	vmul.f32 v16, v0;
	[tilespmem:s4+$0xFFFFFFF0] =	vst v13;
	v13 =	vmul.f32 v13, v13;
	v10 =	vld [tilespmem:s9+$0x10];
	v3 =	vadd.f32 v14, v3;
	(pc) =	sbr.rel @p0 .LBB2_7-.Ltmp2, $4  }
0x1a8: {  	v16 =	vmul.f32 v17, v0;
	[tilespmem:s5+$0xFFFFFFE0] =	vst v2;
	v2 =	vmul.f32 v2, v2;
	v11 =	vld [tilespmem:s6+$0x0];
	v4 =	vadd.f32 v15, v4  }
0x1a9: {  	s12 =	sadd.s32 $0x400, s12;
	[tilespmem:s8+$0xFFFFFFD0] =	vst v12;
	v17 =	vmul.f32 v12, v12;
	v14 =	vld [tilespmem:s7+$0xFFFFFFF0];
	v5 =	vadd.f32 v13, v5  }
0x1aa: {  	[tilespmem:s12+$0xFFFFFFC0] =	vst v16;
	v12 =	vmul.f32 v16, v16;
	v15 =	vld [tilespmem:s11+$0xFFFFFFE0];
	v6 =	vadd.f32 v2, v6;
	v2 =	vmul.f32 v18, v0  }
0x1ab: {  	s15 =	sadd.s32 $0x80, s15;
	v16 =	vld [tilespmem:s13+$0xFFFFFFD0];
	v8 =	vadd.f32 v17, v8;
	v13 =	vmul.f32 v19, v0  }
0x1ac: {  	_ =	sdelay $0x3  }
0x1ad: {  	v16 =	vmul.f32 v16, v0;
	_ =	sdelay $0x1  }
0x1ae: {  	[tilespmem:s12+$0xFFFFFFD0] =	vst v16  }
0x1af: {  	v17 =	vld [tilespmem:s13+$0xFFFFFFE0];
	_ =	sdelay $0x1  }
0x1b0: {  	v15 =	vmul.f32 v15, v0;
	_ =	sdelay $0x1  }
0x1b1: {  	[tilespmem:s8+$0xFFFFFFE0] =	vst v15  }
0x1b2: {  	v18 =	vld [tilespmem:s11+$0xFFFFFFF0];
	v17 =	vmul.f32 v17, v0;
	_ =	sdelay $0x1  }
0x1b3: {  	v14 =	vmul.f32 v14, v0;
	[tilespmem:s12+$0xFFFFFFE0] =	vst v17  }
0x1b4: {  	v19 =	vld [tilespmem:s13+$0xFFFFFFF0]  }
0x1b5: {  	[tilespmem:s5+$0xFFFFFFF0] =	vst v14  }
0x1b6: {  	v20 =	vld [tilespmem:s7+$0x0];
	v18 =	vmul.f32 v18, v0  }
0x1b7: {  	v11 =	vmul.f32 v11, v0  }
0x1b8: {  	[tilespmem:s8+$0xFFFFFFF0] =	vst v18  }
0x1b9: {  	[tilespmem:s4+$0x0] =	vst v11;
	v21 =	vld [tilespmem:s11+$0x0];
	v19 =	vmul.f32 v19, v0  }
0x1ba: {  	v10 =	vmul.f32 v10, v0;
	v22 =	vld [tilespmem:s6+$0x10]  }
0x1bb: {  	v20 =	vmul.f32 v20, v0;
	[tilespmem:s12+$0xFFFFFFF0] =	vst v19  }
0x1bc: {  	[tilespmem:s2+$0x10] =	vst v10;
	v23 =	vld [tilespmem:s13+$0x0]  }
0x1bd: {  	v24 =	vld [tilespmem:s9+$0x20];
	[tilespmem:s5+$0x0] =	vst v20  }
0x1be: {  	v25 =	vld [tilespmem:s7+$0x10];
	v21 =	vmul.f32 v21, v0  }
0x1bf: {  	[tilespmem:s1+$0x20] =	vst v13;
	v22 =	vmul.f32 v22, v0  }
0x1c0: {  	v27 =	vmul.f32 v2, v2;
	v26 =	vld [tilespmem:s10+$0x30];
	[tilespmem:s8+$0x0] =	vst v21  }
0x1c1: {  	v13 =	vmul.f32 v13, v13;
	[tilespmem:s4+$0x10] =	vst v22;
	v28 =	vld [tilespmem:s11+$0x10];
	v23 =	vmul.f32 v23, v0  }
0x1c2: {  	v10 =	vmul.f32 v10, v10;
	v24 =	vmul.f32 v24, v0;
	v29 =	vld [tilespmem:s6+$0x20]  }
0x1c3: {  	v7 =	vadd.f32 v12, v7;
	v14 =	vmul.f32 v14, v14;
	v12 =	vmul.f32 v25, v0;
	[tilespmem:s12+$0x0] =	vst v23  }
0x1c4: {  	v11 =	vmul.f32 v11, v11;
	v9 =	vadd.f32 v13, v9;
	v3 =	vadd.f32 v10, v3;
	[tilespmem:s2+$0x20] =	vst v24;
	v13 =	vld [tilespmem:s13+$0x10]  }
0x1c5: {  	v10 =	vmul.f32 v15, v15;
	v5 =	vadd.f32 v14, v5;
	v14 =	vmul.f32 v16, v16;
	v15 =	vld [tilespmem:s9+$0x30];
	[tilespmem:s5+$0x10] =	vst v12  }
0x1c6: {  	v4 =	vadd.f32 v11, v4;
	v11 =	vmul.f32 v26, v0;
	v59 =	vld [tilespmem:s7+$0x20];
	v60 =	vmul.f32 v28, v0  }
0x1c7: {  	v1 =	vadd.f32 v27, v1;
	v8 =	vadd.f32 v14, v8;
	v16 =	vmul.f32 v29, v0  }
0x1c8: {  	v6 =	vadd.f32 v10, v6;
	v10 =	vmul.f32 v11, v11;
	v24 =	vmul.f32 v24, v24;
	[tilespmem:s8+$0x10] =	vst v60  }
0x1c9: {  	v7 =	vadd.f32 v8, v7;
	v14 =	vmul.f32 v22, v22;
	[tilespmem:s4+$0x20] =	vst v16;
	v61 =	vld [tilespmem:s11+$0x20];
	v13 =	vmul.f32 v13, v0  }
0x1ca: {  	v1 =	vadd.f32 v10, v1;
	v10 =	vmul.f32 v20, v20;
	v18 =	vmul.f32 v18, v18;
	v62 =	vld [tilespmem:s6+$0x30]  }
0x1cb: {  	v9 =	vadd.f32 v24, v9;
	v15 =	vmul.f32 v15, v0;
	v63 =	vmul.f32 v59, v0;
	[tilespmem:s12+$0x10] =	vst v13  }
0x1cc: {  	v3 =	vadd.f32 v14, v3;
	v14 =	vmul.f32 v17, v17;
	v4 =	vadd.f32 v10, v4;
	v10 =	vld [tilespmem:s13+$0x20]  }
0x1cd: {  	v5 =	vadd.f32 v18, v5;
	v17 =	vmul.f32 v15, v15;
	v16 =	vmul.f32 v16, v16;
	[tilespmem:s5+$0x20] =	vst v63  }
0x1ce: {  	v6 =	vadd.f32 v14, v6;
	v12 =	vmul.f32 v12, v12;
	v14 =	vld [tilespmem:s7+$0x30];
	v18 =	vmul.f32 v61, v0  }
0x1cf: {  	v1 =	vadd.f32 v17, v1;
	v17 =	vmul.f32 v21, v21;
	v20 =	vmul.f32 v62, v0  }
0x1d0: {  	v9 =	vadd.f32 v16, v9;
	v16 =	vmul.f32 v19, v19;
	v3 =	vadd.f32 v12, v3;
	[tilespmem:s8+$0x20] =	vst v18  }
0x1d1: {  	v4 =	vadd.f32 v17, v4;
	v12 =	vmul.f32 v20, v20;
	v17 =	vld [tilespmem:s11+$0x30];
	v10 =	vmul.f32 v10, v0  }
0x1d2: {  	v6 =	vadd.f32 v6, v7;
	v5 =	vadd.f32 v16, v5  }
0x1d3: {  	v1 =	vadd.f32 v12, v1;
	v12 =	vmul.f32 v23, v23;
	v8 =	vmul.f32 v14, v0;
	[tilespmem:s12+$0x20] =	vst v10  }
0x1d4: {  	v5 =	vadd.f32 v5, v6;
	v19 =	vmul.f32 v60, v60;
	v14 =	vld [tilespmem:s13+$0x30]  }
0x1d5: {  	v16 =	vmul.f32 v63, v63;
	v4 =	vadd.f32 v12, v4;
	v7 =	vmul.f32 v8, v8  }
0x1d6: {  	v3 =	vadd.f32 v19, v3;
	v12 =	vmul.f32 v13, v13;
	v13 =	vmul.f32 v17, v0  }
0x1d7: {  	v9 =	vadd.f32 v16, v9;
	v4 =	vadd.f32 v4, v5;
	v16 =	vmul.f32 v18, v18  }
0x1d8: {  	v1 =	vadd.f32 v7, v1;
	v3 =	vadd.f32 v12, v3;
	v7 =	vmul.f32 v13, v13  }
0x1d9: {  	v6 =	vadd.f32 v16, v9;
	v9 =	vmul.f32 v10, v10;
	v0 =	vmul.f32 v14, v0  }
0x1da: {  	v3 =	vadd.f32 v3, v4  }
0x1db: {  	v1 =	vadd.f32 v7, v1;
	v5 =	vadd.f32 v9, v6;
	v6 =	vmul.f32 v0, v0;
	_ =	sdelay $0x1  }
0x1dc: {  	v3 =	vadd.f32 v5, v3;
	v1 =	vadd.f32 v6, v1;
	_ =	sdelay $0x1  }
0x1dd: {  	v1 =	vadd.f32 v1, v3;
	_ =	sdelay $0x1  }
0x1de: {  	(xrf2) =	vadd.scan.msk.f32 $0xffff, v1;
	_ =	sdelay $0x9  }
0x1df: {  	v1, _, _ =	vpop (xrf2)  }
0x1e0: {  	(v2sf) =	vpush v1, $0xF;
	_ =	sdelay $0xb  }
0x1e1: {  	[tilespmem:s0+$0x30] =	vst v2  }
0x1e2: {  	[tilespmem:s1+$0x30] =	vst v11  }
0x1e3: {  	[tilespmem:s2+$0x30] =	vst v15  }
0x1e4: {  	[tilespmem:s4+$0x30] =	vst v20;
	s30 =	spop (v2sf)  }
0x1e5: {  	[tilespmem:s5+$0x30] =	vst v8;
	s0 =	ssub.f32 $1.000000000e+00, s30  }
0x1e6: {  	[tilespmem:s8+$0x30] =	vst v13  }
0x1e7: {  	[tilespmem:s12+$0x30] =	vst v0;
	v1 =	vmov s0;
	s0 =	simm.s32 $0x3080  }
0x1e8: {  	v0 =	vld [tilespmem:s0+$0xFFFFFFF0]  }
0x1e9: {  	(erf) = vrcp.f32 v1;
	v1 =	vld [tilespmem:s0+$0xFFFFFF90]  }
0x1ea: {  	v3 =	vld [tilespmem:s0+$0xFFFFFFA0]  }
0x1eb: {  	v11 =	vld [tilespmem:s0+$0xFFFFFF80]  }
0x1ec: {  	v5 =	vld [tilespmem:s0+$0xFFFFFFC0]  }
0x1ed: {  	v4 =	vld [tilespmem:s0+$0xFFFFFFB0]  }
0x1ee: {  	v8 =	vld [tilespmem:s0+$0xFFFFFFE0]  }
0x1ef: {  	v6 =	vld [tilespmem:s0+$0xFFFFFFD0];
	v2 =	vmul.f32 v0, v0;
	v9 =	vmul.f32 v3, v3  }
0x1f0: {  	v7 =	vmul.f32 v1, v1;
	v16 =	vmul.f32 v11, v11  }
0x1f1: {  	v10 =	vsub.f32 v0, v2;
	v3 =	vsub.f32 v3, v9;
	v9 =	vmul.f32 v5, v5  }
0x1f2: {  	v2 =	vimm.f32 $0.0e+00;
	v1 =	vsub.f32 v1, v7;
	v7 =	vmul.f32 v4, v4;
	v0 =	vpop (erf)  }
0x1f3: {  	v13 =	vsub.f32 v5, v9;
	v5 =	vmul.f32 v8, v8;
	v17 =	vmul.f32 v10, v0  }
0x1f4: {  	v12 =	vmul.f32 v1, v0;
	v1 =	vsub.f32 v4, v7;
	v4 =	vmul.f32 v6, v6  }
0x1f5: {  	v10 =	vmul.f32 v3, v0;
	v3 =	vimm.f32 $0.0e+00;
	v14 =	vsub.f32 v8, v5  }
0x1f6: {  	v5 =	vimm.f32 $0.0e+00;
	v8 =	vimm.f32 $0.0e+00;
	v7 =	vmul.f32 v17, v17  }
0x1f7: {  	v15 =	vsub.f32 v6, v4;
	v9 =	vmul.f32 v1, v0;
	[tilespmem:s0+$0x70] =	vst v17;
	v6 =	vimm.f32 $0.0e+00  }
0x1f8: {  	s31 =	smov.u32 s21;
	s1 =	simm.s32 $0x0;
	s2 =	simm.s32 $0x3480;
	[tilespmem:s0+$0x10] =	vst v12;
	v4 =	vimm.f32 $0.0e+00;
	v1 =	vadd.f32 v7, v2;
	v7 =	vimm.f32 $0.0e+00  }
.LBB2_9:
0x1f9: {  	v17 =	vld [tilespmem:s2+$0xFFFFFFF0];
	s1 =	sadd.s32 $0x8, s1;
	v11 =	vsub.f32 v11, v16;
	[tilespmem:s0+$0x20] =	vst v10;
	v13 =	vmul.f32 v13, v0;
	v15 =	vmul.f32 v15, v0  }
0x1fa: {  	v12 =	vmul.f32 v12, v12;
	v16 =	vld [tilespmem:s2+$0xFFFFFF90];
	p0 =	slt.u32 s1, $0xF8;
	[tilespmem:s0+$0x30] =	vst v9;
	v14 =	vmul.f32 v14, v0  }
0x1fb: {  	v10 =	vmul.f32 v10, v10;
	v18 =	vld [tilespmem:s2+$0xFFFFFFA0];
	v11 =	vmul.f32 v11, v0;
	[tilespmem:s0+$0x40] =	vst v13  }
0x1fc: {  	v9 =	vmul.f32 v9, v9;
	v2 =	vadd.f32 v12, v2;
	v12 =	vmul.f32 v13, v13;
	v19 =	vld [tilespmem:s2+$0xFFFFFFB0];
	[tilespmem:s0+$0x50] =	vst v15  }
0x1fd: {  	v7 =	vadd.f32 v10, v7;
	v10 =	vmul.f32 v15, v15;
	v13 =	vld [tilespmem:s2+$0xFFFFFFC0];
	[tilespmem:s0+$0x0] =	vst v11;
	v11 =	vmul.f32 v11, v11  }
0x1fe: {  	v5 =	vadd.f32 v9, v5;
	v9 =	vmul.f32 v14, v14;
	v15 =	vld [tilespmem:s2+$0xFFFFFFD0];
	v20 =	vmul.f32 v17, v17;
	[tilespmem:s0+$0x60] =	vst v14;
	s0 =	smov.u32 s2  }
0x1ff: {  	v6 =	vadd.f32 v12, v6;
	v14 =	vmul.f32 v16, v16;
	v21 =	vld [tilespmem:s2+$0xFFFFFFE0];
	v8 =	vadd.f32 v11, v8  }
0x200: {  	v4 =	vadd.f32 v10, v4;
	v11 =	vld [tilespmem:s2+$0xFFFFFF80];
	v12 =	vmul.f32 v18, v18;
	v17 =	vsub.f32 v17, v20  }
0x201: {  	v3 =	vadd.f32 v9, v3;
	v10 =	vsub.f32 v16, v14;
	v14 =	vmul.f32 v19, v19  }
.Ltmp3:
0x202: {  	v9 =	vsub.f32 v18, v12;
	v16 =	vmul.f32 v13, v13;
	v17 =	vmul.f32 v17, v0;
	(pc) =	sbr.rel @p0 .LBB2_9-.Ltmp3, $4  }
0x203: {  	v12 =	vmul.f32 v10, v0;
	v14 =	vsub.f32 v19, v14;
	v18 =	vmul.f32 v15, v15  }
0x204: {  	v13 =	vsub.f32 v13, v16;
	v19 =	vmul.f32 v21, v21;
	[tilespmem:s2+$0x70] =	vst v17;
	v17 =	vmul.f32 v17, v17  }
0x205: {  	v10 =	vmul.f32 v9, v0;
	v16 =	vmul.f32 v11, v11;
	[tilespmem:s2+$0x10] =	vst v12;
	v15 =	vsub.f32 v15, v18  }
0x206: {  	v9 =	vmul.f32 v14, v0;
	s2 =	sadd.s32 $0x400, s2;
	v14 =	vsub.f32 v21, v19;
	v1 =	vadd.f32 v17, v1  }
0x207: {  	v11 =	vsub.f32 v11, v16;
	_ =	sdelay $0x1  }
0x208: {  	v11 =	vmul.f32 v11, v0;
	_ =	sdelay $0x1  }
0x209: {  	v12 =	vmul.f32 v12, v12;
	v16 =	vmul.f32 v11, v11;
	_ =	sdelay $0x1  }
0x20a: {  	v2 =	vadd.f32 v12, v2;
	v12 =	vmul.f32 v10, v10;
	v8 =	vadd.f32 v16, v8  }
0x20b: {  	v13 =	vmul.f32 v13, v0  }
0x20c: {  	v7 =	vadd.f32 v12, v7;
	v16 =	vmul.f32 v9, v9;
	v2 =	vadd.f32 v2, v8  }
0x20d: {  	v12 =	vmul.f32 v13, v13  }
0x20e: {  	v8 =	vmul.f32 v15, v0;
	v5 =	vadd.f32 v16, v5;
	v2 =	vadd.f32 v7, v2  }
0x20f: {  	v6 =	vadd.f32 v12, v6  }
0x210: {  	v0 =	vmul.f32 v14, v0;
	v7 =	vmul.f32 v8, v8;
	v2 =	vadd.f32 v5, v2;
	_ =	sdelay $0x1  }
0x211: {  	v5 =	vmul.f32 v0, v0;
	v4 =	vadd.f32 v7, v4;
	v2 =	vadd.f32 v6, v2;
	_ =	sdelay $0x1  }
0x212: {  	v3 =	vadd.f32 v5, v3;
	v2 =	vadd.f32 v4, v2;
	_ =	sdelay $0x1  }
0x213: {  	v2 =	vadd.f32 v3, v2;
	_ =	sdelay $0x1  }
0x214: {  	v1 =	vadd.f32 v1, v2;
	_ =	sdelay $0x1  }
0x215: {  	(xrf2) =	vadd.scan.msk.f32 $0xffff, v1;
	_ =	sdelay $0x9  }
0x216: {  	v1, _, _ =	vpop (xrf2)  }
0x217: {  	(v2sf) =	vpush v1, $0xF;
	_ =	sdelay $0xa  }
0x218: {  	[tilespmem:s0+$0x20] =	vst v10  }
0x219: {  	[tilespmem:s0+$0x30] =	vst v9  }
0x21a: {  	[tilespmem:s0+$0x40] =	vst v13  }
0x21b: {  	[tilespmem:s0+$0x0] =	vst v11  }
0x21c: {  	[tilespmem:s0+$0x50] =	vst v8;
	s1 =	spop (v2sf)  }
0x21d: {  	[tilespmem:s0+$0x60] =	vst v0;
	s0 =	simm.s32 $0x30C0;
	s1 =	ssub.f32 $1.000000000e+00, s1  }
0x21e: {  	v3 =	vld [tilespmem:s0+$0xFFFFFFE0]  }
0x21f: {  	v8 =	vld [tilespmem:s0+$0x20];
	v1 =	vmov s1  }
0x220: {  	v5 =	vld [tilespmem:s0+$0x0];
	(erf) = vrcp.f32 v1  }
0x221: {  	v0 =	vld [tilespmem:s0+$0x30]  }
0x222: {  	v1 =	vld [tilespmem:s0+$0xFFFFFFD0]  }
0x223: {  	v11 =	vld [tilespmem:s0+$0xFFFFFFC0];
	v9 =	vmul.f32 v3, v3  }
0x224: {  	v4 =	vld [tilespmem:s0+$0xFFFFFFF0]  }
0x225: {  	v3 =	vsub.f32 v3, v9;
	v9 =	vmul.f32 v5, v5  }
0x226: {  	v6 =	vld [tilespmem:s0+$0x10];
	v2 =	vmul.f32 v0, v0  }
0x227: {  	v13 =	vsub.f32 v5, v9;
	v5 =	vmul.f32 v8, v8;
	v7 =	vmul.f32 v1, v1  }
0x228: {  	v16 =	vmul.f32 v11, v11;
	v10 =	vsub.f32 v0, v2;
	v2 =	vimm.f32 $0.0e+00  }
0x229: {  	v14 =	vsub.f32 v8, v5;
	v1 =	vsub.f32 v1, v7;
	v7 =	vmul.f32 v4, v4;
	v0 =	vpop (erf)  }
0x22a: {  	v5 =	vimm.f32 $0.0e+00;
	v8 =	vimm.f32 $0.0e+00;
	v17 =	vmul.f32 v10, v0  }
0x22b: {  	v12 =	vmul.f32 v1, v0;
	v1 =	vsub.f32 v4, v7;
	v4 =	vmul.f32 v6, v6  }
0x22c: {  	v10 =	vmul.f32 v3, v0;
	v3 =	vimm.f32 $0.0e+00;
	v7 =	vmul.f32 v17, v17  }
0x22d: {  	v15 =	vsub.f32 v6, v4;
	v9 =	vmul.f32 v1, v0;
	[tilespmem:s0+$0xB0] =	vst v17;
	v6 =	vimm.f32 $0.0e+00  }
0x22e: {  	s2 =	simm.s32 $0x34C0;
	s1 =	simm.s32 $0x0;
	[tilespmem:s0+$0x50] =	vst v12;
	v4 =	vimm.f32 $0.0e+00;
	v1 =	vadd.f32 v7, v2;
	v7 =	vimm.f32 $0.0e+00  }
.LBB2_11:
0x22f: {  	v17 =	vld [tilespmem:s2+$0x30];
	s1 =	sadd.s32 $0x8, s1;
	v11 =	vsub.f32 v11, v16;
	[tilespmem:s0+$0x60] =	vst v10;
	v13 =	vmul.f32 v13, v0;
	v15 =	vmul.f32 v15, v0  }
0x230: {  	v12 =	vmul.f32 v12, v12;
	v16 =	vld [tilespmem:s2+$0xFFFFFFD0];
	p0 =	slt.u32 s1, $0xF8;
	[tilespmem:s0+$0x70] =	vst v9;
	v14 =	vmul.f32 v14, v0  }
0x231: {  	v10 =	vmul.f32 v10, v10;
	v18 =	vld [tilespmem:s2+$0xFFFFFFE0];
	v11 =	vmul.f32 v11, v0;
	[tilespmem:s0+$0x80] =	vst v13  }
0x232: {  	v9 =	vmul.f32 v9, v9;
	v2 =	vadd.f32 v12, v2;
	v12 =	vmul.f32 v13, v13;
	v19 =	vld [tilespmem:s2+$0xFFFFFFF0];
	[tilespmem:s0+$0x90] =	vst v15  }
0x233: {  	v7 =	vadd.f32 v10, v7;
	v10 =	vmul.f32 v15, v15;
	v13 =	vld [tilespmem:s2+$0x0];
	[tilespmem:s0+$0x40] =	vst v11;
	v11 =	vmul.f32 v11, v11  }
0x234: {  	v5 =	vadd.f32 v9, v5;
	v9 =	vmul.f32 v14, v14;
	v15 =	vld [tilespmem:s2+$0x10];
	v20 =	vmul.f32 v17, v17;
	[tilespmem:s0+$0xA0] =	vst v14;
	s0 =	smov.u32 s2  }
0x235: {  	v6 =	vadd.f32 v12, v6;
	v14 =	vmul.f32 v16, v16;
	v21 =	vld [tilespmem:s2+$0x20];
	v8 =	vadd.f32 v11, v8  }
0x236: {  	v4 =	vadd.f32 v10, v4;
	v11 =	vld [tilespmem:s2+$0xFFFFFFC0];
	v12 =	vmul.f32 v18, v18;
	v17 =	vsub.f32 v17, v20  }
0x237: {  	v3 =	vadd.f32 v9, v3;
	v10 =	vsub.f32 v16, v14;
	v14 =	vmul.f32 v19, v19  }
.Ltmp4:
0x238: {  	v9 =	vsub.f32 v18, v12;
	v16 =	vmul.f32 v13, v13;
	v17 =	vmul.f32 v17, v0;
	(pc) =	sbr.rel @p0 .LBB2_11-.Ltmp4, $4  }
0x239: {  	v12 =	vmul.f32 v10, v0;
	v14 =	vsub.f32 v19, v14;
	v18 =	vmul.f32 v15, v15  }
0x23a: {  	v13 =	vsub.f32 v13, v16;
	v19 =	vmul.f32 v21, v21;
	[tilespmem:s2+$0xB0] =	vst v17;
	v17 =	vmul.f32 v17, v17  }
0x23b: {  	v10 =	vmul.f32 v9, v0;
	v16 =	vmul.f32 v11, v11;
	[tilespmem:s2+$0x50] =	vst v12;
	v15 =	vsub.f32 v15, v18  }
0x23c: {  	v9 =	vmul.f32 v14, v0;
	s2 =	sadd.s32 $0x400, s2;
	v14 =	vsub.f32 v21, v19;
	v1 =	vadd.f32 v17, v1  }
0x23d: {  	v11 =	vsub.f32 v11, v16;
	_ =	sdelay $0x1  }
0x23e: {  	v11 =	vmul.f32 v11, v0;
	_ =	sdelay $0x1  }
0x23f: {  	v12 =	vmul.f32 v12, v12;
	v16 =	vmul.f32 v11, v11;
	_ =	sdelay $0x1  }
0x240: {  	v2 =	vadd.f32 v12, v2;
	v12 =	vmul.f32 v10, v10;
	v8 =	vadd.f32 v16, v8  }
0x241: {  	v13 =	vmul.f32 v13, v0  }
0x242: {  	v7 =	vadd.f32 v12, v7;
	v16 =	vmul.f32 v9, v9;
	v2 =	vadd.f32 v2, v8  }
0x243: {  	v12 =	vmul.f32 v13, v13  }
0x244: {  	v8 =	vmul.f32 v15, v0;
	v5 =	vadd.f32 v16, v5;
	v2 =	vadd.f32 v7, v2  }
0x245: {  	v6 =	vadd.f32 v12, v6  }
0x246: {  	v0 =	vmul.f32 v14, v0;
	v7 =	vmul.f32 v8, v8;
	v2 =	vadd.f32 v5, v2;
	_ =	sdelay $0x1  }
0x247: {  	v5 =	vmul.f32 v0, v0;
	v4 =	vadd.f32 v7, v4;
	v2 =	vadd.f32 v6, v2;
	_ =	sdelay $0x1  }
0x248: {  	v3 =	vadd.f32 v5, v3;
	v2 =	vadd.f32 v4, v2;
	_ =	sdelay $0x1  }
0x249: {  	v2 =	vadd.f32 v3, v2;
	_ =	sdelay $0x1  }
0x24a: {  	v1 =	vadd.f32 v1, v2;
	_ =	sdelay $0x1  }
0x24b: {  	(xrf2) =	vadd.scan.msk.f32 $0xffff, v1;
	_ =	sdelay $0x9  }
0x24c: {  	v1, _, _ =	vpop (xrf2)  }
0x24d: {  	(v2sf) =	vpush v1, $0xF;
	_ =	sdelay $0xb  }
0x24e: {  	[tilespmem:s0+$0x60] =	vst v10  }
0x24f: {  	[tilespmem:s0+$0x70] =	vst v9  }
0x250: {  	[tilespmem:s0+$0x80] =	vst v13  }
0x251: {  	[tilespmem:s0+$0x40] =	vst v11;
	s1 =	spop (v2sf)  }
0x252: {  	[tilespmem:s0+$0x90] =	vst v8;
	s1 =	ssub.f32 $1.000000000e+00, s1  }
0x253: {  	[tilespmem:s0+$0xA0] =	vst v0;
	s0 =	simm.s32 $0x31F0  }
0x254: {  	v9 =	vld [tilespmem:s0+$0xFFFFFF10];
	v1 =	vmov s1  }
0x255: {  	v0 =	vld [tilespmem:s0+$0xFFFFFF80];
	(erf) = vrcp.f32 v1  }
0x256: {  	v3 =	vld [tilespmem:s0+$0xFFFFFF20]  }
0x257: {  	v6 =	vld [tilespmem:s0+$0xFFFFFF50]  }
0x258: {  	v4 =	vld [tilespmem:s0+$0xFFFFFF30]  }
0x259: {  	v5 =	vld [tilespmem:s0+$0xFFFFFF40]  }
0x25a: {  	v14 =	vld [tilespmem:s0+$0xFFFFFF70];
	v1 =	vmul.f32 v0, v0  }
0x25b: {  	v7 =	vld [tilespmem:s0+$0xFFFFFF60];
	v8 =	vmul.f32 v3, v3  }
0x25c: {  	v15 =	vmul.f32 v9, v9;
	v11 =	vmul.f32 v6, v6  }
0x25d: {  	v10 =	vmul.f32 v4, v4;
	v3 =	vsub.f32 v3, v8;
	v0 =	vsub.f32 v0, v1  }
0x25e: {  	v2 =	vimm.f32 $0.0e+00;
	v13 =	vsub.f32 v6, v11;
	v8 =	vmul.f32 v5, v5;
	v1 =	vpop (erf)  }
0x25f: {  	v4 =	vsub.f32 v4, v10;
	v17 =	vmul.f32 v0, v1;
	v10 =	vmul.f32 v3, v1  }
0x260: {  	v0 =	vsub.f32 v5, v8;
	v3 =	vmul.f32 v7, v7;
	v5 =	vmul.f32 v14, v14  }
0x261: {  	v12 =	vmul.f32 v4, v1;
	v8 =	vimm.f32 $0.0e+00;
	v4 =	vimm.f32 $0.0e+00  }
0x262: {  	v6 =	vmul.f32 v17, v17;
	v16 =	vsub.f32 v7, v3;
	v11 =	vmul.f32 v0, v1  }
0x263: {  	v14 =	vsub.f32 v14, v5;
	[tilespmem:s0+$0x0] =	vst v17;
	v3 =	vimm.f32 $0.0e+00;
	v7 =	vimm.f32 $0.0e+00  }
0x264: {  	s2 =	simm.s32 $0x35F0;
	s1 =	simm.s32 $0x0;
	[tilespmem:s0+$0xFFFFFFA0] =	vst v10;
	v5 =	vimm.f32 $0.0e+00;
	v0 =	vadd.f32 v6, v2;
	v6 =	vimm.f32 $0.0e+00  }
.LBB2_13:
0x265: {  	v17 =	vld [tilespmem:s2+$0xFFFFFF80];
	s1 =	sadd.s32 $0x8, s1;
	v9 =	vsub.f32 v9, v15;
	[tilespmem:s0+$0xFFFFFFB0] =	vst v12;
	v13 =	vmul.f32 v13, v1;
	v15 =	vmul.f32 v16, v1  }
0x266: {  	v10 =	vmul.f32 v10, v10;
	v16 =	vld [tilespmem:s2+$0xFFFFFF20];
	p0 =	slt.u32 s1, $0xF8;
	[tilespmem:s0+$0xFFFFFFC0] =	vst v11;
	v14 =	vmul.f32 v14, v1  }
0x267: {  	v12 =	vmul.f32 v12, v12;
	v18 =	vld [tilespmem:s2+$0xFFFFFF30];
	v9 =	vmul.f32 v9, v1;
	[tilespmem:s0+$0xFFFFFFD0] =	vst v13  }
0x268: {  	v2 =	vadd.f32 v10, v2;
	v10 =	vmul.f32 v11, v11;
	v11 =	vmul.f32 v13, v13;
	v19 =	vld [tilespmem:s2+$0xFFFFFF40];
	[tilespmem:s0+$0xFFFFFFE0] =	vst v15  }
0x269: {  	v8 =	vadd.f32 v12, v8;
	v12 =	vmul.f32 v15, v15;
	v13 =	vld [tilespmem:s2+$0xFFFFFF50];
	[tilespmem:s0+$0xFFFFFF90] =	vst v9;
	v9 =	vmul.f32 v9, v9  }
0x26a: {  	v6 =	vadd.f32 v10, v6;
	v10 =	vmul.f32 v14, v14;
	v20 =	vld [tilespmem:s2+$0xFFFFFF60];
	v15 =	vmul.f32 v17, v17;
	[tilespmem:s0+$0xFFFFFFF0] =	vst v14;
	s0 =	smov.u32 s2  }
0x26b: {  	v7 =	vadd.f32 v11, v7;
	v14 =	vmul.f32 v16, v16;
	v21 =	vld [tilespmem:s2+$0xFFFFFF70];
	v3 =	vadd.f32 v9, v3  }
0x26c: {  	v4 =	vadd.f32 v12, v4;
	v9 =	vld [tilespmem:s2+$0xFFFFFF10];
	v11 =	vmul.f32 v18, v18;
	v15 =	vsub.f32 v17, v15  }
0x26d: {  	v5 =	vadd.f32 v10, v5;
	v12 =	vsub.f32 v16, v14;
	v14 =	vmul.f32 v19, v19  }
.Ltmp5:
0x26e: {  	v11 =	vsub.f32 v18, v11;
	v16 =	vmul.f32 v13, v13;
	v15 =	vmul.f32 v15, v1;
	(pc) =	sbr.rel @p0 .LBB2_13-.Ltmp5, $4  }
0x26f: {  	v10 =	vmul.f32 v12, v1;
	v14 =	vsub.f32 v19, v14;
	v17 =	vmul.f32 v20, v20  }
0x270: {  	v13 =	vsub.f32 v13, v16;
	v18 =	vmul.f32 v21, v21;
	[tilespmem:s2+$0x0] =	vst v15;
	v19 =	vmul.f32 v15, v15  }
0x271: {  	v12 =	vmul.f32 v11, v1;
	v15 =	vmul.f32 v9, v9;
	[tilespmem:s2+$0xFFFFFFA0] =	vst v10;
	v16 =	vsub.f32 v20, v17  }
0x272: {  	v11 =	vmul.f32 v14, v1;
	s2 =	sadd.s32 $0x400, s2;
	v14 =	vsub.f32 v21, v18;
	v0 =	vadd.f32 v19, v0  }
0x273: {  	v9 =	vsub.f32 v9, v15;
	v13 =	vmul.f32 v13, v1;
	v60 =	vmul.f32 v16, v1;
	[tilespmem:s0+$0xFFFFFFB0] =	vst v12  }
0x274: {  	v10 =	vmul.f32 v10, v10;
	s1 =	sshll.u32 s20, $0xF;
	v61 =	vmul.f32 v12, v12;
	[tilespmem:s0+$0xFFFFFFC0] =	vst v11  }
0x275: {  	s2 =	sshll.u32 s18, $0x10;
	s1 =	sand.u32 $0xE0000, s1;
	v14 =	vmul.f32 v14, v1;
	v9 =	vmul.f32 v9, v1;
	s4 =	rddreg [dreg:$0x7]  }
0x276: {  	s30 =	sand.u32 $0x10000, s2;
	v1 =	vadd.f32 v10, v2;
	v10 =	vmul.f32 v11, v11;
	v11 =	vmul.f32 v13, v13;
	s20 =	sor.u32 s4, s1  }
0x277: {  	[tilespmem:s0+$0xFFFFFFD0] =	vst v13;
	v63 =	vmul.f32 v60, v60;
	v62 =	vmul.f32 v9, v9;
	s1 =	sor.u32 s30, s20  }
0x278: {  	v2 =	vadd.f32 v61, v8;
	[tilespmem:s0+$0xFFFFFFE0] =	vst v60;
	v6 =	vadd.f32 v10, v6;
	v10 =	vmul.f32 v14, v14;
	s22 =	sshrl.u32 s1, $0x3  }
0x279: {  	s5 =	simm.s32 $0x3400;
	[tilespmem:s0+$0xFFFFFFF0] =	vst v14;
	v4 =	vadd.f32 v63, v4;
	v8 =	vadd.f32 v62, v3;
	s2 =	sadd.s32 s31, s22  }
0x27a: {  	s4 =	simm.s32 $0x80;
	[tilespmem:s0+$0xFFFFFF90] =	vst v9;
	s1 =	simm.s32 $0x3000;
	v3 =	vadd.f32 v11, v7;
	v5 =	vadd.f32 v10, v5;
	s0 =	sadd.s32 $0x0, s2  }
.LBB2_15:
0x27b: {  	[hbm4b:s0+s3] =	stream.linear.scatter [tilespmem:s1], [sflag:$0x2], $0x200, $0x38;
	[tilespmem:$0xB000] =	vst v63  }
0x27c: {  	s0 =	smov.u32 s4;
	s1 =	smov.u32 s5;
	p0 =	sne.s32 s4, $0xF80  }
.Ltmp6:
0x27d: {  	s4 =	sadd.s32 $0x80, s4;
	(pc) =	sbr.rel @p0 .LBB2_15-.Ltmp6, $2  }
0x27e: {  	_ =	sdelay $0x2  }
0x27f: {  	s5 =	sadd.s32 $0x400, s5;
	s0 =	sadd.s32 s0, s2  }
0x280: {  	v1 =	vadd.f32 v1, v8;
	_ =	sdelay $0x1  }
0x281: {  	v1 =	vadd.f32 v2, v1;
	_ =	sdelay $0x1  }
0x282: {  	v1 =	vadd.f32 v6, v1;
	_ =	sdelay $0x1  }
0x283: {  	v1 =	vadd.f32 v3, v1;
	_ =	sdelay $0x1  }
0x284: {  	v1 =	vadd.f32 v4, v1;
	_ =	sdelay $0x1  }
0x285: {  	v1 =	vadd.f32 v5, v1;
	_ =	sdelay $0x1  }
0x286: {  	v0 =	vadd.f32 v0, v1;
	_ =	sdelay $0x1  }
0x287: {  	(xrf2) =	vadd.scan.msk.f32 $0xffff, v0;
	_ =	sdelay $0x9  }
0x288: {  	v0, _, _ =	vpop (xrf2)  }
0x289: {  	(v2sf) =	vpush v0, $0xF;
	_ =	sdelay $0xd  }
0x28a: {  	[hbm4b:s0+s3] =	stream.linear.scatter [tilespmem:s1], [sflag:$0x2], $0x200, $0x38;
	[tilespmem:$0xB000] =	vst v63  }
0x28b: {  	s2 =	spop (v2sf)  }
0x28c: {  	s0 =	simm.s32 $0x3270;
	s2 =	ssub.f32 $1.000000000e+00, s2  }
0x28d: {  	v3 =	vld [tilespmem:s0+$0xFFFFFF30]  }
0x28e: {  	v5 =	vld [tilespmem:s0+$0xFFFFFF50];
	v0 =	vmov s2  }
0x28f: {  	v1 =	vld [tilespmem:s0+$0xFFFFFF20];
	(erf) = vrcp.f32 v0  }
0x290: {  	v0 =	vld [tilespmem:s0+$0xFFFFFF80]  }
0x291: {  	v8 =	vld [tilespmem:s0+$0xFFFFFF70]  }
0x292: {  	v11 =	vld [tilespmem:s0+$0xFFFFFF10];
	v9 =	vmul.f32 v3, v3  }
0x293: {  	v4 =	vld [tilespmem:s0+$0xFFFFFF40]  }
0x294: {  	v3 =	vsub.f32 v3, v9;
	v9 =	vmul.f32 v5, v5  }
0x295: {  	v6 =	vld [tilespmem:s0+$0xFFFFFF60];
	v7 =	vmul.f32 v1, v1;
	v2 =	vmul.f32 v0, v0  }
0x296: {  	v13 =	vsub.f32 v5, v9;
	v5 =	vmul.f32 v8, v8  }
0x297: {  	v16 =	vmul.f32 v11, v11;
	v1 =	vsub.f32 v1, v7;
	v10 =	vsub.f32 v0, v2  }
0x298: {  	v7 =	vmul.f32 v4, v4;
	v14 =	vsub.f32 v8, v5;
	v5 =	vimm.f32 $0.0e+00;
	v0 =	vpop (erf)  }
0x299: {  	v8 =	vimm.f32 $0.0e+00;
	v2 =	vimm.f32 $0.0e+00;
	v17 =	vmul.f32 v10, v0  }
0x29a: {  	v12 =	vmul.f32 v1, v0;
	v1 =	vsub.f32 v4, v7;
	v4 =	vmul.f32 v6, v6  }
0x29b: {  	v10 =	vmul.f32 v3, v0;
	v3 =	vimm.f32 $0.0e+00;
	v7 =	vmul.f32 v17, v17  }
0x29c: {  	v15 =	vsub.f32 v6, v4;
	v9 =	vmul.f32 v1, v0;
	[tilespmem:s0+$0x0] =	vst v17;
	v6 =	vimm.f32 $0.0e+00  }
0x29d: {  	s1 =	simm.s32 $0x0;
	s2 =	simm.s32 $0x3670;
	[tilespmem:s0+$0xFFFFFFA0] =	vst v12;
	v4 =	vimm.f32 $0.0e+00;
	v1 =	vadd.f32 v7, v2;
	v7 =	vimm.f32 $0.0e+00  }
.LBB2_17:
0x29e: {  	v17 =	vld [tilespmem:s2+$0xFFFFFF80];
	s1 =	sadd.s32 $0x8, s1;
	v11 =	vsub.f32 v11, v16;
	[tilespmem:s0+$0xFFFFFFB0] =	vst v10;
	v13 =	vmul.f32 v13, v0;
	v15 =	vmul.f32 v15, v0  }
0x29f: {  	v12 =	vmul.f32 v12, v12;
	v16 =	vld [tilespmem:s2+$0xFFFFFF20];
	p0 =	slt.u32 s1, $0xF8;
	[tilespmem:s0+$0xFFFFFFC0] =	vst v9;
	v14 =	vmul.f32 v14, v0  }
0x2a0: {  	v10 =	vmul.f32 v10, v10;
	v18 =	vld [tilespmem:s2+$0xFFFFFF30];
	v11 =	vmul.f32 v11, v0;
	[tilespmem:s0+$0xFFFFFFD0] =	vst v13  }
0x2a1: {  	v9 =	vmul.f32 v9, v9;
	v2 =	vadd.f32 v12, v2;
	v12 =	vmul.f32 v13, v13;
	v19 =	vld [tilespmem:s2+$0xFFFFFF40];
	[tilespmem:s0+$0xFFFFFFE0] =	vst v15  }
0x2a2: {  	v7 =	vadd.f32 v10, v7;
	v10 =	vmul.f32 v15, v15;
	v13 =	vld [tilespmem:s2+$0xFFFFFF50];
	[tilespmem:s0+$0xFFFFFF90] =	vst v11;
	v11 =	vmul.f32 v11, v11  }
0x2a3: {  	v5 =	vadd.f32 v9, v5;
	v9 =	vmul.f32 v14, v14;
	v15 =	vld [tilespmem:s2+$0xFFFFFF60];
	v20 =	vmul.f32 v17, v17;
	[tilespmem:s0+$0xFFFFFFF0] =	vst v14;
	s0 =	smov.u32 s2  }
0x2a4: {  	v6 =	vadd.f32 v12, v6;
	v14 =	vmul.f32 v16, v16;
	v21 =	vld [tilespmem:s2+$0xFFFFFF70];
	v8 =	vadd.f32 v11, v8  }
0x2a5: {  	v4 =	vadd.f32 v10, v4;
	v11 =	vld [tilespmem:s2+$0xFFFFFF10];
	v12 =	vmul.f32 v18, v18;
	v17 =	vsub.f32 v17, v20  }
0x2a6: {  	v3 =	vadd.f32 v9, v3;
	v10 =	vsub.f32 v16, v14;
	v14 =	vmul.f32 v19, v19  }
.Ltmp7:
0x2a7: {  	v9 =	vsub.f32 v18, v12;
	v16 =	vmul.f32 v13, v13;
	v17 =	vmul.f32 v17, v0;
	(pc) =	sbr.rel @p0 .LBB2_17-.Ltmp7, $4  }
0x2a8: {  	v12 =	vmul.f32 v10, v0;
	v14 =	vsub.f32 v19, v14;
	v18 =	vmul.f32 v15, v15  }
0x2a9: {  	v13 =	vsub.f32 v13, v16;
	v19 =	vmul.f32 v21, v21;
	[tilespmem:s2+$0x0] =	vst v17;
	v17 =	vmul.f32 v17, v17  }
0x2aa: {  	v10 =	vmul.f32 v9, v0;
	v16 =	vmul.f32 v11, v11;
	[tilespmem:s2+$0xFFFFFFA0] =	vst v12;
	v15 =	vsub.f32 v15, v18  }
0x2ab: {  	v9 =	vmul.f32 v14, v0;
	s2 =	sadd.s32 $0x400, s2;
	v14 =	vsub.f32 v21, v19;
	v1 =	vadd.f32 v17, v1  }
0x2ac: {  	v11 =	vsub.f32 v11, v16;
	_ =	sdelay $0x1  }
0x2ad: {  	v11 =	vmul.f32 v11, v0;
	_ =	sdelay $0x1  }
0x2ae: {  	v12 =	vmul.f32 v12, v12;
	v16 =	vmul.f32 v11, v11;
	_ =	sdelay $0x1  }
0x2af: {  	v2 =	vadd.f32 v12, v2;
	v12 =	vmul.f32 v10, v10;
	v8 =	vadd.f32 v16, v8  }
0x2b0: {  	v13 =	vmul.f32 v13, v0  }
0x2b1: {  	v7 =	vadd.f32 v12, v7;
	v16 =	vmul.f32 v9, v9;
	v2 =	vadd.f32 v2, v8  }
0x2b2: {  	v12 =	vmul.f32 v13, v13  }
0x2b3: {  	v8 =	vmul.f32 v15, v0;
	v5 =	vadd.f32 v16, v5;
	v2 =	vadd.f32 v7, v2  }
0x2b4: {  	v6 =	vadd.f32 v12, v6  }
0x2b5: {  	v0 =	vmul.f32 v14, v0;
	v7 =	vmul.f32 v8, v8;
	v2 =	vadd.f32 v5, v2;
	_ =	sdelay $0x1  }
0x2b6: {  	v5 =	vmul.f32 v0, v0;
	v4 =	vadd.f32 v7, v4;
	v2 =	vadd.f32 v6, v2;
	_ =	sdelay $0x1  }
0x2b7: {  	v3 =	vadd.f32 v5, v3;
	v2 =	vadd.f32 v4, v2;
	_ =	sdelay $0x1  }
0x2b8: {  	v2 =	vadd.f32 v3, v2;
	_ =	sdelay $0x1  }
0x2b9: {  	v1 =	vadd.f32 v1, v2;
	_ =	sdelay $0x1  }
0x2ba: {  	(xrf2) =	vadd.scan.msk.f32 $0xffff, v1;
	_ =	sdelay $0x9  }
0x2bb: {  	v1, _, _ =	vpop (xrf2)  }
0x2bc: {  	(v2sf) =	vpush v1, $0xF;
	_ =	sdelay $0xa  }
0x2bd: {  	[tilespmem:s0+$0xFFFFFFB0] =	vst v10  }
0x2be: {  	[tilespmem:s0+$0xFFFFFFC0] =	vst v9  }
0x2bf: {  	[tilespmem:s0+$0xFFFFFFD0] =	vst v13  }
0x2c0: {  	[tilespmem:s0+$0xFFFFFF90] =	vst v11  }
0x2c1: {  	[tilespmem:s0+$0xFFFFFFE0] =	vst v8;
	s1 =	spop (v2sf)  }
0x2c2: {  	[tilespmem:s0+$0xFFFFFFF0] =	vst v0;
	s0 =	simm.s32 $0x32F0;
	s1 =	ssub.f32 $1.000000000e+00, s1  }
0x2c3: {  	v3 =	vld [tilespmem:s0+$0xFFFFFF30]  }
0x2c4: {  	v8 =	vld [tilespmem:s0+$0xFFFFFF70];
	v1 =	vmov s1  }
0x2c5: {  	v5 =	vld [tilespmem:s0+$0xFFFFFF50];
	(erf) = vrcp.f32 v1  }
0x2c6: {  	v0 =	vld [tilespmem:s0+$0xFFFFFF80]  }
0x2c7: {  	v1 =	vld [tilespmem:s0+$0xFFFFFF20]  }
0x2c8: {  	v11 =	vld [tilespmem:s0+$0xFFFFFF10];
	v9 =	vmul.f32 v3, v3  }
0x2c9: {  	v4 =	vld [tilespmem:s0+$0xFFFFFF40]  }
0x2ca: {  	v3 =	vsub.f32 v3, v9;
	v9 =	vmul.f32 v5, v5  }
0x2cb: {  	v6 =	vld [tilespmem:s0+$0xFFFFFF60];
	v2 =	vmul.f32 v0, v0  }
0x2cc: {  	v13 =	vsub.f32 v5, v9;
	v5 =	vmul.f32 v8, v8;
	v7 =	vmul.f32 v1, v1  }
0x2cd: {  	v16 =	vmul.f32 v11, v11;
	v10 =	vsub.f32 v0, v2;
	v2 =	vimm.f32 $0.0e+00  }
0x2ce: {  	v14 =	vsub.f32 v8, v5;
	v1 =	vsub.f32 v1, v7;
	v7 =	vmul.f32 v4, v4;
	v0 =	vpop (erf)  }
0x2cf: {  	v5 =	vimm.f32 $0.0e+00;
	v8 =	vimm.f32 $0.0e+00;
	v17 =	vmul.f32 v10, v0  }
0x2d0: {  	v12 =	vmul.f32 v1, v0;
	v1 =	vsub.f32 v4, v7;
	v4 =	vmul.f32 v6, v6  }
0x2d1: {  	v10 =	vmul.f32 v3, v0;
	v3 =	vimm.f32 $0.0e+00;
	v7 =	vmul.f32 v17, v17  }
0x2d2: {  	v15 =	vsub.f32 v6, v4;
	v9 =	vmul.f32 v1, v0;
	[tilespmem:s0+$0x0] =	vst v17;
	v6 =	vimm.f32 $0.0e+00  }
0x2d3: {  	s2 =	simm.s32 $0x36F0;
	s1 =	simm.s32 $0x0;
	[tilespmem:s0+$0xFFFFFFA0] =	vst v12;
	v4 =	vimm.f32 $0.0e+00;
	v1 =	vadd.f32 v7, v2;
	v7 =	vimm.f32 $0.0e+00  }
.LBB2_19:
0x2d4: {  	v17 =	vld [tilespmem:s2+$0xFFFFFF80];
	s1 =	sadd.s32 $0x8, s1;
	v11 =	vsub.f32 v11, v16;
	[tilespmem:s0+$0xFFFFFFB0] =	vst v10;
	v13 =	vmul.f32 v13, v0;
	v15 =	vmul.f32 v15, v0  }
0x2d5: {  	v12 =	vmul.f32 v12, v12;
	v16 =	vld [tilespmem:s2+$0xFFFFFF20];
	p0 =	slt.u32 s1, $0xF8;
	[tilespmem:s0+$0xFFFFFFC0] =	vst v9;
	v14 =	vmul.f32 v14, v0  }
0x2d6: {  	v10 =	vmul.f32 v10, v10;
	v18 =	vld [tilespmem:s2+$0xFFFFFF30];
	v11 =	vmul.f32 v11, v0;
	[tilespmem:s0+$0xFFFFFFD0] =	vst v13  }
0x2d7: {  	v9 =	vmul.f32 v9, v9;
	v2 =	vadd.f32 v12, v2;
	v12 =	vmul.f32 v13, v13;
	v19 =	vld [tilespmem:s2+$0xFFFFFF40];
	[tilespmem:s0+$0xFFFFFFE0] =	vst v15  }
0x2d8: {  	v7 =	vadd.f32 v10, v7;
	v10 =	vmul.f32 v15, v15;
	v13 =	vld [tilespmem:s2+$0xFFFFFF50];
	[tilespmem:s0+$0xFFFFFF90] =	vst v11;
	v11 =	vmul.f32 v11, v11  }
0x2d9: {  	v5 =	vadd.f32 v9, v5;
	v9 =	vmul.f32 v14, v14;
	v15 =	vld [tilespmem:s2+$0xFFFFFF60];
	v20 =	vmul.f32 v17, v17;
	[tilespmem:s0+$0xFFFFFFF0] =	vst v14;
	s0 =	smov.u32 s2  }
0x2da: {  	v6 =	vadd.f32 v12, v6;
	v14 =	vmul.f32 v16, v16;
	v21 =	vld [tilespmem:s2+$0xFFFFFF70];
	v8 =	vadd.f32 v11, v8  }
0x2db: {  	v4 =	vadd.f32 v10, v4;
	v11 =	vld [tilespmem:s2+$0xFFFFFF10];
	v12 =	vmul.f32 v18, v18;
	v17 =	vsub.f32 v17, v20  }
0x2dc: {  	v3 =	vadd.f32 v9, v3;
	v10 =	vsub.f32 v16, v14;
	v14 =	vmul.f32 v19, v19  }
.Ltmp8:
0x2dd: {  	v9 =	vsub.f32 v18, v12;
	v16 =	vmul.f32 v13, v13;
	v17 =	vmul.f32 v17, v0;
	(pc) =	sbr.rel @p0 .LBB2_19-.Ltmp8, $4  }
0x2de: {  	v12 =	vmul.f32 v10, v0;
	v14 =	vsub.f32 v19, v14;
	v18 =	vmul.f32 v15, v15  }
0x2df: {  	v13 =	vsub.f32 v13, v16;
	v19 =	vmul.f32 v21, v21;
	[tilespmem:s2+$0x0] =	vst v17;
	v17 =	vmul.f32 v17, v17  }
0x2e0: {  	v10 =	vmul.f32 v9, v0;
	v16 =	vmul.f32 v11, v11;
	[tilespmem:s2+$0xFFFFFFA0] =	vst v12;
	v15 =	vsub.f32 v15, v18  }
0x2e1: {  	v9 =	vmul.f32 v14, v0;
	s2 =	sadd.s32 $0x400, s2;
	v14 =	vsub.f32 v21, v19;
	v1 =	vadd.f32 v17, v1  }
0x2e2: {  	v11 =	vsub.f32 v11, v16;
	_ =	sdelay $0x1  }
0x2e3: {  	v11 =	vmul.f32 v11, v0;
	_ =	sdelay $0x1  }
0x2e4: {  	v12 =	vmul.f32 v12, v12;
	v16 =	vmul.f32 v11, v11;
	_ =	sdelay $0x1  }
0x2e5: {  	v2 =	vadd.f32 v12, v2;
	v12 =	vmul.f32 v10, v10;
	v8 =	vadd.f32 v16, v8  }
0x2e6: {  	v13 =	vmul.f32 v13, v0  }
0x2e7: {  	v7 =	vadd.f32 v12, v7;
	v16 =	vmul.f32 v9, v9;
	v2 =	vadd.f32 v2, v8  }
0x2e8: {  	v12 =	vmul.f32 v13, v13  }
0x2e9: {  	v8 =	vmul.f32 v15, v0;
	v5 =	vadd.f32 v16, v5;
	v2 =	vadd.f32 v7, v2  }
0x2ea: {  	v6 =	vadd.f32 v12, v6  }
0x2eb: {  	v0 =	vmul.f32 v14, v0;
	v7 =	vmul.f32 v8, v8;
	v2 =	vadd.f32 v5, v2;
	_ =	sdelay $0x1  }
0x2ec: {  	v5 =	vmul.f32 v0, v0;
	v4 =	vadd.f32 v7, v4;
	v2 =	vadd.f32 v6, v2;
	_ =	sdelay $0x1  }
0x2ed: {  	v3 =	vadd.f32 v5, v3;
	v2 =	vadd.f32 v4, v2;
	_ =	sdelay $0x1  }
0x2ee: {  	v2 =	vadd.f32 v3, v2;
	_ =	sdelay $0x1  }
0x2ef: {  	v1 =	vadd.f32 v1, v2;
	_ =	sdelay $0x1  }
0x2f0: {  	(xrf2) =	vadd.scan.msk.f32 $0xffff, v1;
	_ =	sdelay $0x9  }
0x2f1: {  	v1, _, _ =	vpop (xrf2)  }
0x2f2: {  	(v2sf) =	vpush v1, $0xF;
	_ =	sdelay $0xa  }
0x2f3: {  	[tilespmem:s0+$0xFFFFFFB0] =	vst v10  }
0x2f4: {  	[tilespmem:s0+$0xFFFFFFC0] =	vst v9  }
0x2f5: {  	[tilespmem:s0+$0xFFFFFFD0] =	vst v13  }
0x2f6: {  	[tilespmem:s0+$0xFFFFFF90] =	vst v11  }
0x2f7: {  	[tilespmem:s0+$0xFFFFFFE0] =	vst v8;
	s1 =	spop (v2sf)  }
0x2f8: {  	[tilespmem:s0+$0xFFFFFFF0] =	vst v0;
	s0 =	simm.s32 $0x3370;
	s1 =	ssub.f32 $1.000000000e+00, s1  }
0x2f9: {  	v3 =	vld [tilespmem:s0+$0xFFFFFF30]  }
0x2fa: {  	v8 =	vld [tilespmem:s0+$0xFFFFFF70];
	v1 =	vmov s1  }
0x2fb: {  	v5 =	vld [tilespmem:s0+$0xFFFFFF50];
	(erf) = vrcp.f32 v1  }
0x2fc: {  	v0 =	vld [tilespmem:s0+$0xFFFFFF80]  }
0x2fd: {  	v1 =	vld [tilespmem:s0+$0xFFFFFF20]  }
0x2fe: {  	v11 =	vld [tilespmem:s0+$0xFFFFFF10];
	v9 =	vmul.f32 v3, v3  }
0x2ff: {  	v4 =	vld [tilespmem:s0+$0xFFFFFF40]  }
0x300: {  	v3 =	vsub.f32 v3, v9;
	v9 =	vmul.f32 v5, v5  }
0x301: {  	v6 =	vld [tilespmem:s0+$0xFFFFFF60];
	v2 =	vmul.f32 v0, v0  }
0x302: {  	v13 =	vsub.f32 v5, v9;
	v5 =	vmul.f32 v8, v8;
	v7 =	vmul.f32 v1, v1  }
0x303: {  	v16 =	vmul.f32 v11, v11;
	v10 =	vsub.f32 v0, v2;
	v2 =	vimm.f32 $0.0e+00  }
0x304: {  	v14 =	vsub.f32 v8, v5;
	v1 =	vsub.f32 v1, v7;
	v7 =	vmul.f32 v4, v4;
	v0 =	vpop (erf)  }
0x305: {  	v5 =	vimm.f32 $0.0e+00;
	v8 =	vimm.f32 $0.0e+00;
	v17 =	vmul.f32 v10, v0  }
0x306: {  	v12 =	vmul.f32 v1, v0;
	v1 =	vsub.f32 v4, v7;
	v4 =	vmul.f32 v6, v6  }
0x307: {  	v10 =	vmul.f32 v3, v0;
	v3 =	vimm.f32 $0.0e+00;
	v7 =	vmul.f32 v17, v17  }
0x308: {  	v15 =	vsub.f32 v6, v4;
	v9 =	vmul.f32 v1, v0;
	[tilespmem:s0+$0x0] =	vst v17;
	v6 =	vimm.f32 $0.0e+00  }
0x309: {  	s2 =	simm.s32 $0x3770;
	s1 =	simm.s32 $0x0;
	[tilespmem:s0+$0xFFFFFFA0] =	vst v12;
	v4 =	vimm.f32 $0.0e+00;
	v1 =	vadd.f32 v7, v2;
	v7 =	vimm.f32 $0.0e+00  }
.LBB2_21:
0x30a: {  	v17 =	vld [tilespmem:s2+$0xFFFFFF80];
	s1 =	sadd.s32 $0x8, s1;
	v11 =	vsub.f32 v11, v16;
	[tilespmem:s0+$0xFFFFFFB0] =	vst v10;
	v13 =	vmul.f32 v13, v0;
	v15 =	vmul.f32 v15, v0  }
0x30b: {  	v12 =	vmul.f32 v12, v12;
	v16 =	vld [tilespmem:s2+$0xFFFFFF20];
	p0 =	slt.u32 s1, $0xF8;
	[tilespmem:s0+$0xFFFFFFC0] =	vst v9;
	v14 =	vmul.f32 v14, v0  }
0x30c: {  	v10 =	vmul.f32 v10, v10;
	v18 =	vld [tilespmem:s2+$0xFFFFFF30];
	v11 =	vmul.f32 v11, v0;
	[tilespmem:s0+$0xFFFFFFD0] =	vst v13  }
0x30d: {  	v9 =	vmul.f32 v9, v9;
	v2 =	vadd.f32 v12, v2;
	v12 =	vmul.f32 v13, v13;
	v19 =	vld [tilespmem:s2+$0xFFFFFF40];
	[tilespmem:s0+$0xFFFFFFE0] =	vst v15  }
0x30e: {  	v7 =	vadd.f32 v10, v7;
	v10 =	vmul.f32 v15, v15;
	v13 =	vld [tilespmem:s2+$0xFFFFFF50];
	[tilespmem:s0+$0xFFFFFF90] =	vst v11;
	v11 =	vmul.f32 v11, v11  }
0x30f: {  	v5 =	vadd.f32 v9, v5;
	v9 =	vmul.f32 v14, v14;
	v15 =	vld [tilespmem:s2+$0xFFFFFF60];
	v20 =	vmul.f32 v17, v17;
	[tilespmem:s0+$0xFFFFFFF0] =	vst v14;
	s0 =	smov.u32 s2  }
0x310: {  	v6 =	vadd.f32 v12, v6;
	v14 =	vmul.f32 v16, v16;
	v21 =	vld [tilespmem:s2+$0xFFFFFF70];
	v8 =	vadd.f32 v11, v8  }
0x311: {  	v4 =	vadd.f32 v10, v4;
	v11 =	vld [tilespmem:s2+$0xFFFFFF10];
	v12 =	vmul.f32 v18, v18;
	v17 =	vsub.f32 v17, v20  }
0x312: {  	v3 =	vadd.f32 v9, v3;
	v10 =	vsub.f32 v16, v14;
	v14 =	vmul.f32 v19, v19  }
.Ltmp9:
0x313: {  	v9 =	vsub.f32 v18, v12;
	v16 =	vmul.f32 v13, v13;
	v17 =	vmul.f32 v17, v0;
	(pc) =	sbr.rel @p0 .LBB2_21-.Ltmp9, $4  }
0x314: {  	v12 =	vmul.f32 v10, v0;
	v14 =	vsub.f32 v19, v14;
	v18 =	vmul.f32 v15, v15  }
0x315: {  	v13 =	vsub.f32 v13, v16;
	v19 =	vmul.f32 v21, v21;
	[tilespmem:s2+$0x0] =	vst v17;
	v17 =	vmul.f32 v17, v17  }
0x316: {  	v10 =	vmul.f32 v9, v0;
	v16 =	vmul.f32 v11, v11;
	[tilespmem:s2+$0xFFFFFFA0] =	vst v12;
	v15 =	vsub.f32 v15, v18  }
0x317: {  	v9 =	vmul.f32 v14, v0;
	s2 =	sadd.s32 $0x400, s2;
	v14 =	vsub.f32 v21, v19;
	v1 =	vadd.f32 v17, v1  }
0x318: {  	v11 =	vsub.f32 v11, v16;
	_ =	sdelay $0x1  }
0x319: {  	v11 =	vmul.f32 v11, v0;
	_ =	sdelay $0x1  }
0x31a: {  	v12 =	vmul.f32 v12, v12;
	v54 =	vmul.f32 v11, v11;
	_ =	sdelay $0x1  }
0x31b: {  	v55 =	vmul.f32 v10, v10;
	v2 =	vadd.f32 v12, v2;
	v8 =	vadd.f32 v54, v8  }
0x31c: {  	v13 =	vmul.f32 v13, v0  }
0x31d: {  	v56 =	vmul.f32 v9, v9;
	v7 =	vadd.f32 v55, v7;
	v2 =	vadd.f32 v2, v8  }
0x31e: {  	v57 =	vmul.f32 v13, v13  }
0x31f: {  	v5 =	vadd.f32 v56, v5;
	v8 =	vmul.f32 v15, v0;
	v2 =	vadd.f32 v7, v2  }
0x320: {  	v6 =	vadd.f32 v57, v6  }
0x321: {  	v0 =	vmul.f32 v14, v0;
	v7 =	vmul.f32 v8, v8;
	v2 =	vadd.f32 v5, v2;
	_ =	sdelay $0x1  }
0x322: {  	v5 =	vmul.f32 v0, v0;
	v4 =	vadd.f32 v7, v4;
	v2 =	vadd.f32 v6, v2;
	_ =	sdelay $0x1  }
0x323: {  	v3 =	vadd.f32 v5, v3;
	v2 =	vadd.f32 v4, v2;
	_ =	sdelay $0x1  }
0x324: {  	v2 =	vadd.f32 v3, v2;
	_ =	sdelay $0x1  }
0x325: {  	v1 =	vadd.f32 v1, v2;
	_ =	sdelay $0x1  }
0x326: {  	(xrf2) =	vadd.scan.msk.f32 $0xffff, v1;
	_ =	sdelay $0x9  }
0x327: {  	v1, _, _ =	vpop (xrf2)  }
0x328: {  	(v2sf) =	vpush v1, $0xF;
	_ =	sdelay $0xd  }
0x329: {  	[tilespmem:s0+$0xFFFFFFB0] =	vst v10  }
0x32a: {  	[tilespmem:s0+$0xFFFFFFC0] =	vst v9;
	s1 =	spop (v2sf)  }
0x32b: {  	[tilespmem:s0+$0xFFFFFFD0] =	vst v13;
	s1 =	ssub.f32 $1.000000000e+00, s1  }
0x32c: {  	[tilespmem:s0+$0xFFFFFF90] =	vst v11  }
0x32d: {  	[tilespmem:s0+$0xFFFFFFE0] =	vst v8;
	v1 =	vmov s1  }
0x32e: {  	[tilespmem:s0+$0xFFFFFFF0] =	vst v0;
	s1 =	simm.s32 $0x33F0;
	(erf) = vrcp.f32 v1  }
0x32f: {  	v0 =	vld [tilespmem:s1+$0xFFFFFF80]  }
0x330: {  	v1 =	vld [tilespmem:s1+$0xFFFFFF20]  }
0x331: {  	v2 =	vld [tilespmem:s1+$0xFFFFFF30]  }
0x332: {  	v3 =	vld [tilespmem:s1+$0xFFFFFF40]  }
0x333: {  	v4 =	vld [tilespmem:s1+$0xFFFFFF50]  }
0x334: {  	v5 =	vld [tilespmem:s1+$0xFFFFFF60];
	v6 =	vmul.f32 v0, v0  }
0x335: {  	v8 =	vld [tilespmem:s1+$0xFFFFFF70];
	v7 =	vmul.f32 v1, v1  }
0x336: {  	v10 =	vld [tilespmem:s1+$0xFFFFFF10];
	v9 =	vmul.f32 v2, v2;
	v6 =	vsub.f32 v0, v6  }
0x337: {  	s0 =	simm.s32 $0x37F0;
	v1 =	vsub.f32 v1, v7;
	v7 =	vmul.f32 v3, v3;
	v0 =	vpop (erf)  }
0x338: {  	v11 =	vld [tilespmem:s0+$0xFFFFFF80];
	v2 =	vsub.f32 v2, v9;
	v9 =	vmul.f32 v4, v4;
	v6 =	vmul.f32 v6, v0  }
0x339: {  	v58 =	vld [tilespmem:s0+$0xFFFFFF20];
	v60 =	vmul.f32 v5, v5;
	v7 =	vsub.f32 v3, v7;
	v59 =	vmul.f32 v1, v0  }
0x33a: {  	v3 =	vld [tilespmem:s0+$0xFFFFFF30];
	v4 =	vsub.f32 v4, v9;
	v9 =	vmul.f32 v8, v8;
	v2 =	vmul.f32 v2, v0;
	[tilespmem:s1+$0x0] =	vst v6  }
0x33b: {  	v61 =	vmul.f32 v10, v10;
	v1 =	vld [tilespmem:s0+$0xFFFFFF40];
	[tilespmem:s1+$0xFFFFFFA0] =	vst v59;
	v6 =	vmul.f32 v7, v0;
	v7 =	vsub.f32 v5, v60  }
0x33c: {  	v4 =	vmul.f32 v4, v0;
	v8 =	vsub.f32 v8, v9;
	[tilespmem:s1+$0xFFFFFFB0] =	vst v2;
	v5 =	vld [tilespmem:s0+$0xFFFFFF50]  }
0x33d: {  	v13 =	vsub.f32 v10, v61;
	v9 =	vmul.f32 v11, v11;
	v2 =	vld [tilespmem:s0+$0xFFFFFF60];
	[tilespmem:s1+$0xFFFFFFC0] =	vst v6;
	v6 =	vmul.f32 v7, v0  }
0x33e: {  	v62 =	vmul.f32 v58, v58;
	[tilespmem:s1+$0xFFFFFFD0] =	vst v4;
	v63 =	vmul.f32 v8, v0;
	v4 =	vld [tilespmem:s0+$0xFFFFFF70]  }
0x33f: {  	v10 =	vmul.f32 v3, v3;
	v7 =	vsub.f32 v11, v9;
	v11 =	vmul.f32 v13, v0;
	[tilespmem:s1+$0xFFFFFFE0] =	vst v6;
	v6 =	vld [tilespmem:s0+$0xFFFFFF10]  }
0x340: {  	s2 =	simm.s32 $0x8;
	s4 =	simm.s32 $0x3BF0;
	v8 =	vsub.f32 v58, v62;
	v9 =	vmul.f32 v1, v1;
	[tilespmem:s1+$0xFFFFFFF0] =	vst v63  }
.LBB2_23:
0x341: {  	v12 =	vld [tilespmem:s4+$0xFFFFFF80];
	s2 =	sadd.s32 $0x8, s2;
	v10 =	vsub.f32 v3, v10;
	v13 =	vmul.f32 v5, v5;
	v7 =	vmul.f32 v7, v0;
	[tilespmem:s1+$0xFFFFFF90] =	vst v11;
	s1 =	smov.u32 s0;
	s0 =	smov.u32 s4  }
0x342: {  	v14 =	vld [tilespmem:s4+$0xFFFFFF20];
	p0 =	slt.u32 s2, $0xF8;
	v8 =	vmul.f32 v8, v0;
	v9 =	vsub.f32 v1, v9;
	v11 =	vmul.f32 v2, v2  }
0x343: {  	v3 =	vld [tilespmem:s4+$0xFFFFFF30];
	v10 =	vmul.f32 v10, v0;
	v13 =	vsub.f32 v5, v13;
	v15 =	vmul.f32 v4, v4;
	[tilespmem:s1+$0x0] =	vst v7  }
0x344: {  	v1 =	vld [tilespmem:s4+$0xFFFFFF40];
	v7 =	vmul.f32 v6, v6;
	[tilespmem:s1+$0xFFFFFFA0] =	vst v8;
	v8 =	vmul.f32 v9, v0;
	v9 =	vsub.f32 v2, v11  }
.Ltmp10:
0x345: {  	v5 =	vld [tilespmem:s4+$0xFFFFFF50];
	[tilespmem:s1+$0xFFFFFFB0] =	vst v10;
	v10 =	vmul.f32 v13, v0;
	v11 =	vsub.f32 v4, v15;
	(pc) =	sbr.rel @p0 .LBB2_23-.Ltmp10, $4  }
0x346: {  	v2 =	vld [tilespmem:s4+$0xFFFFFF60];
	v13 =	vmul.f32 v12, v12;
	v15 =	vsub.f32 v6, v7;
	[tilespmem:s1+$0xFFFFFFC0] =	vst v8;
	v8 =	vmul.f32 v9, v0  }
0x347: {  	v9 =	vmul.f32 v14, v14;
	v4 =	vld [tilespmem:s4+$0xFFFFFF70];
	[tilespmem:s1+$0xFFFFFFD0] =	vst v10;
	v16 =	vmul.f32 v11, v0  }
0x348: {  	v6 =	vld [tilespmem:s4+$0xFFFFFF10];
	v10 =	vmul.f32 v3, v3;
	v7 =	vsub.f32 v12, v13;
	v11 =	vmul.f32 v15, v0;
	[tilespmem:s1+$0xFFFFFFE0] =	vst v8  }
0x349: {  	s4 =	sadd.s32 $0x400, s4;
	v8 =	vsub.f32 v14, v9;
	v9 =	vmul.f32 v1, v1;
	[tilespmem:s1+$0xFFFFFFF0] =	vst v16  }
0x34a: {  	v3 =	vsub.f32 v3, v10;
	v55 =	vmul.f32 v5, v5;
	v7 =	vmul.f32 v7, v0  }
0x34b: {  	[tilespmem:s1+$0xFFFFFF90] =	vst v11;
	v8 =	vmul.f32 v8, v0;
	v1 =	vsub.f32 v1, v9;
	v56 =	vmul.f32 v2, v2  }
0x34c: {  	v3 =	vmul.f32 v3, v0;
	v5 =	vsub.f32 v5, v55;
	v57 =	vmul.f32 v4, v4;
	[tilespmem:s0+$0x0] =	vst v7  }
0x34d: {  	[tilespmem:s0+$0xFFFFFFA0] =	vst v8;
	v1 =	vmul.f32 v1, v0;
	v2 =	vsub.f32 v2, v56  }
0x34e: {  	[tilespmem:s0+$0xFFFFFFB0] =	vst v3;
	v59 =	vmul.f32 v5, v0;
	v4 =	vsub.f32 v4, v57  }
0x34f: {  	v58 =	vmul.f32 v6, v6;
	[tilespmem:s0+$0xFFFFFFC0] =	vst v1;
	v61 =	vmul.f32 v2, v0  }
0x350: {  	[tilespmem:s0+$0xFFFFFFD0] =	vst v59;
	v62 =	vmul.f32 v4, v0  }
0x351: {  	v60 =	vsub.f32 v6, v58;
	[tilespmem:s0+$0xFFFFFFE0] =	vst v61  }
0x352: {  	[tilespmem:s0+$0xFFFFFFF0] =	vst v62  }
0x353: {  	v63 =	vmul.f32 v60, v0;
	s1 =	rddreg [dreg:$0x8]  }
0x354: {  	s2 =	simm.s32 $0x3200;
	s1 =	sadd.s32 s22, s1  }
0x355: {  	s4 =	simm.s32 $0x3600;
	[tilespmem:s0+$0xFFFFFF90] =	vst v63;
	s0 =	simm.s32 $0x80;
	s5 =	sadd.s32 $0x0, s1  }
.LBB2_25:
0x356: {  	[hbm4b:s5+s3] =	stream.linear.scatter [tilespmem:s2], [sflag:$0x2], $0x200, $0x38;
	[tilespmem:$0xB000] =	vst v63  }
0x357: {  	s5 =	smov.u32 s0;
	s2 =	smov.u32 s4;
	p0 =	sne.s32 s0, $0xF80  }
.Ltmp11:
0x358: {  	s0 =	sadd.s32 $0x80, s0;
	(pc) =	sbr.rel @p0 .LBB2_25-.Ltmp11, $2  }
0x359: {  	_ =	sdelay $0x2  }
0x35a: {  	s4 =	sadd.s32 $0x400, s4;
	s5 =	sadd.s32 s5, s1  }
0x35b: {  	[hbm4b:s5+s3] =	stream.linear.scatter [tilespmem:s2], [sflag:$0x2], $0x200, $0x38;
	[tilespmem:$0xB000] =	vst v63  }
0x35c: {  	s0 =	rddreg [dreg:$0xc]  }
0x35d: {  	s1 =	rddreg [dreg:$0x4];
	s4 =	simm.s32 $0x1;
	s0 =	smin.u32 s0, $0xD  }
0x35e: {  	s28 =	simm.s32 $0x80;
	_ =	swait.ge [sflag:s4], $0x1000;
	s0 =	sadd.s32 $0x2, s0  }
0x35f: {  	[sflag:s4] =	ssyncset.done $0x0;
	s1 =	sadd.s32 s0, s1;
	s0 =	sshll.u32 s0, $0x4  }
0x360: {  	s26 =	rddreg [dreg:$0x0];
	s1 =	sshll.u32 s1, $0x9;
	s0 =	sand.u32 $0x30, s0  }
0x361: {  	s29 =	simm.s32 $0x200;
	s1 =	sand.u32 $0x7F800, s1;
	s0 =	sadd.s32 s26, s0  }
0x362: {  	s30 =	simm.s32 $0x1040;
	[sflag:s4] =	ssyncadd.s32 $0xFFFFF000;
	s0 =	sadd.s32 s1, s0  }
0x363: {  	[tilespmem:s3], [sflag:$0x1] =	stream.strided.gather [hbm4b:s0+s28], $0x1000, s29, s28, $0x38;
	[tilespmem:$0xB000] =	vst v63  }
0x364: {  	v0 =	vld [tilespmem:s30+$0x30]  }
0x365: {  	v1 =	vld [tilespmem:s30+$0xFFFFFFD0]  }
0x366: {  	v3 =	vld [tilespmem:s30+$0xFFFFFFE0]  }
0x367: {  	v6 =	vld [tilespmem:s30+$0xFFFFFFF0]  }
0x368: {  	v7 =	vld [tilespmem:s30+$0x0]  }
0x369: {  	v2 =	vimm.f32 $0.0e+00;
	v4 =	vimm.f32 $0.0e+00;
	v5 =	vld [tilespmem:s30+$0x10]  }
0x36a: {  	v8 =	vimm.f32 $0.0e+00;
	v9 =	vimm.f32 $0.0e+00;
	v11 =	vimm.f32 $0.0e+00;
	v10 =	vld [tilespmem:s30+$0x20]  }
0x36b: {  	s1 =	simm.s32 $0x10C0;
	s0 =	simm.s32 $0x0;
	v12 =	vld [tilespmem:s30+$0xFFFFFFC0];
	v0 =	vmax.f32 v2, v0;
	v1 =	vmax.f32 v2, v1;
	v3 =	vmax.f32 v2, v3  }
.LBB2_27:
0x36c: {  	v13 =	vld [tilespmem:s1+$0x30];
	s0 =	sadd.s32 $0x8, s0;
	v2 =	vmax.f32 v2, v6  }
0x36d: {  	v14 =	vld [tilespmem:s1+$0xFFFFFFD0];
	p0 =	slt.u32 s0, $0xF8;
	v4 =	vmax.f32 v4, v7  }
0x36e: {  	v15 =	vld [tilespmem:s1+$0xFFFFFFE0];
	v8 =	vmax.f32 v8, v5  }
.Ltmp12:
0x36f: {  	v6 =	vld [tilespmem:s1+$0xFFFFFFF0];
	v9 =	vmax.f32 v9, v10;
	(pc) =	sbr.rel @p0 .LBB2_27-.Ltmp12, $4  }
0x370: {  	v7 =	vld [tilespmem:s1+$0x0];
	v11 =	vmax.f32 v11, v12  }
0x371: {  	v5 =	vld [tilespmem:s1+$0x10];
	v0 =	vmax.f32 v0, v13  }
0x372: {  	v1 =	vmax.f32 v1, v14;
	v10 =	vld [tilespmem:s1+$0x20]  }
0x373: {  	v12 =	vld [tilespmem:s1+$0xFFFFFFC0];
	v3 =	vmax.f32 v3, v15;
	s1 =	sadd.s32 $0x80, s1  }
0x374: {  	_ =	sdelay $0x1  }
0x375: {  	v2 =	vmax.f32 v2, v6  }
0x376: {  	v4 =	vmax.f32 v4, v7;
	v2 =	vmax.f32 v3, v2  }
0x377: {  	v5 =	vmax.f32 v8, v5;
	v7 =	vmax.f32 v9, v10;
	v6 =	vmax.f32 v11, v12  }
0x378: {  	v3 =	vmax.f32 v4, v5;
	v0 =	vmax.f32 v7, v0;
	v1 =	vmax.f32 v6, v1  }
0x379: {  	v0 =	vmax.f32 v3, v0;
	v1 =	vmax.f32 v1, v2  }
0x37a: {  	v0 =	vmax.f32 v1, v0  }
0x37b: {  	(xrf0) =	vmax.scan.msk.f32 $0xffff, v0;
	_ =	sdelay $0x2  }
0x37c: {  	s10 =	simm.s32 $0x1040  }
0x37d: {  	v1 =	vld [tilespmem:s10+$0xFFFFFFC0];
	_ =	sdelay $0x1  }
0x37e: {  	v0, _, _ =	vpop (xrf0)  }
0x37f: {  	v0 =	vbroadcast v0, $0xF;
	_ =	sdelay $0x1  }
0x380: {  	v1 =	vsub.f32 v1, v0;
	_ =	sdelay $0x1  }
0x381: {  	v1 =	vmul.f32 $1.442695020e+00, v1;
	_ =	sdelay $0x1  }
0x382: {  	(erf) = vpow2.f32 v1;
	_ =	sdelay $0x2  }
0x383: {  	s13 =	simm.s32 $0x10C0  }
0x384: {  	v1 =	vld [tilespmem:s13+$0xFFFFFFC0];
	_ =	sdelay $0x4  }
0x385: {  	s21 =	simm.s32 $0x2040;
	v1 =	vsub.f32 v1, v0;
	v2 =	vpop (erf)  }
0x386: {  	[tilespmem:s21+$0xFFFFFFC0] =	vst v2  }
0x387: {  	v1 =	vmul.f32 $1.442695020e+00, v1;
	v3 =	vld [tilespmem:s10+$0xFFFFFFD0];
	_ =	sdelay $0x1  }
0x388: {  	(erf) = vpow2.f32 v1;
	_ =	sdelay $0x2  }
0x389: {  	s5 =	simm.s32 $0x1140;
	v3 =	vsub.f32 v3, v0  }
0x38a: {  	v1 =	vld [tilespmem:s5+$0xFFFFFFC0]  }
0x38b: {  	v3 =	vmul.f32 $1.442695020e+00, v3;
	_ =	sdelay $0x1  }
0x38c: {  	(erf) = vpow2.f32 v3;
	_ =	sdelay $0x1  }
0x38d: {  	s22 =	simm.s32 $0x20C0;
	v1 =	vsub.f32 v1, v0;
	v3 =	vpop (erf)  }
0x38e: {  	[tilespmem:s22+$0xFFFFFFC0] =	vst v3  }
0x38f: {  	v1 =	vmul.f32 $1.442695020e+00, v1;
	v4 =	vld [tilespmem:s13+$0xFFFFFFD0];
	_ =	sdelay $0x1  }
0x390: {  	(erf) = vpow2.f32 v1  }
0x391: {  	s6 =	simm.s32 $0x11C0  }
0x392: {  	v1 =	vld [tilespmem:s6+$0xFFFFFFC0]  }
0x393: {  	v5 =	vsub.f32 v4, v0;
	v4 =	vpop (erf)  }
0x394: {  	[tilespmem:s21+$0xFFFFFFD0] =	vst v4  }
0x395: {  	v5 =	vmul.f32 $1.442695020e+00, v5;
	v6 =	vld [tilespmem:s10+$0xFFFFFFE0];
	_ =	sdelay $0x1  }
0x396: {  	v1 =	vsub.f32 v1, v0;
	(erf) = vpow2.f32 v5;
	_ =	sdelay $0x1  }
0x397: {  	s23 =	simm.s32 $0x2140;
	v1 =	vmul.f32 $1.442695020e+00, v1;
	v5 =	vpop (erf)  }
0x398: {  	[tilespmem:s23+$0xFFFFFFC0] =	vst v5;
	v6 =	vsub.f32 v6, v0  }
0x399: {  	(erf) = vpow2.f32 v1;
	v7 =	vld [tilespmem:s5+$0xFFFFFFD0]  }
0x39a: {  	v1 =	vmul.f32 $1.442695020e+00, v6  }
0x39b: {  	s15 =	simm.s32 $0x1240  }
0x39c: {  	v8 =	vld [tilespmem:s15+$0xFFFFFFC0];
	(erf) = vpow2.f32 v1;
	_ =	sdelay $0x1  }
0x39d: {  	v7 =	vsub.f32 v7, v0;
	v6 =	vpop (erf)  }
0x39e: {  	[tilespmem:s22+$0xFFFFFFD0] =	vst v6  }
0x39f: {  	v1 =	vmul.f32 $1.442695020e+00, v7;
	v9 =	vld [tilespmem:s13+$0xFFFFFFE0]  }
0x3a0: {  	v8 =	vsub.f32 v8, v0  }
0x3a1: {  	s24 =	simm.s32 $0x21C0;
	(erf) = vpow2.f32 v1;
	v7 =	vpop (erf)  }
0x3a2: {  	v1 =	vmul.f32 $1.442695020e+00, v8;
	[tilespmem:s24+$0xFFFFFFC0] =	vst v7  }
0x3a3: {  	v10 =	vld [tilespmem:s6+$0xFFFFFFD0]  }
0x3a4: {  	s17 =	simm.s32 $0x12C0;
	(erf) = vpow2.f32 v1;
	v1 =	vsub.f32 v9, v0;
	v8 =	vpop (erf)  }
0x3a5: {  	v9 =	vld [tilespmem:s17+$0xFFFFFFC0];
	[tilespmem:s21+$0xFFFFFFE0] =	vst v8  }
0x3a6: {  	v1 =	vmul.f32 $1.442695020e+00, v1;
	v11 =	vld [tilespmem:s10+$0xFFFFFFF0];
	_ =	sdelay $0x1  }
0x3a7: {  	(erf) = vpow2.f32 v1;
	v1 =	vsub.f32 v10, v0;
	_ =	sdelay $0x1  }
0x3a8: {  	v10 =	vpop (erf);
	v1 =	vmul.f32 $1.442695020e+00, v1  }
0x3a9: {  	v12 =	vsub.f32 v9, v0;
	[tilespmem:s23+$0xFFFFFFD0] =	vst v10;
	v11 =	vsub.f32 v11, v0  }
0x3aa: {  	v13 =	vld [tilespmem:s5+$0xFFFFFFE0];
	(erf) = vpow2.f32 v1  }
0x3ab: {  	s25 =	simm.s32 $0x2240;
	v9 =	vpop (erf);
	v1 =	vmul.f32 $1.442695020e+00, v12;
	v11 =	vmul.f32 $1.442695020e+00, v11  }
0x3ac: {  	[tilespmem:s25+$0xFFFFFFC0] =	vst v9  }
0x3ad: {  	v12 =	vld [tilespmem:s15+$0xFFFFFFD0];
	(erf) = vpow2.f32 v1  }
0x3ae: {  	s7 =	simm.s32 $0x1340  }
0x3af: {  	v14 =	vld [tilespmem:s7+$0xFFFFFFC0];
	(erf) = vpow2.f32 v11;
	v1 =	vsub.f32 v13, v0;
	v11 =	vpop (erf)  }
0x3b0: {  	[tilespmem:s22+$0xFFFFFFE0] =	vst v11  }
0x3b1: {  	v1 =	vmul.f32 $1.442695020e+00, v1;
	v15 =	vld [tilespmem:s13+$0xFFFFFFF0]  }
0x3b2: {  	v12 =	vsub.f32 v12, v0  }
0x3b3: {  	(erf) = vpow2.f32 v1  }
0x3b4: {  	v13 =	vpop (erf);
	v1 =	vmul.f32 $1.442695020e+00, v12;
	v12 =	vsub.f32 v14, v0  }
0x3b5: {  	[tilespmem:s24+$0xFFFFFFD0] =	vst v13  }
0x3b6: {  	s26 =	simm.s32 $0x22C0;
	(erf) = vpow2.f32 v1;
	v1 =	vld [tilespmem:s6+$0xFFFFFFE0];
	v14 =	vpop (erf);
	v15 =	vsub.f32 v15, v0  }
0x3b7: {  	[tilespmem:s26+$0xFFFFFFC0] =	vst v14  }
0x3b8: {  	v16 =	vmul.f32 $1.442695020e+00, v12;
	v12 =	vpop (erf);
	v17 =	vld [tilespmem:s17+$0xFFFFFFD0];
	v15 =	vmul.f32 $1.442695020e+00, v15  }
0x3b9: {  	[tilespmem:s21+$0xFFFFFFF0] =	vst v12  }
0x3ba: {  	(erf) = vpow2.f32 v16;
	v16 =	vld [tilespmem:s10+$0x0]  }
0x3bb: {  	s4 =	simm.s32 $0x13C0;
	v1 =	vsub.f32 v1, v0  }
0x3bc: {  	v18 =	vld [tilespmem:s4+$0xFFFFFFC0];
	(erf) = vpow2.f32 v15;
	v15 =	vpop (erf)  }
0x3bd: {  	v1 =	vmul.f32 $1.442695020e+00, v1;
	v17 =	vsub.f32 v17, v0;
	[tilespmem:s23+$0xFFFFFFE0] =	vst v15  }
0x3be: {  	v19 =	vld [tilespmem:s5+$0xFFFFFFF0]  }
0x3bf: {  	v16 =	vsub.f32 v16, v0;
	v20 =	vpop (erf);
	(erf) = vpow2.f32 v1;
	v1 =	vmul.f32 $1.442695020e+00, v17  }
0x3c0: {  	[tilespmem:s25+$0xFFFFFFD0] =	vst v20  }
0x3c1: {  	v17 =	vsub.f32 v18, v0;
	v16 =	vmul.f32 $1.442695020e+00, v16;
	(erf) = vpow2.f32 v1;
	v1 =	vld [tilespmem:s15+$0xFFFFFFE0];
	_ =	sdelay $0x1  }
0x3c2: {  	s28 =	simm.s32 $0x2340;
	v18 =	vpop (erf);
	(erf) = vpow2.f32 v16;
	v19 =	vsub.f32 v19, v0  }
0x3c3: {  	[tilespmem:s28+$0xFFFFFFC0] =	vst v18;
	v16 =	vmul.f32 $1.442695020e+00, v17  }
0x3c4: {  	v21 =	vld [tilespmem:s7+$0xFFFFFFD0];
	v17 =	vpop (erf);
	v19 =	vmul.f32 $1.442695020e+00, v19  }
0x3c5: {  	[tilespmem:s22+$0xFFFFFFF0] =	vst v17;
	(erf) = vpow2.f32 v16;
	v1 =	vsub.f32 v1, v0  }
0x3c6: {  	v16 =	vld [tilespmem:s13+$0x0]  }
0x3c7: {  	(erf) = vpow2.f32 v19;
	v1 =	vmul.f32 $1.442695020e+00, v1  }
0x3c8: {  	s11 =	simm.s32 $0x1440;
	v19 =	vpop (erf)  }
0x3c9: {  	v22 =	vld [tilespmem:s11+$0xFFFFFFC0];
	v21 =	vsub.f32 v21, v0;
	[tilespmem:s24+$0xFFFFFFE0] =	vst v19;
	v24 =	vpop (erf);
	(erf) = vpow2.f32 v1  }
0x3ca: {  	v23 =	vld [tilespmem:s6+$0xFFFFFFF0]  }
0x3cb: {  	v1 =	vsub.f32 v16, v0;
	v16 =	vmul.f32 $1.442695020e+00, v21;
	v56 =	vpop (erf);
	[tilespmem:s26+$0xFFFFFFD0] =	vst v24  }
0x3cc: {  	v25 =	vld [tilespmem:s17+$0xFFFFFFE0];
	[tilespmem:s21+$0x0] =	vst v56  }
0x3cd: {  	v1 =	vmul.f32 $1.442695020e+00, v1;
	(erf) = vpow2.f32 v16;
	v16 =	vld [tilespmem:s10+$0x10]  }
0x3ce: {  	s29 =	simm.s32 $0x23C0;
	v22 =	vsub.f32 v22, v0;
	v26 =	vpop (erf)  }
0x3cf: {  	(erf) = vpow2.f32 v1;
	[tilespmem:s29+$0xFFFFFFC0] =	vst v26;
	v1 =	vsub.f32 v23, v0  }
0x3d0: {  	v22 =	vmul.f32 $1.442695020e+00, v22;
	v27 =	vld [tilespmem:s4+$0xFFFFFFD0];
	v57 =	vpop (erf)  }
0x3d1: {  	[tilespmem:s23+$0xFFFFFFF0] =	vst v57;
	v1 =	vmul.f32 $1.442695020e+00, v1  }
0x3d2: {  	s1 =	simm.s32 $0x14C0;
	(erf) = vpow2.f32 v22;
	v25 =	vsub.f32 v25, v0;
	v28 =	vld [tilespmem:s5+$0x0];
	v16 =	vsub.f32 v16, v0;
	v58 =	vpop (erf)  }
0x3d3: {  	v29 =	vld [tilespmem:s1+$0xFFFFFFC0];
	(erf) = vpow2.f32 v1;
	v1 =	vimm.f32 $0.0e+00;
	[tilespmem:s25+$0xFFFFFFE0] =	vst v58  }
0x3d4: {  	v25 =	vmul.f32 $1.442695020e+00, v25;
	v16 =	vmul.f32 $1.442695020e+00, v16;
	v2 =	vadd.f32 v2, v1;
	v30 =	vld [tilespmem:s15+$0xFFFFFFF0]  }
0x3d5: {  	v27 =	vsub.f32 v27, v0  }
0x3d6: {  	(erf) = vpow2.f32 v25;
	v4 =	vadd.f32 v4, v1;
	v2 =	vadd.f32 v3, v2  }
0x3d7: {  	v59 =	vpop (erf);
	(erf) = vpow2.f32 v16;
	v28 =	vsub.f32 v28, v0  }
0x3d8: {  	[tilespmem:s28+$0xFFFFFFD0] =	vst v59;
	v3 =	vmul.f32 $1.442695020e+00, v27;
	v4 =	vadd.f32 v6, v4;
	v16 =	vpop (erf);
	v2 =	vadd.f32 v5, v2  }
0x3d9: {  	v61 =	vld [tilespmem:s7+$0xFFFFFFE0];
	[tilespmem:s22+$0x0] =	vst v16;
	v5 =	vsub.f32 v29, v0;
	v6 =	vsub.f32 v30, v0  }
0x3da: {  	v60 =	vmul.f32 $1.442695020e+00, v28;
	(erf) = vpow2.f32 v3;
	v3 =	vld [tilespmem:s13+$0x10]  }
0x3db: {  	s30 =	simm.s32 $0x2440;
	v62 =	vpop (erf);
	v5 =	vmul.f32 $1.442695020e+00, v5;
	v6 =	vmul.f32 $1.442695020e+00, v6  }
0x3dc: {  	[tilespmem:s30+$0xFFFFFFC0] =	vst v62;
	(erf) = vpow2.f32 v60  }
0x3dd: {  	v8 =	vadd.f32 v8, v1;
	v2 =	vadd.f32 v7, v2;
	v7 =	vpop (erf);
	(erf) = vpow2.f32 v5;
	v5 =	vld [tilespmem:s11+$0xFFFFFFD0]  }
0x3de: {  	v4 =	vadd.f32 v10, v4;
	v10 =	vsub.f32 v61, v0;
	[tilespmem:s24+$0xFFFFFFF0] =	vst v7  }
0x3df: {  	v2 =	vadd.f32 v9, v2;
	(erf) = vpow2.f32 v6;
	v9 =	vld [tilespmem:s6+$0x0];
	v3 =	vsub.f32 v3, v0;
	v6 =	vpop (erf)  }
0x3e0: {  	s8 =	simm.s32 $0x1540;
	v4 =	vadd.f32 v13, v4;
	v10 =	vmul.f32 $1.442695020e+00, v10;
	v13 =	vpop (erf)  }
0x3e1: {  	v12 =	vadd.f32 v12, v1;
	v8 =	vadd.f32 v11, v8;
	v11 =	vld [tilespmem:s8+$0xFFFFFFC0];
	v3 =	vmul.f32 $1.442695020e+00, v3;
	[tilespmem:s21+$0x10] =	vst v13  }
0x3e2: {  	[tilespmem:s26+$0xFFFFFFE0] =	vst v6;
	(erf) = vpow2.f32 v10;
	v5 =	vsub.f32 v5, v0;
	v10 =	vld [tilespmem:s10+$0x20]  }
0x3e3: {  	v12 =	vadd.f32 v17, v12;
	v2 =	vadd.f32 v14, v2;
	v14 =	vld [tilespmem:s17+$0xFFFFFFF0]  }
0x3e4: {  	v8 =	vadd.f32 v15, v8;
	v9 =	vsub.f32 v9, v0;
	v5 =	vmul.f32 $1.442695020e+00, v5  }
0x3e5: {  	v12 =	vadd.f32 v57, v12;
	(erf) = vpow2.f32 v3;
	v3 =	vpop (erf)  }
0x3e6: {  	v8 =	vadd.f32 v19, v8;
	v11 =	vsub.f32 v11, v0;
	[tilespmem:s29+$0xFFFFFFD0] =	vst v3;
	v9 =	vmul.f32 $1.442695020e+00, v9  }
0x3e7: {  	v4 =	vadd.f32 v20, v4;
	v15 =	vpop (erf);
	v17 =	vld [tilespmem:s4+$0xFFFFFFE0];
	v10 =	vsub.f32 v10, v0  }
0x3e8: {  	s0 =	simm.s32 $0x24C0;
	v11 =	vmul.f32 $1.442695020e+00, v11;
	(erf) = vpow2.f32 v5;
	[tilespmem:s23+$0x0] =	vst v15;
	v14 =	vsub.f32 v14, v0;
	v5 =	vpop (erf)  }
0x3e9: {  	v2 =	vadd.f32 v18, v2;
	v18 =	vld [tilespmem:s5+$0x10];
	(erf) = vpow2.f32 v9;
	[tilespmem:s0+$0xFFFFFFC0] =	vst v5;
	v10 =	vmul.f32 $1.442695020e+00, v10  }
0x3ea: {  	v19 =	vadd.f32 v56, v1;
	v14 =	vmul.f32 $1.442695020e+00, v14;
	(erf) = vpow2.f32 v11;
	v9 =	vpop (erf);
	v11 =	vld [tilespmem:s1+$0xFFFFFFD0]  }
0x3eb: {  	v8 =	vadd.f32 v58, v8;
	v4 =	vadd.f32 v24, v4;
	[tilespmem:s25+$0xFFFFFFF0] =	vst v9  }
0x3ec: {  	v16 =	vadd.f32 v16, v19;
	(erf) = vpow2.f32 v14;
	v14 =	vld [tilespmem:s15+$0x0];
	v17 =	vsub.f32 v17, v0  }
0x3ed: {  	s9 =	simm.s32 $0x15C0;
	v7 =	vadd.f32 v7, v12;
	v4 =	vadd.f32 v59, v4;
	(erf) = vpow2.f32 v10;
	v10 =	vpop (erf)  }
0x3ee: {  	v19 =	vld [tilespmem:s9+$0xFFFFFFC0];
	v2 =	vadd.f32 v26, v2;
	v18 =	vsub.f32 v18, v0;
	v17 =	vmul.f32 $1.442695020e+00, v17;
	[tilespmem:s28+$0xFFFFFFE0] =	vst v10  }
0x3ef: {  	v6 =	vadd.f32 v6, v8;
	v20 =	vpop (erf);
	v11 =	vsub.f32 v11, v0;
	v63 =	vld [tilespmem:s7+$0xFFFFFFF0]  }
0x3f0: {  	v2 =	vadd.f32 v62, v2;
	v18 =	vmul.f32 $1.442695020e+00, v18;
	[tilespmem:s22+$0x10] =	vst v20;
	(erf) = vpow2.f32 v17  }
0x3f1: {  	v12 =	vld [tilespmem:s13+$0x20];
	v8 =	vsub.f32 v14, v0;
	v14 =	vadd.f32 v15, v16;
	v15 =	vpop (erf);
	v11 =	vmul.f32 $1.442695020e+00, v11  }
0x3f2: {  	v3 =	vadd.f32 v3, v4;
	v2 =	vadd.f32 v5, v2;
	[tilespmem:s30+$0xFFFFFFD0] =	vst v15  }
0x3f3: {  	(erf) = vpow2.f32 v18;
	v16 =	vsub.f32 v19, v0;
	v4 =	vpop (erf);
	v8 =	vmul.f32 $1.442695020e+00, v8;
	v5 =	vld [tilespmem:s11+$0xFFFFFFE0]  }
0x3f4: {  	v13 =	vadd.f32 v13, v1;
	(erf) = vpow2.f32 v11;
	[tilespmem:s24+$0x0] =	vst v4;
	v17 =	vsub.f32 v63, v0  }
0x3f5: {  	s2 =	simm.s32 $0x2540;
	v7 =	vadd.f32 v9, v7;
	v16 =	vmul.f32 $1.442695020e+00, v16;
	v11 =	vpop (erf);
	(erf) = vpow2.f32 v8;
	v8 =	vld [tilespmem:s6+$0x10]  }
0x3f6: {  	v6 =	vadd.f32 v10, v6;
	[tilespmem:s2+$0xFFFFFFC0] =	vst v11;
	v18 =	vpop (erf);
	v12 =	vsub.f32 v12, v0  }
0x3f7: {  	v13 =	vadd.f32 v20, v13;
	(erf) = vpow2.f32 v16;
	v11 =	vadd.f32 v11, v2;
	v9 =	vld [tilespmem:s8+$0xFFFFFFD0];
	[tilespmem:s26+$0xFFFFFFF0] =	vst v18  }
0x3f8: {  	s12 =	simm.s32 $0x1640;
	v10 =	vmul.f32 $1.442695020e+00, v17;
	v16 =	vld [tilespmem:s17+$0x0];
	v12 =	vmul.f32 $1.442695020e+00, v12;
	v2 =	vsub.f32 v5, v0;
	v17 =	vpop (erf)  }
0x3f9: {  	v4 =	vadd.f32 v4, v14;
	v14 =	vadd.f32 v15, v3;
	v5 =	vld [tilespmem:s12+$0xFFFFFFC0];
	[tilespmem:s21+$0x20] =	vst v17;
	v3 =	vpop (erf)  }
0x3fa: {  	(erf) = vpow2.f32 v10;
	v8 =	vsub.f32 v8, v0;
	v15 =	vmul.f32 $1.442695020e+00, v2;
	v10 =	vld [tilespmem:s10+$0x30];
	[tilespmem:s29+$0xFFFFFFE0] =	vst v3  }
0x3fb: {  	v7 =	vadd.f32 v18, v7;
	(erf) = vpow2.f32 v12;
	v18 =	vadd.f32 v17, v1;
	v17 =	vld [tilespmem:s4+$0xFFFFFFF0]  }
0x3fc: {  	v2 =	vadd.f32 v3, v6;
	v12 =	vpop (erf);
	v9 =	vsub.f32 v9, v0;
	v6 =	vmul.f32 $1.442695020e+00, v8  }
0x3fd: {  	(erf) = vpow2.f32 v15;
	[tilespmem:s23+$0x10] =	vst v12;
	v3 =	vadd.f32 v12, v13;
	v12 =	vpop (erf);
	v13 =	vsub.f32 v16, v0  }
0x3fe: {  	v8 =	vld [tilespmem:s5+$0x20];
	v9 =	vmul.f32 $1.442695020e+00, v9;
	v15 =	vpop (erf);
	(erf) = vpow2.f32 v6  }
0x3ff: {  	v13 =	vmul.f32 $1.442695020e+00, v13;
	v6 =	vsub.f32 v10, v0;
	v10 =	vsub.f32 v5, v0  }
0x400: {  	[tilespmem:s0+$0xFFFFFFD0] =	vst v12;
	v5 =	vadd.f32 v12, v14;
	v12 =	vsub.f32 v17, v0  }
0x401: {  	v16 =	vld [tilespmem:s1+$0xFFFFFFE0];
	[tilespmem:s25+$0x0] =	vst v15;
	(erf) = vpow2.f32 v9;
	v6 =	vmul.f32 $1.442695020e+00, v6  }
0x402: {  	s10 =	simm.s32 $0x25C0;
	v4 =	vadd.f32 v15, v4;
	v15 =	vpop (erf);
	v9 =	vld [tilespmem:s15+$0x10];
	(erf) = vpow2.f32 v13  }
0x403: {  	[tilespmem:s10+$0xFFFFFFC0] =	vst v15;
	v10 =	vmul.f32 $1.442695020e+00, v10;
	v13 =	vpop (erf);
	v8 =	vsub.f32 v8, v0;
	(erf) = vpow2.f32 v6  }
0x404: {  	v6 =	vadd.f32 v15, v11;
	v15 =	vld [tilespmem:s9+$0xFFFFFFD0];
	v11 =	vmul.f32 $1.442695020e+00, v12;
	[tilespmem:s28+$0xFFFFFFF0] =	vst v13;
	v12 =	vpop (erf)  }
0x405: {  	v7 =	vadd.f32 v13, v7;
	(erf) = vpow2.f32 v10;
	v10 =	vld [tilespmem:s7+$0x0];
	v17 =	vmul.f32 $1.442695020e+00, v8;
	[tilespmem:s22+$0x20] =	vst v12  }
0x406: {  	s14 =	simm.s32 $0x60;
	s16 =	simm.s32 $0x16C0;
	v8 =	vadd.f32 v12, v18;
	v18 =	vsub.f32 v16, v0;
	(erf) = vpow2.f32 v11;
	v16 =	vld [tilespmem:s13+$0x30];
	s13 =	simm.s32 $0x25C0  }
.LBB2_29:
0x407: {  	v11 =	vld [tilespmem:s16+$0xFFFFFFC0];
	v12 =	vpop (erf);
	v9 =	vsub.f32 v9, v0;
	(erf) = vpow2.f32 v17;
	s19 =	smov.u32 s5;
	s5 =	smov.u32 s6;
	s6 =	smov.u32 s15  }
0x408: {  	s15 =	smov.u32 s17;
	s17 =	smov.u32 s7;
	s7 =	smov.u32 s4;
	v13 =	vmul.f32 $1.442695020e+00, v18;
	[tilespmem:s30+$0xFFFFFFE0] =	vst v12;
	v2 =	vadd.f32 v12, v2;
	v12 =	vpop (erf)  }
0x409: {  	s4 =	smov.u32 s11;
	v14 =	vsub.f32 v15, v0;
	v15 =	vld [tilespmem:s11+$0xFFFFFFF0];
	v9 =	vmul.f32 $1.442695020e+00, v9;
	[tilespmem:s24+$0x10] =	vst v12;
	v3 =	vadd.f32 v12, v3;
	s11 =	smov.u32 s1;
	s1 =	smov.u32 s8  }
0x40a: {  	s14 =	sadd.s32 $0x8, s14;
	s8 =	smov.u32 s9;
	s9 =	smov.u32 s12;
	v12 =	vpop (erf);
	(erf) = vpow2.f32 v13;
	v10 =	vsub.f32 v10, v0;
	v13 =	vld [tilespmem:s5+$0x20]  }
0x40b: {  	p0 =	slt.u32 s14, $0xF8;
	s12 =	smov.u32 s16;
	v14 =	vmul.f32 $1.442695020e+00, v14;
	v17 =	vpop (erf);
	(erf) = vpow2.f32 v9;
	v9 =	vsub.f32 v16, v0  }
0x40c: {  	v19 =	vsub.f32 v11, v0;
	[tilespmem:s2+$0xFFFFFFD0] =	vst v12;
	v10 =	vmul.f32 $1.442695020e+00, v10;
	v4 =	vadd.f32 v17, v4;
	v16 =	vpop (erf)  }
0x40d: {  	(erf) = vpow2.f32 v14;
	v14 =	vld [tilespmem:s1+$0xFFFFFFE0];
	[tilespmem:s26+$0x0] =	vst v17;
	v17 =	vmul.f32 $1.442695020e+00, v9;
	v1 =	vadd.f32 v16, v1  }
.Ltmp13:
0x40e: {  	s10 =	sadd.s32 $0x80, s10;
	v5 =	vadd.f32 v12, v5;
	v18 =	vpop (erf);
	v12 =	vsub.f32 v15, v0;
	(erf) = vpow2.f32 v10;
	v9 =	vld [tilespmem:s15+$0x10];
	[tilespmem:s21+$0x30] =	vst v16;
	s21 =	smov.u32 s22;
	(pc) =	sbr.rel @p0 .LBB2_29-.Ltmp13, $4  }
0x40f: {  	v10 =	vmul.f32 $1.442695020e+00, v19;
	s22 =	smov.u32 s23;
	s23 =	smov.u32 s24;
	s24 =	smov.u32 s25;
	[tilespmem:s10+$0xFFFFFFC0] =	vst v18;
	v11 =	vpop (erf);
	v13 =	vsub.f32 v13, v0;
	(erf) = vpow2.f32 v17  }
0x410: {  	s25 =	smov.u32 s26;
	s26 =	smov.u32 s28;
	s28 =	smov.u32 s29;
	v6 =	vadd.f32 v18, v6;
	v15 =	vld [tilespmem:s9+$0xFFFFFFD0];
	v12 =	vmul.f32 $1.442695020e+00, v12;
	[tilespmem:s29+$0xFFFFFFF0] =	vst v11;
	v7 =	vadd.f32 v11, v7;
	v11 =	vpop (erf)  }
0x411: {  	s29 =	smov.u32 s30;
	s30 =	smov.u32 s0;
	s0 =	smov.u32 s2;
	(erf) = vpow2.f32 v10;
	v10 =	vld [tilespmem:s7+$0x0];
	v17 =	vmul.f32 $1.442695020e+00, v13;
	[tilespmem:s22+$0x20] =	vst v11;
	v8 =	vadd.f32 v11, v8  }
0x412: {  	s16 =	sadd.s32 $0x80, s16;
	s2 =	smov.u32 s13;
	s13 =	smov.u32 s10;
	v18 =	vsub.f32 v14, v0;
	(erf) = vpow2.f32 v12;
	v16 =	vld [tilespmem:s19+$0x30]  }
0x413: {  	_ =	sdelay $0x1  }
0x414: {  	v13 =	vpop (erf)  }
0x415: {  	v12 =	vpop (erf)  }
0x416: {  	[tilespmem:s30+$0xFFFFFFE0] =	vst v13;
	v11 =	vpop (erf)  }
0x417: {  	v19 =	vld [tilespmem:s11+$0xFFFFFFF0];
	[tilespmem:s24+$0x10] =	vst v12;
	v14 =	vpop (erf)  }
0x418: {  	v20 =	vsub.f32 v9, v0;
	v21 =	vld [tilespmem:s6+$0x20];
	[tilespmem:s2+$0xFFFFFFD0] =	vst v11;
	v9 =	vpop (erf)  }
0x419: {  	s10 =	sadd.s32 $0x80, s10;
	v18 =	vmul.f32 $1.442695020e+00, v18;
	v22 =	vsub.f32 v15, v0;
	v23 =	vld [tilespmem:s8+$0xFFFFFFE0];
	[tilespmem:s26+$0x0] =	vst v14;
	v15 =	vpop (erf)  }
0x41a: {  	(erf) = vpow2.f32 v17;
	v17 =	vmul.f32 $1.442695020e+00, v20;
	v10 =	vsub.f32 v10, v0;
	v35 =	vld [tilespmem:s17+$0x10];
	[tilespmem:s10+$0xFFFFFFC0] =	vst v15  }
0x41b: {  	(erf) = vpow2.f32 v18;
	v18 =	vmul.f32 $1.442695020e+00, v22;
	v16 =	vsub.f32 v16, v0;
	v36 =	vld [tilespmem:s12+$0xFFFFFFD0]  }
0x41c: {  	(erf) = vpow2.f32 v17;
	v10 =	vmul.f32 $1.442695020e+00, v10;
	v17 =	vsub.f32 v19, v0  }
0x41d: {  	(erf) = vpow2.f32 v18;
	v16 =	vmul.f32 $1.442695020e+00, v16;
	v18 =	vsub.f32 v21, v0  }
0x41e: {  	(erf) = vpow2.f32 v10;
	v10 =	vmul.f32 $1.442695020e+00, v17;
	v17 =	vsub.f32 v23, v0  }
0x41f: {  	(erf) = vpow2.f32 v16;
	v16 =	vmul.f32 $1.442695020e+00, v18;
	v18 =	vsub.f32 v35, v0  }
0x420: {  	(erf) = vpow2.f32 v10;
	v10 =	vmul.f32 $1.442695020e+00, v17;
	v19 =	vsub.f32 v36, v0  }
0x421: {  	(erf) = vpow2.f32 v16;
	v16 =	vmul.f32 $1.442695020e+00, v18  }
0x422: {  	v17 =	vpop (erf);
	(erf) = vpow2.f32 v10;
	v10 =	vmul.f32 $1.442695020e+00, v19  }
0x423: {  	v18 =	vpop (erf);
	(erf) = vpow2.f32 v16  }
0x424: {  	[tilespmem:s29+$0xFFFFFFF0] =	vst v17;
	v19 =	vpop (erf);
	(erf) = vpow2.f32 v10  }
0x425: {  	v16 =	vld [tilespmem:s4+$0x0];
	[tilespmem:s23+$0x20] =	vst v18;
	v21 =	vpop (erf)  }
0x426: {  	v37 =	vld [tilespmem:s5+$0x30];
	[tilespmem:s0+$0xFFFFFFE0] =	vst v19;
	v22 =	vpop (erf)  }
0x427: {  	v27 =	vld [tilespmem:s1+$0xFFFFFFF0];
	[tilespmem:s25+$0x10] =	vst v21;
	v23 =	vpop (erf)  }
0x428: {  	v28 =	vld [tilespmem:s15+$0x20];
	[tilespmem:s13+$0xFFFFFFD0] =	vst v22;
	v10 =	vpop (erf)  }
0x429: {  	v29 =	vld [tilespmem:s9+$0xFFFFFFE0];
	[tilespmem:s28+$0x0] =	vst v23;
	v24 =	vpop (erf)  }
0x42a: {  	v16 =	vsub.f32 v16, v0;
	v30 =	vld [tilespmem:s7+$0x10];
	[tilespmem:s30+$0xFFFFFFF0] =	vst v24;
	v25 =	vpop (erf)  }
0x42b: {  	v20 =	vsub.f32 v37, v0;
	v31 =	vld [tilespmem:s11+$0x0];
	[tilespmem:s24+$0x20] =	vst v25;
	v26 =	vpop (erf)  }
0x42c: {  	v16 =	vmul.f32 $1.442695020e+00, v16;
	v32 =	vsub.f32 v27, v0;
	v33 =	vld [tilespmem:s6+$0x30];
	[tilespmem:s2+$0xFFFFFFE0] =	vst v26;
	v27 =	vpop (erf)  }
0x42d: {  	v20 =	vmul.f32 $1.442695020e+00, v20;
	v34 =	vsub.f32 v28, v0;
	v35 =	vld [tilespmem:s8+$0xFFFFFFF0];
	[tilespmem:s26+$0x10] =	vst v27;
	v28 =	vpop (erf)  }
0x42e: {  	(erf) = vpow2.f32 v16;
	v16 =	vmul.f32 $1.442695020e+00, v32;
	v29 =	vsub.f32 v29, v0;
	v38 =	vld [tilespmem:s17+$0x20];
	[tilespmem:s10+$0xFFFFFFD0] =	vst v28  }
0x42f: {  	(erf) = vpow2.f32 v20;
	v39 =	vmul.f32 $1.442695020e+00, v34;
	v30 =	vsub.f32 v30, v0;
	v40 =	vld [tilespmem:s12+$0xFFFFFFE0]  }
0x430: {  	(erf) = vpow2.f32 v16;
	v16 =	vmul.f32 $1.442695020e+00, v29;
	v41 =	vsub.f32 v31, v0  }
0x431: {  	(erf) = vpow2.f32 v39;
	v42 =	vmul.f32 $1.442695020e+00, v30;
	v43 =	vsub.f32 v33, v0  }
0x432: {  	(erf) = vpow2.f32 v16;
	v16 =	vmul.f32 $1.442695020e+00, v41;
	v44 =	vsub.f32 v35, v0  }
0x433: {  	(erf) = vpow2.f32 v42;
	v45 =	vmul.f32 $1.442695020e+00, v43;
	v46 =	vsub.f32 v38, v0  }
0x434: {  	(erf) = vpow2.f32 v16;
	v16 =	vmul.f32 $1.442695020e+00, v44;
	v47 =	vsub.f32 v40, v0  }
0x435: {  	(erf) = vpow2.f32 v45;
	v48 =	vmul.f32 $1.442695020e+00, v46  }
0x436: {  	(erf) = vpow2.f32 v16;
	v29 =	vmul.f32 $1.442695020e+00, v47  }
0x437: {  	v30 =	vpop (erf);
	(erf) = vpow2.f32 v48  }
0x438: {  	v16 =	vpop (erf);
	(erf) = vpow2.f32 v29  }
0x439: {  	v31 =	vpop (erf)  }
0x43a: {  	[tilespmem:s29+$0x0] =	vst v30;
	v33 =	vpop (erf)  }
0x43b: {  	v49 =	vld [tilespmem:s4+$0x10];
	[tilespmem:s0+$0xFFFFFFF0] =	vst v31;
	v34 =	vpop (erf)  }
0x43c: {  	v50 =	vld [tilespmem:s1+$0x0];
	[tilespmem:s25+$0x20] =	vst v33;
	v35 =	vpop (erf)  }
0x43d: {  	v40 =	vld [tilespmem:s15+$0x30];
	[tilespmem:s13+$0xFFFFFFE0] =	vst v34;
	v36 =	vpop (erf)  }
0x43e: {  	v41 =	vld [tilespmem:s9+$0xFFFFFFF0];
	[tilespmem:s28+$0x10] =	vst v35;
	v20 =	vpop (erf)  }
0x43f: {  	v42 =	vld [tilespmem:s7+$0x20];
	[tilespmem:s30+$0x0] =	vst v36;
	v37 =	vpop (erf)  }
0x440: {  	v29 =	vsub.f32 v49, v0;
	v43 =	vld [tilespmem:s11+$0x10];
	[tilespmem:s2+$0xFFFFFFF0] =	vst v37;
	v38 =	vpop (erf)  }
0x441: {  	v32 =	vsub.f32 v50, v0;
	v44 =	vld [tilespmem:s8+$0x0];
	[tilespmem:s26+$0x20] =	vst v38;
	v39 =	vpop (erf)  }
0x442: {  	v29 =	vmul.f32 $1.442695020e+00, v29;
	v40 =	vsub.f32 v40, v0;
	v45 =	vld [tilespmem:s17+$0x30];
	[tilespmem:s10+$0xFFFFFFE0] =	vst v39  }
0x443: {  	v32 =	vmul.f32 $1.442695020e+00, v32;
	v41 =	vsub.f32 v41, v0;
	v46 =	vld [tilespmem:s12+$0xFFFFFFF0]  }
0x444: {  	(erf) = vpow2.f32 v29;
	v51 =	vmul.f32 $1.442695020e+00, v40;
	v52 =	vsub.f32 v42, v0  }
0x445: {  	(erf) = vpow2.f32 v32;
	v53 =	vmul.f32 $1.442695020e+00, v41;
	v54 =	vsub.f32 v43, v0  }
0x446: {  	(erf) = vpow2.f32 v51;
	v55 =	vmul.f32 $1.442695020e+00, v52;
	v56 =	vsub.f32 v44, v0  }
0x447: {  	(erf) = vpow2.f32 v53;
	v57 =	vmul.f32 $1.442695020e+00, v54;
	v58 =	vsub.f32 v45, v0  }
0x448: {  	(erf) = vpow2.f32 v55;
	v59 =	vmul.f32 $1.442695020e+00, v56;
	v60 =	vsub.f32 v46, v0  }
0x449: {  	(erf) = vpow2.f32 v57;
	v61 =	vmul.f32 $1.442695020e+00, v58  }
0x44a: {  	(erf) = vpow2.f32 v59;
	v62 =	vmul.f32 $1.442695020e+00, v60  }
0x44b: {  	(erf) = vpow2.f32 v61  }
0x44c: {  	(erf) = vpow2.f32 v62  }
0x44d: {  	v42 =	vpop (erf)  }
0x44e: {  	v41 =	vpop (erf)  }
0x44f: {  	v29 =	vpop (erf)  }
0x450: {  	[tilespmem:s29+$0x10] =	vst v42;
	v43 =	vpop (erf)  }
0x451: {  	v63 =	vld [tilespmem:s4+$0x20];
	[tilespmem:s0+$0x0] =	vst v41;
	v44 =	vpop (erf)  }
0x452: {  	v48 =	vld [tilespmem:s1+$0x10];
	[tilespmem:s13+$0xFFFFFFF0] =	vst v43;
	v45 =	vpop (erf)  }
0x453: {  	v49 =	vld [tilespmem:s9+$0x0];
	[tilespmem:s28+$0x20] =	vst v44;
	v46 =	vpop (erf)  }
0x454: {  	v50 =	vld [tilespmem:s7+$0x30];
	[tilespmem:s30+$0x10] =	vst v45;
	v32 =	vpop (erf)  }
0x455: {  	v51 =	vld [tilespmem:s11+$0x20];
	[tilespmem:s2+$0x0] =	vst v46;
	v47 =	vpop (erf)  }
0x456: {  	v40 =	vsub.f32 v63, v0;
	v52 =	vld [tilespmem:s8+$0x10];
	[tilespmem:s10+$0xFFFFFFF0] =	vst v47  }
0x457: {  	v48 =	vsub.f32 v48, v0;
	v53 =	vld [tilespmem:s12+$0x0]  }
0x458: {  	v40 =	vmul.f32 $1.442695020e+00, v40;
	v49 =	vsub.f32 v49, v0  }
0x459: {  	v48 =	vmul.f32 $1.442695020e+00, v48;
	v50 =	vsub.f32 v50, v0  }
0x45a: {  	(erf) = vpow2.f32 v40;
	v54 =	vmul.f32 $1.442695020e+00, v49;
	v55 =	vsub.f32 v51, v0  }
0x45b: {  	(erf) = vpow2.f32 v48;
	v56 =	vmul.f32 $1.442695020e+00, v50;
	v57 =	vsub.f32 v52, v0  }
0x45c: {  	(erf) = vpow2.f32 v54;
	v58 =	vmul.f32 $1.442695020e+00, v55;
	v59 =	vsub.f32 v53, v0  }
0x45d: {  	(erf) = vpow2.f32 v56;
	v60 =	vmul.f32 $1.442695020e+00, v57  }
0x45e: {  	(erf) = vpow2.f32 v58;
	v61 =	vmul.f32 $1.442695020e+00, v59  }
0x45f: {  	(erf) = vpow2.f32 v60  }
0x460: {  	(erf) = vpow2.f32 v61;
	_ =	sdelay $0x2  }
0x461: {  	v48 =	vpop (erf)  }
0x462: {  	v49 =	vpop (erf)  }
0x463: {  	[tilespmem:s29+$0x20] =	vst v48;
	v50 =	vpop (erf)  }
0x464: {  	v62 =	vld [tilespmem:s4+$0x30];
	[tilespmem:s0+$0x10] =	vst v49;
	v40 =	vpop (erf)  }
0x465: {  	v63 =	vld [tilespmem:s1+$0x20];
	[tilespmem:s13+$0x0] =	vst v50;
	v53 =	vpop (erf)  }
0x466: {  	v54 =	vld [tilespmem:s9+$0x10];
	[tilespmem:s30+$0x20] =	vst v53;
	v55 =	vpop (erf)  }
0x467: {  	v56 =	vld [tilespmem:s11+$0x30];
	[tilespmem:s2+$0x10] =	vst v55;
	v57 =	vpop (erf)  }
0x468: {  	v58 =	vld [tilespmem:s8+$0x20];
	[tilespmem:s10+$0x0] =	vst v57  }
0x469: {  	v51 =	vsub.f32 v62, v0;
	v59 =	vld [tilespmem:s12+$0x10]  }
0x46a: {  	v52 =	vsub.f32 v63, v0  }
0x46b: {  	v51 =	vmul.f32 $1.442695020e+00, v51;
	v54 =	vsub.f32 v54, v0  }
0x46c: {  	v52 =	vmul.f32 $1.442695020e+00, v52;
	v56 =	vsub.f32 v56, v0  }
0x46d: {  	(erf) = vpow2.f32 v51;
	v60 =	vmul.f32 $1.442695020e+00, v54;
	v61 =	vsub.f32 v58, v0  }
0x46e: {  	(erf) = vpow2.f32 v52;
	v62 =	vmul.f32 $1.442695020e+00, v56;
	v63 =	vsub.f32 v59, v0  }
0x46f: {  	(erf) = vpow2.f32 v60;
	v58 =	vmul.f32 $1.442695020e+00, v61  }
0x470: {  	(erf) = vpow2.f32 v62;
	v59 =	vmul.f32 $1.442695020e+00, v63  }
0x471: {  	(erf) = vpow2.f32 v58  }
0x472: {  	(erf) = vpow2.f32 v59;
	_ =	sdelay $0x3  }
0x473: {  	v51 =	vpop (erf)  }
0x474: {  	v52 =	vpop (erf)  }
0x475: {  	v54 =	vpop (erf)  }
0x476: {  	[tilespmem:s0+$0x20] =	vst v52;
	v56 =	vpop (erf)  }
0x477: {  	v58 =	vld [tilespmem:s1+$0x30];
	[tilespmem:s13+$0x10] =	vst v54;
	v59 =	vpop (erf)  }
0x478: {  	v60 =	vld [tilespmem:s9+$0x20];
	[tilespmem:s2+$0x20] =	vst v59;
	v61 =	vpop (erf)  }
0x479: {  	v62 =	vld [tilespmem:s8+$0x30];
	[tilespmem:s10+$0x10] =	vst v61  }
0x47a: {  	v63 =	vld [tilespmem:s12+$0x20];
	_ =	sdelay $0x1  }
0x47b: {  	v58 =	vsub.f32 v58, v0  }
0x47c: {  	v2 =	vadd.f32 v13, v2;
	v13 =	vsub.f32 v60, v0  }
0x47d: {  	v3 =	vadd.f32 v12, v3;
	v12 =	vmul.f32 $1.442695020e+00, v58;
	v60 =	vsub.f32 v62, v0  }
0x47e: {  	v4 =	vadd.f32 v14, v4;
	v13 =	vmul.f32 $1.442695020e+00, v13;
	v14 =	vsub.f32 v63, v0  }
0x47f: {  	v5 =	vadd.f32 v11, v5;
	(erf) = vpow2.f32 v12;
	v11 =	vmul.f32 $1.442695020e+00, v60  }
0x480: {  	v1 =	vadd.f32 v9, v1;
	(erf) = vpow2.f32 v13;
	v12 =	vmul.f32 $1.442695020e+00, v14  }
0x481: {  	v6 =	vadd.f32 v15, v6;
	v7 =	vadd.f32 v17, v7;
	(erf) = vpow2.f32 v11  }
0x482: {  	v8 =	vadd.f32 v18, v8;
	v2 =	vadd.f32 v19, v2;
	(erf) = vpow2.f32 v12  }
0x483: {  	v3 =	vadd.f32 v21, v3;
	v5 =	vadd.f32 v22, v5  }
0x484: {  	v4 =	vadd.f32 v23, v4;
	v1 =	vadd.f32 v10, v1  }
0x485: {  	v7 =	vadd.f32 v24, v7;
	v8 =	vadd.f32 v25, v8  }
0x486: {  	v2 =	vadd.f32 v26, v2;
	v3 =	vadd.f32 v27, v3  }
0x487: {  	v5 =	vadd.f32 v28, v5;
	v4 =	vadd.f32 v30, v4  }
0x488: {  	v1 =	vadd.f32 v16, v1;
	v7 =	vadd.f32 v31, v7;
	v11 =	vpop (erf)  }
0x489: {  	v8 =	vadd.f32 v33, v8;
	v2 =	vadd.f32 v34, v2;
	v12 =	vpop (erf)  }
0x48a: {  	v3 =	vadd.f32 v35, v3;
	v4 =	vadd.f32 v36, v4;
	[tilespmem:s13+$0x20] =	vst v12;
	v13 =	vpop (erf)  }
0x48b: {  	v1 =	vadd.f32 v20, v1;
	v7 =	vadd.f32 v37, v7;
	v14 =	vld [tilespmem:s9+$0x30];
	v15 =	vpop (erf)  }
0x48c: {  	v8 =	vadd.f32 v38, v8;
	v2 =	vadd.f32 v39, v2;
	[tilespmem:s10+$0x20] =	vst v15  }
0x48d: {  	v3 =	vadd.f32 v42, v3;
	v4 =	vadd.f32 v41, v4;
	v17 =	vld [tilespmem:s12+$0x30]  }
0x48e: {  	v1 =	vadd.f32 v29, v1;
	v7 =	vadd.f32 v43, v7  }
0x48f: {  	v8 =	vadd.f32 v44, v8;
	v3 =	vadd.f32 v45, v3  }
0x490: {  	v4 =	vadd.f32 v46, v4;
	v14 =	vsub.f32 v14, v0  }
0x491: {  	v1 =	vadd.f32 v32, v1;
	v7 =	vadd.f32 v47, v7  }
0x492: {  	v8 =	vadd.f32 v48, v8;
	v14 =	vmul.f32 $1.442695020e+00, v14;
	v0 =	vsub.f32 v17, v0  }
0x493: {  	v3 =	vadd.f32 v49, v3;
	v4 =	vadd.f32 v50, v4  }
0x494: {  	v1 =	vadd.f32 v40, v1;
	(erf) = vpow2.f32 v14;
	v0 =	vmul.f32 $1.442695020e+00, v0  }
0x495: {  	v8 =	vadd.f32 v53, v8;
	v3 =	vadd.f32 v55, v3  }
0x496: {  	v1 =	vadd.f32 v51, v1;
	(erf) = vpow2.f32 v0;
	v0 =	vadd.f32 v5, v6  }
0x497: {  	v4 =	vadd.f32 v57, v4;
	v5 =	vadd.f32 v52, v8  }
0x498: {  	v1 =	vadd.f32 v56, v1;
	v0 =	vadd.f32 v2, v0  }
0x499: {  	v2 =	vadd.f32 v54, v3;
	v3 =	vadd.f32 v59, v5  }
0x49a: {  	v1 =	vadd.f32 v11, v1;
	v0 =	vadd.f32 v7, v0  }
0x49b: {  	v2 =	vadd.f32 v61, v2;
	v3 =	vadd.f32 v12, v3  }
0x49c: {  	v1 =	vadd.f32 v13, v1;
	v0 =	vadd.f32 v4, v0  }
0x49d: {  	v3 =	vadd.f32 v15, v3;
	v4 =	vpop (erf)  }
0x49e: {  	v1 =	vadd.f32 v4, v1;
	v0 =	vadd.f32 v2, v0  }
0x49f: {  	v2 =	vpop (erf)  }
0x4a0: {  	v1 =	vadd.f32 v2, v1;
	v0 =	vadd.f32 v3, v0;
	_ =	sdelay $0x1  }
0x4a1: {  	[tilespmem:s21+$0x30] =	vst v9;
	v0 =	vadd.f32 v1, v0  }
0x4a2: {  	[tilespmem:s22+$0x30] =	vst v10  }
0x4a3: {  	[tilespmem:s23+$0x30] =	vst v16;
	(xrf2) =	vadd.scan.msk.f32 $0xffff, v0  }
0x4a4: {  	[tilespmem:s24+$0x30] =	vst v20  }
0x4a5: {  	[tilespmem:s25+$0x30] =	vst v29  }
0x4a6: {  	[tilespmem:s26+$0x30] =	vst v32  }
0x4a7: {  	[tilespmem:s28+$0x30] =	vst v40  }
0x4a8: {  	[tilespmem:s29+$0x30] =	vst v51  }
0x4a9: {  	[tilespmem:s30+$0x30] =	vst v56  }
0x4aa: {  	[tilespmem:s0+$0x30] =	vst v11  }
0x4ab: {  	[tilespmem:s2+$0x30] =	vst v13  }
0x4ac: {  	[tilespmem:s13+$0x30] =	vst v4  }
0x4ad: {  	s29 =	simm.s32 $0x2;
	[tilespmem:s10+$0x30] =	vst v2;
	v0, _, _ =	vpop (xrf2)  }
0x4ae: {  	_ =	swait.ge [sflag:s29], $0x4000  }
0x4af: {  	[sflag:s29] =	ssyncset.done $0x0  }
0x4b0: {  	v0 =	vbroadcast v0, $0xF;
	[sflag:s29] =	ssyncadd.s32 $0xFFFFC000  }
0x4b1: {  	_ =	swait.ge [sflag:s29], $0x4000  }
0x4b2: {  	(erf) = vrcp.f32 v0;
	_ =	sdelay $0x2  }
0x4b3: {  	[sflag:s29] =	ssyncset.done $0x0  }
0x4b4: {  	s30 =	simm.s32 $0x2040;
	[sflag:s29] =	ssyncadd.s32 $0xFFFFC000  }
0x4b5: {  	v1 =	vld [tilespmem:s30+$0xFFFFFFC0];
	_ =	sdelay $0x3  }
0x4b6: {  	v0 =	vpop (erf)  }
0x4b7: {  	v1 =	vmul.f32 v1, v0  }
0x4b8: {  	s0 =	simm.s32 $0x3040;
	s10 =	simm.s32 $0x20C0  }
0x4b9: {  	v3 =	vld [tilespmem:s10+$0xFFFFFFC0];
	[tilespmem:s0+$0xFFFFFFC0] =	vst v1  }
0x4ba: {  	v2 =	vld [tilespmem:s30+$0xFFFFFFD0];
	_ =	sdelay $0x3  }
0x4bb: {  	v3 =	vmul.f32 v3, v0  }
0x4bc: {  	s1 =	simm.s32 $0x3440;
	v2 =	vmul.f32 v2, v0  }
0x4bd: {  	[tilespmem:s1+$0xFFFFFFC0] =	vst v3  }
0x4be: {  	v5 =	vld [tilespmem:s10+$0xFFFFFFD0];
	[tilespmem:s0+$0xFFFFFFD0] =	vst v2  }
0x4bf: {  	v4 =	vld [tilespmem:s30+$0xFFFFFFE0]  }
0x4c0: {  	s9 =	simm.s32 $0x2140  }
0x4c1: {  	v6 =	vld [tilespmem:s9+$0xFFFFFFC0];
	_ =	sdelay $0x1  }
0x4c2: {  	v5 =	vmul.f32 v5, v0  }
0x4c3: {  	v4 =	vmul.f32 v4, v0  }
0x4c4: {  	[tilespmem:s1+$0xFFFFFFD0] =	vst v5  }
0x4c5: {  	v6 =	vmul.f32 v6, v0;
	v8 =	vld [tilespmem:s10+$0xFFFFFFE0];
	[tilespmem:s0+$0xFFFFFFE0] =	vst v4  }
0x4c6: {  	s2 =	simm.s32 $0x3840;
	v7 =	vld [tilespmem:s30+$0xFFFFFFF0]  }
0x4c7: {  	[tilespmem:s2+$0xFFFFFFC0] =	vst v6  }
0x4c8: {  	s6 =	simm.s32 $0x21C0;
	v9 =	vld [tilespmem:s9+$0xFFFFFFD0]  }
0x4c9: {  	v10 =	vld [tilespmem:s6+$0xFFFFFFC0]  }
0x4ca: {  	v8 =	vmul.f32 v8, v0  }
0x4cb: {  	s7 =	simm.s32 $0x2240;
	v7 =	vmul.f32 v7, v0  }
0x4cc: {  	v15 =	vld [tilespmem:s7+$0xFFFFFFC0];
	[tilespmem:s1+$0xFFFFFFE0] =	vst v8  }
0x4cd: {  	v9 =	vmul.f32 v9, v0;
	v12 =	vld [tilespmem:s10+$0xFFFFFFF0];
	[tilespmem:s0+$0xFFFFFFF0] =	vst v7  }
0x4ce: {  	v10 =	vmul.f32 v10, v0;
	v11 =	vld [tilespmem:s30+$0x0]  }
0x4cf: {  	s4 =	simm.s32 $0x3C40;
	[tilespmem:s2+$0xFFFFFFD0] =	vst v9  }
0x4d0: {  	[tilespmem:s4+$0xFFFFFFC0] =	vst v10;
	v16 =	vmul.f32 v1, v1;
	v13 =	vld [tilespmem:s9+$0xFFFFFFE0]  }
0x4d1: {  	v15 =	vmul.f32 v15, v0;
	v1 =	vimm.f32 $0.0e+00;
	v14 =	vld [tilespmem:s6+$0xFFFFFFD0]  }
0x4d2: {  	v3 =	vmul.f32 v3, v3;
	v16 =	vadd.f32 v16, v1;
	v12 =	vmul.f32 v12, v0  }
0x4d3: {  	v2 =	vmul.f32 v2, v2;
	v11 =	vmul.f32 v11, v0  }
0x4d4: {  	v6 =	vmul.f32 v6, v6;
	v3 =	vadd.f32 v3, v16;
	v4 =	vmul.f32 v4, v4;
	[tilespmem:s1+$0xFFFFFFF0] =	vst v12  }
0x4d5: {  	s5 =	simm.s32 $0x4040;
	v5 =	vmul.f32 v5, v5;
	v2 =	vadd.f32 v2, v1;
	v13 =	vmul.f32 v13, v0;
	v16 =	vld [tilespmem:s10+$0x0];
	[tilespmem:s0+$0x0] =	vst v11  }
0x4d6: {  	[tilespmem:s5+$0xFFFFFFC0] =	vst v15;
	v14 =	vmul.f32 v14, v0;
	v8 =	vmul.f32 v8, v8;
	v4 =	vadd.f32 v4, v1;
	v17 =	vld [tilespmem:s30+$0x10]  }
0x4d7: {  	v3 =	vadd.f32 v6, v3;
	v2 =	vadd.f32 v5, v2;
	[tilespmem:s2+$0xFFFFFFE0] =	vst v13;
	v6 =	vmul.f32 v7, v7;
	v7 =	vld [tilespmem:s7+$0xFFFFFFD0]  }
0x4d8: {  	[tilespmem:s4+$0xFFFFFFD0] =	vst v14;
	v5 =	vmul.f32 v9, v9;
	v18 =	vld [tilespmem:s9+$0xFFFFFFF0];
	v4 =	vadd.f32 v8, v4;
	v8 =	vmul.f32 v10, v10  }
0x4d9: {  	s11 =	simm.s32 $0x22C0;
	v9 =	vld [tilespmem:s6+$0xFFFFFFE0]  }
0x4da: {  	v2 =	vadd.f32 v5, v2;
	v5 =	vld [tilespmem:s11+$0xFFFFFFC0];
	v3 =	vadd.f32 v8, v3;
	v16 =	vmul.f32 v16, v0  }
0x4db: {  	v8 =	vmul.f32 v12, v12;
	v6 =	vadd.f32 v6, v1;
	v10 =	vmul.f32 v17, v0  }
0x4dc: {  	v14 =	vmul.f32 v14, v14;
	v7 =	vmul.f32 v7, v0;
	[tilespmem:s1+$0x0] =	vst v16  }
0x4dd: {  	v15 =	vmul.f32 v15, v15;
	v12 =	vmul.f32 v18, v0;
	v6 =	vadd.f32 v8, v6;
	v8 =	vld [tilespmem:s10+$0x10];
	[tilespmem:s0+$0x10] =	vst v10  }
0x4de: {  	v13 =	vmul.f32 v13, v13;
	v2 =	vadd.f32 v14, v2;
	v9 =	vmul.f32 v9, v0;
	[tilespmem:s5+$0xFFFFFFD0] =	vst v7;
	v17 =	vld [tilespmem:s30+$0x20]  }
0x4df: {  	v5 =	vmul.f32 v5, v0;
	v3 =	vadd.f32 v15, v3;
	[tilespmem:s2+$0xFFFFFFF0] =	vst v12;
	v11 =	vmul.f32 v11, v11;
	v15 =	vld [tilespmem:s7+$0xFFFFFFE0]  }
0x4e0: {  	s8 =	simm.s32 $0x4440;
	[tilespmem:s4+$0xFFFFFFE0] =	vst v9;
	v9 =	vmul.f32 v9, v9;
	v4 =	vadd.f32 v13, v4;
	v12 =	vmul.f32 v12, v12;
	v13 =	vld [tilespmem:s9+$0x0]  }
0x4e1: {  	s13 =	simm.s32 $0x2340;
	[tilespmem:s8+$0xFFFFFFC0] =	vst v5;
	v5 =	vmul.f32 v5, v5;
	v14 =	vmul.f32 v16, v16;
	v16 =	vld [tilespmem:s6+$0xFFFFFFF0];
	v11 =	vadd.f32 v11, v1  }
0x4e2: {  	v6 =	vadd.f32 v12, v6;
	v12 =	vld [tilespmem:s13+$0xFFFFFFC0];
	v7 =	vmul.f32 v7, v7;
	v8 =	vmul.f32 v8, v0  }
0x4e3: {  	v14 =	vadd.f32 v14, v11;
	v11 =	vld [tilespmem:s11+$0xFFFFFFD0];
	v10 =	vmul.f32 v10, v10;
	v17 =	vmul.f32 v17, v0  }
0x4e4: {  	v19 =	vadd.f32 v7, v2;
	v7 =	vadd.f32 v5, v3;
	v2 =	vmul.f32 v15, v0;
	[tilespmem:s1+$0x10] =	vst v8  }
0x4e5: {  	v8 =	vmul.f32 v8, v8;
	v18 =	vadd.f32 v10, v1;
	v10 =	vmul.f32 v13, v0;
	[tilespmem:s0+$0x20] =	vst v17  }
0x4e6: {  	[tilespmem:s5+$0xFFFFFFE0] =	vst v2;
	v13 =	vmul.f32 v17, v17;
	v17 =	vadd.f32 v9, v4;
	v4 =	vmul.f32 v16, v0;
	v16 =	vld [tilespmem:s30+$0x30]  }
0x4e7: {  	v2 =	vmul.f32 v2, v2;
	v62 =	vld [tilespmem:s10+$0x20];
	[tilespmem:s2+$0x0] =	vst v10;
	v3 =	vadd.f32 v8, v18;
	v8 =	vmul.f32 v12, v0  }
0x4e8: {  	v5 =	vmul.f32 v11, v0;
	v15 =	vmul.f32 v10, v10;
	v10 =	vld [tilespmem:s9+$0x10];
	[tilespmem:s4+$0xFFFFFFF0] =	vst v4  }
0x4e9: {  	v12 =	vmul.f32 v8, v8;
	v63 =	vmul.f32 v4, v4;
	v11 =	vld [tilespmem:s6+$0x0]  }
0x4ea: {  	s12 =	simm.s32 $0x4840;
	[tilespmem:s8+$0xFFFFFFD0] =	vst v5;
	v9 =	vadd.f32 v13, v1;
	v4 =	vadd.f32 v15, v14;
	v13 =	vmul.f32 v5, v5;
	v14 =	vld [tilespmem:s7+$0xFFFFFFF0]  }
0x4eb: {  	[tilespmem:s12+$0xFFFFFFC0] =	vst v8;
	v15 =	vld [tilespmem:s11+$0xFFFFFFE0];
	v5 =	vadd.f32 v63, v6;
	v6 =	vadd.f32 v2, v17;
	v2 =	vmul.f32 v16, v0  }
0x4ec: {  	s14 =	simm.s32 $0x30;
	s15 =	simm.s32 $0x23C0;
	v8 =	vadd.f32 v13, v19;
	v13 =	vmul.f32 v62, v0;
	v16 =	vld [tilespmem:s13+$0xFFFFFFD0]  }
.LBB2_31:
0x4ed: {  	v17 =	vld [tilespmem:s15+$0xFFFFFFC0];
	s14 =	sadd.s32 $0x8, s14;
	v7 =	vadd.f32 v12, v7;
	v10 =	vmul.f32 v10, v0;
	[tilespmem:s0+$0x30] =	vst v2;
	v2 =	vmul.f32 v2, v2;
	s0 =	smov.u32 s1;
	s1 =	smov.u32 s2  }
0x4ee: {  	s2 =	smov.u32 s4;
	s4 =	smov.u32 s5;
	p0 =	slt.u32 s14, $0xF8;
	v11 =	vmul.f32 v11, v0;
	[tilespmem:s0+$0x20] =	vst v13;
	v12 =	vmul.f32 v13, v13  }
0x4ef: {  	s5 =	smov.u32 s8;
	s8 =	smov.u32 s12;
	v13 =	vmul.f32 v14, v0;
	[tilespmem:s1+$0x10] =	vst v10;
	v14 =	vmul.f32 v10, v10;
	v18 =	vld [tilespmem:s10+$0x30];
	v1 =	vadd.f32 v2, v1;
	s10 =	smov.u32 s9  }
0x4f0: {  	s9 =	smov.u32 s6;
	s6 =	smov.u32 s7;
	s7 =	smov.u32 s11;
	v2 =	vmul.f32 v15, v0;
	[tilespmem:s2+$0x0] =	vst v11;
	v15 =	vmul.f32 v11, v11;
	v19 =	vld [tilespmem:s10+$0x20];
	v9 =	vadd.f32 v12, v9  }
.Ltmp14:
0x4f1: {  	s11 =	smov.u32 s13;
	s13 =	smov.u32 s15;
	v12 =	vmul.f32 v16, v0;
	[tilespmem:s4+$0xFFFFFFF0] =	vst v13;
	v13 =	vmul.f32 v13, v13;
	v10 =	vld [tilespmem:s9+$0x10];
	v3 =	vadd.f32 v14, v3;
	(pc) =	sbr.rel @p0 .LBB2_31-.Ltmp14, $4  }
0x4f2: {  	v16 =	vmul.f32 v17, v0;
	[tilespmem:s5+$0xFFFFFFE0] =	vst v2;
	v2 =	vmul.f32 v2, v2;
	v11 =	vld [tilespmem:s6+$0x0];
	v4 =	vadd.f32 v15, v4  }
0x4f3: {  	s12 =	sadd.s32 $0x400, s12;
	[tilespmem:s8+$0xFFFFFFD0] =	vst v12;
	v17 =	vmul.f32 v12, v12;
	v14 =	vld [tilespmem:s7+$0xFFFFFFF0];
	v5 =	vadd.f32 v13, v5  }
0x4f4: {  	[tilespmem:s12+$0xFFFFFFC0] =	vst v16;
	v12 =	vmul.f32 v16, v16;
	v15 =	vld [tilespmem:s11+$0xFFFFFFE0];
	v6 =	vadd.f32 v2, v6;
	v2 =	vmul.f32 v18, v0  }
0x4f5: {  	s15 =	sadd.s32 $0x80, s15;
	v16 =	vld [tilespmem:s13+$0xFFFFFFD0];
	v8 =	vadd.f32 v17, v8;
	v13 =	vmul.f32 v19, v0  }
0x4f6: {  	_ =	sdelay $0x3  }
0x4f7: {  	v16 =	vmul.f32 v16, v0;
	_ =	sdelay $0x1  }
0x4f8: {  	[tilespmem:s12+$0xFFFFFFD0] =	vst v16  }
0x4f9: {  	v17 =	vld [tilespmem:s13+$0xFFFFFFE0];
	_ =	sdelay $0x1  }
0x4fa: {  	v15 =	vmul.f32 v15, v0;
	_ =	sdelay $0x1  }
0x4fb: {  	[tilespmem:s8+$0xFFFFFFE0] =	vst v15  }
0x4fc: {  	v18 =	vld [tilespmem:s11+$0xFFFFFFF0];
	v17 =	vmul.f32 v17, v0;
	_ =	sdelay $0x1  }
0x4fd: {  	v14 =	vmul.f32 v14, v0;
	[tilespmem:s12+$0xFFFFFFE0] =	vst v17  }
0x4fe: {  	v19 =	vld [tilespmem:s13+$0xFFFFFFF0]  }
0x4ff: {  	[tilespmem:s5+$0xFFFFFFF0] =	vst v14  }
0x500: {  	v20 =	vld [tilespmem:s7+$0x0];
	v18 =	vmul.f32 v18, v0  }
0x501: {  	v11 =	vmul.f32 v11, v0  }
0x502: {  	[tilespmem:s8+$0xFFFFFFF0] =	vst v18  }
0x503: {  	[tilespmem:s4+$0x0] =	vst v11;
	v21 =	vld [tilespmem:s11+$0x0];
	v19 =	vmul.f32 v19, v0  }
0x504: {  	v10 =	vmul.f32 v10, v0;
	v22 =	vld [tilespmem:s6+$0x10]  }
0x505: {  	v20 =	vmul.f32 v20, v0;
	[tilespmem:s12+$0xFFFFFFF0] =	vst v19  }
0x506: {  	[tilespmem:s2+$0x10] =	vst v10;
	v23 =	vld [tilespmem:s13+$0x0]  }
0x507: {  	v24 =	vld [tilespmem:s9+$0x20];
	[tilespmem:s5+$0x0] =	vst v20  }
0x508: {  	v25 =	vld [tilespmem:s7+$0x10];
	v21 =	vmul.f32 v21, v0  }
0x509: {  	[tilespmem:s1+$0x20] =	vst v13;
	v22 =	vmul.f32 v22, v0  }
0x50a: {  	v27 =	vmul.f32 v2, v2;
	v26 =	vld [tilespmem:s10+$0x30];
	[tilespmem:s8+$0x0] =	vst v21  }
0x50b: {  	v13 =	vmul.f32 v13, v13;
	[tilespmem:s4+$0x10] =	vst v22;
	v28 =	vld [tilespmem:s11+$0x10];
	v23 =	vmul.f32 v23, v0  }
0x50c: {  	v10 =	vmul.f32 v10, v10;
	v24 =	vmul.f32 v24, v0;
	v29 =	vld [tilespmem:s6+$0x20]  }
0x50d: {  	v7 =	vadd.f32 v12, v7;
	v14 =	vmul.f32 v14, v14;
	v12 =	vmul.f32 v25, v0;
	[tilespmem:s12+$0x0] =	vst v23  }
0x50e: {  	v11 =	vmul.f32 v11, v11;
	v9 =	vadd.f32 v13, v9;
	v3 =	vadd.f32 v10, v3;
	[tilespmem:s2+$0x20] =	vst v24;
	v13 =	vld [tilespmem:s13+$0x10]  }
0x50f: {  	v10 =	vmul.f32 v15, v15;
	v5 =	vadd.f32 v14, v5;
	v14 =	vmul.f32 v16, v16;
	v15 =	vld [tilespmem:s9+$0x30];
	[tilespmem:s5+$0x10] =	vst v12  }
0x510: {  	v4 =	vadd.f32 v11, v4;
	v11 =	vmul.f32 v26, v0;
	v59 =	vld [tilespmem:s7+$0x20];
	v60 =	vmul.f32 v28, v0  }
0x511: {  	v1 =	vadd.f32 v27, v1;
	v8 =	vadd.f32 v14, v8;
	v16 =	vmul.f32 v29, v0  }
0x512: {  	v6 =	vadd.f32 v10, v6;
	v10 =	vmul.f32 v11, v11;
	v24 =	vmul.f32 v24, v24;
	[tilespmem:s8+$0x10] =	vst v60  }
0x513: {  	v7 =	vadd.f32 v8, v7;
	v14 =	vmul.f32 v22, v22;
	[tilespmem:s4+$0x20] =	vst v16;
	v61 =	vld [tilespmem:s11+$0x20];
	v13 =	vmul.f32 v13, v0  }
0x514: {  	v1 =	vadd.f32 v10, v1;
	v10 =	vmul.f32 v20, v20;
	v18 =	vmul.f32 v18, v18;
	v62 =	vld [tilespmem:s6+$0x30]  }
0x515: {  	v9 =	vadd.f32 v24, v9;
	v15 =	vmul.f32 v15, v0;
	v63 =	vmul.f32 v59, v0;
	[tilespmem:s12+$0x10] =	vst v13  }
0x516: {  	v3 =	vadd.f32 v14, v3;
	v14 =	vmul.f32 v17, v17;
	v4 =	vadd.f32 v10, v4;
	v10 =	vld [tilespmem:s13+$0x20]  }
0x517: {  	v5 =	vadd.f32 v18, v5;
	v17 =	vmul.f32 v15, v15;
	v16 =	vmul.f32 v16, v16;
	[tilespmem:s5+$0x20] =	vst v63  }
0x518: {  	v6 =	vadd.f32 v14, v6;
	v12 =	vmul.f32 v12, v12;
	v14 =	vld [tilespmem:s7+$0x30];
	v18 =	vmul.f32 v61, v0  }
0x519: {  	v1 =	vadd.f32 v17, v1;
	v17 =	vmul.f32 v21, v21;
	v20 =	vmul.f32 v62, v0  }
0x51a: {  	v9 =	vadd.f32 v16, v9;
	v16 =	vmul.f32 v19, v19;
	v3 =	vadd.f32 v12, v3;
	[tilespmem:s8+$0x20] =	vst v18  }
0x51b: {  	v4 =	vadd.f32 v17, v4;
	v12 =	vmul.f32 v20, v20;
	v17 =	vld [tilespmem:s11+$0x30];
	v10 =	vmul.f32 v10, v0  }
0x51c: {  	v6 =	vadd.f32 v6, v7;
	v5 =	vadd.f32 v16, v5  }
0x51d: {  	v1 =	vadd.f32 v12, v1;
	v12 =	vmul.f32 v23, v23;
	v8 =	vmul.f32 v14, v0;
	[tilespmem:s12+$0x20] =	vst v10  }
0x51e: {  	v5 =	vadd.f32 v5, v6;
	v19 =	vmul.f32 v60, v60;
	v14 =	vld [tilespmem:s13+$0x30]  }
0x51f: {  	v16 =	vmul.f32 v63, v63;
	v4 =	vadd.f32 v12, v4;
	v7 =	vmul.f32 v8, v8  }
0x520: {  	v3 =	vadd.f32 v19, v3;
	v12 =	vmul.f32 v13, v13;
	v13 =	vmul.f32 v17, v0  }
0x521: {  	v9 =	vadd.f32 v16, v9;
	v4 =	vadd.f32 v4, v5;
	v16 =	vmul.f32 v18, v18  }
0x522: {  	v1 =	vadd.f32 v7, v1;
	v3 =	vadd.f32 v12, v3;
	v7 =	vmul.f32 v13, v13  }
0x523: {  	v6 =	vadd.f32 v16, v9;
	v9 =	vmul.f32 v10, v10;
	v0 =	vmul.f32 v14, v0  }
0x524: {  	v3 =	vadd.f32 v3, v4  }
0x525: {  	v1 =	vadd.f32 v7, v1;
	v5 =	vadd.f32 v9, v6;
	v6 =	vmul.f32 v0, v0;
	_ =	sdelay $0x1  }
0x526: {  	v3 =	vadd.f32 v5, v3;
	v1 =	vadd.f32 v6, v1;
	_ =	sdelay $0x1  }
0x527: {  	v1 =	vadd.f32 v1, v3;
	_ =	sdelay $0x1  }
0x528: {  	(xrf2) =	vadd.scan.msk.f32 $0xffff, v1;
	_ =	sdelay $0x9  }
0x529: {  	v1, _, _ =	vpop (xrf2)  }
0x52a: {  	(v2sf) =	vpush v1, $0xF;
	_ =	sdelay $0xb  }
0x52b: {  	[tilespmem:s0+$0x30] =	vst v2  }
0x52c: {  	[tilespmem:s1+$0x30] =	vst v11  }
0x52d: {  	[tilespmem:s2+$0x30] =	vst v15  }
0x52e: {  	[tilespmem:s4+$0x30] =	vst v20;
	s30 =	spop (v2sf)  }
0x52f: {  	[tilespmem:s5+$0x30] =	vst v8;
	s0 =	ssub.f32 $1.000000000e+00, s30  }
0x530: {  	[tilespmem:s8+$0x30] =	vst v13  }
0x531: {  	[tilespmem:s12+$0x30] =	vst v0;
	v1 =	vmov s0;
	s0 =	simm.s32 $0x3080  }
0x532: {  	v0 =	vld [tilespmem:s0+$0xFFFFFFF0]  }
0x533: {  	(erf) = vrcp.f32 v1;
	v1 =	vld [tilespmem:s0+$0xFFFFFF90]  }
0x534: {  	v3 =	vld [tilespmem:s0+$0xFFFFFFA0]  }
0x535: {  	v11 =	vld [tilespmem:s0+$0xFFFFFF80]  }
0x536: {  	v5 =	vld [tilespmem:s0+$0xFFFFFFC0]  }
0x537: {  	v4 =	vld [tilespmem:s0+$0xFFFFFFB0]  }
0x538: {  	v8 =	vld [tilespmem:s0+$0xFFFFFFE0]  }
0x539: {  	v6 =	vld [tilespmem:s0+$0xFFFFFFD0];
	v2 =	vmul.f32 v0, v0;
	v9 =	vmul.f32 v3, v3  }
0x53a: {  	v7 =	vmul.f32 v1, v1;
	v16 =	vmul.f32 v11, v11  }
0x53b: {  	v10 =	vsub.f32 v0, v2;
	v3 =	vsub.f32 v3, v9;
	v9 =	vmul.f32 v5, v5  }
0x53c: {  	v2 =	vimm.f32 $0.0e+00;
	v1 =	vsub.f32 v1, v7;
	v7 =	vmul.f32 v4, v4;
	v0 =	vpop (erf)  }
0x53d: {  	v13 =	vsub.f32 v5, v9;
	v5 =	vmul.f32 v8, v8;
	v17 =	vmul.f32 v10, v0  }
0x53e: {  	v12 =	vmul.f32 v1, v0;
	v1 =	vsub.f32 v4, v7;
	v4 =	vmul.f32 v6, v6  }
0x53f: {  	v10 =	vmul.f32 v3, v0;
	v3 =	vimm.f32 $0.0e+00;
	v14 =	vsub.f32 v8, v5  }
0x540: {  	v5 =	vimm.f32 $0.0e+00;
	v8 =	vimm.f32 $0.0e+00;
	v7 =	vmul.f32 v17, v17  }
0x541: {  	v15 =	vsub.f32 v6, v4;
	v9 =	vmul.f32 v1, v0;
	[tilespmem:s0+$0x70] =	vst v17;
	v6 =	vimm.f32 $0.0e+00  }
0x542: {  	s1 =	simm.s32 $0x0;
	s2 =	simm.s32 $0x3480;
	[tilespmem:s0+$0x10] =	vst v12;
	v4 =	vimm.f32 $0.0e+00;
	v1 =	vadd.f32 v7, v2;
	v7 =	vimm.f32 $0.0e+00  }
.LBB2_33:
0x543: {  	v17 =	vld [tilespmem:s2+$0xFFFFFFF0];
	s1 =	sadd.s32 $0x8, s1;
	v11 =	vsub.f32 v11, v16;
	[tilespmem:s0+$0x20] =	vst v10;
	v13 =	vmul.f32 v13, v0;
	v15 =	vmul.f32 v15, v0  }
0x544: {  	v12 =	vmul.f32 v12, v12;
	v16 =	vld [tilespmem:s2+$0xFFFFFF90];
	p0 =	slt.u32 s1, $0xF8;
	[tilespmem:s0+$0x30] =	vst v9;
	v14 =	vmul.f32 v14, v0  }
0x545: {  	v10 =	vmul.f32 v10, v10;
	v18 =	vld [tilespmem:s2+$0xFFFFFFA0];
	v11 =	vmul.f32 v11, v0;
	[tilespmem:s0+$0x40] =	vst v13  }
0x546: {  	v9 =	vmul.f32 v9, v9;
	v2 =	vadd.f32 v12, v2;
	v12 =	vmul.f32 v13, v13;
	v19 =	vld [tilespmem:s2+$0xFFFFFFB0];
	[tilespmem:s0+$0x50] =	vst v15  }
0x547: {  	v7 =	vadd.f32 v10, v7;
	v10 =	vmul.f32 v15, v15;
	v13 =	vld [tilespmem:s2+$0xFFFFFFC0];
	[tilespmem:s0+$0x0] =	vst v11;
	v11 =	vmul.f32 v11, v11  }
0x548: {  	v5 =	vadd.f32 v9, v5;
	v9 =	vmul.f32 v14, v14;
	v15 =	vld [tilespmem:s2+$0xFFFFFFD0];
	v20 =	vmul.f32 v17, v17;
	[tilespmem:s0+$0x60] =	vst v14;
	s0 =	smov.u32 s2  }
0x549: {  	v6 =	vadd.f32 v12, v6;
	v14 =	vmul.f32 v16, v16;
	v21 =	vld [tilespmem:s2+$0xFFFFFFE0];
	v8 =	vadd.f32 v11, v8  }
0x54a: {  	v4 =	vadd.f32 v10, v4;
	v11 =	vld [tilespmem:s2+$0xFFFFFF80];
	v12 =	vmul.f32 v18, v18;
	v17 =	vsub.f32 v17, v20  }
0x54b: {  	v3 =	vadd.f32 v9, v3;
	v10 =	vsub.f32 v16, v14;
	v14 =	vmul.f32 v19, v19  }
.Ltmp15:
0x54c: {  	v9 =	vsub.f32 v18, v12;
	v16 =	vmul.f32 v13, v13;
	v17 =	vmul.f32 v17, v0;
	(pc) =	sbr.rel @p0 .LBB2_33-.Ltmp15, $4  }
0x54d: {  	v12 =	vmul.f32 v10, v0;
	v14 =	vsub.f32 v19, v14;
	v18 =	vmul.f32 v15, v15  }
0x54e: {  	v13 =	vsub.f32 v13, v16;
	v19 =	vmul.f32 v21, v21;
	[tilespmem:s2+$0x70] =	vst v17;
	v17 =	vmul.f32 v17, v17  }
0x54f: {  	v10 =	vmul.f32 v9, v0;
	v16 =	vmul.f32 v11, v11;
	[tilespmem:s2+$0x10] =	vst v12;
	v15 =	vsub.f32 v15, v18  }
0x550: {  	v9 =	vmul.f32 v14, v0;
	s2 =	sadd.s32 $0x400, s2;
	v14 =	vsub.f32 v21, v19;
	v1 =	vadd.f32 v17, v1  }
0x551: {  	v11 =	vsub.f32 v11, v16;
	_ =	sdelay $0x1  }
0x552: {  	v11 =	vmul.f32 v11, v0;
	_ =	sdelay $0x1  }
0x553: {  	v12 =	vmul.f32 v12, v12;
	v16 =	vmul.f32 v11, v11;
	_ =	sdelay $0x1  }
0x554: {  	v2 =	vadd.f32 v12, v2;
	v12 =	vmul.f32 v10, v10;
	v8 =	vadd.f32 v16, v8  }
0x555: {  	v13 =	vmul.f32 v13, v0  }
0x556: {  	v7 =	vadd.f32 v12, v7;
	v16 =	vmul.f32 v9, v9;
	v2 =	vadd.f32 v2, v8  }
0x557: {  	v12 =	vmul.f32 v13, v13  }
0x558: {  	v8 =	vmul.f32 v15, v0;
	v5 =	vadd.f32 v16, v5;
	v2 =	vadd.f32 v7, v2  }
0x559: {  	v6 =	vadd.f32 v12, v6  }
0x55a: {  	v0 =	vmul.f32 v14, v0;
	v7 =	vmul.f32 v8, v8;
	v2 =	vadd.f32 v5, v2;
	_ =	sdelay $0x1  }
0x55b: {  	v5 =	vmul.f32 v0, v0;
	v4 =	vadd.f32 v7, v4;
	v2 =	vadd.f32 v6, v2;
	_ =	sdelay $0x1  }
0x55c: {  	v3 =	vadd.f32 v5, v3;
	v2 =	vadd.f32 v4, v2;
	_ =	sdelay $0x1  }
0x55d: {  	v2 =	vadd.f32 v3, v2;
	_ =	sdelay $0x1  }
0x55e: {  	v1 =	vadd.f32 v1, v2;
	_ =	sdelay $0x1  }
0x55f: {  	(xrf2) =	vadd.scan.msk.f32 $0xffff, v1;
	_ =	sdelay $0x9  }
0x560: {  	v1, _, _ =	vpop (xrf2)  }
0x561: {  	(v2sf) =	vpush v1, $0xF;
	_ =	sdelay $0xa  }
0x562: {  	[tilespmem:s0+$0x20] =	vst v10  }
0x563: {  	[tilespmem:s0+$0x30] =	vst v9  }
0x564: {  	[tilespmem:s0+$0x40] =	vst v13  }
0x565: {  	[tilespmem:s0+$0x0] =	vst v11  }
0x566: {  	[tilespmem:s0+$0x50] =	vst v8;
	s1 =	spop (v2sf)  }
0x567: {  	[tilespmem:s0+$0x60] =	vst v0;
	s0 =	simm.s32 $0x30C0;
	s1 =	ssub.f32 $1.000000000e+00, s1  }
0x568: {  	v3 =	vld [tilespmem:s0+$0xFFFFFFE0]  }
0x569: {  	v8 =	vld [tilespmem:s0+$0x20];
	v1 =	vmov s1  }
0x56a: {  	v5 =	vld [tilespmem:s0+$0x0];
	(erf) = vrcp.f32 v1  }
0x56b: {  	v0 =	vld [tilespmem:s0+$0x30]  }
0x56c: {  	v1 =	vld [tilespmem:s0+$0xFFFFFFD0]  }
0x56d: {  	v11 =	vld [tilespmem:s0+$0xFFFFFFC0];
	v9 =	vmul.f32 v3, v3  }
0x56e: {  	v4 =	vld [tilespmem:s0+$0xFFFFFFF0]  }
0x56f: {  	v3 =	vsub.f32 v3, v9;
	v9 =	vmul.f32 v5, v5  }
0x570: {  	v6 =	vld [tilespmem:s0+$0x10];
	v2 =	vmul.f32 v0, v0  }
0x571: {  	v13 =	vsub.f32 v5, v9;
	v5 =	vmul.f32 v8, v8;
	v7 =	vmul.f32 v1, v1  }
0x572: {  	v16 =	vmul.f32 v11, v11;
	v10 =	vsub.f32 v0, v2;
	v2 =	vimm.f32 $0.0e+00  }
0x573: {  	v14 =	vsub.f32 v8, v5;
	v1 =	vsub.f32 v1, v7;
	v7 =	vmul.f32 v4, v4;
	v0 =	vpop (erf)  }
0x574: {  	v5 =	vimm.f32 $0.0e+00;
	v8 =	vimm.f32 $0.0e+00;
	v17 =	vmul.f32 v10, v0  }
0x575: {  	v12 =	vmul.f32 v1, v0;
	v1 =	vsub.f32 v4, v7;
	v4 =	vmul.f32 v6, v6  }
0x576: {  	v10 =	vmul.f32 v3, v0;
	v3 =	vimm.f32 $0.0e+00;
	v7 =	vmul.f32 v17, v17  }
0x577: {  	v15 =	vsub.f32 v6, v4;
	v9 =	vmul.f32 v1, v0;
	[tilespmem:s0+$0xB0] =	vst v17;
	v6 =	vimm.f32 $0.0e+00  }
0x578: {  	s2 =	simm.s32 $0x34C0;
	s1 =	simm.s32 $0x0;
	[tilespmem:s0+$0x50] =	vst v12;
	v4 =	vimm.f32 $0.0e+00;
	v1 =	vadd.f32 v7, v2;
	v7 =	vimm.f32 $0.0e+00  }
.LBB2_35:
0x579: {  	v17 =	vld [tilespmem:s2+$0x30];
	s1 =	sadd.s32 $0x8, s1;
	v11 =	vsub.f32 v11, v16;
	[tilespmem:s0+$0x60] =	vst v10;
	v13 =	vmul.f32 v13, v0;
	v15 =	vmul.f32 v15, v0  }
0x57a: {  	v12 =	vmul.f32 v12, v12;
	v16 =	vld [tilespmem:s2+$0xFFFFFFD0];
	p0 =	slt.u32 s1, $0xF8;
	[tilespmem:s0+$0x70] =	vst v9;
	v14 =	vmul.f32 v14, v0  }
0x57b: {  	v10 =	vmul.f32 v10, v10;
	v18 =	vld [tilespmem:s2+$0xFFFFFFE0];
	v11 =	vmul.f32 v11, v0;
	[tilespmem:s0+$0x80] =	vst v13  }
0x57c: {  	v9 =	vmul.f32 v9, v9;
	v2 =	vadd.f32 v12, v2;
	v12 =	vmul.f32 v13, v13;
	v19 =	vld [tilespmem:s2+$0xFFFFFFF0];
	[tilespmem:s0+$0x90] =	vst v15  }
0x57d: {  	v7 =	vadd.f32 v10, v7;
	v10 =	vmul.f32 v15, v15;
	v13 =	vld [tilespmem:s2+$0x0];
	[tilespmem:s0+$0x40] =	vst v11;
	v11 =	vmul.f32 v11, v11  }
0x57e: {  	v5 =	vadd.f32 v9, v5;
	v9 =	vmul.f32 v14, v14;
	v15 =	vld [tilespmem:s2+$0x10];
	v20 =	vmul.f32 v17, v17;
	[tilespmem:s0+$0xA0] =	vst v14;
	s0 =	smov.u32 s2  }
0x57f: {  	v6 =	vadd.f32 v12, v6;
	v14 =	vmul.f32 v16, v16;
	v21 =	vld [tilespmem:s2+$0x20];
	v8 =	vadd.f32 v11, v8  }
0x580: {  	v4 =	vadd.f32 v10, v4;
	v11 =	vld [tilespmem:s2+$0xFFFFFFC0];
	v12 =	vmul.f32 v18, v18;
	v17 =	vsub.f32 v17, v20  }
0x581: {  	v3 =	vadd.f32 v9, v3;
	v10 =	vsub.f32 v16, v14;
	v14 =	vmul.f32 v19, v19  }
.Ltmp16:
0x582: {  	v9 =	vsub.f32 v18, v12;
	v16 =	vmul.f32 v13, v13;
	v17 =	vmul.f32 v17, v0;
	(pc) =	sbr.rel @p0 .LBB2_35-.Ltmp16, $4  }
0x583: {  	v12 =	vmul.f32 v10, v0;
	v14 =	vsub.f32 v19, v14;
	v18 =	vmul.f32 v15, v15  }
0x584: {  	v13 =	vsub.f32 v13, v16;
	v19 =	vmul.f32 v21, v21;
	[tilespmem:s2+$0xB0] =	vst v17;
	v17 =	vmul.f32 v17, v17  }
0x585: {  	v10 =	vmul.f32 v9, v0;
	v16 =	vmul.f32 v11, v11;
	[tilespmem:s2+$0x50] =	vst v12;
	v15 =	vsub.f32 v15, v18  }
0x586: {  	v9 =	vmul.f32 v14, v0;
	s2 =	sadd.s32 $0x400, s2;
	v14 =	vsub.f32 v21, v19;
	v1 =	vadd.f32 v17, v1  }
0x587: {  	v11 =	vsub.f32 v11, v16;
	_ =	sdelay $0x1  }
0x588: {  	v11 =	vmul.f32 v11, v0;
	_ =	sdelay $0x1  }
0x589: {  	v12 =	vmul.f32 v12, v12;
	v16 =	vmul.f32 v11, v11;
	_ =	sdelay $0x1  }
0x58a: {  	v2 =	vadd.f32 v12, v2;
	v12 =	vmul.f32 v10, v10;
	v8 =	vadd.f32 v16, v8  }
0x58b: {  	v13 =	vmul.f32 v13, v0  }
0x58c: {  	v7 =	vadd.f32 v12, v7;
	v16 =	vmul.f32 v9, v9;
	v2 =	vadd.f32 v2, v8  }
0x58d: {  	v12 =	vmul.f32 v13, v13  }
0x58e: {  	v8 =	vmul.f32 v15, v0;
	v5 =	vadd.f32 v16, v5;
	v2 =	vadd.f32 v7, v2  }
0x58f: {  	v6 =	vadd.f32 v12, v6  }
0x590: {  	v0 =	vmul.f32 v14, v0;
	v7 =	vmul.f32 v8, v8;
	v2 =	vadd.f32 v5, v2;
	_ =	sdelay $0x1  }
0x591: {  	v5 =	vmul.f32 v0, v0;
	v4 =	vadd.f32 v7, v4;
	v2 =	vadd.f32 v6, v2;
	_ =	sdelay $0x1  }
0x592: {  	v3 =	vadd.f32 v5, v3;
	v2 =	vadd.f32 v4, v2;
	_ =	sdelay $0x1  }
0x593: {  	v2 =	vadd.f32 v3, v2;
	_ =	sdelay $0x1  }
0x594: {  	v1 =	vadd.f32 v1, v2;
	_ =	sdelay $0x1  }
0x595: {  	(xrf2) =	vadd.scan.msk.f32 $0xffff, v1;
	_ =	sdelay $0x9  }
0x596: {  	v1, _, _ =	vpop (xrf2)  }
0x597: {  	(v2sf) =	vpush v1, $0xF;
	_ =	sdelay $0xb  }
0x598: {  	[tilespmem:s0+$0x60] =	vst v10  }
0x599: {  	[tilespmem:s0+$0x70] =	vst v9  }
0x59a: {  	[tilespmem:s0+$0x80] =	vst v13  }
0x59b: {  	[tilespmem:s0+$0x40] =	vst v11;
	s1 =	spop (v2sf)  }
0x59c: {  	[tilespmem:s0+$0x90] =	vst v8;
	s1 =	ssub.f32 $1.000000000e+00, s1  }
0x59d: {  	[tilespmem:s0+$0xA0] =	vst v0;
	s0 =	simm.s32 $0x31F0  }
0x59e: {  	v9 =	vld [tilespmem:s0+$0xFFFFFF10];
	v1 =	vmov s1  }
0x59f: {  	v0 =	vld [tilespmem:s0+$0xFFFFFF80];
	(erf) = vrcp.f32 v1  }
0x5a0: {  	v3 =	vld [tilespmem:s0+$0xFFFFFF20]  }
0x5a1: {  	v6 =	vld [tilespmem:s0+$0xFFFFFF50]  }
0x5a2: {  	v4 =	vld [tilespmem:s0+$0xFFFFFF30]  }
0x5a3: {  	v5 =	vld [tilespmem:s0+$0xFFFFFF40]  }
0x5a4: {  	v14 =	vld [tilespmem:s0+$0xFFFFFF70];
	v1 =	vmul.f32 v0, v0  }
0x5a5: {  	v7 =	vld [tilespmem:s0+$0xFFFFFF60];
	v8 =	vmul.f32 v3, v3  }
0x5a6: {  	v15 =	vmul.f32 v9, v9;
	v11 =	vmul.f32 v6, v6  }
0x5a7: {  	v10 =	vmul.f32 v4, v4;
	v3 =	vsub.f32 v3, v8;
	v0 =	vsub.f32 v0, v1  }
0x5a8: {  	v2 =	vimm.f32 $0.0e+00;
	v13 =	vsub.f32 v6, v11;
	v8 =	vmul.f32 v5, v5;
	v1 =	vpop (erf)  }
0x5a9: {  	v4 =	vsub.f32 v4, v10;
	v17 =	vmul.f32 v0, v1;
	v10 =	vmul.f32 v3, v1  }
0x5aa: {  	v0 =	vsub.f32 v5, v8;
	v3 =	vmul.f32 v7, v7;
	v5 =	vmul.f32 v14, v14  }
0x5ab: {  	v12 =	vmul.f32 v4, v1;
	v8 =	vimm.f32 $0.0e+00;
	v4 =	vimm.f32 $0.0e+00  }
0x5ac: {  	v6 =	vmul.f32 v17, v17;
	v16 =	vsub.f32 v7, v3;
	v11 =	vmul.f32 v0, v1  }
0x5ad: {  	v14 =	vsub.f32 v14, v5;
	[tilespmem:s0+$0x0] =	vst v17;
	v3 =	vimm.f32 $0.0e+00;
	v7 =	vimm.f32 $0.0e+00  }
0x5ae: {  	s2 =	simm.s32 $0x35F0;
	s1 =	simm.s32 $0x0;
	[tilespmem:s0+$0xFFFFFFA0] =	vst v10;
	v5 =	vimm.f32 $0.0e+00;
	v0 =	vadd.f32 v6, v2;
	v6 =	vimm.f32 $0.0e+00  }
.LBB2_37:
0x5af: {  	v17 =	vld [tilespmem:s2+$0xFFFFFF80];
	s1 =	sadd.s32 $0x8, s1;
	v9 =	vsub.f32 v9, v15;
	[tilespmem:s0+$0xFFFFFFB0] =	vst v12;
	v13 =	vmul.f32 v13, v1;
	v15 =	vmul.f32 v16, v1  }
0x5b0: {  	v10 =	vmul.f32 v10, v10;
	v16 =	vld [tilespmem:s2+$0xFFFFFF20];
	p0 =	slt.u32 s1, $0xF8;
	[tilespmem:s0+$0xFFFFFFC0] =	vst v11;
	v14 =	vmul.f32 v14, v1  }
0x5b1: {  	v12 =	vmul.f32 v12, v12;
	v18 =	vld [tilespmem:s2+$0xFFFFFF30];
	v9 =	vmul.f32 v9, v1;
	[tilespmem:s0+$0xFFFFFFD0] =	vst v13  }
0x5b2: {  	v2 =	vadd.f32 v10, v2;
	v10 =	vmul.f32 v11, v11;
	v11 =	vmul.f32 v13, v13;
	v19 =	vld [tilespmem:s2+$0xFFFFFF40];
	[tilespmem:s0+$0xFFFFFFE0] =	vst v15  }
0x5b3: {  	v8 =	vadd.f32 v12, v8;
	v12 =	vmul.f32 v15, v15;
	v13 =	vld [tilespmem:s2+$0xFFFFFF50];
	[tilespmem:s0+$0xFFFFFF90] =	vst v9;
	v9 =	vmul.f32 v9, v9  }
0x5b4: {  	v6 =	vadd.f32 v10, v6;
	v10 =	vmul.f32 v14, v14;
	v20 =	vld [tilespmem:s2+$0xFFFFFF60];
	v15 =	vmul.f32 v17, v17;
	[tilespmem:s0+$0xFFFFFFF0] =	vst v14;
	s0 =	smov.u32 s2  }
0x5b5: {  	v7 =	vadd.f32 v11, v7;
	v14 =	vmul.f32 v16, v16;
	v21 =	vld [tilespmem:s2+$0xFFFFFF70];
	v3 =	vadd.f32 v9, v3  }
0x5b6: {  	v4 =	vadd.f32 v12, v4;
	v9 =	vld [tilespmem:s2+$0xFFFFFF10];
	v11 =	vmul.f32 v18, v18;
	v15 =	vsub.f32 v17, v15  }
0x5b7: {  	v5 =	vadd.f32 v10, v5;
	v12 =	vsub.f32 v16, v14;
	v14 =	vmul.f32 v19, v19  }
.Ltmp17:
0x5b8: {  	v11 =	vsub.f32 v18, v11;
	v16 =	vmul.f32 v13, v13;
	v15 =	vmul.f32 v15, v1;
	(pc) =	sbr.rel @p0 .LBB2_37-.Ltmp17, $4  }
0x5b9: {  	v10 =	vmul.f32 v12, v1;
	v14 =	vsub.f32 v19, v14;
	v17 =	vmul.f32 v20, v20  }
0x5ba: {  	v13 =	vsub.f32 v13, v16;
	v18 =	vmul.f32 v21, v21;
	[tilespmem:s2+$0x0] =	vst v15;
	v19 =	vmul.f32 v15, v15  }
0x5bb: {  	v12 =	vmul.f32 v11, v1;
	v15 =	vmul.f32 v9, v9;
	[tilespmem:s2+$0xFFFFFFA0] =	vst v10;
	v16 =	vsub.f32 v20, v17  }
0x5bc: {  	v11 =	vmul.f32 v14, v1;
	s2 =	sadd.s32 $0x400, s2;
	v14 =	vsub.f32 v21, v18;
	v0 =	vadd.f32 v19, v0  }
0x5bd: {  	v9 =	vsub.f32 v9, v15;
	v13 =	vmul.f32 v13, v1;
	v60 =	vmul.f32 v16, v1;
	[tilespmem:s0+$0xFFFFFFB0] =	vst v12  }
0x5be: {  	v10 =	vmul.f32 v10, v10;
	v61 =	vmul.f32 v12, v12;
	s1 =	rddreg [dreg:$0xb]  }
0x5bf: {  	v14 =	vmul.f32 v14, v1;
	v9 =	vmul.f32 v9, v1;
	s1 =	sshll.u32 s1, $0xF  }
0x5c0: {  	[tilespmem:s0+$0xFFFFFFC0] =	vst v11;
	v1 =	vadd.f32 v10, v2;
	v10 =	vmul.f32 v11, v11;
	v11 =	vmul.f32 v13, v13;
	s1 =	sand.u32 $0x18000, s1  }
0x5c1: {  	[tilespmem:s0+$0xFFFFFFD0] =	vst v13;
	v63 =	vmul.f32 v60, v60;
	v62 =	vmul.f32 v9, v9;
	s1 =	sor.u32 s1, s20  }
0x5c2: {  	v2 =	vadd.f32 v61, v8;
	[tilespmem:s0+$0xFFFFFFE0] =	vst v60;
	v6 =	vadd.f32 v10, v6;
	v10 =	vmul.f32 v14, v14;
	s19 =	sshrl.u32 s1, $0x3  }
0x5c3: {  	s4 =	simm.s32 $0x80;
	[tilespmem:s0+$0xFFFFFFF0] =	vst v14;
	v4 =	vadd.f32 v63, v4;
	v8 =	vadd.f32 v62, v3;
	s2 =	sadd.s32 s31, s19  }
0x5c4: {  	s5 =	simm.s32 $0x3400;
	[tilespmem:s0+$0xFFFFFF90] =	vst v9;
	s1 =	simm.s32 $0x3000;
	v3 =	vadd.f32 v11, v7;
	v5 =	vadd.f32 v10, v5;
	s0 =	sadd.s32 $0x0, s2  }
.LBB2_39:
0x5c5: {  	[hbm4b:s0+s3] =	stream.linear.scatter [tilespmem:s1], [sflag:$0x2], $0x200, $0x38;
	[tilespmem:$0xB000] =	vst v63  }
0x5c6: {  	s0 =	smov.u32 s4;
	s1 =	smov.u32 s5;
	p0 =	sne.s32 s4, $0xF80  }
.Ltmp18:
0x5c7: {  	s4 =	sadd.s32 $0x80, s4;
	(pc) =	sbr.rel @p0 .LBB2_39-.Ltmp18, $2  }
0x5c8: {  	_ =	sdelay $0x2  }
0x5c9: {  	s5 =	sadd.s32 $0x400, s5;
	s0 =	sadd.s32 s0, s2  }
0x5ca: {  	v1 =	vadd.f32 v1, v8;
	_ =	sdelay $0x1  }
0x5cb: {  	v1 =	vadd.f32 v2, v1;
	_ =	sdelay $0x1  }
0x5cc: {  	v1 =	vadd.f32 v6, v1;
	_ =	sdelay $0x1  }
0x5cd: {  	v1 =	vadd.f32 v3, v1;
	_ =	sdelay $0x1  }
0x5ce: {  	v1 =	vadd.f32 v4, v1;
	_ =	sdelay $0x1  }
0x5cf: {  	v1 =	vadd.f32 v5, v1;
	_ =	sdelay $0x1  }
0x5d0: {  	v0 =	vadd.f32 v0, v1;
	_ =	sdelay $0x1  }
0x5d1: {  	(xrf2) =	vadd.scan.msk.f32 $0xffff, v0;
	_ =	sdelay $0x9  }
0x5d2: {  	v0, _, _ =	vpop (xrf2)  }
0x5d3: {  	(v2sf) =	vpush v0, $0xF;
	_ =	sdelay $0xd  }
0x5d4: {  	[hbm4b:s0+s3] =	stream.linear.scatter [tilespmem:s1], [sflag:$0x2], $0x200, $0x38;
	[tilespmem:$0xB000] =	vst v63  }
0x5d5: {  	s2 =	spop (v2sf)  }
0x5d6: {  	s0 =	simm.s32 $0x3270;
	s2 =	ssub.f32 $1.000000000e+00, s2  }
0x5d7: {  	v3 =	vld [tilespmem:s0+$0xFFFFFF30]  }
0x5d8: {  	v5 =	vld [tilespmem:s0+$0xFFFFFF50];
	v0 =	vmov s2  }
0x5d9: {  	v1 =	vld [tilespmem:s0+$0xFFFFFF20];
	(erf) = vrcp.f32 v0  }
0x5da: {  	v0 =	vld [tilespmem:s0+$0xFFFFFF80]  }
0x5db: {  	v8 =	vld [tilespmem:s0+$0xFFFFFF70]  }
0x5dc: {  	v11 =	vld [tilespmem:s0+$0xFFFFFF10];
	v9 =	vmul.f32 v3, v3  }
0x5dd: {  	v4 =	vld [tilespmem:s0+$0xFFFFFF40]  }
0x5de: {  	v3 =	vsub.f32 v3, v9;
	v9 =	vmul.f32 v5, v5  }
0x5df: {  	v6 =	vld [tilespmem:s0+$0xFFFFFF60];
	v7 =	vmul.f32 v1, v1;
	v2 =	vmul.f32 v0, v0  }
0x5e0: {  	v13 =	vsub.f32 v5, v9;
	v5 =	vmul.f32 v8, v8  }
0x5e1: {  	v16 =	vmul.f32 v11, v11;
	v1 =	vsub.f32 v1, v7;
	v10 =	vsub.f32 v0, v2  }
0x5e2: {  	v7 =	vmul.f32 v4, v4;
	v14 =	vsub.f32 v8, v5;
	v5 =	vimm.f32 $0.0e+00;
	v0 =	vpop (erf)  }
0x5e3: {  	v8 =	vimm.f32 $0.0e+00;
	v2 =	vimm.f32 $0.0e+00;
	v17 =	vmul.f32 v10, v0  }
0x5e4: {  	v12 =	vmul.f32 v1, v0;
	v1 =	vsub.f32 v4, v7;
	v4 =	vmul.f32 v6, v6  }
0x5e5: {  	v10 =	vmul.f32 v3, v0;
	v3 =	vimm.f32 $0.0e+00;
	v7 =	vmul.f32 v17, v17  }
0x5e6: {  	v15 =	vsub.f32 v6, v4;
	v9 =	vmul.f32 v1, v0;
	[tilespmem:s0+$0x0] =	vst v17;
	v6 =	vimm.f32 $0.0e+00  }
0x5e7: {  	s1 =	simm.s32 $0x0;
	s2 =	simm.s32 $0x3670;
	[tilespmem:s0+$0xFFFFFFA0] =	vst v12;
	v4 =	vimm.f32 $0.0e+00;
	v1 =	vadd.f32 v7, v2;
	v7 =	vimm.f32 $0.0e+00  }
.LBB2_41:
0x5e8: {  	v17 =	vld [tilespmem:s2+$0xFFFFFF80];
	s1 =	sadd.s32 $0x8, s1;
	v11 =	vsub.f32 v11, v16;
	[tilespmem:s0+$0xFFFFFFB0] =	vst v10;
	v13 =	vmul.f32 v13, v0;
	v15 =	vmul.f32 v15, v0  }
0x5e9: {  	v12 =	vmul.f32 v12, v12;
	v16 =	vld [tilespmem:s2+$0xFFFFFF20];
	p0 =	slt.u32 s1, $0xF8;
	[tilespmem:s0+$0xFFFFFFC0] =	vst v9;
	v14 =	vmul.f32 v14, v0  }
0x5ea: {  	v10 =	vmul.f32 v10, v10;
	v18 =	vld [tilespmem:s2+$0xFFFFFF30];
	v11 =	vmul.f32 v11, v0;
	[tilespmem:s0+$0xFFFFFFD0] =	vst v13  }
0x5eb: {  	v9 =	vmul.f32 v9, v9;
	v2 =	vadd.f32 v12, v2;
	v12 =	vmul.f32 v13, v13;
	v19 =	vld [tilespmem:s2+$0xFFFFFF40];
	[tilespmem:s0+$0xFFFFFFE0] =	vst v15  }
0x5ec: {  	v7 =	vadd.f32 v10, v7;
	v10 =	vmul.f32 v15, v15;
	v13 =	vld [tilespmem:s2+$0xFFFFFF50];
	[tilespmem:s0+$0xFFFFFF90] =	vst v11;
	v11 =	vmul.f32 v11, v11  }
0x5ed: {  	v5 =	vadd.f32 v9, v5;
	v9 =	vmul.f32 v14, v14;
	v15 =	vld [tilespmem:s2+$0xFFFFFF60];
	v20 =	vmul.f32 v17, v17;
	[tilespmem:s0+$0xFFFFFFF0] =	vst v14;
	s0 =	smov.u32 s2  }
0x5ee: {  	v6 =	vadd.f32 v12, v6;
	v14 =	vmul.f32 v16, v16;
	v21 =	vld [tilespmem:s2+$0xFFFFFF70];
	v8 =	vadd.f32 v11, v8  }
0x5ef: {  	v4 =	vadd.f32 v10, v4;
	v11 =	vld [tilespmem:s2+$0xFFFFFF10];
	v12 =	vmul.f32 v18, v18;
	v17 =	vsub.f32 v17, v20  }
0x5f0: {  	v3 =	vadd.f32 v9, v3;
	v10 =	vsub.f32 v16, v14;
	v14 =	vmul.f32 v19, v19  }
.Ltmp19:
0x5f1: {  	v9 =	vsub.f32 v18, v12;
	v16 =	vmul.f32 v13, v13;
	v17 =	vmul.f32 v17, v0;
	(pc) =	sbr.rel @p0 .LBB2_41-.Ltmp19, $4  }
0x5f2: {  	v12 =	vmul.f32 v10, v0;
	v14 =	vsub.f32 v19, v14;
	v18 =	vmul.f32 v15, v15  }
0x5f3: {  	v13 =	vsub.f32 v13, v16;
	v19 =	vmul.f32 v21, v21;
	[tilespmem:s2+$0x0] =	vst v17;
	v17 =	vmul.f32 v17, v17  }
0x5f4: {  	v10 =	vmul.f32 v9, v0;
	v16 =	vmul.f32 v11, v11;
	[tilespmem:s2+$0xFFFFFFA0] =	vst v12;
	v15 =	vsub.f32 v15, v18  }
0x5f5: {  	v9 =	vmul.f32 v14, v0;
	s2 =	sadd.s32 $0x400, s2;
	v14 =	vsub.f32 v21, v19;
	v1 =	vadd.f32 v17, v1  }
0x5f6: {  	v11 =	vsub.f32 v11, v16;
	_ =	sdelay $0x1  }
0x5f7: {  	v11 =	vmul.f32 v11, v0;
	_ =	sdelay $0x1  }
0x5f8: {  	v12 =	vmul.f32 v12, v12;
	v16 =	vmul.f32 v11, v11;
	_ =	sdelay $0x1  }
0x5f9: {  	v2 =	vadd.f32 v12, v2;
	v12 =	vmul.f32 v10, v10;
	v8 =	vadd.f32 v16, v8  }
0x5fa: {  	v13 =	vmul.f32 v13, v0  }
0x5fb: {  	v7 =	vadd.f32 v12, v7;
	v16 =	vmul.f32 v9, v9;
	v2 =	vadd.f32 v2, v8  }
0x5fc: {  	v12 =	vmul.f32 v13, v13  }
0x5fd: {  	v8 =	vmul.f32 v15, v0;
	v5 =	vadd.f32 v16, v5;
	v2 =	vadd.f32 v7, v2  }
0x5fe: {  	v6 =	vadd.f32 v12, v6  }
0x5ff: {  	v0 =	vmul.f32 v14, v0;
	v7 =	vmul.f32 v8, v8;
	v2 =	vadd.f32 v5, v2;
	_ =	sdelay $0x1  }
0x600: {  	v5 =	vmul.f32 v0, v0;
	v4 =	vadd.f32 v7, v4;
	v2 =	vadd.f32 v6, v2;
	_ =	sdelay $0x1  }
0x601: {  	v3 =	vadd.f32 v5, v3;
	v2 =	vadd.f32 v4, v2;
	_ =	sdelay $0x1  }
0x602: {  	v2 =	vadd.f32 v3, v2;
	_ =	sdelay $0x1  }
0x603: {  	v1 =	vadd.f32 v1, v2;
	_ =	sdelay $0x1  }
0x604: {  	(xrf2) =	vadd.scan.msk.f32 $0xffff, v1;
	_ =	sdelay $0x9  }
0x605: {  	v1, _, _ =	vpop (xrf2)  }
0x606: {  	(v2sf) =	vpush v1, $0xF;
	_ =	sdelay $0xa  }
0x607: {  	[tilespmem:s0+$0xFFFFFFB0] =	vst v10  }
0x608: {  	[tilespmem:s0+$0xFFFFFFC0] =	vst v9  }
0x609: {  	[tilespmem:s0+$0xFFFFFFD0] =	vst v13  }
0x60a: {  	[tilespmem:s0+$0xFFFFFF90] =	vst v11  }
0x60b: {  	[tilespmem:s0+$0xFFFFFFE0] =	vst v8;
	s1 =	spop (v2sf)  }
0x60c: {  	[tilespmem:s0+$0xFFFFFFF0] =	vst v0;
	s0 =	simm.s32 $0x32F0;
	s1 =	ssub.f32 $1.000000000e+00, s1  }
0x60d: {  	v3 =	vld [tilespmem:s0+$0xFFFFFF30]  }
0x60e: {  	v8 =	vld [tilespmem:s0+$0xFFFFFF70];
	v1 =	vmov s1  }
0x60f: {  	v5 =	vld [tilespmem:s0+$0xFFFFFF50];
	(erf) = vrcp.f32 v1  }
0x610: {  	v0 =	vld [tilespmem:s0+$0xFFFFFF80]  }
0x611: {  	v1 =	vld [tilespmem:s0+$0xFFFFFF20]  }
0x612: {  	v11 =	vld [tilespmem:s0+$0xFFFFFF10];
	v9 =	vmul.f32 v3, v3  }
0x613: {  	v4 =	vld [tilespmem:s0+$0xFFFFFF40]  }
0x614: {  	v3 =	vsub.f32 v3, v9;
	v9 =	vmul.f32 v5, v5  }
0x615: {  	v6 =	vld [tilespmem:s0+$0xFFFFFF60];
	v2 =	vmul.f32 v0, v0  }
0x616: {  	v13 =	vsub.f32 v5, v9;
	v5 =	vmul.f32 v8, v8;
	v7 =	vmul.f32 v1, v1  }
0x617: {  	v16 =	vmul.f32 v11, v11;
	v10 =	vsub.f32 v0, v2;
	v2 =	vimm.f32 $0.0e+00  }
0x618: {  	v14 =	vsub.f32 v8, v5;
	v1 =	vsub.f32 v1, v7;
	v7 =	vmul.f32 v4, v4;
	v0 =	vpop (erf)  }
0x619: {  	v5 =	vimm.f32 $0.0e+00;
	v8 =	vimm.f32 $0.0e+00;
	v17 =	vmul.f32 v10, v0  }
0x61a: {  	v12 =	vmul.f32 v1, v0;
	v1 =	vsub.f32 v4, v7;
	v4 =	vmul.f32 v6, v6  }
0x61b: {  	v10 =	vmul.f32 v3, v0;
	v3 =	vimm.f32 $0.0e+00;
	v7 =	vmul.f32 v17, v17  }
0x61c: {  	v15 =	vsub.f32 v6, v4;
	v9 =	vmul.f32 v1, v0;
	[tilespmem:s0+$0x0] =	vst v17;
	v6 =	vimm.f32 $0.0e+00  }
0x61d: {  	s2 =	simm.s32 $0x36F0;
	s1 =	simm.s32 $0x0;
	[tilespmem:s0+$0xFFFFFFA0] =	vst v12;
	v4 =	vimm.f32 $0.0e+00;
	v1 =	vadd.f32 v7, v2;
	v7 =	vimm.f32 $0.0e+00  }
.LBB2_43:
0x61e: {  	v17 =	vld [tilespmem:s2+$0xFFFFFF80];
	s1 =	sadd.s32 $0x8, s1;
	v11 =	vsub.f32 v11, v16;
	[tilespmem:s0+$0xFFFFFFB0] =	vst v10;
	v13 =	vmul.f32 v13, v0;
	v15 =	vmul.f32 v15, v0  }
0x61f: {  	v12 =	vmul.f32 v12, v12;
	v16 =	vld [tilespmem:s2+$0xFFFFFF20];
	p0 =	slt.u32 s1, $0xF8;
	[tilespmem:s0+$0xFFFFFFC0] =	vst v9;
	v14 =	vmul.f32 v14, v0  }
0x620: {  	v10 =	vmul.f32 v10, v10;
	v18 =	vld [tilespmem:s2+$0xFFFFFF30];
	v11 =	vmul.f32 v11, v0;
	[tilespmem:s0+$0xFFFFFFD0] =	vst v13  }
0x621: {  	v9 =	vmul.f32 v9, v9;
	v2 =	vadd.f32 v12, v2;
	v12 =	vmul.f32 v13, v13;
	v19 =	vld [tilespmem:s2+$0xFFFFFF40];
	[tilespmem:s0+$0xFFFFFFE0] =	vst v15  }
0x622: {  	v7 =	vadd.f32 v10, v7;
	v10 =	vmul.f32 v15, v15;
	v13 =	vld [tilespmem:s2+$0xFFFFFF50];
	[tilespmem:s0+$0xFFFFFF90] =	vst v11;
	v11 =	vmul.f32 v11, v11  }
0x623: {  	v5 =	vadd.f32 v9, v5;
	v9 =	vmul.f32 v14, v14;
	v15 =	vld [tilespmem:s2+$0xFFFFFF60];
	v20 =	vmul.f32 v17, v17;
	[tilespmem:s0+$0xFFFFFFF0] =	vst v14;
	s0 =	smov.u32 s2  }
0x624: {  	v6 =	vadd.f32 v12, v6;
	v14 =	vmul.f32 v16, v16;
	v21 =	vld [tilespmem:s2+$0xFFFFFF70];
	v8 =	vadd.f32 v11, v8  }
0x625: {  	v4 =	vadd.f32 v10, v4;
	v11 =	vld [tilespmem:s2+$0xFFFFFF10];
	v12 =	vmul.f32 v18, v18;
	v17 =	vsub.f32 v17, v20  }
0x626: {  	v3 =	vadd.f32 v9, v3;
	v10 =	vsub.f32 v16, v14;
	v14 =	vmul.f32 v19, v19  }
.Ltmp20:
0x627: {  	v9 =	vsub.f32 v18, v12;
	v16 =	vmul.f32 v13, v13;
	v17 =	vmul.f32 v17, v0;
	(pc) =	sbr.rel @p0 .LBB2_43-.Ltmp20, $4  }
0x628: {  	v12 =	vmul.f32 v10, v0;
	v14 =	vsub.f32 v19, v14;
	v18 =	vmul.f32 v15, v15  }
0x629: {  	v13 =	vsub.f32 v13, v16;
	v19 =	vmul.f32 v21, v21;
	[tilespmem:s2+$0x0] =	vst v17;
	v17 =	vmul.f32 v17, v17  }
0x62a: {  	v10 =	vmul.f32 v9, v0;
	v16 =	vmul.f32 v11, v11;
	[tilespmem:s2+$0xFFFFFFA0] =	vst v12;
	v15 =	vsub.f32 v15, v18  }
0x62b: {  	v9 =	vmul.f32 v14, v0;
	s2 =	sadd.s32 $0x400, s2;
	v14 =	vsub.f32 v21, v19;
	v1 =	vadd.f32 v17, v1  }
0x62c: {  	v11 =	vsub.f32 v11, v16;
	_ =	sdelay $0x1  }
0x62d: {  	v11 =	vmul.f32 v11, v0;
	_ =	sdelay $0x1  }
0x62e: {  	v12 =	vmul.f32 v12, v12;
	v16 =	vmul.f32 v11, v11;
	_ =	sdelay $0x1  }
0x62f: {  	v2 =	vadd.f32 v12, v2;
	v12 =	vmul.f32 v10, v10;
	v8 =	vadd.f32 v16, v8  }
0x630: {  	v13 =	vmul.f32 v13, v0  }
0x631: {  	v7 =	vadd.f32 v12, v7;
	v16 =	vmul.f32 v9, v9;
	v2 =	vadd.f32 v2, v8  }
0x632: {  	v12 =	vmul.f32 v13, v13  }
0x633: {  	v8 =	vmul.f32 v15, v0;
	v5 =	vadd.f32 v16, v5;
	v2 =	vadd.f32 v7, v2  }
0x634: {  	v6 =	vadd.f32 v12, v6  }
0x635: {  	v0 =	vmul.f32 v14, v0;
	v7 =	vmul.f32 v8, v8;
	v2 =	vadd.f32 v5, v2;
	_ =	sdelay $0x1  }
0x636: {  	v5 =	vmul.f32 v0, v0;
	v4 =	vadd.f32 v7, v4;
	v2 =	vadd.f32 v6, v2;
	_ =	sdelay $0x1  }
0x637: {  	v3 =	vadd.f32 v5, v3;
	v2 =	vadd.f32 v4, v2;
	_ =	sdelay $0x1  }
0x638: {  	v2 =	vadd.f32 v3, v2;
	_ =	sdelay $0x1  }
0x639: {  	v1 =	vadd.f32 v1, v2;
	_ =	sdelay $0x1  }
0x63a: {  	(xrf2) =	vadd.scan.msk.f32 $0xffff, v1;
	_ =	sdelay $0x9  }
0x63b: {  	v1, _, _ =	vpop (xrf2)  }
0x63c: {  	(v2sf) =	vpush v1, $0xF;
	_ =	sdelay $0xa  }
0x63d: {  	[tilespmem:s0+$0xFFFFFFB0] =	vst v10  }
0x63e: {  	[tilespmem:s0+$0xFFFFFFC0] =	vst v9  }
0x63f: {  	[tilespmem:s0+$0xFFFFFFD0] =	vst v13  }
0x640: {  	[tilespmem:s0+$0xFFFFFF90] =	vst v11  }
0x641: {  	[tilespmem:s0+$0xFFFFFFE0] =	vst v8;
	s1 =	spop (v2sf)  }
0x642: {  	[tilespmem:s0+$0xFFFFFFF0] =	vst v0;
	s0 =	simm.s32 $0x3370;
	s1 =	ssub.f32 $1.000000000e+00, s1  }
0x643: {  	v3 =	vld [tilespmem:s0+$0xFFFFFF30]  }
0x644: {  	v8 =	vld [tilespmem:s0+$0xFFFFFF70];
	v1 =	vmov s1  }
0x645: {  	v5 =	vld [tilespmem:s0+$0xFFFFFF50];
	(erf) = vrcp.f32 v1  }
0x646: {  	v0 =	vld [tilespmem:s0+$0xFFFFFF80]  }
0x647: {  	v1 =	vld [tilespmem:s0+$0xFFFFFF20]  }
0x648: {  	v11 =	vld [tilespmem:s0+$0xFFFFFF10];
	v9 =	vmul.f32 v3, v3  }
0x649: {  	v4 =	vld [tilespmem:s0+$0xFFFFFF40]  }
0x64a: {  	v3 =	vsub.f32 v3, v9;
	v9 =	vmul.f32 v5, v5  }
0x64b: {  	v6 =	vld [tilespmem:s0+$0xFFFFFF60];
	v2 =	vmul.f32 v0, v0  }
0x64c: {  	v13 =	vsub.f32 v5, v9;
	v5 =	vmul.f32 v8, v8;
	v7 =	vmul.f32 v1, v1  }
0x64d: {  	v16 =	vmul.f32 v11, v11;
	v10 =	vsub.f32 v0, v2;
	v2 =	vimm.f32 $0.0e+00  }
0x64e: {  	v14 =	vsub.f32 v8, v5;
	v1 =	vsub.f32 v1, v7;
	v7 =	vmul.f32 v4, v4;
	v0 =	vpop (erf)  }
0x64f: {  	v5 =	vimm.f32 $0.0e+00;
	v8 =	vimm.f32 $0.0e+00;
	v17 =	vmul.f32 v10, v0  }
0x650: {  	v12 =	vmul.f32 v1, v0;
	v1 =	vsub.f32 v4, v7;
	v4 =	vmul.f32 v6, v6  }
0x651: {  	v10 =	vmul.f32 v3, v0;
	v3 =	vimm.f32 $0.0e+00;
	v7 =	vmul.f32 v17, v17  }
0x652: {  	v15 =	vsub.f32 v6, v4;
	v9 =	vmul.f32 v1, v0;
	[tilespmem:s0+$0x0] =	vst v17;
	v6 =	vimm.f32 $0.0e+00  }
0x653: {  	s2 =	simm.s32 $0x3770;
	s1 =	simm.s32 $0x0;
	[tilespmem:s0+$0xFFFFFFA0] =	vst v12;
	v4 =	vimm.f32 $0.0e+00;
	v1 =	vadd.f32 v7, v2;
	v7 =	vimm.f32 $0.0e+00  }
.LBB2_45:
0x654: {  	v17 =	vld [tilespmem:s2+$0xFFFFFF80];
	s1 =	sadd.s32 $0x8, s1;
	v11 =	vsub.f32 v11, v16;
	[tilespmem:s0+$0xFFFFFFB0] =	vst v10;
	v13 =	vmul.f32 v13, v0;
	v15 =	vmul.f32 v15, v0  }
0x655: {  	v12 =	vmul.f32 v12, v12;
	v16 =	vld [tilespmem:s2+$0xFFFFFF20];
	p0 =	slt.u32 s1, $0xF8;
	[tilespmem:s0+$0xFFFFFFC0] =	vst v9;
	v14 =	vmul.f32 v14, v0  }
0x656: {  	v10 =	vmul.f32 v10, v10;
	v18 =	vld [tilespmem:s2+$0xFFFFFF30];
	v11 =	vmul.f32 v11, v0;
	[tilespmem:s0+$0xFFFFFFD0] =	vst v13  }
0x657: {  	v9 =	vmul.f32 v9, v9;
	v2 =	vadd.f32 v12, v2;
	v12 =	vmul.f32 v13, v13;
	v19 =	vld [tilespmem:s2+$0xFFFFFF40];
	[tilespmem:s0+$0xFFFFFFE0] =	vst v15  }
0x658: {  	v7 =	vadd.f32 v10, v7;
	v10 =	vmul.f32 v15, v15;
	v13 =	vld [tilespmem:s2+$0xFFFFFF50];
	[tilespmem:s0+$0xFFFFFF90] =	vst v11;
	v11 =	vmul.f32 v11, v11  }
0x659: {  	v5 =	vadd.f32 v9, v5;
	v9 =	vmul.f32 v14, v14;
	v15 =	vld [tilespmem:s2+$0xFFFFFF60];
	v20 =	vmul.f32 v17, v17;
	[tilespmem:s0+$0xFFFFFFF0] =	vst v14;
	s0 =	smov.u32 s2  }
0x65a: {  	v6 =	vadd.f32 v12, v6;
	v14 =	vmul.f32 v16, v16;
	v21 =	vld [tilespmem:s2+$0xFFFFFF70];
	v8 =	vadd.f32 v11, v8  }
0x65b: {  	v4 =	vadd.f32 v10, v4;
	v11 =	vld [tilespmem:s2+$0xFFFFFF10];
	v12 =	vmul.f32 v18, v18;
	v17 =	vsub.f32 v17, v20  }
0x65c: {  	v3 =	vadd.f32 v9, v3;
	v10 =	vsub.f32 v16, v14;
	v14 =	vmul.f32 v19, v19  }
.Ltmp21:
0x65d: {  	v9 =	vsub.f32 v18, v12;
	v16 =	vmul.f32 v13, v13;
	v17 =	vmul.f32 v17, v0;
	(pc) =	sbr.rel @p0 .LBB2_45-.Ltmp21, $4  }
0x65e: {  	v12 =	vmul.f32 v10, v0;
	v14 =	vsub.f32 v19, v14;
	v18 =	vmul.f32 v15, v15  }
0x65f: {  	v13 =	vsub.f32 v13, v16;
	v19 =	vmul.f32 v21, v21;
	[tilespmem:s2+$0x0] =	vst v17;
	v17 =	vmul.f32 v17, v17  }
0x660: {  	v10 =	vmul.f32 v9, v0;
	v16 =	vmul.f32 v11, v11;
	[tilespmem:s2+$0xFFFFFFA0] =	vst v12;
	v15 =	vsub.f32 v15, v18  }
0x661: {  	v9 =	vmul.f32 v14, v0;
	s2 =	sadd.s32 $0x400, s2;
	v14 =	vsub.f32 v21, v19;
	v1 =	vadd.f32 v17, v1  }
0x662: {  	v11 =	vsub.f32 v11, v16;
	_ =	sdelay $0x1  }
0x663: {  	v11 =	vmul.f32 v11, v0;
	_ =	sdelay $0x1  }
0x664: {  	v12 =	vmul.f32 v12, v12;
	v54 =	vmul.f32 v11, v11;
	_ =	sdelay $0x1  }
0x665: {  	v55 =	vmul.f32 v10, v10;
	v2 =	vadd.f32 v12, v2;
	v8 =	vadd.f32 v54, v8  }
0x666: {  	v13 =	vmul.f32 v13, v0  }
0x667: {  	v56 =	vmul.f32 v9, v9;
	v7 =	vadd.f32 v55, v7;
	v2 =	vadd.f32 v2, v8  }
0x668: {  	v57 =	vmul.f32 v13, v13  }
0x669: {  	v5 =	vadd.f32 v56, v5;
	v8 =	vmul.f32 v15, v0;
	v2 =	vadd.f32 v7, v2  }
0x66a: {  	v6 =	vadd.f32 v57, v6  }
0x66b: {  	v0 =	vmul.f32 v14, v0;
	v7 =	vmul.f32 v8, v8;
	v2 =	vadd.f32 v5, v2;
	_ =	sdelay $0x1  }
0x66c: {  	v5 =	vmul.f32 v0, v0;
	v4 =	vadd.f32 v7, v4;
	v2 =	vadd.f32 v6, v2;
	_ =	sdelay $0x1  }
0x66d: {  	v3 =	vadd.f32 v5, v3;
	v2 =	vadd.f32 v4, v2;
	_ =	sdelay $0x1  }
0x66e: {  	v2 =	vadd.f32 v3, v2;
	_ =	sdelay $0x1  }
0x66f: {  	v1 =	vadd.f32 v1, v2;
	_ =	sdelay $0x1  }
0x670: {  	(xrf2) =	vadd.scan.msk.f32 $0xffff, v1;
	_ =	sdelay $0x9  }
0x671: {  	v1, _, _ =	vpop (xrf2)  }
0x672: {  	(v2sf) =	vpush v1, $0xF;
	_ =	sdelay $0xd  }
0x673: {  	[tilespmem:s0+$0xFFFFFFB0] =	vst v10  }
0x674: {  	[tilespmem:s0+$0xFFFFFFC0] =	vst v9;
	s1 =	spop (v2sf)  }
0x675: {  	[tilespmem:s0+$0xFFFFFFD0] =	vst v13;
	s1 =	ssub.f32 $1.000000000e+00, s1  }
0x676: {  	[tilespmem:s0+$0xFFFFFF90] =	vst v11  }
0x677: {  	[tilespmem:s0+$0xFFFFFFE0] =	vst v8;
	v1 =	vmov s1  }
0x678: {  	[tilespmem:s0+$0xFFFFFFF0] =	vst v0;
	s1 =	simm.s32 $0x33F0;
	(erf) = vrcp.f32 v1  }
0x679: {  	v0 =	vld [tilespmem:s1+$0xFFFFFF80]  }
0x67a: {  	v1 =	vld [tilespmem:s1+$0xFFFFFF20]  }
0x67b: {  	v2 =	vld [tilespmem:s1+$0xFFFFFF30]  }
0x67c: {  	v3 =	vld [tilespmem:s1+$0xFFFFFF40]  }
0x67d: {  	v4 =	vld [tilespmem:s1+$0xFFFFFF50]  }
0x67e: {  	v5 =	vld [tilespmem:s1+$0xFFFFFF60];
	v6 =	vmul.f32 v0, v0  }
0x67f: {  	v8 =	vld [tilespmem:s1+$0xFFFFFF70];
	v7 =	vmul.f32 v1, v1  }
0x680: {  	v10 =	vld [tilespmem:s1+$0xFFFFFF10];
	v9 =	vmul.f32 v2, v2;
	v6 =	vsub.f32 v0, v6  }
0x681: {  	s0 =	simm.s32 $0x37F0;
	v1 =	vsub.f32 v1, v7;
	v7 =	vmul.f32 v3, v3;
	v0 =	vpop (erf)  }
0x682: {  	v11 =	vld [tilespmem:s0+$0xFFFFFF80];
	v2 =	vsub.f32 v2, v9;
	v9 =	vmul.f32 v4, v4;
	v6 =	vmul.f32 v6, v0  }
0x683: {  	v58 =	vld [tilespmem:s0+$0xFFFFFF20];
	v60 =	vmul.f32 v5, v5;
	v7 =	vsub.f32 v3, v7;
	v59 =	vmul.f32 v1, v0  }
0x684: {  	v3 =	vld [tilespmem:s0+$0xFFFFFF30];
	v4 =	vsub.f32 v4, v9;
	v9 =	vmul.f32 v8, v8;
	v2 =	vmul.f32 v2, v0;
	[tilespmem:s1+$0x0] =	vst v6  }
0x685: {  	v61 =	vmul.f32 v10, v10;
	v1 =	vld [tilespmem:s0+$0xFFFFFF40];
	[tilespmem:s1+$0xFFFFFFA0] =	vst v59;
	v6 =	vmul.f32 v7, v0;
	v7 =	vsub.f32 v5, v60  }
0x686: {  	v4 =	vmul.f32 v4, v0;
	v8 =	vsub.f32 v8, v9;
	[tilespmem:s1+$0xFFFFFFB0] =	vst v2;
	v5 =	vld [tilespmem:s0+$0xFFFFFF50]  }
0x687: {  	v13 =	vsub.f32 v10, v61;
	v9 =	vmul.f32 v11, v11;
	v2 =	vld [tilespmem:s0+$0xFFFFFF60];
	[tilespmem:s1+$0xFFFFFFC0] =	vst v6;
	v6 =	vmul.f32 v7, v0  }
0x688: {  	v62 =	vmul.f32 v58, v58;
	[tilespmem:s1+$0xFFFFFFD0] =	vst v4;
	v63 =	vmul.f32 v8, v0;
	v4 =	vld [tilespmem:s0+$0xFFFFFF70]  }
0x689: {  	v10 =	vmul.f32 v3, v3;
	v7 =	vsub.f32 v11, v9;
	v11 =	vmul.f32 v13, v0;
	[tilespmem:s1+$0xFFFFFFE0] =	vst v6;
	v6 =	vld [tilespmem:s0+$0xFFFFFF10]  }
0x68a: {  	s2 =	simm.s32 $0x8;
	s4 =	simm.s32 $0x3BF0;
	v8 =	vsub.f32 v58, v62;
	v9 =	vmul.f32 v1, v1;
	[tilespmem:s1+$0xFFFFFFF0] =	vst v63  }
.LBB2_47:
0x68b: {  	v12 =	vld [tilespmem:s4+$0xFFFFFF80];
	s2 =	sadd.s32 $0x8, s2;
	v10 =	vsub.f32 v3, v10;
	v13 =	vmul.f32 v5, v5;
	v7 =	vmul.f32 v7, v0;
	[tilespmem:s1+$0xFFFFFF90] =	vst v11;
	s1 =	smov.u32 s0;
	s0 =	smov.u32 s4  }
0x68c: {  	v14 =	vld [tilespmem:s4+$0xFFFFFF20];
	p0 =	slt.u32 s2, $0xF8;
	v8 =	vmul.f32 v8, v0;
	v9 =	vsub.f32 v1, v9;
	v11 =	vmul.f32 v2, v2  }
0x68d: {  	v3 =	vld [tilespmem:s4+$0xFFFFFF30];
	v10 =	vmul.f32 v10, v0;
	v13 =	vsub.f32 v5, v13;
	v15 =	vmul.f32 v4, v4;
	[tilespmem:s1+$0x0] =	vst v7  }
0x68e: {  	v1 =	vld [tilespmem:s4+$0xFFFFFF40];
	v7 =	vmul.f32 v6, v6;
	[tilespmem:s1+$0xFFFFFFA0] =	vst v8;
	v8 =	vmul.f32 v9, v0;
	v9 =	vsub.f32 v2, v11  }
.Ltmp22:
0x68f: {  	v5 =	vld [tilespmem:s4+$0xFFFFFF50];
	[tilespmem:s1+$0xFFFFFFB0] =	vst v10;
	v10 =	vmul.f32 v13, v0;
	v11 =	vsub.f32 v4, v15;
	(pc) =	sbr.rel @p0 .LBB2_47-.Ltmp22, $4  }
0x690: {  	v2 =	vld [tilespmem:s4+$0xFFFFFF60];
	v13 =	vmul.f32 v12, v12;
	v15 =	vsub.f32 v6, v7;
	[tilespmem:s1+$0xFFFFFFC0] =	vst v8;
	v8 =	vmul.f32 v9, v0  }
0x691: {  	v9 =	vmul.f32 v14, v14;
	v4 =	vld [tilespmem:s4+$0xFFFFFF70];
	[tilespmem:s1+$0xFFFFFFD0] =	vst v10;
	v16 =	vmul.f32 v11, v0  }
0x692: {  	v6 =	vld [tilespmem:s4+$0xFFFFFF10];
	v10 =	vmul.f32 v3, v3;
	v7 =	vsub.f32 v12, v13;
	v11 =	vmul.f32 v15, v0;
	[tilespmem:s1+$0xFFFFFFE0] =	vst v8  }
0x693: {  	s4 =	sadd.s32 $0x400, s4;
	v8 =	vsub.f32 v14, v9;
	v9 =	vmul.f32 v1, v1;
	[tilespmem:s1+$0xFFFFFFF0] =	vst v16  }
0x694: {  	v3 =	vsub.f32 v3, v10;
	v55 =	vmul.f32 v5, v5;
	v7 =	vmul.f32 v7, v0  }
0x695: {  	[tilespmem:s1+$0xFFFFFF90] =	vst v11;
	v8 =	vmul.f32 v8, v0;
	v1 =	vsub.f32 v1, v9;
	v56 =	vmul.f32 v2, v2  }
0x696: {  	v3 =	vmul.f32 v3, v0;
	v5 =	vsub.f32 v5, v55;
	v57 =	vmul.f32 v4, v4;
	[tilespmem:s0+$0x0] =	vst v7  }
0x697: {  	[tilespmem:s0+$0xFFFFFFA0] =	vst v8;
	v1 =	vmul.f32 v1, v0;
	v2 =	vsub.f32 v2, v56  }
0x698: {  	[tilespmem:s0+$0xFFFFFFB0] =	vst v3;
	v59 =	vmul.f32 v5, v0;
	v4 =	vsub.f32 v4, v57  }
0x699: {  	v58 =	vmul.f32 v6, v6;
	[tilespmem:s0+$0xFFFFFFC0] =	vst v1;
	v61 =	vmul.f32 v2, v0  }
0x69a: {  	[tilespmem:s0+$0xFFFFFFD0] =	vst v59;
	v62 =	vmul.f32 v4, v0  }
0x69b: {  	v60 =	vsub.f32 v6, v58;
	[tilespmem:s0+$0xFFFFFFE0] =	vst v61  }
0x69c: {  	[tilespmem:s0+$0xFFFFFFF0] =	vst v62  }
0x69d: {  	v63 =	vmul.f32 v60, v0;
	s1 =	rddreg [dreg:$0x8]  }
0x69e: {  	s2 =	simm.s32 $0x3200;
	s1 =	sadd.s32 s19, s1  }
0x69f: {  	s4 =	simm.s32 $0x3600;
	[tilespmem:s0+$0xFFFFFF90] =	vst v63;
	s0 =	simm.s32 $0x80;
	s5 =	sadd.s32 $0x0, s1  }
.LBB2_49:
0x6a0: {  	[hbm4b:s5+s3] =	stream.linear.scatter [tilespmem:s2], [sflag:$0x2], $0x200, $0x38;
	[tilespmem:$0xB000] =	vst v63  }
0x6a1: {  	s5 =	smov.u32 s0;
	s2 =	smov.u32 s4;
	p0 =	sne.s32 s0, $0xF80  }
.Ltmp23:
0x6a2: {  	s0 =	sadd.s32 $0x80, s0;
	(pc) =	sbr.rel @p0 .LBB2_49-.Ltmp23, $2  }
0x6a3: {  	_ =	sdelay $0x2  }
0x6a4: {  	s4 =	sadd.s32 $0x400, s4;
	s5 =	sadd.s32 s5, s1  }
0x6a5: {  	s18 =	sadd.s32 $0x1, s18  }
0x6a6: {  	p0 =	sne.s32 s18, $0x8  }
.Ltmp24:
0x6a7: {  	_ = 	snop;
	(pc) =	sbr.rel @p0 .LBB2_2-.Ltmp24, $2  }
0x6a8: {  	_ =	sdelay $0x2  }
0x6a9: {  	[hbm4b:s5+s3] =	stream.linear.scatter [tilespmem:s2], [sflag:$0x2], $0x200, $0x38;
	[tilespmem:$0xB000] =	vst v63  }
0x6aa: {  	s0 =	simm.s32 $0x2  }
0x6ab: {  	_ =	swait.ge [sflag:s0], $0x4000  }
0x6ac: {  	[sflag:s0] =	ssyncset.done $0x0  }
0x6ad: {  	[sflag:s0] =	ssyncadd.s32 $0xFFFFC000  }
0x6ae: {  	_ =	swait.ge [sflag:s0], $0x4000  }
0x6af: {  	[sflag:s0] =	ssyncset.done $0x0  }
0x6b0: {  	s1 =	simm.s32 $0x1;
	[sflag:s0] =	ssyncadd.s32 $0xFFFFC000  }
0x6b1: {  	_ =	swait.ge [sflag:s1], $0x1000  }
0x6b2: {  	s2 =	rddreg [dreg:$0xa]  }
0x6b3: {  	s30 =	rddreg [dreg:$0x9];
	s2 =	sadd.s32 $0x1, s2  }
0x6b4: {  	p0 =	sne.s32 s2, s30  }
.Ltmp25:
0x6b5: {  	_ = 	snop;
	(pc) =	sbr.rel @p0 .LBB2_1-.Ltmp25, $3  }
0x6b6: {  	_ =	sdelay $0x1  }
0x6b7: {  	[sflag:s1] =	ssyncset.done $0x0  }
0x6b8: {  	[sflag:s1] =	ssyncadd.s32 $0xFFFFF000  }
0x6b9: {  	_ =	sfence.sel $0x180000  }
0x6ba: {  	[bflag:$0x0] =	sbarrier.arrive $0xFFFF  }
0x6bb: {  	_ =	strace $0x90000047  }
0x6bc: {  	s0 =	stileid.u32;
	[bflag:$0x2] =	sbarrier.arrive $0xFFFF  }
0x6bd: {  	p0 =	sne.s32 s0, $0x0;
	s0 =	rddreg [dreg:$0x2]  }
0x6be: {  	s0 =	sadd.s32 @!p0 $0x100000, s0  }
0x6bf: {  	[sflag:s0] =	ssyncadd.tile.s32 @!p0 $0x1;
	_ =	shalt  }
.Lfunc_end2:
_tile_overlayer_lowered:
.L_overlay_start_2:
0x6c0: {  	(tag) =	ssettag $0x2  }
0x6c1: {  	s0 =	rddreg [dreg:$0x0];
	s2 =	stileid.u32  }
0x6c2: {  	s1 =	rddreg [dreg:$0x1];
	p0 =	sne.s32 s2, $0x0  }
0x6c3: {  	s3 =	rddreg [dreg:$0x2];
	[bflag:$0x3] =	sbarrier.arrive $0xFFFF;
	s2 =	simm.s32 @!p0 $0x1C03  }
0x6c4: {  	[timem:s3], [sflag:s2] =	dma.local @!p0 [hbm:s0], s1  }
0x6c5: {  	s0 =	simm.s32 @!p0 $0x3  }
0x6c6: {  	_ =	swait.ge @!p0 [sflag:s0], s1  }
0x6c7: {  	s1 =	ssub.s32 @!p0 $0x0, s1;
	[sflag:s0] =	ssyncset.done @!p0 $0x0  }
0x6c8: {  	[sflag:s0] =	ssyncadd.s32 @!p0 s1  }
0x6c9: {  	[bflag:$0x3] =	sbarrier.arrive $0xFFFF  }
0x6ca: {  	_ =	shalt  }

</sc_bundles>
